<compile_context>
chip_gen: v7x
topology: tpu7x:2x2x1
jax: 0.10.2.dev20260603
libtpu: 0.0.44.dev20260713+nightly
codegen_flags: <defaults>
</compile_context>

<pallas_src>
import jax
import jax.numpy as jnp
from jax import lax
from jax.experimental import pallas as pl
from jax.experimental.pallas import tpu as pltpu
from jax.experimental.pallas import tpu_sc as plsc

N = 10000
E = 320000
D = 128
DH = D // 2
HID = 64
DOUT = 32
NG = 64

NC, NS = 2, 16
EB = 256
EBJ = EB // 128
NBLK = 84
EW = EB * NBLK
ET = EW * NS
ER = ET // 128
NACC = 10240
STRIPE = NACC // NS

_f32 = jnp.float32


def _selu(x):
    return 1.0507009873554805 * jnp.where(
        x > 0, x, 1.6732632423543772 * (jnp.exp(x) - 1.0))


def _mm_body(x_ref, w_ref, a2_ref, h_ref, p_ref):
    h = jnp.dot(x_ref[...], w_ref[...], preferred_element_type=_f32)
    h_ref[0] = h[:, :DH]
    h_ref[1] = h[:, DH:]
    p_ref[...] = jnp.dot(h, a2_ref[...], preferred_element_type=_f32)


def _mm(x, W, A2):
    BR = 1024
    return pl.pallas_call(
        _mm_body,
        grid=(NACC // BR,),
        in_specs=[
            pl.BlockSpec((BR, D), lambda i: (i, 0)),
            pl.BlockSpec((D, D), lambda i: (0, 0)),
            pl.BlockSpec((D, 2), lambda i: (0, 0)),
        ],
        out_specs=[
            pl.BlockSpec((NC, BR, DH), lambda i: (0, i, 0)),
            pl.BlockSpec((BR, 2), lambda i: (i, 0)),
        ],
        out_shape=[
            jax.ShapeDtypeStruct((NC, NACC, DH), _f32),
            jax.ShapeDtypeStruct((NACC, 2), _f32),
        ],
    )(x, W, A2)


def _mid_body(a0_ref, a1_ref, d_ref, b_ref, w_ref, a2_ref, h_ref, p_ref):
    i = pl.program_id(0)
    den = d_ref[...] + 1e-16
    acc = jnp.concatenate([a0_ref[...], a1_ref[...]], axis=1)
    z = _selu(acc / den + b_ref[...])
    row = i * a0_ref.shape[0] + lax.broadcasted_iota(jnp.int32, z.shape, 0)
    z = jnp.where(row < N, z, 0.0)
    h = jnp.dot(z, w_ref[...], preferred_element_type=_f32)
    h_ref[0] = h[:, :DH]
    h_ref[1] = h[:, DH:]
    p_ref[...] = jnp.dot(h, a2_ref[...], preferred_element_type=_f32)


def _mid(acc, den, b, W, A2):
    BR = 1024
    return pl.pallas_call(
        _mid_body,
        grid=(NACC // BR,),
        in_specs=[
            pl.BlockSpec((BR, DH), lambda i: (i, 0)),
            pl.BlockSpec((BR, DH), lambda i: (i, 0)),
            pl.BlockSpec((BR, 1), lambda i: (i, 0)),
            pl.BlockSpec((1, D), lambda i: (0, 0)),
            pl.BlockSpec((D, D), lambda i: (0, 0)),
            pl.BlockSpec((D, 2), lambda i: (0, 0)),
        ],
        out_specs=[
            pl.BlockSpec((NC, BR, DH), lambda i: (0, i, 0)),
            pl.BlockSpec((BR, 2), lambda i: (i, 0)),
        ],
        out_shape=[
            jax.ShapeDtypeStruct((NC, NACC, DH), _f32),
            jax.ShapeDtypeStruct((NACC, 2), _f32),
        ],
    )(acc[0], acc[1], den.reshape(NACC, 1), b.reshape(1, D), W, A2)


def _tail_body(a0_ref, a1_ref, d_ref, bb_ref, b_ref,
               wl1_ref, bl1_ref, wl2_ref, bl2_ref, out_ref,
               sum_ref, cnt_ref):
    i = pl.program_id(0)
    BR = a0_ref.shape[0]
    den = d_ref[...] + 1e-16
    acc = jnp.concatenate([a0_ref[...], a1_ref[...]], axis=1)
    z = _selu(acc / den + b_ref[...])
    row = i * BR + lax.broadcasted_iota(jnp.int32, z.shape, 0)
    z = jnp.where(row < N, z, 0.0)

    bb = bb_ref[...].reshape(1, BR)
    gid = lax.broadcasted_iota(jnp.int32, (NG, BR), 0)
    msk = (bb == gid).astype(_f32)

    @pl.when(i == 0)
    def _():
        sum_ref[...] = jnp.zeros_like(sum_ref)
        cnt_ref[...] = jnp.zeros_like(cnt_ref)

    sum_ref[...] += jnp.dot(msk, z, preferred_element_type=_f32)
    cnt_ref[...] += jnp.sum(msk, axis=1, keepdims=True)

    @pl.when(i == pl.num_programs(0) - 1)
    def _():
        g = sum_ref[...] / jnp.maximum(cnt_ref[...], 1.0)
        g = _selu(g)
        g = _selu(jnp.dot(g, wl1_ref[...], preferred_element_type=_f32)
                  + bl1_ref[...])
        lg = jnp.dot(g, wl2_ref[...], preferred_element_type=_f32) \
            + bl2_ref[...]
        m = jnp.max(lg, axis=1, keepdims=True)
        lse = jnp.log(jnp.sum(jnp.exp(lg - m), axis=1, keepdims=True))
        out_ref[...] = lg - m - lse


def _tail(acc, den, bb2d, b, Wl1, bl1, Wl2, bl2):
    BR = 1024
    return pl.pallas_call(
        _tail_body,
        grid=(NACC // BR,),
        in_specs=[
            pl.BlockSpec((BR, DH), lambda i: (i, 0)),
            pl.BlockSpec((BR, DH), lambda i: (i, 0)),
            pl.BlockSpec((BR, 1), lambda i: (i, 0)),
            pl.BlockSpec((8, 128), lambda i: (i, 0)),
            pl.BlockSpec((1, D), lambda i: (0, 0)),
            pl.BlockSpec((D, HID), lambda i: (0, 0)),
            pl.BlockSpec((1, HID), lambda i: (0, 0)),
            pl.BlockSpec((HID, DOUT), lambda i: (0, 0)),
            pl.BlockSpec((1, DOUT), lambda i: (0, 0)),
        ],
        out_specs=pl.BlockSpec((NG, DOUT), lambda i: (0, 0)),
        out_shape=jax.ShapeDtypeStruct((NG, DOUT), _f32),
        scratch_shapes=[
            pltpu.VMEM((NG, D), _f32),
            pltpu.VMEM((NG, 1), _f32),
        ],
    )(acc[0], acc[1], den.reshape(NACC, 1), bb2d, b.reshape(1, D),
      Wl1, bl1.reshape(1, HID), Wl2, bl2.reshape(1, DOUT))


def _edge_body(h_hbm, as_hbm, ad_hbm, src_hbm, dst_hbm, zacc_hbm, zden_hbm,
               acc_out, den_out,
               as_v, ad_v, sidx, didx, hrows, exv, acc_sh, den_sh,
               gsem, ssem, isem):
    c = lax.axis_index("c")
    s = lax.axis_index("s")

    pltpu.sync_copy(zacc_hbm.at[pl.ds(s * STRIPE, STRIPE)],
                    acc_sh.at[pl.ds(s * STRIPE, STRIPE)])
    pltpu.sync_copy(zden_hbm.at[pl.ds(s * STRIPE, STRIPE)],
                    den_sh.at[pl.ds(s * STRIPE, STRIPE)])
    pltpu.sync_copy(as_hbm, as_v)
    pltpu.sync_copy(ad_hbm, ad_v)
    plsc.subcore_barrier()

    row0 = s * (EW // 128)

    def fire_idx(b, slot, sync):
        r = row0 + b * EBJ
        if sync:
            pltpu.sync_copy(src_hbm.at[pl.ds(r, EBJ)], sidx.at[slot])
            pltpu.sync_copy(dst_hbm.at[pl.ds(r, EBJ)], didx.at[slot])
        else:
            pltpu.async_copy(src_hbm.at[pl.ds(r, EBJ)], sidx.at[slot], isem)
            pltpu.async_copy(dst_hbm.at[pl.ds(r, EBJ)], didx.at[slot], isem)

    def drain_idx():
        for _ in range(2):
            pltpu.make_async_copy(src_hbm.at[pl.ds(0, EBJ)],
                                  sidx.at[0], isem).wait()

    def fire_gather(slot4, slot3):
        for j in range(EBJ):
            pltpu.async_copy(h_hbm.at[c].at[sidx.at[slot4].at[j]],
                             hrows.at[slot3].at[pl.ds(j * 128, 128)], gsem)

    def drain_gather():
        pltpu.make_async_copy(zacc_hbm.at[pl.ds(0, EB)],
                              hrows.at[0], gsem).wait()

    def fire_scatter(slot4, slot3):
        for j in range(EBJ):
            pltpu.async_copy(hrows.at[slot3].at[pl.ds(j * 128, 128)],
                             acc_sh.at[didx.at[slot4].at[j]], ssem, add=True)

        @pl.when(c == 0)
        def _():
            for j in range(EBJ):
                pltpu.async_copy(exv.at[pl.ds(slot3 * EB + j * 128, 128)],
                                 den_sh.at[didx.at[slot4].at[j]], ssem,
                                 add=True)

    def drain_scatter():
        pltpu.make_async_copy(zacc_hbm.at[pl.ds(0, EB)],
                              acc_sh.at[pl.ds(0, EB)], ssem).wait()

        @pl.when(c == 0)
        def _():
            pltpu.make_async_copy(zden_hbm.at[pl.ds(0, EB)],
                                  den_sh.at[pl.ds(0, EB)], ssem).wait()

    fire_idx(0, 0, True)
    fire_idx(1, 1, False)
    fire_gather(0, 0)

    def block(b, carry):
        p3 = b % 3
        p4 = b % 4

        @pl.when(b >= 2)
        def _():
            drain_scatter()

        @pl.when(b + 2 < NBLK)
        def _():
            fire_idx(b + 2, (b + 2) % 4, False)

        @pl.when(b + 1 < NBLK)
        def _():
            drain_idx()
            fire_gather((b + 1) % 4, (b + 1) % 3)

        drain_gather()

        for j in range(EBJ):
            def grp(k, _):
                s16 = sidx[p4, j, pl.ds(k * 16, 16)]
                d16 = didx[p4, j, pl.ds(k * 16, 16)]
                a_s = plsc.load_gather(as_v, [s16])
                a_d = plsc.load_gather(ad_v, [d16])
                e = a_s + a_d
                e = jnp.where(e >= 0.0, e, 0.2 * e)
                exv[pl.ds(p3 * EB + j * 128 + k * 16, 16)] = jnp.exp(e)
                return 0
            lax.fori_loop(0, 8, grp, 0, unroll=True)

        def scale(i, _):
            w = plsc.load_gather(exv, [jnp.full((16,), p3 * EB + i,
                                                jnp.int32)])
            for t in range(DH // 16):
                hrows[p3, i, pl.ds(t * 16, 16)] = \
                    hrows[p3, i, pl.ds(t * 16, 16)] * w
            return 0
        lax.fori_loop(0, EB, scale, 0, unroll=4)

        fire_scatter(p4, p3)
        return carry

    lax.fori_loop(0, NBLK, block, 0)
    drain_scatter()
    drain_scatter()
    plsc.subcore_barrier()

    pltpu.sync_copy(acc_sh.at[pl.ds(s * STRIPE, STRIPE)],
                    acc_out.at[c].at[pl.ds(s * STRIPE, STRIPE)])

    @pl.when(c == 0)
    def _():
        pltpu.sync_copy(den_sh.at[pl.ds(s * STRIPE, STRIPE)],
                        den_out.at[pl.ds(s * STRIPE, STRIPE)])


def _edge_pass(h3, a_s, a_d, src2d, dst2d, zacc, zden):
    mesh = plsc.VectorSubcoreMesh(core_axis_name="c", subcore_axis_name="s")
    f = pl.kernel(
        _edge_body,
        out_type=[
            jax.ShapeDtypeStruct((NC, NACC, DH), _f32),
            jax.ShapeDtypeStruct((NACC,), _f32),
        ],
        mesh=mesh,
        scratch_types=[
            pltpu.VMEM((NACC,), _f32),
            pltpu.VMEM((NACC,), _f32),
            pltpu.VMEM((4, EBJ, 128), jnp.int32),
            pltpu.VMEM((4, EBJ, 128), jnp.int32),
            pltpu.VMEM((3, EB, DH), _f32),
            pltpu.VMEM((3 * EB,), _f32),
            pltpu.VMEM_SHARED((NACC, DH), _f32),
            pltpu.VMEM_SHARED((NACC,), _f32),
            pltpu.SemaphoreType.DMA,
            pltpu.SemaphoreType.DMA,
            pltpu.SemaphoreType.DMA,
        ],
        compiler_params=pltpu.CompilerParams(needs_layout_passes=False,
                                             use_tc_tiling_on_sc=False),
    )
    return f(h3, a_s, a_d, src2d, dst2d, zacc, zden)


def kernel(x, edge_index, batch, W1, a_src1, a_dst1, b1,
           W2, a_src2, a_dst2, b2, Wl1, bl1, Wl2, bl2):
    loops = jnp.arange(N, dtype=jnp.int32)
    src = jnp.concatenate([edge_index[0].astype(jnp.int32), loops])
    dst = jnp.concatenate([edge_index[1].astype(jnp.int32), loops])
    src2d = jnp.pad(src, (0, ET - src.shape[0])).reshape(ER, 128)
    dst2d = jnp.pad(dst, (0, ET - dst.shape[0]),
                    constant_values=N).reshape(ER, 128)
    xp = jnp.pad(x, ((0, NACC - N), (0, 0)))
    bb2d = jnp.pad(batch.astype(jnp.int32), (0, NACC - N),
                   constant_values=NG).reshape(NACC // 128, 128)
    A1 = jnp.stack([a_src1, a_dst1], axis=1)
    A2 = jnp.stack([a_src2, a_dst2], axis=1)
    zacc = jnp.zeros((NACC, DH), _f32)
    zden = jnp.zeros((NACC,), _f32)

    h1, asad1 = _mm(xp, W1, A1)
    acc1, den1 = _edge_pass(h1, asad1[:, 0], asad1[:, 1], src2d, dst2d,
                            zacc, zden)
    h2, asad2 = _mid(acc1, den1, b1, W2, A2)
    acc2, den2 = _edge_pass(h2, asad2[:, 0], asad2[:, 1], src2d, dst2d,
                            zacc, zden)
    return _tail(acc2, den2, bb2d, b2, Wl1, bl1, Wl2, bl2)

# --- scband reference (transcript-rebuilt; emitter-appended) ---
"""Pipeline reference for scband-neural-network-47682726920623 (READ-ONLY COPY).

The authoritative reference and input builder live on the scoring server;
editing this copy changes nothing except your own understanding.
"""

import jax, jax.numpy as jnp
import numpy as np

N = 10000
E = 320000
D_IN = 128
HID = 64
D_H = 2 * HID
D_OUT = 32
N_GRAPHS = 64


def _gat_conv(x, src, dst, n, W, a_src, a_dst, b):
    # PyG GATConv (heads=1, concat=True), self-loops already appended to src/dst
    h = x @ W
    alpha_s = h @ a_src
    alpha_d = h @ a_dst
    e = jax.nn.leaky_relu(alpha_s[src] + alpha_d[dst], negative_slope=0.2)
    m = jax.ops.segment_max(e, dst, num_segments=n)
    ex = jnp.exp(e - m[dst])
    denom = jax.ops.segment_sum(ex, dst, num_segments=n)
    alpha = ex / (denom[dst] + 1e-16)
    out = jax.ops.segment_sum(h[src] * alpha[:, None], dst, num_segments=n)
    return out + b


def setup_inputs(seed: int = 0) -> dict:
    key = jax.random.key(seed)
    ks = jax.random.split(key, 16)
    x = jax.random.normal(ks[0], (N, D_IN), dtype=jnp.float32)
    edge_index = jax.random.randint(ks[1], (2, E), 0, N, dtype=jnp.int64)
    batch = jnp.sort(jax.random.randint(ks[2], (N,), 0, N_GRAPHS, dtype=jnp.int64))
    s = 0.05
    return {
        "x": x,
        "edge_index": edge_index,
        "batch": batch,
        "W1": jax.random.normal(ks[3], (D_IN, D_H), dtype=jnp.float32) * s,
        "a_src1": jax.random.normal(ks[4], (D_H,), dtype=jnp.float32) * s,
        "a_dst1": jax.random.normal(ks[5], (D_H,), dtype=jnp.float32) * s,
        "b1": jnp.zeros((D_H,), dtype=jnp.float32),
        "W2": jax.random.normal(ks[6], (D_H, D_H), dtype=jnp.float32) * s,
        "a_src2": jax.random.normal(ks[7], (D_H,), dtype=jnp.float32) * s,
        "a_dst2": jax.random.normal(ks[8], (D_H,), dtype=jnp.float32) * s,
        "b2": jnp.zeros((D_H,), dtype=jnp.float32),
        "Wl1": jax.random.normal(ks[9], (D_H, HID), dtype=jnp.float32) * s,
        "bl1": jnp.zeros((HID,), dtype=jnp.float32),
        "Wl2": jax.random.normal(ks[10], (HID, D_OUT), dtype=jnp.float32) * s,
        "bl2": jnp.zeros((D_OUT,), dtype=jnp.float32),
    }


def reference(x, edge_index, batch, W1, a_src1, a_dst1, b1, W2, a_src2, a_dst2, b2, Wl1, bl1, Wl2, bl2):
    loops = jnp.arange(N, dtype=edge_index.dtype)
    src = jnp.concatenate([edge_index[0], loops])
    dst = jnp.concatenate([edge_index[1], loops])
    h = _gat_conv(x, src, dst, N, W1, a_src1, a_dst1, b1)
    h = jax.nn.selu(h)
    h = _gat_conv(h, src, dst, N, W2, a_src2, a_dst2, b2)
    h = jax.nn.selu(h)
    sums = jax.ops.segment_sum(h, batch, num_segments=N_GRAPHS)
    counts = jax.ops.segment_sum(jnp.ones((N,), dtype=h.dtype), batch, num_segments=N_GRAPHS)
    g = sums / jnp.maximum(counts, 1.0)[:, None]
    g = jax.nn.selu(g)
    g = jax.nn.selu(g @ Wl1 + bl1)
    g = g @ Wl2 + bl2
    return jax.nn.log_softmax(g, axis=-1)

if __name__ == "__main__":
    import jax
    _d = setup_inputs()
    print(jax.jit(kernel)(*tuple(_d.values())))

</pallas_src>

<mosaic_0001>
#map = affine_map<(d0, d1) -> (0, 0, 0)>
#map1 = affine_map<(d0, d1) -> (0)>
#map2 = affine_map<(d0, d1) -> (0, 0)>
module attributes {stable_mosaic.version = 14 : i64} {
  func.func @_edge_body(%arg0: i32, %arg1: i32, %arg2: memref<2x10240x64xf32, #tpu.memory_space<hbm>>, %arg3: memref<10240xf32, #tpu.memory_space<hbm>>, %arg4: memref<10240xf32, #tpu.memory_space<hbm>>, %arg5: memref<2688x128xi32, #tpu.memory_space<hbm>>, %arg6: memref<2688x128xi32, #tpu.memory_space<hbm>>, %arg7: memref<10240x64xf32, #tpu.memory_space<hbm>>, %arg8: memref<10240xf32, #tpu.memory_space<hbm>>, %arg9: memref<2x10240x64xf32, #tpu.memory_space<hbm>>, %arg10: memref<10240xf32, #tpu.memory_space<hbm>>, %arg11: memref<10240xf32, #tpu.memory_space<vmem>>, %arg12: memref<10240xf32, #tpu.memory_space<vmem>>, %arg13: memref<4x2x128xi32, #tpu.memory_space<vmem>>, %arg14: memref<4x2x128xi32, #tpu.memory_space<vmem>>, %arg15: memref<3x256x64xf32, #tpu.memory_space<vmem>>, %arg16: memref<768xf32, #tpu.memory_space<vmem>>, %arg17: memref<10240x64xf32, #tpu.memory_space<vmem_shared>>, %arg18: memref<10240xf32, #tpu.memory_space<vmem_shared>>, %arg19: memref<!tpu.dma_semaphore, #tpu.memory_space<semaphore_mem>>, %arg20: memref<!tpu.dma_semaphore, #tpu.memory_space<semaphore_mem>>, %arg21: memref<!tpu.dma_semaphore, #tpu.memory_space<semaphore_mem>>) attributes {dimension_semantics = [#tpu.dimension_semantics<core_parallel>, #tpu.dimension_semantics<subcore_parallel>], iteration_bounds = array<i64: 2, 16>, scalar_prefetch = 0 : i64, scratch_operands = 11 : i64, tpu.core_type = #tpu.core_type<sc_vector_subcore>, window_params = [{transform_indices = #map}, {transform_indices = #map1}, {transform_indices = #map1}, {transform_indices = #map2}, {transform_indices = #map2}, {transform_indices = #map2}, {transform_indices = #map1}, {transform_indices = #map}, {transform_indices = #map1}]} {
    %mul3A = arith.constant 640 : i32
    %mul3A_0 = arith.muli %arg1, %mul3A : i32
    %mul3A_1 = arith.constant 640 : i32
    %mul3A_2 = arith.muli %arg1, %mul3A_1 : i32
    "tpu.region"() ({
      %run_scoped3A_119 = tpu.sem_alloc : memref<!tpu.dma_semaphore, #tpu.memory_space<semaphore_mem>>
      %dma_start3A_120 = arith.constant 0 : i32
      %dma_start3A_121 = tpu.memref_slice %arg17[%mul3A_2, %dma_start3A_120] : memref<10240x64xf32, #tpu.memory_space<vmem_shared>> -> memref<640x64xf32, #tpu.memory_space<vmem_shared>>
      %dma_start3A_122 = arith.constant 0 : i32
      %dma_start3A_123 = tpu.memref_slice %arg7[%mul3A_0, %dma_start3A_122] : memref<10240x64xf32, #tpu.memory_space<hbm>> -> memref<640x64xf32, #tpu.memory_space<hbm>>
      tpu.enqueue_dma source(%dma_start3A_123 : memref<640x64xf32, #tpu.memory_space<hbm>>) target(%dma_start3A_121 : memref<640x64xf32, #tpu.memory_space<vmem_shared>>) target_semaphore(%run_scoped3A_119 : memref<!tpu.dma_semaphore, #tpu.memory_space<semaphore_mem>>)
      %dma_wait3A_124 = arith.constant 0 : i32
      %dma_wait3A_125 = tpu.memref_slice %arg17[%mul3A_2, %dma_wait3A_124] : memref<10240x64xf32, #tpu.memory_space<vmem_shared>> -> memref<640x64xf32, #tpu.memory_space<vmem_shared>>
      %dma_wait3A_126 = arith.constant 0 : i32
      %dma_wait3A_127 = tpu.memref_slice %arg7[%mul3A_0, %dma_wait3A_126] : memref<10240x64xf32, #tpu.memory_space<hbm>> -> memref<640x64xf32, #tpu.memory_space<hbm>>
      tpu.wait_dma2 semaphore(%run_scoped3A_119 : memref<!tpu.dma_semaphore, #tpu.memory_space<semaphore_mem>>) src(%dma_wait3A_127 : memref<640x64xf32, #tpu.memory_space<hbm>>) dst(%dma_wait3A_125 : memref<640x64xf32, #tpu.memory_space<vmem_shared>>)
      tpu.yield
    }) : () -> ()
    %mul3A_3 = arith.constant 640 : i32
    %mul3A_4 = arith.muli %arg1, %mul3A_3 : i32
    %mul3A_5 = arith.constant 640 : i32
    %mul3A_6 = arith.muli %arg1, %mul3A_5 : i32
    "tpu.region"() ({
      %run_scoped3A_119 = tpu.sem_alloc : memref<!tpu.dma_semaphore, #tpu.memory_space<semaphore_mem>>
      %dma_start3A_120 = tpu.memref_slice %arg18[%mul3A_6] : memref<10240xf32, #tpu.memory_space<vmem_shared>> -> memref<640xf32, #tpu.memory_space<vmem_shared>>
      %dma_start3A_121 = tpu.memref_slice %arg8[%mul3A_4] : memref<10240xf32, #tpu.memory_space<hbm>> -> memref<640xf32, #tpu.memory_space<hbm>>
      tpu.enqueue_dma source(%dma_start3A_121 : memref<640xf32, #tpu.memory_space<hbm>>) target(%dma_start3A_120 : memref<640xf32, #tpu.memory_space<vmem_shared>>) target_semaphore(%run_scoped3A_119 : memref<!tpu.dma_semaphore, #tpu.memory_space<semaphore_mem>>)
      %dma_wait3A_122 = tpu.memref_slice %arg18[%mul3A_6] : memref<10240xf32, #tpu.memory_space<vmem_shared>> -> memref<640xf32, #tpu.memory_space<vmem_shared>>
      %dma_wait3A_123 = tpu.memref_slice %arg8[%mul3A_4] : memref<10240xf32, #tpu.memory_space<hbm>> -> memref<640xf32, #tpu.memory_space<hbm>>
      tpu.wait_dma2 semaphore(%run_scoped3A_119 : memref<!tpu.dma_semaphore, #tpu.memory_space<semaphore_mem>>) src(%dma_wait3A_123 : memref<640xf32, #tpu.memory_space<hbm>>) dst(%dma_wait3A_122 : memref<640xf32, #tpu.memory_space<vmem_shared>>)
      tpu.yield
    }) : () -> ()
    "tpu.region"() ({
      %run_scoped3A_119 = tpu.sem_alloc : memref<!tpu.dma_semaphore, #tpu.memory_space<semaphore_mem>>
      tpu.enqueue_dma source(%arg3 : memref<10240xf32, #tpu.memory_space<hbm>>) target(%arg11 : memref<10240xf32, #tpu.memory_space<vmem>>) target_semaphore(%run_scoped3A_119 : memref<!tpu.dma_semaphore, #tpu.memory_space<semaphore_mem>>)
      tpu.wait_dma2 semaphore(%run_scoped3A_119 : memref<!tpu.dma_semaphore, #tpu.memory_space<semaphore_mem>>) src(%arg3 : memref<10240xf32, #tpu.memory_space<hbm>>) dst(%arg11 : memref<10240xf32, #tpu.memory_space<vmem>>)
      tpu.yield
    }) : () -> ()
    "tpu.region"() ({
      %run_scoped3A_119 = tpu.sem_alloc : memref<!tpu.dma_semaphore, #tpu.memory_space<semaphore_mem>>
      tpu.enqueue_dma source(%arg4 : memref<10240xf32, #tpu.memory_space<hbm>>) target(%arg12 : memref<10240xf32, #tpu.memory_space<vmem>>) target_semaphore(%run_scoped3A_119 : memref<!tpu.dma_semaphore, #tpu.memory_space<semaphore_mem>>)
      tpu.wait_dma2 semaphore(%run_scoped3A_119 : memref<!tpu.dma_semaphore, #tpu.memory_space<semaphore_mem>>) src(%arg4 : memref<10240xf32, #tpu.memory_space<hbm>>) dst(%arg12 : memref<10240xf32, #tpu.memory_space<vmem>>)
      tpu.yield
    }) : () -> ()
    %barrier3A = arith.constant 0 : index
    tpu.barrier barrier_id(%barrier3A)
    %mul3A_7 = arith.constant 168 : i32
    %mul3A_8 = arith.muli %arg1, %mul3A_7 : i32
    %add3A = arith.constant 0 : i32
    %add3A_9 = arith.addi %mul3A_8, %add3A : i32
    %run_scoped3A = arith.constant 0 : i32
    "tpu.region"() ({
      %run_scoped3A_119 = tpu.sem_alloc : memref<!tpu.dma_semaphore, #tpu.memory_space<semaphore_mem>>
      %dma_start3A_120 = arith.constant 0 : i32
      %dma_start3A_121 = arith.constant 0 : i32
      %dma_start3A_122 = tpu.memref_slice %arg13[%run_scoped3A, %dma_start3A_120, %dma_start3A_121] : memref<4x2x128xi32, #tpu.memory_space<vmem>> -> memref<1x2x128xi32, #tpu.memory_space<vmem>>
      %dma_start3A_123 = tpu.memref_squeeze %dma_start3A_122 : memref<1x2x128xi32, #tpu.memory_space<vmem>> -> memref<2x128xi32, #tpu.memory_space<vmem>>
      %dma_start3A_124 = arith.constant 0 : i32
      %dma_start3A_125 = tpu.memref_slice %arg5[%add3A_9, %dma_start3A_124] : memref<2688x128xi32, #tpu.memory_space<hbm>> -> memref<2x128xi32, #tpu.memory_space<hbm>>
      %dma_start3A_126 = arith.constant 0 : i32
      %dma_start3A_127 = arith.constant 0 : i32
      %dma_start3A_128 = tpu.memref_slice %arg13[%run_scoped3A, %dma_start3A_126, %dma_start3A_127] : memref<4x2x128xi32, #tpu.memory_space<vmem>> -> memref<1x2x128xi32, #tpu.memory_space<vmem>>
      %dma_start3A_129 = tpu.memref_squeeze %dma_start3A_128 : memref<1x2x128xi32, #tpu.memory_space<vmem>> -> memref<2x128xi32, #tpu.memory_space<vmem>>
      %dma_start3A_130 = arith.constant 0 : i32
      %dma_start3A_131 = tpu.memref_slice %arg5[%add3A_9, %dma_start3A_130] : memref<2688x128xi32, #tpu.memory_space<hbm>> -> memref<2x128xi32, #tpu.memory_space<hbm>>
      tpu.enqueue_dma source(%dma_start3A_131 : memref<2x128xi32, #tpu.memory_space<hbm>>) target(%dma_start3A_129 : memref<2x128xi32, #tpu.memory_space<vmem>>) target_semaphore(%run_scoped3A_119 : memref<!tpu.dma_semaphore, #tpu.memory_space<semaphore_mem>>)
      %dma_wait3A_132 = arith.constant 0 : i32
      %dma_wait3A_133 = arith.constant 0 : i32
      %dma_wait3A_134 = tpu.memref_slice %arg13[%run_scoped3A, %dma_wait3A_132, %dma_wait3A_133] : memref<4x2x128xi32, #tpu.memory_space<vmem>> -> memref<1x2x128xi32, #tpu.memory_space<vmem>>
      %dma_wait3A_135 = tpu.memref_squeeze %dma_wait3A_134 : memref<1x2x128xi32, #tpu.memory_space<vmem>> -> memref<2x128xi32, #tpu.memory_space<vmem>>
      %dma_wait3A_136 = arith.constant 0 : i32
      %dma_wait3A_137 = tpu.memref_slice %arg5[%add3A_9, %dma_wait3A_136] : memref<2688x128xi32, #tpu.memory_space<hbm>> -> memref<2x128xi32, #tpu.memory_space<hbm>>
      %dma_wait3A_138 = arith.constant 0 : i32
      %dma_wait3A_139 = arith.constant 0 : i32
      %dma_wait3A_140 = tpu.memref_slice %arg13[%run_scoped3A, %dma_wait3A_138, %dma_wait3A_139] : memref<4x2x128xi32, #tpu.memory_space<vmem>> -> memref<1x2x128xi32, #tpu.memory_space<vmem>>
      %dma_wait3A_141 = tpu.memref_squeeze %dma_wait3A_140 : memref<1x2x128xi32, #tpu.memory_space<vmem>> -> memref<2x128xi32, #tpu.memory_space<vmem>>
      %dma_wait3A_142 = arith.constant 0 : i32
      %dma_wait3A_143 = tpu.memref_slice %arg5[%add3A_9, %dma_wait3A_142] : memref<2688x128xi32, #tpu.memory_space<hbm>> -> memref<2x128xi32, #tpu.memory_space<hbm>>
      tpu.wait_dma2 semaphore(%run_scoped3A_119 : memref<!tpu.dma_semaphore, #tpu.memory_space<semaphore_mem>>) src(%dma_wait3A_143 : memref<2x128xi32, #tpu.memory_space<hbm>>) dst(%dma_wait3A_141 : memref<2x128xi32, #tpu.memory_space<vmem>>)
      tpu.yield
    }) : () -> ()
    %run_scoped3A_10 = arith.constant 0 : i32
    "tpu.region"() ({
      %run_scoped3A_119 = tpu.sem_alloc : memref<!tpu.dma_semaphore, #tpu.memory_space<semaphore_mem>>
      %dma_start3A_120 = arith.constant 0 : i32
      %dma_start3A_121 = arith.constant 0 : i32
      %dma_start3A_122 = tpu.memref_slice %arg14[%run_scoped3A_10, %dma_start3A_120, %dma_start3A_121] : memref<4x2x128xi32, #tpu.memory_space<vmem>> -> memref<1x2x128xi32, #tpu.memory_space<vmem>>
      %dma_start3A_123 = tpu.memref_squeeze %dma_start3A_122 : memref<1x2x128xi32, #tpu.memory_space<vmem>> -> memref<2x128xi32, #tpu.memory_space<vmem>>
      %dma_start3A_124 = arith.constant 0 : i32
      %dma_start3A_125 = tpu.memref_slice %arg6[%add3A_9, %dma_start3A_124] : memref<2688x128xi32, #tpu.memory_space<hbm>> -> memref<2x128xi32, #tpu.memory_space<hbm>>
      %dma_start3A_126 = arith.constant 0 : i32
      %dma_start3A_127 = arith.constant 0 : i32
      %dma_start3A_128 = tpu.memref_slice %arg14[%run_scoped3A_10, %dma_start3A_126, %dma_start3A_127] : memref<4x2x128xi32, #tpu.memory_space<vmem>> -> memref<1x2x128xi32, #tpu.memory_space<vmem>>
      %dma_start3A_129 = tpu.memref_squeeze %dma_start3A_128 : memref<1x2x128xi32, #tpu.memory_space<vmem>> -> memref<2x128xi32, #tpu.memory_space<vmem>>
      %dma_start3A_130 = arith.constant 0 : i32
      %dma_start3A_131 = tpu.memref_slice %arg6[%add3A_9, %dma_start3A_130] : memref<2688x128xi32, #tpu.memory_space<hbm>> -> memref<2x128xi32, #tpu.memory_space<hbm>>
      tpu.enqueue_dma source(%dma_start3A_131 : memref<2x128xi32, #tpu.memory_space<hbm>>) target(%dma_start3A_129 : memref<2x128xi32, #tpu.memory_space<vmem>>) target_semaphore(%run_scoped3A_119 : memref<!tpu.dma_semaphore, #tpu.memory_space<semaphore_mem>>)
      %dma_wait3A_132 = arith.constant 0 : i32
      %dma_wait3A_133 = arith.constant 0 : i32
      %dma_wait3A_134 = tpu.memref_slice %arg14[%run_scoped3A_10, %dma_wait3A_132, %dma_wait3A_133] : memref<4x2x128xi32, #tpu.memory_space<vmem>> -> memref<1x2x128xi32, #tpu.memory_space<vmem>>
      %dma_wait3A_135 = tpu.memref_squeeze %dma_wait3A_134 : memref<1x2x128xi32, #tpu.memory_space<vmem>> -> memref<2x128xi32, #tpu.memory_space<vmem>>
      %dma_wait3A_136 = arith.constant 0 : i32
      %dma_wait3A_137 = tpu.memref_slice %arg6[%add3A_9, %dma_wait3A_136] : memref<2688x128xi32, #tpu.memory_space<hbm>> -> memref<2x128xi32, #tpu.memory_space<hbm>>
      %dma_wait3A_138 = arith.constant 0 : i32
      %dma_wait3A_139 = arith.constant 0 : i32
      %dma_wait3A_140 = tpu.memref_slice %arg14[%run_scoped3A_10, %dma_wait3A_138, %dma_wait3A_139] : memref<4x2x128xi32, #tpu.memory_space<vmem>> -> memref<1x2x128xi32, #tpu.memory_space<vmem>>
      %dma_wait3A_141 = tpu.memref_squeeze %dma_wait3A_140 : memref<1x2x128xi32, #tpu.memory_space<vmem>> -> memref<2x128xi32, #tpu.memory_space<vmem>>
      %dma_wait3A_142 = arith.constant 0 : i32
      %dma_wait3A_143 = tpu.memref_slice %arg6[%add3A_9, %dma_wait3A_142] : memref<2688x128xi32, #tpu.memory_space<hbm>> -> memref<2x128xi32, #tpu.memory_space<hbm>>
      tpu.wait_dma2 semaphore(%run_scoped3A_119 : memref<!tpu.dma_semaphore, #tpu.memory_space<semaphore_mem>>) src(%dma_wait3A_143 : memref<2x128xi32, #tpu.memory_space<hbm>>) dst(%dma_wait3A_141 : memref<2x128xi32, #tpu.memory_space<vmem>>)
      tpu.yield
    }) : () -> ()
    %add3A_11 = arith.constant 2 : i32
    %add3A_12 = arith.addi %mul3A_8, %add3A_11 : i32
    %dma_start3A = arith.constant 1 : i32
    %dma_start3A_13 = arith.constant 0 : i32
    %dma_start3A_14 = arith.constant 0 : i32
    %dma_start3A_15 = tpu.memref_slice %arg13[%dma_start3A, %dma_start3A_13, %dma_start3A_14] : memref<4x2x128xi32, #tpu.memory_space<vmem>> -> memref<1x2x128xi32, #tpu.memory_space<vmem>>
    %dma_start3A_16 = tpu.memref_squeeze %dma_start3A_15 : memref<1x2x128xi32, #tpu.memory_space<vmem>> -> memref<2x128xi32, #tpu.memory_space<vmem>>
    %dma_start3A_17 = arith.constant 0 : i32
    %dma_start3A_18 = tpu.memref_slice %arg5[%add3A_12, %dma_start3A_17] : memref<2688x128xi32, #tpu.memory_space<hbm>> -> memref<2x128xi32, #tpu.memory_space<hbm>>
    %dma_start3A_19 = arith.constant 0 : i32
    %dma_start3A_20 = arith.constant 0 : i32
    %dma_start3A_21 = tpu.memref_slice %arg13[%dma_start3A, %dma_start3A_19, %dma_start3A_20] : memref<4x2x128xi32, #tpu.memory_space<vmem>> -> memref<1x2x128xi32, #tpu.memory_space<vmem>>
    %dma_start3A_22 = tpu.memref_squeeze %dma_start3A_21 : memref<1x2x128xi32, #tpu.memory_space<vmem>> -> memref<2x128xi32, #tpu.memory_space<vmem>>
    %dma_start3A_23 = arith.constant 0 : i32
    %dma_start3A_24 = tpu.memref_slice %arg5[%add3A_12, %dma_start3A_23] : memref<2688x128xi32, #tpu.memory_space<hbm>> -> memref<2x128xi32, #tpu.memory_space<hbm>>
    tpu.enqueue_dma source(%dma_start3A_24 : memref<2x128xi32, #tpu.memory_space<hbm>>) target(%dma_start3A_22 : memref<2x128xi32, #tpu.memory_space<vmem>>) target_semaphore(%arg21 : memref<!tpu.dma_semaphore, #tpu.memory_space<semaphore_mem>>)
    %dma_start3A_25 = arith.constant 1 : i32
    %dma_start3A_26 = arith.constant 0 : i32
    %dma_start3A_27 = arith.constant 0 : i32
    %dma_start3A_28 = tpu.memref_slice %arg14[%dma_start3A_25, %dma_start3A_26, %dma_start3A_27] : memref<4x2x128xi32, #tpu.memory_space<vmem>> -> memref<1x2x128xi32, #tpu.memory_space<vmem>>
    %dma_start3A_29 = tpu.memref_squeeze %dma_start3A_28 : memref<1x2x128xi32, #tpu.memory_space<vmem>> -> memref<2x128xi32, #tpu.memory_space<vmem>>
    %dma_start3A_30 = arith.constant 0 : i32
    %dma_start3A_31 = tpu.memref_slice %arg6[%add3A_12, %dma_start3A_30] : memref<2688x128xi32, #tpu.memory_space<hbm>> -> memref<2x128xi32, #tpu.memory_space<hbm>>
    %dma_start3A_32 = arith.constant 0 : i32
    %dma_start3A_33 = arith.constant 0 : i32
    %dma_start3A_34 = tpu.memref_slice %arg14[%dma_start3A_25, %dma_start3A_32, %dma_start3A_33] : memref<4x2x128xi32, #tpu.memory_space<vmem>> -> memref<1x2x128xi32, #tpu.memory_space<vmem>>
    %dma_start3A_35 = tpu.memref_squeeze %dma_start3A_34 : memref<1x2x128xi32, #tpu.memory_space<vmem>> -> memref<2x128xi32, #tpu.memory_space<vmem>>
    %dma_start3A_36 = arith.constant 0 : i32
    %dma_start3A_37 = tpu.memref_slice %arg6[%add3A_12, %dma_start3A_36] : memref<2688x128xi32, #tpu.memory_space<hbm>> -> memref<2x128xi32, #tpu.memory_space<hbm>>
    tpu.enqueue_dma source(%dma_start3A_37 : memref<2x128xi32, #tpu.memory_space<hbm>>) target(%dma_start3A_35 : memref<2x128xi32, #tpu.memory_space<vmem>>) target_semaphore(%arg21 : memref<!tpu.dma_semaphore, #tpu.memory_space<semaphore_mem>>)
    %dma_start3A_38 = arith.constant 0 : i32
    %dma_start3A_39 = arith.constant 0 : i32
    %dma_start3A_40 = arith.constant 0 : i32
    %dma_start3A_41 = arith.constant 0 : i32
    %dma_start3A_42 = arith.constant 0 : i32
    %dma_start3A_43 = tpu.memref_slice %arg15[%dma_start3A_40, %dma_start3A_41, %dma_start3A_42] : memref<3x256x64xf32, #tpu.memory_space<vmem>> -> memref<1x256x64xf32, #tpu.memory_space<vmem>>
    %dma_start3A_44 = tpu.memref_squeeze %dma_start3A_43 : memref<1x256x64xf32, #tpu.memory_space<vmem>> -> memref<256x64xf32, #tpu.memory_space<vmem>>
    %dma_start3A_45 = arith.constant 0 : i32
    %dma_start3A_46 = arith.constant 0 : i32
    %dma_start3A_47 = tpu.memref_slice %dma_start3A_44[%dma_start3A_45, %dma_start3A_46] : memref<256x64xf32, #tpu.memory_space<vmem>> -> memref<128x64xf32, #tpu.memory_space<vmem>>
    %dma_start3A_48 = arith.constant 0 : i32
    %dma_start3A_49 = arith.constant 0 : i32
    %dma_start3A_50 = tpu.memref_slice %arg13[%dma_start3A_38, %dma_start3A_48, %dma_start3A_49] : memref<4x2x128xi32, #tpu.memory_space<vmem>> -> memref<1x2x128xi32, #tpu.memory_space<vmem>>
    %dma_start3A_51 = tpu.memref_squeeze %dma_start3A_50 : memref<1x2x128xi32, #tpu.memory_space<vmem>> -> memref<2x128xi32, #tpu.memory_space<vmem>>
    %dma_start3A_52 = arith.constant 0 : i32
    %dma_start3A_53 = tpu.memref_slice %dma_start3A_51[%dma_start3A_39, %dma_start3A_52] : memref<2x128xi32, #tpu.memory_space<vmem>> -> memref<1x128xi32, #tpu.memory_space<vmem>>
    %dma_start3A_54 = tpu.memref_squeeze %dma_start3A_53 : memref<1x128xi32, #tpu.memory_space<vmem>> -> memref<128xi32, #tpu.memory_space<vmem>>
    %dma_start3A_55 = arith.constant 0 : i32
    %dma_start3A_56 = arith.constant 0 : i32
    %dma_start3A_57 = tpu.memref_slice %arg2[%arg0, %dma_start3A_55, %dma_start3A_56] : memref<2x10240x64xf32, #tpu.memory_space<hbm>> -> memref<1x10240x64xf32, #tpu.memory_space<hbm>>
    %dma_start3A_58 = tpu.memref_squeeze %dma_start3A_57 : memref<1x10240x64xf32, #tpu.memory_space<hbm>> -> memref<10240x64xf32, #tpu.memory_space<hbm>>
    %dma_start3A_59 = arith.constant 0 : i32
    %dma_start3A_60 = arith.constant 0 : i32
    %dma_start3A_61 = tpu.memref_slice %dma_start3A_58[%dma_start3A_59, %dma_start3A_60] : memref<10240x64xf32, #tpu.memory_space<hbm>> -> memref<10240x64xf32, #tpu.memory_space<hbm>>
    tpu.enqueue_indirect_dma source(%dma_start3A_61 : memref<10240x64xf32, #tpu.memory_space<hbm>>) target(%dma_start3A_47 : memref<128x64xf32, #tpu.memory_space<vmem>>) offsets(%dma_start3A_54 : memref<128xi32, #tpu.memory_space<vmem>>) semaphore(%arg19 : memref<!tpu.dma_semaphore, #tpu.memory_space<semaphore_mem>>)
    %dma_start3A_62 = arith.constant 0 : i32
    %dma_start3A_63 = arith.constant 1 : i32
    %dma_start3A_64 = arith.constant 0 : i32
    %dma_start3A_65 = arith.constant 0 : i32
    %dma_start3A_66 = arith.constant 0 : i32
    %dma_start3A_67 = tpu.memref_slice %arg15[%dma_start3A_64, %dma_start3A_65, %dma_start3A_66] : memref<3x256x64xf32, #tpu.memory_space<vmem>> -> memref<1x256x64xf32, #tpu.memory_space<vmem>>
    %dma_start3A_68 = tpu.memref_squeeze %dma_start3A_67 : memref<1x256x64xf32, #tpu.memory_space<vmem>> -> memref<256x64xf32, #tpu.memory_space<vmem>>
    %dma_start3A_69 = arith.constant 128 : i32
    %dma_start3A_70 = arith.constant 0 : i32
    %dma_start3A_71 = tpu.memref_slice %dma_start3A_68[%dma_start3A_69, %dma_start3A_70] : memref<256x64xf32, #tpu.memory_space<vmem>> -> memref<128x64xf32, #tpu.memory_space<vmem>>
    %dma_start3A_72 = arith.constant 0 : i32
    %dma_start3A_73 = arith.constant 0 : i32
    %dma_start3A_74 = tpu.memref_slice %arg13[%dma_start3A_62, %dma_start3A_72, %dma_start3A_73] : memref<4x2x128xi32, #tpu.memory_space<vmem>> -> memref<1x2x128xi32, #tpu.memory_space<vmem>>
    %dma_start3A_75 = tpu.memref_squeeze %dma_start3A_74 : memref<1x2x128xi32, #tpu.memory_space<vmem>> -> memref<2x128xi32, #tpu.memory_space<vmem>>
    %dma_start3A_76 = arith.constant 0 : i32
    %dma_start3A_77 = tpu.memref_slice %dma_start3A_75[%dma_start3A_63, %dma_start3A_76] : memref<2x128xi32, #tpu.memory_space<vmem>> -> memref<1x128xi32, #tpu.memory_space<vmem>>
    %dma_start3A_78 = tpu.memref_squeeze %dma_start3A_77 : memref<1x128xi32, #tpu.memory_space<vmem>> -> memref<128xi32, #tpu.memory_space<vmem>>
    %dma_start3A_79 = arith.constant 0 : i32
    %dma_start3A_80 = arith.constant 0 : i32
    %dma_start3A_81 = tpu.memref_slice %arg2[%arg0, %dma_start3A_79, %dma_start3A_80] : memref<2x10240x64xf32, #tpu.memory_space<hbm>> -> memref<1x10240x64xf32, #tpu.memory_space<hbm>>
    %dma_start3A_82 = tpu.memref_squeeze %dma_start3A_81 : memref<1x10240x64xf32, #tpu.memory_space<hbm>> -> memref<10240x64xf32, #tpu.memory_space<hbm>>
    %dma_start3A_83 = arith.constant 0 : i32
    %dma_start3A_84 = arith.constant 0 : i32
    %dma_start3A_85 = tpu.memref_slice %dma_start3A_82[%dma_start3A_83, %dma_start3A_84] : memref<10240x64xf32, #tpu.memory_space<hbm>> -> memref<10240x64xf32, #tpu.memory_space<hbm>>
    tpu.enqueue_indirect_dma source(%dma_start3A_85 : memref<10240x64xf32, #tpu.memory_space<hbm>>) target(%dma_start3A_71 : memref<128x64xf32, #tpu.memory_space<vmem>>) offsets(%dma_start3A_78 : memref<128xi32, #tpu.memory_space<vmem>>) semaphore(%arg19 : memref<!tpu.dma_semaphore, #tpu.memory_space<semaphore_mem>>)
    %scan3A = arith.constant 0 : i32
    %scan3A_86 = arith.constant 0 : i32
    %scan3A_87 = arith.constant 84 : i32
    %scan3A_88 = arith.addi %scan3A_86, %scan3A_87 : i32
    %scan3A_89 = arith.constant 1 : i32
    scf.for %scan3A_119 = %scan3A_86 to %scan3A_88 step %scan3A_89  : i32 {
      %jit3A = arith.constant 3 : i32
      %eq3A_120 = arith.constant 0 : i32
      %eq3A_121 = arith.cmpi eq, %jit3A, %eq3A_120 : i32
      %jit3A_122 = arith.constant 1 : i32
      %select_n3A = arith.select %eq3A_121, %jit3A_122, %jit3A : i32
      %rem3A = arith.remsi %scan3A_119, %select_n3A : i32
      %ne3A = arith.constant 0 : i32
      %ne3A_123 = arith.cmpi ne, %rem3A, %ne3A : i32
      %lt3A = arith.constant 0 : i32
      %lt3A_124 = arith.cmpi slt, %rem3A, %lt3A : i32
      %lt3A_125 = arith.constant 0 : i32
      %lt3A_126 = arith.cmpi slt, %select_n3A, %lt3A_125 : i32
      %ne3A_127 = arith.xori %lt3A_124, %lt3A_126 : i1
      %and3A = arith.andi %ne3A_127, %ne3A_123 : i1
      %add3A_128 = arith.addi %rem3A, %select_n3A : i32
      %select_n3A_129 = arith.select %and3A, %add3A_128, %rem3A : i32
      %jit3A_130 = arith.constant 4 : i32
      %eq3A_131 = arith.constant 0 : i32
      %eq3A_132 = arith.cmpi eq, %jit3A_130, %eq3A_131 : i32
      %jit3A_133 = arith.constant 1 : i32
      %select_n3A_134 = arith.select %eq3A_132, %jit3A_133, %jit3A_130 : i32
      %rem3A_135 = arith.remsi %scan3A_119, %select_n3A_134 : i32
      %ne3A_136 = arith.constant 0 : i32
      %ne3A_137 = arith.cmpi ne, %rem3A_135, %ne3A_136 : i32
      %lt3A_138 = arith.constant 0 : i32
      %lt3A_139 = arith.cmpi slt, %rem3A_135, %lt3A_138 : i32
      %lt3A_140 = arith.constant 0 : i32
      %lt3A_141 = arith.cmpi slt, %select_n3A_134, %lt3A_140 : i32
      %ne3A_142 = arith.xori %lt3A_139, %lt3A_141 : i1
      %and3A_143 = arith.andi %ne3A_142, %ne3A_137 : i1
      %add3A_144 = arith.addi %rem3A_135, %select_n3A_134 : i32
      %select_n3A_145 = arith.select %and3A_143, %add3A_144, %rem3A_135 : i32
      %ge3A = arith.constant 2 : i32
      %ge3A_146 = arith.cmpi sge, %scan3A_119, %ge3A : i32
      %convert_element_type3A_147 = arith.extui %ge3A_146 : i1 to i32
      %cond3A_148 = arith.constant 0 : i32
      %cond3A_149 = arith.cmpi ne, %convert_element_type3A_147, %cond3A_148 : i32
      scf.if %cond3A_149 {
        %dma_wait3A_803 = arith.constant 0 : i32
        %dma_wait3A_804 = arith.constant 0 : i32
        %dma_wait3A_805 = tpu.memref_slice %arg17[%dma_wait3A_803, %dma_wait3A_804] : memref<10240x64xf32, #tpu.memory_space<vmem_shared>> -> memref<256x64xf32, #tpu.memory_space<vmem_shared>>
        %dma_wait3A_806 = arith.constant 0 : i32
        %dma_wait3A_807 = arith.constant 0 : i32
        %dma_wait3A_808 = tpu.memref_slice %arg7[%dma_wait3A_806, %dma_wait3A_807] : memref<10240x64xf32, #tpu.memory_space<hbm>> -> memref<256x64xf32, #tpu.memory_space<hbm>>
        tpu.wait_dma2 semaphore(%arg20 : memref<!tpu.dma_semaphore, #tpu.memory_space<semaphore_mem>>) src(%dma_wait3A_808 : memref<256x64xf32, #tpu.memory_space<hbm>>) dst(%dma_wait3A_805 : memref<256x64xf32, #tpu.memory_space<vmem_shared>>)
        %eq3A_809 = arith.constant 0 : i32
        %eq3A_810 = arith.cmpi eq, %arg0, %eq3A_809 : i32
        %convert_element_type3A_811 = arith.extui %eq3A_810 : i1 to i32
        %cond3A_812 = arith.constant 0 : i32
        %cond3A_813 = arith.cmpi ne, %convert_element_type3A_811, %cond3A_812 : i32
        scf.if %cond3A_813 {
          %dma_wait3A_814 = arith.constant 0 : i32
          %dma_wait3A_815 = tpu.memref_slice %arg18[%dma_wait3A_814] : memref<10240xf32, #tpu.memory_space<vmem_shared>> -> memref<256xf32, #tpu.memory_space<vmem_shared>>
          %dma_wait3A_816 = arith.constant 0 : i32
          %dma_wait3A_817 = tpu.memref_slice %arg8[%dma_wait3A_816] : memref<10240xf32, #tpu.memory_space<hbm>> -> memref<256xf32, #tpu.memory_space<hbm>>
          tpu.wait_dma2 semaphore(%arg20 : memref<!tpu.dma_semaphore, #tpu.memory_space<semaphore_mem>>) src(%dma_wait3A_817 : memref<256xf32, #tpu.memory_space<hbm>>) dst(%dma_wait3A_815 : memref<256xf32, #tpu.memory_space<vmem_shared>>)
        } else {
        }
      } else {
      }
      %add3A_150 = arith.constant 2 : i32
      %add3A_151 = arith.addi %scan3A_119, %add3A_150 : i32
      %lt3A_152 = arith.constant 84 : i32
      %lt3A_153 = arith.cmpi slt, %add3A_151, %lt3A_152 : i32
      %convert_element_type3A_154 = arith.extui %lt3A_153 : i1 to i32
      %cond3A_155 = arith.constant 0 : i32
      %cond3A_156 = arith.cmpi ne, %convert_element_type3A_154, %cond3A_155 : i32
      scf.if %cond3A_156 {
        %add3A_803 = arith.constant 2 : i32
        %add3A_804 = arith.addi %scan3A_119, %add3A_803 : i32
        %add3A_805 = arith.constant 2 : i32
        %add3A_806 = arith.addi %scan3A_119, %add3A_805 : i32
        %jit3A_807 = arith.constant 4 : i32
        %eq3A_808 = arith.constant 0 : i32
        %eq3A_809 = arith.cmpi eq, %jit3A_807, %eq3A_808 : i32
        %jit3A_810 = arith.constant 1 : i32
        %select_n3A_811 = arith.select %eq3A_809, %jit3A_810, %jit3A_807 : i32
        %rem3A_812 = arith.remsi %add3A_806, %select_n3A_811 : i32
        %ne3A_813 = arith.constant 0 : i32
        %ne3A_814 = arith.cmpi ne, %rem3A_812, %ne3A_813 : i32
        %lt3A_815 = arith.constant 0 : i32
        %lt3A_816 = arith.cmpi slt, %rem3A_812, %lt3A_815 : i32
        %lt3A_817 = arith.constant 0 : i32
        %lt3A_818 = arith.cmpi slt, %select_n3A_811, %lt3A_817 : i32
        %ne3A_819 = arith.xori %lt3A_816, %lt3A_818 : i1
        %and3A_820 = arith.andi %ne3A_819, %ne3A_814 : i1
        %add3A_821 = arith.addi %rem3A_812, %select_n3A_811 : i32
        %select_n3A_822 = arith.select %and3A_820, %add3A_821, %rem3A_812 : i32
        %mul3A_823 = arith.constant 2 : i32
        %mul3A_824 = arith.muli %add3A_804, %mul3A_823 : i32
        %add3A_825 = arith.addi %mul3A_8, %mul3A_824 : i32
        %dma_start3A_826 = arith.constant 0 : i32
        %dma_start3A_827 = arith.constant 0 : i32
        %dma_start3A_828 = tpu.memref_slice %arg13[%select_n3A_822, %dma_start3A_826, %dma_start3A_827] : memref<4x2x128xi32, #tpu.memory_space<vmem>> -> memref<1x2x128xi32, #tpu.memory_space<vmem>>
        %dma_start3A_829 = tpu.memref_squeeze %dma_start3A_828 : memref<1x2x128xi32, #tpu.memory_space<vmem>> -> memref<2x128xi32, #tpu.memory_space<vmem>>
        %dma_start3A_830 = arith.constant 0 : i32
        %dma_start3A_831 = tpu.memref_slice %arg5[%add3A_825, %dma_start3A_830] : memref<2688x128xi32, #tpu.memory_space<hbm>> -> memref<2x128xi32, #tpu.memory_space<hbm>>
        %dma_start3A_832 = arith.constant 0 : i32
        %dma_start3A_833 = arith.constant 0 : i32
        %dma_start3A_834 = tpu.memref_slice %arg13[%select_n3A_822, %dma_start3A_832, %dma_start3A_833] : memref<4x2x128xi32, #tpu.memory_space<vmem>> -> memref<1x2x128xi32, #tpu.memory_space<vmem>>
        %dma_start3A_835 = tpu.memref_squeeze %dma_start3A_834 : memref<1x2x128xi32, #tpu.memory_space<vmem>> -> memref<2x128xi32, #tpu.memory_space<vmem>>
        %dma_start3A_836 = arith.constant 0 : i32
        %dma_start3A_837 = tpu.memref_slice %arg5[%add3A_825, %dma_start3A_836] : memref<2688x128xi32, #tpu.memory_space<hbm>> -> memref<2x128xi32, #tpu.memory_space<hbm>>
        tpu.enqueue_dma source(%dma_start3A_837 : memref<2x128xi32, #tpu.memory_space<hbm>>) target(%dma_start3A_835 : memref<2x128xi32, #tpu.memory_space<vmem>>) target_semaphore(%arg21 : memref<!tpu.dma_semaphore, #tpu.memory_space<semaphore_mem>>)
        %dma_start3A_838 = arith.constant 0 : i32
        %dma_start3A_839 = arith.constant 0 : i32
        %dma_start3A_840 = tpu.memref_slice %arg14[%select_n3A_822, %dma_start3A_838, %dma_start3A_839] : memref<4x2x128xi32, #tpu.memory_space<vmem>> -> memref<1x2x128xi32, #tpu.memory_space<vmem>>
        %dma_start3A_841 = tpu.memref_squeeze %dma_start3A_840 : memref<1x2x128xi32, #tpu.memory_space<vmem>> -> memref<2x128xi32, #tpu.memory_space<vmem>>
        %dma_start3A_842 = arith.constant 0 : i32
        %dma_start3A_843 = tpu.memref_slice %arg6[%add3A_825, %dma_start3A_842] : memref<2688x128xi32, #tpu.memory_space<hbm>> -> memref<2x128xi32, #tpu.memory_space<hbm>>
        %dma_start3A_844 = arith.constant 0 : i32
        %dma_start3A_845 = arith.constant 0 : i32
        %dma_start3A_846 = tpu.memref_slice %arg14[%select_n3A_822, %dma_start3A_844, %dma_start3A_845] : memref<4x2x128xi32, #tpu.memory_space<vmem>> -> memref<1x2x128xi32, #tpu.memory_space<vmem>>
        %dma_start3A_847 = tpu.memref_squeeze %dma_start3A_846 : memref<1x2x128xi32, #tpu.memory_space<vmem>> -> memref<2x128xi32, #tpu.memory_space<vmem>>
        %dma_start3A_848 = arith.constant 0 : i32
        %dma_start3A_849 = tpu.memref_slice %arg6[%add3A_825, %dma_start3A_848] : memref<2688x128xi32, #tpu.memory_space<hbm>> -> memref<2x128xi32, #tpu.memory_space<hbm>>
        tpu.enqueue_dma source(%dma_start3A_849 : memref<2x128xi32, #tpu.memory_space<hbm>>) target(%dma_start3A_847 : memref<2x128xi32, #tpu.memory_space<vmem>>) target_semaphore(%arg21 : memref<!tpu.dma_semaphore, #tpu.memory_space<semaphore_mem>>)
      } else {
      }
      %add3A_157 = arith.constant 1 : i32
      %add3A_158 = arith.addi %scan3A_119, %add3A_157 : i32
      %lt3A_159 = arith.constant 84 : i32
      %lt3A_160 = arith.cmpi slt, %add3A_158, %lt3A_159 : i32
      %convert_element_type3A_161 = arith.extui %lt3A_160 : i1 to i32
      %cond3A_162 = arith.constant 0 : i32
      %cond3A_163 = arith.cmpi ne, %convert_element_type3A_161, %cond3A_162 : i32
      scf.if %cond3A_163 {
        %dma_wait3A_803 = arith.constant 0 : i32
        %dma_wait3A_804 = arith.constant 0 : i32
        %dma_wait3A_805 = arith.constant 0 : i32
        %dma_wait3A_806 = tpu.memref_slice %arg13[%dma_wait3A_803, %dma_wait3A_804, %dma_wait3A_805] : memref<4x2x128xi32, #tpu.memory_space<vmem>> -> memref<1x2x128xi32, #tpu.memory_space<vmem>>
        %dma_wait3A_807 = tpu.memref_squeeze %dma_wait3A_806 : memref<1x2x128xi32, #tpu.memory_space<vmem>> -> memref<2x128xi32, #tpu.memory_space<vmem>>
        %dma_wait3A_808 = arith.constant 0 : i32
        %dma_wait3A_809 = arith.constant 0 : i32
        %dma_wait3A_810 = tpu.memref_slice %arg5[%dma_wait3A_808, %dma_wait3A_809] : memref<2688x128xi32, #tpu.memory_space<hbm>> -> memref<2x128xi32, #tpu.memory_space<hbm>>
        %dma_wait3A_811 = arith.constant 0 : i32
        %dma_wait3A_812 = arith.constant 0 : i32
        %dma_wait3A_813 = tpu.memref_slice %arg13[%dma_wait3A_803, %dma_wait3A_811, %dma_wait3A_812] : memref<4x2x128xi32, #tpu.memory_space<vmem>> -> memref<1x2x128xi32, #tpu.memory_space<vmem>>
        %dma_wait3A_814 = tpu.memref_squeeze %dma_wait3A_813 : memref<1x2x128xi32, #tpu.memory_space<vmem>> -> memref<2x128xi32, #tpu.memory_space<vmem>>
        %dma_wait3A_815 = arith.constant 0 : i32
        %dma_wait3A_816 = arith.constant 0 : i32
        %dma_wait3A_817 = tpu.memref_slice %arg5[%dma_wait3A_815, %dma_wait3A_816] : memref<2688x128xi32, #tpu.memory_space<hbm>> -> memref<2x128xi32, #tpu.memory_space<hbm>>
        tpu.wait_dma2 semaphore(%arg21 : memref<!tpu.dma_semaphore, #tpu.memory_space<semaphore_mem>>) src(%dma_wait3A_817 : memref<2x128xi32, #tpu.memory_space<hbm>>) dst(%dma_wait3A_814 : memref<2x128xi32, #tpu.memory_space<vmem>>)
        %dma_wait3A_818 = arith.constant 0 : i32
        %dma_wait3A_819 = arith.constant 0 : i32
        %dma_wait3A_820 = arith.constant 0 : i32
        %dma_wait3A_821 = tpu.memref_slice %arg13[%dma_wait3A_818, %dma_wait3A_819, %dma_wait3A_820] : memref<4x2x128xi32, #tpu.memory_space<vmem>> -> memref<1x2x128xi32, #tpu.memory_space<vmem>>
        %dma_wait3A_822 = tpu.memref_squeeze %dma_wait3A_821 : memref<1x2x128xi32, #tpu.memory_space<vmem>> -> memref<2x128xi32, #tpu.memory_space<vmem>>
        %dma_wait3A_823 = arith.constant 0 : i32
        %dma_wait3A_824 = arith.constant 0 : i32
        %dma_wait3A_825 = tpu.memref_slice %arg5[%dma_wait3A_823, %dma_wait3A_824] : memref<2688x128xi32, #tpu.memory_space<hbm>> -> memref<2x128xi32, #tpu.memory_space<hbm>>
        %dma_wait3A_826 = arith.constant 0 : i32
        %dma_wait3A_827 = arith.constant 0 : i32
        %dma_wait3A_828 = tpu.memref_slice %arg13[%dma_wait3A_818, %dma_wait3A_826, %dma_wait3A_827] : memref<4x2x128xi32, #tpu.memory_space<vmem>> -> memref<1x2x128xi32, #tpu.memory_space<vmem>>
        %dma_wait3A_829 = tpu.memref_squeeze %dma_wait3A_828 : memref<1x2x128xi32, #tpu.memory_space<vmem>> -> memref<2x128xi32, #tpu.memory_space<vmem>>
        %dma_wait3A_830 = arith.constant 0 : i32
        %dma_wait3A_831 = arith.constant 0 : i32
        %dma_wait3A_832 = tpu.memref_slice %arg5[%dma_wait3A_830, %dma_wait3A_831] : memref<2688x128xi32, #tpu.memory_space<hbm>> -> memref<2x128xi32, #tpu.memory_space<hbm>>
        tpu.wait_dma2 semaphore(%arg21 : memref<!tpu.dma_semaphore, #tpu.memory_space<semaphore_mem>>) src(%dma_wait3A_832 : memref<2x128xi32, #tpu.memory_space<hbm>>) dst(%dma_wait3A_829 : memref<2x128xi32, #tpu.memory_space<vmem>>)
        %add3A_833 = arith.constant 1 : i32
        %add3A_834 = arith.addi %scan3A_119, %add3A_833 : i32
        %jit3A_835 = arith.constant 4 : i32
        %eq3A_836 = arith.constant 0 : i32
        %eq3A_837 = arith.cmpi eq, %jit3A_835, %eq3A_836 : i32
        %jit3A_838 = arith.constant 1 : i32
        %select_n3A_839 = arith.select %eq3A_837, %jit3A_838, %jit3A_835 : i32
        %rem3A_840 = arith.remsi %add3A_834, %select_n3A_839 : i32
        %ne3A_841 = arith.constant 0 : i32
        %ne3A_842 = arith.cmpi ne, %rem3A_840, %ne3A_841 : i32
        %lt3A_843 = arith.constant 0 : i32
        %lt3A_844 = arith.cmpi slt, %rem3A_840, %lt3A_843 : i32
        %lt3A_845 = arith.constant 0 : i32
        %lt3A_846 = arith.cmpi slt, %select_n3A_839, %lt3A_845 : i32
        %ne3A_847 = arith.xori %lt3A_844, %lt3A_846 : i1
        %and3A_848 = arith.andi %ne3A_847, %ne3A_842 : i1
        %add3A_849 = arith.addi %rem3A_840, %select_n3A_839 : i32
        %select_n3A_850 = arith.select %and3A_848, %add3A_849, %rem3A_840 : i32
        %add3A_851 = arith.constant 1 : i32
        %add3A_852 = arith.addi %scan3A_119, %add3A_851 : i32
        %jit3A_853 = arith.constant 3 : i32
        %eq3A_854 = arith.constant 0 : i32
        %eq3A_855 = arith.cmpi eq, %jit3A_853, %eq3A_854 : i32
        %jit3A_856 = arith.constant 1 : i32
        %select_n3A_857 = arith.select %eq3A_855, %jit3A_856, %jit3A_853 : i32
        %rem3A_858 = arith.remsi %add3A_852, %select_n3A_857 : i32
        %ne3A_859 = arith.constant 0 : i32
        %ne3A_860 = arith.cmpi ne, %rem3A_858, %ne3A_859 : i32
        %lt3A_861 = arith.constant 0 : i32
        %lt3A_862 = arith.cmpi slt, %rem3A_858, %lt3A_861 : i32
        %lt3A_863 = arith.constant 0 : i32
        %lt3A_864 = arith.cmpi slt, %select_n3A_857, %lt3A_863 : i32
        %ne3A_865 = arith.xori %lt3A_862, %lt3A_864 : i1
        %and3A_866 = arith.andi %ne3A_865, %ne3A_860 : i1
        %add3A_867 = arith.addi %rem3A_858, %select_n3A_857 : i32
        %select_n3A_868 = arith.select %and3A_866, %add3A_867, %rem3A_858 : i32
        %dma_start3A_869 = arith.constant 0 : i32
        %dma_start3A_870 = arith.constant 0 : i32
        %dma_start3A_871 = arith.constant 0 : i32
        %dma_start3A_872 = tpu.memref_slice %arg15[%select_n3A_868, %dma_start3A_870, %dma_start3A_871] : memref<3x256x64xf32, #tpu.memory_space<vmem>> -> memref<1x256x64xf32, #tpu.memory_space<vmem>>
        %dma_start3A_873 = tpu.memref_squeeze %dma_start3A_872 : memref<1x256x64xf32, #tpu.memory_space<vmem>> -> memref<256x64xf32, #tpu.memory_space<vmem>>
        %dma_start3A_874 = arith.constant 0 : i32
        %dma_start3A_875 = arith.constant 0 : i32
        %dma_start3A_876 = tpu.memref_slice %dma_start3A_873[%dma_start3A_874, %dma_start3A_875] : memref<256x64xf32, #tpu.memory_space<vmem>> -> memref<128x64xf32, #tpu.memory_space<vmem>>
        %dma_start3A_877 = arith.constant 0 : i32
        %dma_start3A_878 = arith.constant 0 : i32
        %dma_start3A_879 = tpu.memref_slice %arg13[%select_n3A_850, %dma_start3A_877, %dma_start3A_878] : memref<4x2x128xi32, #tpu.memory_space<vmem>> -> memref<1x2x128xi32, #tpu.memory_space<vmem>>
        %dma_start3A_880 = tpu.memref_squeeze %dma_start3A_879 : memref<1x2x128xi32, #tpu.memory_space<vmem>> -> memref<2x128xi32, #tpu.memory_space<vmem>>
        %dma_start3A_881 = arith.constant 0 : i32
        %dma_start3A_882 = tpu.memref_slice %dma_start3A_880[%dma_start3A_869, %dma_start3A_881] : memref<2x128xi32, #tpu.memory_space<vmem>> -> memref<1x128xi32, #tpu.memory_space<vmem>>
        %dma_start3A_883 = tpu.memref_squeeze %dma_start3A_882 : memref<1x128xi32, #tpu.memory_space<vmem>> -> memref<128xi32, #tpu.memory_space<vmem>>
        %dma_start3A_884 = arith.constant 0 : i32
        %dma_start3A_885 = arith.constant 0 : i32
        %dma_start3A_886 = tpu.memref_slice %arg2[%arg0, %dma_start3A_884, %dma_start3A_885] : memref<2x10240x64xf32, #tpu.memory_space<hbm>> -> memref<1x10240x64xf32, #tpu.memory_space<hbm>>
        %dma_start3A_887 = tpu.memref_squeeze %dma_start3A_886 : memref<1x10240x64xf32, #tpu.memory_space<hbm>> -> memref<10240x64xf32, #tpu.memory_space<hbm>>
        %dma_start3A_888 = arith.constant 0 : i32
        %dma_start3A_889 = arith.constant 0 : i32
        %dma_start3A_890 = tpu.memref_slice %dma_start3A_887[%dma_start3A_888, %dma_start3A_889] : memref<10240x64xf32, #tpu.memory_space<hbm>> -> memref<10240x64xf32, #tpu.memory_space<hbm>>
        tpu.enqueue_indirect_dma source(%dma_start3A_890 : memref<10240x64xf32, #tpu.memory_space<hbm>>) target(%dma_start3A_876 : memref<128x64xf32, #tpu.memory_space<vmem>>) offsets(%dma_start3A_883 : memref<128xi32, #tpu.memory_space<vmem>>) semaphore(%arg19 : memref<!tpu.dma_semaphore, #tpu.memory_space<semaphore_mem>>)
        %dma_start3A_891 = arith.constant 1 : i32
        %dma_start3A_892 = arith.constant 0 : i32
        %dma_start3A_893 = arith.constant 0 : i32
        %dma_start3A_894 = tpu.memref_slice %arg15[%select_n3A_868, %dma_start3A_892, %dma_start3A_893] : memref<3x256x64xf32, #tpu.memory_space<vmem>> -> memref<1x256x64xf32, #tpu.memory_space<vmem>>
        %dma_start3A_895 = tpu.memref_squeeze %dma_start3A_894 : memref<1x256x64xf32, #tpu.memory_space<vmem>> -> memref<256x64xf32, #tpu.memory_space<vmem>>
        %dma_start3A_896 = arith.constant 128 : i32
        %dma_start3A_897 = arith.constant 0 : i32
        %dma_start3A_898 = tpu.memref_slice %dma_start3A_895[%dma_start3A_896, %dma_start3A_897] : memref<256x64xf32, #tpu.memory_space<vmem>> -> memref<128x64xf32, #tpu.memory_space<vmem>>
        %dma_start3A_899 = arith.constant 0 : i32
        %dma_start3A_900 = arith.constant 0 : i32
        %dma_start3A_901 = tpu.memref_slice %arg13[%select_n3A_850, %dma_start3A_899, %dma_start3A_900] : memref<4x2x128xi32, #tpu.memory_space<vmem>> -> memref<1x2x128xi32, #tpu.memory_space<vmem>>
        %dma_start3A_902 = tpu.memref_squeeze %dma_start3A_901 : memref<1x2x128xi32, #tpu.memory_space<vmem>> -> memref<2x128xi32, #tpu.memory_space<vmem>>
        %dma_start3A_903 = arith.constant 0 : i32
        %dma_start3A_904 = tpu.memref_slice %dma_start3A_902[%dma_start3A_891, %dma_start3A_903] : memref<2x128xi32, #tpu.memory_space<vmem>> -> memref<1x128xi32, #tpu.memory_space<vmem>>
        %dma_start3A_905 = tpu.memref_squeeze %dma_start3A_904 : memref<1x128xi32, #tpu.memory_space<vmem>> -> memref<128xi32, #tpu.memory_space<vmem>>
        %dma_start3A_906 = arith.constant 0 : i32
        %dma_start3A_907 = arith.constant 0 : i32
        %dma_start3A_908 = tpu.memref_slice %arg2[%arg0, %dma_start3A_906, %dma_start3A_907] : memref<2x10240x64xf32, #tpu.memory_space<hbm>> -> memref<1x10240x64xf32, #tpu.memory_space<hbm>>
        %dma_start3A_909 = tpu.memref_squeeze %dma_start3A_908 : memref<1x10240x64xf32, #tpu.memory_space<hbm>> -> memref<10240x64xf32, #tpu.memory_space<hbm>>
        %dma_start3A_910 = arith.constant 0 : i32
        %dma_start3A_911 = arith.constant 0 : i32
        %dma_start3A_912 = tpu.memref_slice %dma_start3A_909[%dma_start3A_910, %dma_start3A_911] : memref<10240x64xf32, #tpu.memory_space<hbm>> -> memref<10240x64xf32, #tpu.memory_space<hbm>>
        tpu.enqueue_indirect_dma source(%dma_start3A_912 : memref<10240x64xf32, #tpu.memory_space<hbm>>) target(%dma_start3A_898 : memref<128x64xf32, #tpu.memory_space<vmem>>) offsets(%dma_start3A_905 : memref<128xi32, #tpu.memory_space<vmem>>) semaphore(%arg19 : memref<!tpu.dma_semaphore, #tpu.memory_space<semaphore_mem>>)
      } else {
      }
      %dma_wait3A_164 = arith.constant 0 : i32
      %dma_wait3A_165 = arith.constant 0 : i32
      %dma_wait3A_166 = arith.constant 0 : i32
      %dma_wait3A_167 = tpu.memref_slice %arg15[%dma_wait3A_164, %dma_wait3A_165, %dma_wait3A_166] : memref<3x256x64xf32, #tpu.memory_space<vmem>> -> memref<1x256x64xf32, #tpu.memory_space<vmem>>
      %dma_wait3A_168 = tpu.memref_squeeze %dma_wait3A_167 : memref<1x256x64xf32, #tpu.memory_space<vmem>> -> memref<256x64xf32, #tpu.memory_space<vmem>>
      %dma_wait3A_169 = arith.constant 0 : i32
      %dma_wait3A_170 = arith.constant 0 : i32
      %dma_wait3A_171 = tpu.memref_slice %arg7[%dma_wait3A_169, %dma_wait3A_170] : memref<10240x64xf32, #tpu.memory_space<hbm>> -> memref<256x64xf32, #tpu.memory_space<hbm>>
      %dma_wait3A_172 = arith.constant 0 : i32
      %dma_wait3A_173 = arith.constant 0 : i32
      %dma_wait3A_174 = tpu.memref_slice %arg15[%dma_wait3A_164, %dma_wait3A_172, %dma_wait3A_173] : memref<3x256x64xf32, #tpu.memory_space<vmem>> -> memref<1x256x64xf32, #tpu.memory_space<vmem>>
      %dma_wait3A_175 = tpu.memref_squeeze %dma_wait3A_174 : memref<1x256x64xf32, #tpu.memory_space<vmem>> -> memref<256x64xf32, #tpu.memory_space<vmem>>
      %dma_wait3A_176 = arith.constant 0 : i32
      %dma_wait3A_177 = arith.constant 0 : i32
      %dma_wait3A_178 = tpu.memref_slice %arg7[%dma_wait3A_176, %dma_wait3A_177] : memref<10240x64xf32, #tpu.memory_space<hbm>> -> memref<256x64xf32, #tpu.memory_space<hbm>>
      tpu.wait_dma2 semaphore(%arg19 : memref<!tpu.dma_semaphore, #tpu.memory_space<semaphore_mem>>) src(%dma_wait3A_178 : memref<256x64xf32, #tpu.memory_space<hbm>>) dst(%dma_wait3A_175 : memref<256x64xf32, #tpu.memory_space<vmem>>)
      %scan3A_179 = arith.constant 0 : i32
      %scan3A_180 = arith.constant 0 : i32
      %mul3A_181 = arith.constant 16 : i32
      %mul3A_182 = arith.muli %scan3A_180, %mul3A_181 : i32
      %get3A = arith.constant 0 : i32
      %get3A_183 = arith.index_cast %select_n3A_145 : i32 to index
      %get3A_184 = arith.index_cast %get3A : i32 to index
      %get3A_185 = arith.index_cast %mul3A_182 : i32 to index
      %get3A_186 = tpu.vector_load %arg13[%get3A_183, %get3A_184, %get3A_185] {strides = array<i32>} : memref<4x2x128xi32, #tpu.memory_space<vmem>>, vector<16xi32>,
      %mul3A_187 = arith.constant 16 : i32
      %mul3A_188 = arith.muli %scan3A_180, %mul3A_187 : i32
      %get3A_189 = arith.constant 0 : i32
      %get3A_190 = arith.index_cast %select_n3A_145 : i32 to index
      %get3A_191 = arith.index_cast %get3A_189 : i32 to index
      %get3A_192 = arith.index_cast %mul3A_188 : i32 to index
      %get3A_193 = tpu.vector_load %arg14[%get3A_190, %get3A_191, %get3A_192] {strides = array<i32>} : memref<4x2x128xi32, #tpu.memory_space<vmem>>, vector<16xi32>,
      %gather3A = tpu.vector_load_idx %arg11[%get3A_186] : memref<10240xf32, #tpu.memory_space<vmem>>[vector<16xi32>], vector<16xf32>,
      %gather3A_194 = tpu.vector_load_idx %arg12[%get3A_193] : memref<10240xf32, #tpu.memory_space<vmem>>[vector<16xi32>], vector<16xf32>,
      %add3A_195 = arith.addf %gather3A, %gather3A_194 : vector<16xf32>
      %ge3A_196 = arith.constant 0.000000e+00 : f32
      %ge3A_197 = vector.broadcast %ge3A_196 : f32 to vector<16xf32>
      %ge3A_198 = arith.cmpf oge, %add3A_195, %ge3A_197 : vector<16xf32>
      %mul3A_199 = arith.constant 2.000000e-01 : f32
      %mul3A_200 = vector.broadcast %mul3A_199 : f32 to vector<16xf32>
      %mul3A_201 = arith.mulf %mul3A_200, %add3A_195 : vector<16xf32>
      %select_n3A_202 = arith.select %ge3A_198, %add3A_195, %mul3A_201 : vector<16xi1>, vector<16xf32>
      %exp3A = math.exp %select_n3A_202 : vector<16xf32>
      %mul3A_203 = arith.constant 256 : i32
      %mul3A_204 = arith.muli %select_n3A_129, %mul3A_203 : i32
      %add3A_205 = arith.constant 0 : i32
      %add3A_206 = arith.addi %mul3A_204, %add3A_205 : i32
      %mul3A_207 = arith.constant 16 : i32
      %mul3A_208 = arith.muli %scan3A_180, %mul3A_207 : i32
      %add3A_209 = arith.addi %add3A_206, %mul3A_208 : i32
      %swap3A = arith.index_cast %add3A_209 : i32 to index
      %swap3A_210 = tpu.vector_load %arg16[%swap3A] {strides = array<i32>} : memref<768xf32, #tpu.memory_space<vmem>>, vector<16xf32>,
      tpu.vector_store %arg16[%swap3A], %exp3A {strides = array<i32>} : memref<768xf32, #tpu.memory_space<vmem>>, vector<16xf32>,
      %scan3A_211 = arith.constant 0 : i32
      %scan3A_212 = arith.constant 1 : i32
      %mul3A_213 = arith.constant 16 : i32
      %mul3A_214 = arith.muli %scan3A_212, %mul3A_213 : i32
      %get3A_215 = arith.constant 0 : i32
      %get3A_216 = arith.index_cast %select_n3A_145 : i32 to index
      %get3A_217 = arith.index_cast %get3A_215 : i32 to index
      %get3A_218 = arith.index_cast %mul3A_214 : i32 to index
      %get3A_219 = tpu.vector_load %arg13[%get3A_216, %get3A_217, %get3A_218] {strides = array<i32>} : memref<4x2x128xi32, #tpu.memory_space<vmem>>, vector<16xi32>,
      %mul3A_220 = arith.constant 16 : i32
      %mul3A_221 = arith.muli %scan3A_212, %mul3A_220 : i32
      %get3A_222 = arith.constant 0 : i32
      %get3A_223 = arith.index_cast %select_n3A_145 : i32 to index
      %get3A_224 = arith.index_cast %get3A_222 : i32 to index
      %get3A_225 = arith.index_cast %mul3A_221 : i32 to index
      %get3A_226 = tpu.vector_load %arg14[%get3A_223, %get3A_224, %get3A_225] {strides = array<i32>} : memref<4x2x128xi32, #tpu.memory_space<vmem>>, vector<16xi32>,
      %gather3A_227 = tpu.vector_load_idx %arg11[%get3A_219] : memref<10240xf32, #tpu.memory_space<vmem>>[vector<16xi32>], vector<16xf32>,
      %gather3A_228 = tpu.vector_load_idx %arg12[%get3A_226] : memref<10240xf32, #tpu.memory_space<vmem>>[vector<16xi32>], vector<16xf32>,
      %add3A_229 = arith.addf %gather3A_227, %gather3A_228 : vector<16xf32>
      %ge3A_230 = arith.constant 0.000000e+00 : f32
      %ge3A_231 = vector.broadcast %ge3A_230 : f32 to vector<16xf32>
      %ge3A_232 = arith.cmpf oge, %add3A_229, %ge3A_231 : vector<16xf32>
      %mul3A_233 = arith.constant 2.000000e-01 : f32
      %mul3A_234 = vector.broadcast %mul3A_233 : f32 to vector<16xf32>
      %mul3A_235 = arith.mulf %mul3A_234, %add3A_229 : vector<16xf32>
      %select_n3A_236 = arith.select %ge3A_232, %add3A_229, %mul3A_235 : vector<16xi1>, vector<16xf32>
      %exp3A_237 = math.exp %select_n3A_236 : vector<16xf32>
      %mul3A_238 = arith.constant 256 : i32
      %mul3A_239 = arith.muli %select_n3A_129, %mul3A_238 : i32
      %add3A_240 = arith.constant 0 : i32
      %add3A_241 = arith.addi %mul3A_239, %add3A_240 : i32
      %mul3A_242 = arith.constant 16 : i32
      %mul3A_243 = arith.muli %scan3A_212, %mul3A_242 : i32
      %add3A_244 = arith.addi %add3A_241, %mul3A_243 : i32
      %swap3A_245 = arith.index_cast %add3A_244 : i32 to index
      %swap3A_246 = tpu.vector_load %arg16[%swap3A_245] {strides = array<i32>} : memref<768xf32, #tpu.memory_space<vmem>>, vector<16xf32>,
      tpu.vector_store %arg16[%swap3A_245], %exp3A_237 {strides = array<i32>} : memref<768xf32, #tpu.memory_space<vmem>>, vector<16xf32>,
      %scan3A_247 = arith.constant 0 : i32
      %scan3A_248 = arith.constant 2 : i32
      %mul3A_249 = arith.constant 16 : i32
      %mul3A_250 = arith.muli %scan3A_248, %mul3A_249 : i32
      %get3A_251 = arith.constant 0 : i32
      %get3A_252 = arith.index_cast %select_n3A_145 : i32 to index
      %get3A_253 = arith.index_cast %get3A_251 : i32 to index
      %get3A_254 = arith.index_cast %mul3A_250 : i32 to index
      %get3A_255 = tpu.vector_load %arg13[%get3A_252, %get3A_253, %get3A_254] {strides = array<i32>} : memref<4x2x128xi32, #tpu.memory_space<vmem>>, vector<16xi32>,
      %mul3A_256 = arith.constant 16 : i32
      %mul3A_257 = arith.muli %scan3A_248, %mul3A_256 : i32
      %get3A_258 = arith.constant 0 : i32
      %get3A_259 = arith.index_cast %select_n3A_145 : i32 to index
      %get3A_260 = arith.index_cast %get3A_258 : i32 to index
      %get3A_261 = arith.index_cast %mul3A_257 : i32 to index
      %get3A_262 = tpu.vector_load %arg14[%get3A_259, %get3A_260, %get3A_261] {strides = array<i32>} : memref<4x2x128xi32, #tpu.memory_space<vmem>>, vector<16xi32>,
      %gather3A_263 = tpu.vector_load_idx %arg11[%get3A_255] : memref<10240xf32, #tpu.memory_space<vmem>>[vector<16xi32>], vector<16xf32>,
      %gather3A_264 = tpu.vector_load_idx %arg12[%get3A_262] : memref<10240xf32, #tpu.memory_space<vmem>>[vector<16xi32>], vector<16xf32>,
      %add3A_265 = arith.addf %gather3A_263, %gather3A_264 : vector<16xf32>
      %ge3A_266 = arith.constant 0.000000e+00 : f32
      %ge3A_267 = vector.broadcast %ge3A_266 : f32 to vector<16xf32>
      %ge3A_268 = arith.cmpf oge, %add3A_265, %ge3A_267 : vector<16xf32>
      %mul3A_269 = arith.constant 2.000000e-01 : f32
      %mul3A_270 = vector.broadcast %mul3A_269 : f32 to vector<16xf32>
      %mul3A_271 = arith.mulf %mul3A_270, %add3A_265 : vector<16xf32>
      %select_n3A_272 = arith.select %ge3A_268, %add3A_265, %mul3A_271 : vector<16xi1>, vector<16xf32>
      %exp3A_273 = math.exp %select_n3A_272 : vector<16xf32>
      %mul3A_274 = arith.constant 256 : i32
      %mul3A_275 = arith.muli %select_n3A_129, %mul3A_274 : i32
      %add3A_276 = arith.constant 0 : i32
      %add3A_277 = arith.addi %mul3A_275, %add3A_276 : i32
      %mul3A_278 = arith.constant 16 : i32
      %mul3A_279 = arith.muli %scan3A_248, %mul3A_278 : i32
      %add3A_280 = arith.addi %add3A_277, %mul3A_279 : i32
      %swap3A_281 = arith.index_cast %add3A_280 : i32 to index
      %swap3A_282 = tpu.vector_load %arg16[%swap3A_281] {strides = array<i32>} : memref<768xf32, #tpu.memory_space<vmem>>, vector<16xf32>,
      tpu.vector_store %arg16[%swap3A_281], %exp3A_273 {strides = array<i32>} : memref<768xf32, #tpu.memory_space<vmem>>, vector<16xf32>,
      %scan3A_283 = arith.constant 0 : i32
      %scan3A_284 = arith.constant 3 : i32
      %mul3A_285 = arith.constant 16 : i32
      %mul3A_286 = arith.muli %scan3A_284, %mul3A_285 : i32
      %get3A_287 = arith.constant 0 : i32
      %get3A_288 = arith.index_cast %select_n3A_145 : i32 to index
      %get3A_289 = arith.index_cast %get3A_287 : i32 to index
      %get3A_290 = arith.index_cast %mul3A_286 : i32 to index
      %get3A_291 = tpu.vector_load %arg13[%get3A_288, %get3A_289, %get3A_290] {strides = array<i32>} : memref<4x2x128xi32, #tpu.memory_space<vmem>>, vector<16xi32>,
      %mul3A_292 = arith.constant 16 : i32
      %mul3A_293 = arith.muli %scan3A_284, %mul3A_292 : i32
      %get3A_294 = arith.constant 0 : i32
      %get3A_295 = arith.index_cast %select_n3A_145 : i32 to index
      %get3A_296 = arith.index_cast %get3A_294 : i32 to index
      %get3A_297 = arith.index_cast %mul3A_293 : i32 to index
      %get3A_298 = tpu.vector_load %arg14[%get3A_295, %get3A_296, %get3A_297] {strides = array<i32>} : memref<4x2x128xi32, #tpu.memory_space<vmem>>, vector<16xi32>,
      %gather3A_299 = tpu.vector_load_idx %arg11[%get3A_291] : memref<10240xf32, #tpu.memory_space<vmem>>[vector<16xi32>], vector<16xf32>,
      %gather3A_300 = tpu.vector_load_idx %arg12[%get3A_298] : memref<10240xf32, #tpu.memory_space<vmem>>[vector<16xi32>], vector<16xf32>,
      %add3A_301 = arith.addf %gather3A_299, %gather3A_300 : vector<16xf32>
      %ge3A_302 = arith.constant 0.000000e+00 : f32
      %ge3A_303 = vector.broadcast %ge3A_302 : f32 to vector<16xf32>
      %ge3A_304 = arith.cmpf oge, %add3A_301, %ge3A_303 : vector<16xf32>
      %mul3A_305 = arith.constant 2.000000e-01 : f32
      %mul3A_306 = vector.broadcast %mul3A_305 : f32 to vector<16xf32>
      %mul3A_307 = arith.mulf %mul3A_306, %add3A_301 : vector<16xf32>
      %select_n3A_308 = arith.select %ge3A_304, %add3A_301, %mul3A_307 : vector<16xi1>, vector<16xf32>
      %exp3A_309 = math.exp %select_n3A_308 : vector<16xf32>
      %mul3A_310 = arith.constant 256 : i32
      %mul3A_311 = arith.muli %select_n3A_129, %mul3A_310 : i32
      %add3A_312 = arith.constant 0 : i32
      %add3A_313 = arith.addi %mul3A_311, %add3A_312 : i32
      %mul3A_314 = arith.constant 16 : i32
      %mul3A_315 = arith.muli %scan3A_284, %mul3A_314 : i32
      %add3A_316 = arith.addi %add3A_313, %mul3A_315 : i32
      %swap3A_317 = arith.index_cast %add3A_316 : i32 to index
      %swap3A_318 = tpu.vector_load %arg16[%swap3A_317] {strides = array<i32>} : memref<768xf32, #tpu.memory_space<vmem>>, vector<16xf32>,
      tpu.vector_store %arg16[%swap3A_317], %exp3A_309 {strides = array<i32>} : memref<768xf32, #tpu.memory_space<vmem>>, vector<16xf32>,
      %scan3A_319 = arith.constant 0 : i32
      %scan3A_320 = arith.constant 4 : i32
      %mul3A_321 = arith.constant 16 : i32
      %mul3A_322 = arith.muli %scan3A_320, %mul3A_321 : i32
      %get3A_323 = arith.constant 0 : i32
      %get3A_324 = arith.index_cast %select_n3A_145 : i32 to index
      %get3A_325 = arith.index_cast %get3A_323 : i32 to index
      %get3A_326 = arith.index_cast %mul3A_322 : i32 to index
      %get3A_327 = tpu.vector_load %arg13[%get3A_324, %get3A_325, %get3A_326] {strides = array<i32>} : memref<4x2x128xi32, #tpu.memory_space<vmem>>, vector<16xi32>,
      %mul3A_328 = arith.constant 16 : i32
      %mul3A_329 = arith.muli %scan3A_320, %mul3A_328 : i32
      %get3A_330 = arith.constant 0 : i32
      %get3A_331 = arith.index_cast %select_n3A_145 : i32 to index
      %get3A_332 = arith.index_cast %get3A_330 : i32 to index
      %get3A_333 = arith.index_cast %mul3A_329 : i32 to index
      %get3A_334 = tpu.vector_load %arg14[%get3A_331, %get3A_332, %get3A_333] {strides = array<i32>} : memref<4x2x128xi32, #tpu.memory_space<vmem>>, vector<16xi32>,
      %gather3A_335 = tpu.vector_load_idx %arg11[%get3A_327] : memref<10240xf32, #tpu.memory_space<vmem>>[vector<16xi32>], vector<16xf32>,
      %gather3A_336 = tpu.vector_load_idx %arg12[%get3A_334] : memref<10240xf32, #tpu.memory_space<vmem>>[vector<16xi32>], vector<16xf32>,
      %add3A_337 = arith.addf %gather3A_335, %gather3A_336 : vector<16xf32>
      %ge3A_338 = arith.constant 0.000000e+00 : f32
      %ge3A_339 = vector.broadcast %ge3A_338 : f32 to vector<16xf32>
      %ge3A_340 = arith.cmpf oge, %add3A_337, %ge3A_339 : vector<16xf32>
      %mul3A_341 = arith.constant 2.000000e-01 : f32
      %mul3A_342 = vector.broadcast %mul3A_341 : f32 to vector<16xf32>
      %mul3A_343 = arith.mulf %mul3A_342, %add3A_337 : vector<16xf32>
      %select_n3A_344 = arith.select %ge3A_340, %add3A_337, %mul3A_343 : vector<16xi1>, vector<16xf32>
      %exp3A_345 = math.exp %select_n3A_344 : vector<16xf32>
      %mul3A_346 = arith.constant 256 : i32
      %mul3A_347 = arith.muli %select_n3A_129, %mul3A_346 : i32
      %add3A_348 = arith.constant 0 : i32
      %add3A_349 = arith.addi %mul3A_347, %add3A_348 : i32
      %mul3A_350 = arith.constant 16 : i32
      %mul3A_351 = arith.muli %scan3A_320, %mul3A_350 : i32
      %add3A_352 = arith.addi %add3A_349, %mul3A_351 : i32
      %swap3A_353 = arith.index_cast %add3A_352 : i32 to index
      %swap3A_354 = tpu.vector_load %arg16[%swap3A_353] {strides = array<i32>} : memref<768xf32, #tpu.memory_space<vmem>>, vector<16xf32>,
      tpu.vector_store %arg16[%swap3A_353], %exp3A_345 {strides = array<i32>} : memref<768xf32, #tpu.memory_space<vmem>>, vector<16xf32>,
      %scan3A_355 = arith.constant 0 : i32
      %scan3A_356 = arith.constant 5 : i32
      %mul3A_357 = arith.constant 16 : i32
      %mul3A_358 = arith.muli %scan3A_356, %mul3A_357 : i32
      %get3A_359 = arith.constant 0 : i32
      %get3A_360 = arith.index_cast %select_n3A_145 : i32 to index
      %get3A_361 = arith.index_cast %get3A_359 : i32 to index
      %get3A_362 = arith.index_cast %mul3A_358 : i32 to index
      %get3A_363 = tpu.vector_load %arg13[%get3A_360, %get3A_361, %get3A_362] {strides = array<i32>} : memref<4x2x128xi32, #tpu.memory_space<vmem>>, vector<16xi32>,
      %mul3A_364 = arith.constant 16 : i32
      %mul3A_365 = arith.muli %scan3A_356, %mul3A_364 : i32
      %get3A_366 = arith.constant 0 : i32
      %get3A_367 = arith.index_cast %select_n3A_145 : i32 to index
      %get3A_368 = arith.index_cast %get3A_366 : i32 to index
      %get3A_369 = arith.index_cast %mul3A_365 : i32 to index
      %get3A_370 = tpu.vector_load %arg14[%get3A_367, %get3A_368, %get3A_369] {strides = array<i32>} : memref<4x2x128xi32, #tpu.memory_space<vmem>>, vector<16xi32>,
      %gather3A_371 = tpu.vector_load_idx %arg11[%get3A_363] : memref<10240xf32, #tpu.memory_space<vmem>>[vector<16xi32>], vector<16xf32>,
      %gather3A_372 = tpu.vector_load_idx %arg12[%get3A_370] : memref<10240xf32, #tpu.memory_space<vmem>>[vector<16xi32>], vector<16xf32>,
      %add3A_373 = arith.addf %gather3A_371, %gather3A_372 : vector<16xf32>
      %ge3A_374 = arith.constant 0.000000e+00 : f32
      %ge3A_375 = vector.broadcast %ge3A_374 : f32 to vector<16xf32>
      %ge3A_376 = arith.cmpf oge, %add3A_373, %ge3A_375 : vector<16xf32>
      %mul3A_377 = arith.constant 2.000000e-01 : f32
      %mul3A_378 = vector.broadcast %mul3A_377 : f32 to vector<16xf32>
      %mul3A_379 = arith.mulf %mul3A_378, %add3A_373 : vector<16xf32>
      %select_n3A_380 = arith.select %ge3A_376, %add3A_373, %mul3A_379 : vector<16xi1>, vector<16xf32>
      %exp3A_381 = math.exp %select_n3A_380 : vector<16xf32>
      %mul3A_382 = arith.constant 256 : i32
      %mul3A_383 = arith.muli %select_n3A_129, %mul3A_382 : i32
      %add3A_384 = arith.constant 0 : i32
      %add3A_385 = arith.addi %mul3A_383, %add3A_384 : i32
      %mul3A_386 = arith.constant 16 : i32
      %mul3A_387 = arith.muli %scan3A_356, %mul3A_386 : i32
      %add3A_388 = arith.addi %add3A_385, %mul3A_387 : i32
      %swap3A_389 = arith.index_cast %add3A_388 : i32 to index
      %swap3A_390 = tpu.vector_load %arg16[%swap3A_389] {strides = array<i32>} : memref<768xf32, #tpu.memory_space<vmem>>, vector<16xf32>,
      tpu.vector_store %arg16[%swap3A_389], %exp3A_381 {strides = array<i32>} : memref<768xf32, #tpu.memory_space<vmem>>, vector<16xf32>,
      %scan3A_391 = arith.constant 0 : i32
      %scan3A_392 = arith.constant 6 : i32
      %mul3A_393 = arith.constant 16 : i32
      %mul3A_394 = arith.muli %scan3A_392, %mul3A_393 : i32
      %get3A_395 = arith.constant 0 : i32
      %get3A_396 = arith.index_cast %select_n3A_145 : i32 to index
      %get3A_397 = arith.index_cast %get3A_395 : i32 to index
      %get3A_398 = arith.index_cast %mul3A_394 : i32 to index
      %get3A_399 = tpu.vector_load %arg13[%get3A_396, %get3A_397, %get3A_398] {strides = array<i32>} : memref<4x2x128xi32, #tpu.memory_space<vmem>>, vector<16xi32>,
      %mul3A_400 = arith.constant 16 : i32
      %mul3A_401 = arith.muli %scan3A_392, %mul3A_400 : i32
      %get3A_402 = arith.constant 0 : i32
      %get3A_403 = arith.index_cast %select_n3A_145 : i32 to index
      %get3A_404 = arith.index_cast %get3A_402 : i32 to index
      %get3A_405 = arith.index_cast %mul3A_401 : i32 to index
      %get3A_406 = tpu.vector_load %arg14[%get3A_403, %get3A_404, %get3A_405] {strides = array<i32>} : memref<4x2x128xi32, #tpu.memory_space<vmem>>, vector<16xi32>,
      %gather3A_407 = tpu.vector_load_idx %arg11[%get3A_399] : memref<10240xf32, #tpu.memory_space<vmem>>[vector<16xi32>], vector<16xf32>,
      %gather3A_408 = tpu.vector_load_idx %arg12[%get3A_406] : memref<10240xf32, #tpu.memory_space<vmem>>[vector<16xi32>], vector<16xf32>,
      %add3A_409 = arith.addf %gather3A_407, %gather3A_408 : vector<16xf32>
      %ge3A_410 = arith.constant 0.000000e+00 : f32
      %ge3A_411 = vector.broadcast %ge3A_410 : f32 to vector<16xf32>
      %ge3A_412 = arith.cmpf oge, %add3A_409, %ge3A_411 : vector<16xf32>
      %mul3A_413 = arith.constant 2.000000e-01 : f32
      %mul3A_414 = vector.broadcast %mul3A_413 : f32 to vector<16xf32>
      %mul3A_415 = arith.mulf %mul3A_414, %add3A_409 : vector<16xf32>
      %select_n3A_416 = arith.select %ge3A_412, %add3A_409, %mul3A_415 : vector<16xi1>, vector<16xf32>
      %exp3A_417 = math.exp %select_n3A_416 : vector<16xf32>
      %mul3A_418 = arith.constant 256 : i32
      %mul3A_419 = arith.muli %select_n3A_129, %mul3A_418 : i32
      %add3A_420 = arith.constant 0 : i32
      %add3A_421 = arith.addi %mul3A_419, %add3A_420 : i32
      %mul3A_422 = arith.constant 16 : i32
      %mul3A_423 = arith.muli %scan3A_392, %mul3A_422 : i32
      %add3A_424 = arith.addi %add3A_421, %mul3A_423 : i32
      %swap3A_425 = arith.index_cast %add3A_424 : i32 to index
      %swap3A_426 = tpu.vector_load %arg16[%swap3A_425] {strides = array<i32>} : memref<768xf32, #tpu.memory_space<vmem>>, vector<16xf32>,
      tpu.vector_store %arg16[%swap3A_425], %exp3A_417 {strides = array<i32>} : memref<768xf32, #tpu.memory_space<vmem>>, vector<16xf32>,
      %scan3A_427 = arith.constant 0 : i32
      %scan3A_428 = arith.constant 7 : i32
      %mul3A_429 = arith.constant 16 : i32
      %mul3A_430 = arith.muli %scan3A_428, %mul3A_429 : i32
      %get3A_431 = arith.constant 0 : i32
      %get3A_432 = arith.index_cast %select_n3A_145 : i32 to index
      %get3A_433 = arith.index_cast %get3A_431 : i32 to index
      %get3A_434 = arith.index_cast %mul3A_430 : i32 to index
      %get3A_435 = tpu.vector_load %arg13[%get3A_432, %get3A_433, %get3A_434] {strides = array<i32>} : memref<4x2x128xi32, #tpu.memory_space<vmem>>, vector<16xi32>,
      %mul3A_436 = arith.constant 16 : i32
      %mul3A_437 = arith.muli %scan3A_428, %mul3A_436 : i32
      %get3A_438 = arith.constant 0 : i32
      %get3A_439 = arith.index_cast %select_n3A_145 : i32 to index
      %get3A_440 = arith.index_cast %get3A_438 : i32 to index
      %get3A_441 = arith.index_cast %mul3A_437 : i32 to index
      %get3A_442 = tpu.vector_load %arg14[%get3A_439, %get3A_440, %get3A_441] {strides = array<i32>} : memref<4x2x128xi32, #tpu.memory_space<vmem>>, vector<16xi32>,
      %gather3A_443 = tpu.vector_load_idx %arg11[%get3A_435] : memref<10240xf32, #tpu.memory_space<vmem>>[vector<16xi32>], vector<16xf32>,
      %gather3A_444 = tpu.vector_load_idx %arg12[%get3A_442] : memref<10240xf32, #tpu.memory_space<vmem>>[vector<16xi32>], vector<16xf32>,
      %add3A_445 = arith.addf %gather3A_443, %gather3A_444 : vector<16xf32>
      %ge3A_446 = arith.constant 0.000000e+00 : f32
      %ge3A_447 = vector.broadcast %ge3A_446 : f32 to vector<16xf32>
      %ge3A_448 = arith.cmpf oge, %add3A_445, %ge3A_447 : vector<16xf32>
      %mul3A_449 = arith.constant 2.000000e-01 : f32
      %mul3A_450 = vector.broadcast %mul3A_449 : f32 to vector<16xf32>
      %mul3A_451 = arith.mulf %mul3A_450, %add3A_445 : vector<16xf32>
      %select_n3A_452 = arith.select %ge3A_448, %add3A_445, %mul3A_451 : vector<16xi1>, vector<16xf32>
      %exp3A_453 = math.exp %select_n3A_452 : vector<16xf32>
      %mul3A_454 = arith.constant 256 : i32
      %mul3A_455 = arith.muli %select_n3A_129, %mul3A_454 : i32
      %add3A_456 = arith.constant 0 : i32
      %add3A_457 = arith.addi %mul3A_455, %add3A_456 : i32
      %mul3A_458 = arith.constant 16 : i32
      %mul3A_459 = arith.muli %scan3A_428, %mul3A_458 : i32
      %add3A_460 = arith.addi %add3A_457, %mul3A_459 : i32
      %swap3A_461 = arith.index_cast %add3A_460 : i32 to index
      %swap3A_462 = tpu.vector_load %arg16[%swap3A_461] {strides = array<i32>} : memref<768xf32, #tpu.memory_space<vmem>>, vector<16xf32>,
      tpu.vector_store %arg16[%swap3A_461], %exp3A_453 {strides = array<i32>} : memref<768xf32, #tpu.memory_space<vmem>>, vector<16xf32>,
      %scan3A_463 = arith.constant 0 : i32
      %scan3A_464 = arith.constant 8 : i32
      %scan3A_465 = arith.constant 0 : i32
      %scan3A_466 = arith.constant 0 : i32
      %mul3A_467 = arith.constant 16 : i32
      %mul3A_468 = arith.muli %scan3A_466, %mul3A_467 : i32
      %get3A_469 = arith.constant 1 : i32
      %get3A_470 = arith.index_cast %select_n3A_145 : i32 to index
      %get3A_471 = arith.index_cast %get3A_469 : i32 to index
      %get3A_472 = arith.index_cast %mul3A_468 : i32 to index
      %get3A_473 = tpu.vector_load %arg13[%get3A_470, %get3A_471, %get3A_472] {strides = array<i32>} : memref<4x2x128xi32, #tpu.memory_space<vmem>>, vector<16xi32>,
      %mul3A_474 = arith.constant 16 : i32
      %mul3A_475 = arith.muli %scan3A_466, %mul3A_474 : i32
      %get3A_476 = arith.constant 1 : i32
      %get3A_477 = arith.index_cast %select_n3A_145 : i32 to index
      %get3A_478 = arith.index_cast %get3A_476 : i32 to index
      %get3A_479 = arith.index_cast %mul3A_475 : i32 to index
      %get3A_480 = tpu.vector_load %arg14[%get3A_477, %get3A_478, %get3A_479] {strides = array<i32>} : memref<4x2x128xi32, #tpu.memory_space<vmem>>, vector<16xi32>,
      %gather3A_481 = tpu.vector_load_idx %arg11[%get3A_473] : memref<10240xf32, #tpu.memory_space<vmem>>[vector<16xi32>], vector<16xf32>,
      %gather3A_482 = tpu.vector_load_idx %arg12[%get3A_480] : memref<10240xf32, #tpu.memory_space<vmem>>[vector<16xi32>], vector<16xf32>,
      %add3A_483 = arith.addf %gather3A_481, %gather3A_482 : vector<16xf32>
      %ge3A_484 = arith.constant 0.000000e+00 : f32
      %ge3A_485 = vector.broadcast %ge3A_484 : f32 to vector<16xf32>
      %ge3A_486 = arith.cmpf oge, %add3A_483, %ge3A_485 : vector<16xf32>
      %mul3A_487 = arith.constant 2.000000e-01 : f32
      %mul3A_488 = vector.broadcast %mul3A_487 : f32 to vector<16xf32>
      %mul3A_489 = arith.mulf %mul3A_488, %add3A_483 : vector<16xf32>
      %select_n3A_490 = arith.select %ge3A_486, %add3A_483, %mul3A_489 : vector<16xi1>, vector<16xf32>
      %exp3A_491 = math.exp %select_n3A_490 : vector<16xf32>
      %mul3A_492 = arith.constant 256 : i32
      %mul3A_493 = arith.muli %select_n3A_129, %mul3A_492 : i32
      %add3A_494 = arith.constant 128 : i32
      %add3A_495 = arith.addi %mul3A_493, %add3A_494 : i32
      %mul3A_496 = arith.constant 16 : i32
      %mul3A_497 = arith.muli %scan3A_466, %mul3A_496 : i32
      %add3A_498 = arith.addi %add3A_495, %mul3A_497 : i32
      %swap3A_499 = arith.index_cast %add3A_498 : i32 to index
      %swap3A_500 = tpu.vector_load %arg16[%swap3A_499] {strides = array<i32>} : memref<768xf32, #tpu.memory_space<vmem>>, vector<16xf32>,
      tpu.vector_store %arg16[%swap3A_499], %exp3A_491 {strides = array<i32>} : memref<768xf32, #tpu.memory_space<vmem>>, vector<16xf32>,
      %scan3A_501 = arith.constant 0 : i32
      %scan3A_502 = arith.constant 1 : i32
      %mul3A_503 = arith.constant 16 : i32
      %mul3A_504 = arith.muli %scan3A_502, %mul3A_503 : i32
      %get3A_505 = arith.constant 1 : i32
      %get3A_506 = arith.index_cast %select_n3A_145 : i32 to index
      %get3A_507 = arith.index_cast %get3A_505 : i32 to index
      %get3A_508 = arith.index_cast %mul3A_504 : i32 to index
      %get3A_509 = tpu.vector_load %arg13[%get3A_506, %get3A_507, %get3A_508] {strides = array<i32>} : memref<4x2x128xi32, #tpu.memory_space<vmem>>, vector<16xi32>,
      %mul3A_510 = arith.constant 16 : i32
      %mul3A_511 = arith.muli %scan3A_502, %mul3A_510 : i32
      %get3A_512 = arith.constant 1 : i32
      %get3A_513 = arith.index_cast %select_n3A_145 : i32 to index
      %get3A_514 = arith.index_cast %get3A_512 : i32 to index
      %get3A_515 = arith.index_cast %mul3A_511 : i32 to index
      %get3A_516 = tpu.vector_load %arg14[%get3A_513, %get3A_514, %get3A_515] {strides = array<i32>} : memref<4x2x128xi32, #tpu.memory_space<vmem>>, vector<16xi32>,
      %gather3A_517 = tpu.vector_load_idx %arg11[%get3A_509] : memref<10240xf32, #tpu.memory_space<vmem>>[vector<16xi32>], vector<16xf32>,
      %gather3A_518 = tpu.vector_load_idx %arg12[%get3A_516] : memref<10240xf32, #tpu.memory_space<vmem>>[vector<16xi32>], vector<16xf32>,
      %add3A_519 = arith.addf %gather3A_517, %gather3A_518 : vector<16xf32>
      %ge3A_520 = arith.constant 0.000000e+00 : f32
      %ge3A_521 = vector.broadcast %ge3A_520 : f32 to vector<16xf32>
      %ge3A_522 = arith.cmpf oge, %add3A_519, %ge3A_521 : vector<16xf32>
      %mul3A_523 = arith.constant 2.000000e-01 : f32
      %mul3A_524 = vector.broadcast %mul3A_523 : f32 to vector<16xf32>
      %mul3A_525 = arith.mulf %mul3A_524, %add3A_519 : vector<16xf32>
      %select_n3A_526 = arith.select %ge3A_522, %add3A_519, %mul3A_525 : vector<16xi1>, vector<16xf32>
      %exp3A_527 = math.exp %select_n3A_526 : vector<16xf32>
      %mul3A_528 = arith.constant 256 : i32
      %mul3A_529 = arith.muli %select_n3A_129, %mul3A_528 : i32
      %add3A_530 = arith.constant 128 : i32
      %add3A_531 = arith.addi %mul3A_529, %add3A_530 : i32
      %mul3A_532 = arith.constant 16 : i32
      %mul3A_533 = arith.muli %scan3A_502, %mul3A_532 : i32
      %add3A_534 = arith.addi %add3A_531, %mul3A_533 : i32
      %swap3A_535 = arith.index_cast %add3A_534 : i32 to index
      %swap3A_536 = tpu.vector_load %arg16[%swap3A_535] {strides = array<i32>} : memref<768xf32, #tpu.memory_space<vmem>>, vector<16xf32>,
      tpu.vector_store %arg16[%swap3A_535], %exp3A_527 {strides = array<i32>} : memref<768xf32, #tpu.memory_space<vmem>>, vector<16xf32>,
      %scan3A_537 = arith.constant 0 : i32
      %scan3A_538 = arith.constant 2 : i32
      %mul3A_539 = arith.constant 16 : i32
      %mul3A_540 = arith.muli %scan3A_538, %mul3A_539 : i32
      %get3A_541 = arith.constant 1 : i32
      %get3A_542 = arith.index_cast %select_n3A_145 : i32 to index
      %get3A_543 = arith.index_cast %get3A_541 : i32 to index
      %get3A_544 = arith.index_cast %mul3A_540 : i32 to index
      %get3A_545 = tpu.vector_load %arg13[%get3A_542, %get3A_543, %get3A_544] {strides = array<i32>} : memref<4x2x128xi32, #tpu.memory_space<vmem>>, vector<16xi32>,
      %mul3A_546 = arith.constant 16 : i32
      %mul3A_547 = arith.muli %scan3A_538, %mul3A_546 : i32
      %get3A_548 = arith.constant 1 : i32
      %get3A_549 = arith.index_cast %select_n3A_145 : i32 to index
      %get3A_550 = arith.index_cast %get3A_548 : i32 to index
      %get3A_551 = arith.index_cast %mul3A_547 : i32 to index
      %get3A_552 = tpu.vector_load %arg14[%get3A_549, %get3A_550, %get3A_551] {strides = array<i32>} : memref<4x2x128xi32, #tpu.memory_space<vmem>>, vector<16xi32>,
      %gather3A_553 = tpu.vector_load_idx %arg11[%get3A_545] : memref<10240xf32, #tpu.memory_space<vmem>>[vector<16xi32>], vector<16xf32>,
      %gather3A_554 = tpu.vector_load_idx %arg12[%get3A_552] : memref<10240xf32, #tpu.memory_space<vmem>>[vector<16xi32>], vector<16xf32>,
      %add3A_555 = arith.addf %gather3A_553, %gather3A_554 : vector<16xf32>
      %ge3A_556 = arith.constant 0.000000e+00 : f32
      %ge3A_557 = vector.broadcast %ge3A_556 : f32 to vector<16xf32>
      %ge3A_558 = arith.cmpf oge, %add3A_555, %ge3A_557 : vector<16xf32>
      %mul3A_559 = arith.constant 2.000000e-01 : f32
      %mul3A_560 = vector.broadcast %mul3A_559 : f32 to vector<16xf32>
      %mul3A_561 = arith.mulf %mul3A_560, %add3A_555 : vector<16xf32>
      %select_n3A_562 = arith.select %ge3A_558, %add3A_555, %mul3A_561 : vector<16xi1>, vector<16xf32>
      %exp3A_563 = math.exp %select_n3A_562 : vector<16xf32>
      %mul3A_564 = arith.constant 256 : i32
      %mul3A_565 = arith.muli %select_n3A_129, %mul3A_564 : i32
      %add3A_566 = arith.constant 128 : i32
      %add3A_567 = arith.addi %mul3A_565, %add3A_566 : i32
      %mul3A_568 = arith.constant 16 : i32
      %mul3A_569 = arith.muli %scan3A_538, %mul3A_568 : i32
      %add3A_570 = arith.addi %add3A_567, %mul3A_569 : i32
      %swap3A_571 = arith.index_cast %add3A_570 : i32 to index
      %swap3A_572 = tpu.vector_load %arg16[%swap3A_571] {strides = array<i32>} : memref<768xf32, #tpu.memory_space<vmem>>, vector<16xf32>,
      tpu.vector_store %arg16[%swap3A_571], %exp3A_563 {strides = array<i32>} : memref<768xf32, #tpu.memory_space<vmem>>, vector<16xf32>,
      %scan3A_573 = arith.constant 0 : i32
      %scan3A_574 = arith.constant 3 : i32
      %mul3A_575 = arith.constant 16 : i32
      %mul3A_576 = arith.muli %scan3A_574, %mul3A_575 : i32
      %get3A_577 = arith.constant 1 : i32
      %get3A_578 = arith.index_cast %select_n3A_145 : i32 to index
      %get3A_579 = arith.index_cast %get3A_577 : i32 to index
      %get3A_580 = arith.index_cast %mul3A_576 : i32 to index
      %get3A_581 = tpu.vector_load %arg13[%get3A_578, %get3A_579, %get3A_580] {strides = array<i32>} : memref<4x2x128xi32, #tpu.memory_space<vmem>>, vector<16xi32>,
      %mul3A_582 = arith.constant 16 : i32
      %mul3A_583 = arith.muli %scan3A_574, %mul3A_582 : i32
      %get3A_584 = arith.constant 1 : i32
      %get3A_585 = arith.index_cast %select_n3A_145 : i32 to index
      %get3A_586 = arith.index_cast %get3A_584 : i32 to index
      %get3A_587 = arith.index_cast %mul3A_583 : i32 to index
      %get3A_588 = tpu.vector_load %arg14[%get3A_585, %get3A_586, %get3A_587] {strides = array<i32>} : memref<4x2x128xi32, #tpu.memory_space<vmem>>, vector<16xi32>,
      %gather3A_589 = tpu.vector_load_idx %arg11[%get3A_581] : memref<10240xf32, #tpu.memory_space<vmem>>[vector<16xi32>], vector<16xf32>,
      %gather3A_590 = tpu.vector_load_idx %arg12[%get3A_588] : memref<10240xf32, #tpu.memory_space<vmem>>[vector<16xi32>], vector<16xf32>,
      %add3A_591 = arith.addf %gather3A_589, %gather3A_590 : vector<16xf32>
      %ge3A_592 = arith.constant 0.000000e+00 : f32
      %ge3A_593 = vector.broadcast %ge3A_592 : f32 to vector<16xf32>
      %ge3A_594 = arith.cmpf oge, %add3A_591, %ge3A_593 : vector<16xf32>
      %mul3A_595 = arith.constant 2.000000e-01 : f32
      %mul3A_596 = vector.broadcast %mul3A_595 : f32 to vector<16xf32>
      %mul3A_597 = arith.mulf %mul3A_596, %add3A_591 : vector<16xf32>
      %select_n3A_598 = arith.select %ge3A_594, %add3A_591, %mul3A_597 : vector<16xi1>, vector<16xf32>
      %exp3A_599 = math.exp %select_n3A_598 : vector<16xf32>
      %mul3A_600 = arith.constant 256 : i32
      %mul3A_601 = arith.muli %select_n3A_129, %mul3A_600 : i32
      %add3A_602 = arith.constant 128 : i32
      %add3A_603 = arith.addi %mul3A_601, %add3A_602 : i32
      %mul3A_604 = arith.constant 16 : i32
      %mul3A_605 = arith.muli %scan3A_574, %mul3A_604 : i32
      %add3A_606 = arith.addi %add3A_603, %mul3A_605 : i32
      %swap3A_607 = arith.index_cast %add3A_606 : i32 to index
      %swap3A_608 = tpu.vector_load %arg16[%swap3A_607] {strides = array<i32>} : memref<768xf32, #tpu.memory_space<vmem>>, vector<16xf32>,
      tpu.vector_store %arg16[%swap3A_607], %exp3A_599 {strides = array<i32>} : memref<768xf32, #tpu.memory_space<vmem>>, vector<16xf32>,
      %scan3A_609 = arith.constant 0 : i32
      %scan3A_610 = arith.constant 4 : i32
      %mul3A_611 = arith.constant 16 : i32
      %mul3A_612 = arith.muli %scan3A_610, %mul3A_611 : i32
      %get3A_613 = arith.constant 1 : i32
      %get3A_614 = arith.index_cast %select_n3A_145 : i32 to index
      %get3A_615 = arith.index_cast %get3A_613 : i32 to index
      %get3A_616 = arith.index_cast %mul3A_612 : i32 to index
      %get3A_617 = tpu.vector_load %arg13[%get3A_614, %get3A_615, %get3A_616] {strides = array<i32>} : memref<4x2x128xi32, #tpu.memory_space<vmem>>, vector<16xi32>,
      %mul3A_618 = arith.constant 16 : i32
      %mul3A_619 = arith.muli %scan3A_610, %mul3A_618 : i32
      %get3A_620 = arith.constant 1 : i32
      %get3A_621 = arith.index_cast %select_n3A_145 : i32 to index
      %get3A_622 = arith.index_cast %get3A_620 : i32 to index
      %get3A_623 = arith.index_cast %mul3A_619 : i32 to index
      %get3A_624 = tpu.vector_load %arg14[%get3A_621, %get3A_622, %get3A_623] {strides = array<i32>} : memref<4x2x128xi32, #tpu.memory_space<vmem>>, vector<16xi32>,
      %gather3A_625 = tpu.vector_load_idx %arg11[%get3A_617] : memref<10240xf32, #tpu.memory_space<vmem>>[vector<16xi32>], vector<16xf32>,
      %gather3A_626 = tpu.vector_load_idx %arg12[%get3A_624] : memref<10240xf32, #tpu.memory_space<vmem>>[vector<16xi32>], vector<16xf32>,
      %add3A_627 = arith.addf %gather3A_625, %gather3A_626 : vector<16xf32>
      %ge3A_628 = arith.constant 0.000000e+00 : f32
      %ge3A_629 = vector.broadcast %ge3A_628 : f32 to vector<16xf32>
      %ge3A_630 = arith.cmpf oge, %add3A_627, %ge3A_629 : vector<16xf32>
      %mul3A_631 = arith.constant 2.000000e-01 : f32
      %mul3A_632 = vector.broadcast %mul3A_631 : f32 to vector<16xf32>
      %mul3A_633 = arith.mulf %mul3A_632, %add3A_627 : vector<16xf32>
      %select_n3A_634 = arith.select %ge3A_630, %add3A_627, %mul3A_633 : vector<16xi1>, vector<16xf32>
      %exp3A_635 = math.exp %select_n3A_634 : vector<16xf32>
      %mul3A_636 = arith.constant 256 : i32
      %mul3A_637 = arith.muli %select_n3A_129, %mul3A_636 : i32
      %add3A_638 = arith.constant 128 : i32
      %add3A_639 = arith.addi %mul3A_637, %add3A_638 : i32
      %mul3A_640 = arith.constant 16 : i32
      %mul3A_641 = arith.muli %scan3A_610, %mul3A_640 : i32
      %add3A_642 = arith.addi %add3A_639, %mul3A_641 : i32
      %swap3A_643 = arith.index_cast %add3A_642 : i32 to index
      %swap3A_644 = tpu.vector_load %arg16[%swap3A_643] {strides = array<i32>} : memref<768xf32, #tpu.memory_space<vmem>>, vector<16xf32>,
      tpu.vector_store %arg16[%swap3A_643], %exp3A_635 {strides = array<i32>} : memref<768xf32, #tpu.memory_space<vmem>>, vector<16xf32>,
      %scan3A_645 = arith.constant 0 : i32
      %scan3A_646 = arith.constant 5 : i32
      %mul3A_647 = arith.constant 16 : i32
      %mul3A_648 = arith.muli %scan3A_646, %mul3A_647 : i32
      %get3A_649 = arith.constant 1 : i32
      %get3A_650 = arith.index_cast %select_n3A_145 : i32 to index
      %get3A_651 = arith.index_cast %get3A_649 : i32 to index
      %get3A_652 = arith.index_cast %mul3A_648 : i32 to index
      %get3A_653 = tpu.vector_load %arg13[%get3A_650, %get3A_651, %get3A_652] {strides = array<i32>} : memref<4x2x128xi32, #tpu.memory_space<vmem>>, vector<16xi32>,
      %mul3A_654 = arith.constant 16 : i32
      %mul3A_655 = arith.muli %scan3A_646, %mul3A_654 : i32
      %get3A_656 = arith.constant 1 : i32
      %get3A_657 = arith.index_cast %select_n3A_145 : i32 to index
      %get3A_658 = arith.index_cast %get3A_656 : i32 to index
      %get3A_659 = arith.index_cast %mul3A_655 : i32 to index
      %get3A_660 = tpu.vector_load %arg14[%get3A_657, %get3A_658, %get3A_659] {strides = array<i32>} : memref<4x2x128xi32, #tpu.memory_space<vmem>>, vector<16xi32>,
      %gather3A_661 = tpu.vector_load_idx %arg11[%get3A_653] : memref<10240xf32, #tpu.memory_space<vmem>>[vector<16xi32>], vector<16xf32>,
      %gather3A_662 = tpu.vector_load_idx %arg12[%get3A_660] : memref<10240xf32, #tpu.memory_space<vmem>>[vector<16xi32>], vector<16xf32>,
      %add3A_663 = arith.addf %gather3A_661, %gather3A_662 : vector<16xf32>
      %ge3A_664 = arith.constant 0.000000e+00 : f32
      %ge3A_665 = vector.broadcast %ge3A_664 : f32 to vector<16xf32>
      %ge3A_666 = arith.cmpf oge, %add3A_663, %ge3A_665 : vector<16xf32>
      %mul3A_667 = arith.constant 2.000000e-01 : f32
      %mul3A_668 = vector.broadcast %mul3A_667 : f32 to vector<16xf32>
      %mul3A_669 = arith.mulf %mul3A_668, %add3A_663 : vector<16xf32>
      %select_n3A_670 = arith.select %ge3A_666, %add3A_663, %mul3A_669 : vector<16xi1>, vector<16xf32>
      %exp3A_671 = math.exp %select_n3A_670 : vector<16xf32>
      %mul3A_672 = arith.constant 256 : i32
      %mul3A_673 = arith.muli %select_n3A_129, %mul3A_672 : i32
      %add3A_674 = arith.constant 128 : i32
      %add3A_675 = arith.addi %mul3A_673, %add3A_674 : i32
      %mul3A_676 = arith.constant 16 : i32
      %mul3A_677 = arith.muli %scan3A_646, %mul3A_676 : i32
      %add3A_678 = arith.addi %add3A_675, %mul3A_677 : i32
      %swap3A_679 = arith.index_cast %add3A_678 : i32 to index
      %swap3A_680 = tpu.vector_load %arg16[%swap3A_679] {strides = array<i32>} : memref<768xf32, #tpu.memory_space<vmem>>, vector<16xf32>,
      tpu.vector_store %arg16[%swap3A_679], %exp3A_671 {strides = array<i32>} : memref<768xf32, #tpu.memory_space<vmem>>, vector<16xf32>,
      %scan3A_681 = arith.constant 0 : i32
      %scan3A_682 = arith.constant 6 : i32
      %mul3A_683 = arith.constant 16 : i32
      %mul3A_684 = arith.muli %scan3A_682, %mul3A_683 : i32
      %get3A_685 = arith.constant 1 : i32
      %get3A_686 = arith.index_cast %select_n3A_145 : i32 to index
      %get3A_687 = arith.index_cast %get3A_685 : i32 to index
      %get3A_688 = arith.index_cast %mul3A_684 : i32 to index
      %get3A_689 = tpu.vector_load %arg13[%get3A_686, %get3A_687, %get3A_688] {strides = array<i32>} : memref<4x2x128xi32, #tpu.memory_space<vmem>>, vector<16xi32>,
      %mul3A_690 = arith.constant 16 : i32
      %mul3A_691 = arith.muli %scan3A_682, %mul3A_690 : i32
      %get3A_692 = arith.constant 1 : i32
      %get3A_693 = arith.index_cast %select_n3A_145 : i32 to index
      %get3A_694 = arith.index_cast %get3A_692 : i32 to index
      %get3A_695 = arith.index_cast %mul3A_691 : i32 to index
      %get3A_696 = tpu.vector_load %arg14[%get3A_693, %get3A_694, %get3A_695] {strides = array<i32>} : memref<4x2x128xi32, #tpu.memory_space<vmem>>, vector<16xi32>,
      %gather3A_697 = tpu.vector_load_idx %arg11[%get3A_689] : memref<10240xf32, #tpu.memory_space<vmem>>[vector<16xi32>], vector<16xf32>,
      %gather3A_698 = tpu.vector_load_idx %arg12[%get3A_696] : memref<10240xf32, #tpu.memory_space<vmem>>[vector<16xi32>], vector<16xf32>,
      %add3A_699 = arith.addf %gather3A_697, %gather3A_698 : vector<16xf32>
      %ge3A_700 = arith.constant 0.000000e+00 : f32
      %ge3A_701 = vector.broadcast %ge3A_700 : f32 to vector<16xf32>
      %ge3A_702 = arith.cmpf oge, %add3A_699, %ge3A_701 : vector<16xf32>
      %mul3A_703 = arith.constant 2.000000e-01 : f32
      %mul3A_704 = vector.broadcast %mul3A_703 : f32 to vector<16xf32>
      %mul3A_705 = arith.mulf %mul3A_704, %add3A_699 : vector<16xf32>
      %select_n3A_706 = arith.select %ge3A_702, %add3A_699, %mul3A_705 : vector<16xi1>, vector<16xf32>
      %exp3A_707 = math.exp %select_n3A_706 : vector<16xf32>
      %mul3A_708 = arith.constant 256 : i32
      %mul3A_709 = arith.muli %select_n3A_129, %mul3A_708 : i32
      %add3A_710 = arith.constant 128 : i32
      %add3A_711 = arith.addi %mul3A_709, %add3A_710 : i32
      %mul3A_712 = arith.constant 16 : i32
      %mul3A_713 = arith.muli %scan3A_682, %mul3A_712 : i32
      %add3A_714 = arith.addi %add3A_711, %mul3A_713 : i32
      %swap3A_715 = arith.index_cast %add3A_714 : i32 to index
      %swap3A_716 = tpu.vector_load %arg16[%swap3A_715] {strides = array<i32>} : memref<768xf32, #tpu.memory_space<vmem>>, vector<16xf32>,
      tpu.vector_store %arg16[%swap3A_715], %exp3A_707 {strides = array<i32>} : memref<768xf32, #tpu.memory_space<vmem>>, vector<16xf32>,
      %scan3A_717 = arith.constant 0 : i32
      %scan3A_718 = arith.constant 7 : i32
      %mul3A_719 = arith.constant 16 : i32
      %mul3A_720 = arith.muli %scan3A_718, %mul3A_719 : i32
      %get3A_721 = arith.constant 1 : i32
      %get3A_722 = arith.index_cast %select_n3A_145 : i32 to index
      %get3A_723 = arith.index_cast %get3A_721 : i32 to index
      %get3A_724 = arith.index_cast %mul3A_720 : i32 to index
      %get3A_725 = tpu.vector_load %arg13[%get3A_722, %get3A_723, %get3A_724] {strides = array<i32>} : memref<4x2x128xi32, #tpu.memory_space<vmem>>, vector<16xi32>,
      %mul3A_726 = arith.constant 16 : i32
      %mul3A_727 = arith.muli %scan3A_718, %mul3A_726 : i32
      %get3A_728 = arith.constant 1 : i32
      %get3A_729 = arith.index_cast %select_n3A_145 : i32 to index
      %get3A_730 = arith.index_cast %get3A_728 : i32 to index
      %get3A_731 = arith.index_cast %mul3A_727 : i32 to index
      %get3A_732 = tpu.vector_load %arg14[%get3A_729, %get3A_730, %get3A_731] {strides = array<i32>} : memref<4x2x128xi32, #tpu.memory_space<vmem>>, vector<16xi32>,
      %gather3A_733 = tpu.vector_load_idx %arg11[%get3A_725] : memref<10240xf32, #tpu.memory_space<vmem>>[vector<16xi32>], vector<16xf32>,
      %gather3A_734 = tpu.vector_load_idx %arg12[%get3A_732] : memref<10240xf32, #tpu.memory_space<vmem>>[vector<16xi32>], vector<16xf32>,
      %add3A_735 = arith.addf %gather3A_733, %gather3A_734 : vector<16xf32>
      %ge3A_736 = arith.constant 0.000000e+00 : f32
      %ge3A_737 = vector.broadcast %ge3A_736 : f32 to vector<16xf32>
      %ge3A_738 = arith.cmpf oge, %add3A_735, %ge3A_737 : vector<16xf32>
      %mul3A_739 = arith.constant 2.000000e-01 : f32
      %mul3A_740 = vector.broadcast %mul3A_739 : f32 to vector<16xf32>
      %mul3A_741 = arith.mulf %mul3A_740, %add3A_735 : vector<16xf32>
      %select_n3A_742 = arith.select %ge3A_738, %add3A_735, %mul3A_741 : vector<16xi1>, vector<16xf32>
      %exp3A_743 = math.exp %select_n3A_742 : vector<16xf32>
      %mul3A_744 = arith.constant 256 : i32
      %mul3A_745 = arith.muli %select_n3A_129, %mul3A_744 : i32
      %add3A_746 = arith.constant 128 : i32
      %add3A_747 = arith.addi %mul3A_745, %add3A_746 : i32
      %mul3A_748 = arith.constant 16 : i32
      %mul3A_749 = arith.muli %scan3A_718, %mul3A_748 : i32
      %add3A_750 = arith.addi %add3A_747, %mul3A_749 : i32
      %swap3A_751 = arith.index_cast %add3A_750 : i32 to index
      %swap3A_752 = tpu.vector_load %arg16[%swap3A_751] {strides = array<i32>} : memref<768xf32, #tpu.memory_space<vmem>>, vector<16xf32>,
      tpu.vector_store %arg16[%swap3A_751], %exp3A_743 {strides = array<i32>} : memref<768xf32, #tpu.memory_space<vmem>>, vector<16xf32>,
      %scan3A_753 = arith.constant 0 : i32
      %scan3A_754 = arith.constant 8 : i32
      %scan3A_755 = arith.constant 0 : i32
      %scan3A_756 = arith.constant 0 : i32
      %scan3A_757 = arith.constant 256 : i32
      %scan3A_758 = arith.addi %scan3A_756, %scan3A_757 : i32
      %scan3A_759 = arith.constant 4 : i32
      %scan3A_760 = scf.for %scan3A_803 = %scan3A_756 to %scan3A_758 step %scan3A_759 iter_args(%scan3A_804 = %scan3A_755) -> (i32)  : i32 {
        %mul3A_805 = arith.constant 256 : i32
        %mul3A_806 = arith.muli %select_n3A_129, %mul3A_805 : i32
        %add3A_807 = arith.addi %mul3A_806, %scan3A_803 : i32
        %broadcast_in_dim3A = vector.broadcast %add3A_807 : i32 to vector<16xi32>
        %gather3A_808 = tpu.vector_load_idx %arg16[%broadcast_in_dim3A] : memref<768xf32, #tpu.memory_space<vmem>>[vector<16xi32>], vector<16xf32>,
        %get3A_809 = arith.index_cast %select_n3A_129 : i32 to index
        %get3A_810 = arith.index_cast %scan3A_803 : i32 to index
        %get3A_811 = arith.constant 0 : index
        %get3A_812 = tpu.vector_load %arg15[%get3A_809, %get3A_810, %get3A_811] {strides = array<i32>} : memref<3x256x64xf32, #tpu.memory_space<vmem>>, vector<16xf32>,
        %mul3A_813 = arith.mulf %get3A_812, %gather3A_808 : vector<16xf32>
        %swap3A_814 = arith.index_cast %select_n3A_129 : i32 to index
        %swap3A_815 = arith.index_cast %scan3A_803 : i32 to index
        %swap3A_816 = arith.constant 0 : index
        %swap3A_817 = tpu.vector_load %arg15[%swap3A_814, %swap3A_815, %swap3A_816] {strides = array<i32>} : memref<3x256x64xf32, #tpu.memory_space<vmem>>, vector<16xf32>,
        tpu.vector_store %arg15[%swap3A_814, %swap3A_815, %swap3A_816], %mul3A_813 {strides = array<i32>} : memref<3x256x64xf32, #tpu.memory_space<vmem>>, vector<16xf32>,
        %get3A_818 = arith.index_cast %select_n3A_129 : i32 to index
        %get3A_819 = arith.index_cast %scan3A_803 : i32 to index
        %get3A_820 = arith.constant 16 : index
        %get3A_821 = tpu.vector_load %arg15[%get3A_818, %get3A_819, %get3A_820] {strides = array<i32>} : memref<3x256x64xf32, #tpu.memory_space<vmem>>, vector<16xf32>,
        %mul3A_822 = arith.mulf %get3A_821, %gather3A_808 : vector<16xf32>
        %swap3A_823 = arith.index_cast %select_n3A_129 : i32 to index
        %swap3A_824 = arith.index_cast %scan3A_803 : i32 to index
        %swap3A_825 = arith.constant 16 : index
        %swap3A_826 = tpu.vector_load %arg15[%swap3A_823, %swap3A_824, %swap3A_825] {strides = array<i32>} : memref<3x256x64xf32, #tpu.memory_space<vmem>>, vector<16xf32>,
        tpu.vector_store %arg15[%swap3A_823, %swap3A_824, %swap3A_825], %mul3A_822 {strides = array<i32>} : memref<3x256x64xf32, #tpu.memory_space<vmem>>, vector<16xf32>,
        %get3A_827 = arith.index_cast %select_n3A_129 : i32 to index
        %get3A_828 = arith.index_cast %scan3A_803 : i32 to index
        %get3A_829 = arith.constant 32 : index
        %get3A_830 = tpu.vector_load %arg15[%get3A_827, %get3A_828, %get3A_829] {strides = array<i32>} : memref<3x256x64xf32, #tpu.memory_space<vmem>>, vector<16xf32>,
        %mul3A_831 = arith.mulf %get3A_830, %gather3A_808 : vector<16xf32>
        %swap3A_832 = arith.index_cast %select_n3A_129 : i32 to index
        %swap3A_833 = arith.index_cast %scan3A_803 : i32 to index
        %swap3A_834 = arith.constant 32 : index
        %swap3A_835 = tpu.vector_load %arg15[%swap3A_832, %swap3A_833, %swap3A_834] {strides = array<i32>} : memref<3x256x64xf32, #tpu.memory_space<vmem>>, vector<16xf32>,
        tpu.vector_store %arg15[%swap3A_832, %swap3A_833, %swap3A_834], %mul3A_831 {strides = array<i32>} : memref<3x256x64xf32, #tpu.memory_space<vmem>>, vector<16xf32>,
        %get3A_836 = arith.index_cast %select_n3A_129 : i32 to index
        %get3A_837 = arith.index_cast %scan3A_803 : i32 to index
        %get3A_838 = arith.constant 48 : index
        %get3A_839 = tpu.vector_load %arg15[%get3A_836, %get3A_837, %get3A_838] {strides = array<i32>} : memref<3x256x64xf32, #tpu.memory_space<vmem>>, vector<16xf32>,
        %mul3A_840 = arith.mulf %get3A_839, %gather3A_808 : vector<16xf32>
        %swap3A_841 = arith.index_cast %select_n3A_129 : i32 to index
        %swap3A_842 = arith.index_cast %scan3A_803 : i32 to index
        %swap3A_843 = arith.constant 48 : index
        %swap3A_844 = tpu.vector_load %arg15[%swap3A_841, %swap3A_842, %swap3A_843] {strides = array<i32>} : memref<3x256x64xf32, #tpu.memory_space<vmem>>, vector<16xf32>,
        tpu.vector_store %arg15[%swap3A_841, %swap3A_842, %swap3A_843], %mul3A_840 {strides = array<i32>} : memref<3x256x64xf32, #tpu.memory_space<vmem>>, vector<16xf32>,
        %scan3A_845 = arith.constant 0 : i32
        %scan3A_846 = arith.constant 1 : i32
        %scan3A_847 = arith.addi %scan3A_803, %scan3A_846 : i32
        %mul3A_848 = arith.constant 256 : i32
        %mul3A_849 = arith.muli %select_n3A_129, %mul3A_848 : i32
        %add3A_850 = arith.addi %mul3A_849, %scan3A_847 : i32
        %broadcast_in_dim3A_851 = vector.broadcast %add3A_850 : i32 to vector<16xi32>
        %gather3A_852 = tpu.vector_load_idx %arg16[%broadcast_in_dim3A_851] : memref<768xf32, #tpu.memory_space<vmem>>[vector<16xi32>], vector<16xf32>,
        %get3A_853 = arith.index_cast %select_n3A_129 : i32 to index
        %get3A_854 = arith.index_cast %scan3A_847 : i32 to index
        %get3A_855 = arith.constant 0 : index
        %get3A_856 = tpu.vector_load %arg15[%get3A_853, %get3A_854, %get3A_855] {strides = array<i32>} : memref<3x256x64xf32, #tpu.memory_space<vmem>>, vector<16xf32>,
        %mul3A_857 = arith.mulf %get3A_856, %gather3A_852 : vector<16xf32>
        %swap3A_858 = arith.index_cast %select_n3A_129 : i32 to index
        %swap3A_859 = arith.index_cast %scan3A_847 : i32 to index
        %swap3A_860 = arith.constant 0 : index
        %swap3A_861 = tpu.vector_load %arg15[%swap3A_858, %swap3A_859, %swap3A_860] {strides = array<i32>} : memref<3x256x64xf32, #tpu.memory_space<vmem>>, vector<16xf32>,
        tpu.vector_store %arg15[%swap3A_858, %swap3A_859, %swap3A_860], %mul3A_857 {strides = array<i32>} : memref<3x256x64xf32, #tpu.memory_space<vmem>>, vector<16xf32>,
        %get3A_862 = arith.index_cast %select_n3A_129 : i32 to index
        %get3A_863 = arith.index_cast %scan3A_847 : i32 to index
        %get3A_864 = arith.constant 16 : index
        %get3A_865 = tpu.vector_load %arg15[%get3A_862, %get3A_863, %get3A_864] {strides = array<i32>} : memref<3x256x64xf32, #tpu.memory_space<vmem>>, vector<16xf32>,
        %mul3A_866 = arith.mulf %get3A_865, %gather3A_852 : vector<16xf32>
        %swap3A_867 = arith.index_cast %select_n3A_129 : i32 to index
        %swap3A_868 = arith.index_cast %scan3A_847 : i32 to index
        %swap3A_869 = arith.constant 16 : index
        %swap3A_870 = tpu.vector_load %arg15[%swap3A_867, %swap3A_868, %swap3A_869] {strides = array<i32>} : memref<3x256x64xf32, #tpu.memory_space<vmem>>, vector<16xf32>,
        tpu.vector_store %arg15[%swap3A_867, %swap3A_868, %swap3A_869], %mul3A_866 {strides = array<i32>} : memref<3x256x64xf32, #tpu.memory_space<vmem>>, vector<16xf32>,
        %get3A_871 = arith.index_cast %select_n3A_129 : i32 to index
        %get3A_872 = arith.index_cast %scan3A_847 : i32 to index
        %get3A_873 = arith.constant 32 : index
        %get3A_874 = tpu.vector_load %arg15[%get3A_871, %get3A_872, %get3A_873] {strides = array<i32>} : memref<3x256x64xf32, #tpu.memory_space<vmem>>, vector<16xf32>,
        %mul3A_875 = arith.mulf %get3A_874, %gather3A_852 : vector<16xf32>
        %swap3A_876 = arith.index_cast %select_n3A_129 : i32 to index
        %swap3A_877 = arith.index_cast %scan3A_847 : i32 to index
        %swap3A_878 = arith.constant 32 : index
        %swap3A_879 = tpu.vector_load %arg15[%swap3A_876, %swap3A_877, %swap3A_878] {strides = array<i32>} : memref<3x256x64xf32, #tpu.memory_space<vmem>>, vector<16xf32>,
        tpu.vector_store %arg15[%swap3A_876, %swap3A_877, %swap3A_878], %mul3A_875 {strides = array<i32>} : memref<3x256x64xf32, #tpu.memory_space<vmem>>, vector<16xf32>,
        %get3A_880 = arith.index_cast %select_n3A_129 : i32 to index
        %get3A_881 = arith.index_cast %scan3A_847 : i32 to index
        %get3A_882 = arith.constant 48 : index
        %get3A_883 = tpu.vector_load %arg15[%get3A_880, %get3A_881, %get3A_882] {strides = array<i32>} : memref<3x256x64xf32, #tpu.memory_space<vmem>>, vector<16xf32>,
        %mul3A_884 = arith.mulf %get3A_883, %gather3A_852 : vector<16xf32>
        %swap3A_885 = arith.index_cast %select_n3A_129 : i32 to index
        %swap3A_886 = arith.index_cast %scan3A_847 : i32 to index
        %swap3A_887 = arith.constant 48 : index
        %swap3A_888 = tpu.vector_load %arg15[%swap3A_885, %swap3A_886, %swap3A_887] {strides = array<i32>} : memref<3x256x64xf32, #tpu.memory_space<vmem>>, vector<16xf32>,
        tpu.vector_store %arg15[%swap3A_885, %swap3A_886, %swap3A_887], %mul3A_884 {strides = array<i32>} : memref<3x256x64xf32, #tpu.memory_space<vmem>>, vector<16xf32>,
        %scan3A_889 = arith.constant 0 : i32
        %scan3A_890 = arith.constant 2 : i32
        %scan3A_891 = arith.addi %scan3A_803, %scan3A_890 : i32
        %mul3A_892 = arith.constant 256 : i32
        %mul3A_893 = arith.muli %select_n3A_129, %mul3A_892 : i32
        %add3A_894 = arith.addi %mul3A_893, %scan3A_891 : i32
        %broadcast_in_dim3A_895 = vector.broadcast %add3A_894 : i32 to vector<16xi32>
        %gather3A_896 = tpu.vector_load_idx %arg16[%broadcast_in_dim3A_895] : memref<768xf32, #tpu.memory_space<vmem>>[vector<16xi32>], vector<16xf32>,
        %get3A_897 = arith.index_cast %select_n3A_129 : i32 to index
        %get3A_898 = arith.index_cast %scan3A_891 : i32 to index
        %get3A_899 = arith.constant 0 : index
        %get3A_900 = tpu.vector_load %arg15[%get3A_897, %get3A_898, %get3A_899] {strides = array<i32>} : memref<3x256x64xf32, #tpu.memory_space<vmem>>, vector<16xf32>,
        %mul3A_901 = arith.mulf %get3A_900, %gather3A_896 : vector<16xf32>
        %swap3A_902 = arith.index_cast %select_n3A_129 : i32 to index
        %swap3A_903 = arith.index_cast %scan3A_891 : i32 to index
        %swap3A_904 = arith.constant 0 : index
        %swap3A_905 = tpu.vector_load %arg15[%swap3A_902, %swap3A_903, %swap3A_904] {strides = array<i32>} : memref<3x256x64xf32, #tpu.memory_space<vmem>>, vector<16xf32>,
        tpu.vector_store %arg15[%swap3A_902, %swap3A_903, %swap3A_904], %mul3A_901 {strides = array<i32>} : memref<3x256x64xf32, #tpu.memory_space<vmem>>, vector<16xf32>,
        %get3A_906 = arith.index_cast %select_n3A_129 : i32 to index
        %get3A_907 = arith.index_cast %scan3A_891 : i32 to index
        %get3A_908 = arith.constant 16 : index
        %get3A_909 = tpu.vector_load %arg15[%get3A_906, %get3A_907, %get3A_908] {strides = array<i32>} : memref<3x256x64xf32, #tpu.memory_space<vmem>>, vector<16xf32>,
        %mul3A_910 = arith.mulf %get3A_909, %gather3A_896 : vector<16xf32>
        %swap3A_911 = arith.index_cast %select_n3A_129 : i32 to index
        %swap3A_912 = arith.index_cast %scan3A_891 : i32 to index
        %swap3A_913 = arith.constant 16 : index
        %swap3A_914 = tpu.vector_load %arg15[%swap3A_911, %swap3A_912, %swap3A_913] {strides = array<i32>} : memref<3x256x64xf32, #tpu.memory_space<vmem>>, vector<16xf32>,
        tpu.vector_store %arg15[%swap3A_911, %swap3A_912, %swap3A_913], %mul3A_910 {strides = array<i32>} : memref<3x256x64xf32, #tpu.memory_space<vmem>>, vector<16xf32>,
        %get3A_915 = arith.index_cast %select_n3A_129 : i32 to index
        %get3A_916 = arith.index_cast %scan3A_891 : i32 to index
        %get3A_917 = arith.constant 32 : index
        %get3A_918 = tpu.vector_load %arg15[%get3A_915, %get3A_916, %get3A_917] {strides = array<i32>} : memref<3x256x64xf32, #tpu.memory_space<vmem>>, vector<16xf32>,
        %mul3A_919 = arith.mulf %get3A_918, %gather3A_896 : vector<16xf32>
        %swap3A_920 = arith.index_cast %select_n3A_129 : i32 to index
        %swap3A_921 = arith.index_cast %scan3A_891 : i32 to index
        %swap3A_922 = arith.constant 32 : index
        %swap3A_923 = tpu.vector_load %arg15[%swap3A_920, %swap3A_921, %swap3A_922] {strides = array<i32>} : memref<3x256x64xf32, #tpu.memory_space<vmem>>, vector<16xf32>,
        tpu.vector_store %arg15[%swap3A_920, %swap3A_921, %swap3A_922], %mul3A_919 {strides = array<i32>} : memref<3x256x64xf32, #tpu.memory_space<vmem>>, vector<16xf32>,
        %get3A_924 = arith.index_cast %select_n3A_129 : i32 to index
        %get3A_925 = arith.index_cast %scan3A_891 : i32 to index
        %get3A_926 = arith.constant 48 : index
        %get3A_927 = tpu.vector_load %arg15[%get3A_924, %get3A_925, %get3A_926] {strides = array<i32>} : memref<3x256x64xf32, #tpu.memory_space<vmem>>, vector<16xf32>,
        %mul3A_928 = arith.mulf %get3A_927, %gather3A_896 : vector<16xf32>
        %swap3A_929 = arith.index_cast %select_n3A_129 : i32 to index
        %swap3A_930 = arith.index_cast %scan3A_891 : i32 to index
        %swap3A_931 = arith.constant 48 : index
        %swap3A_932 = tpu.vector_load %arg15[%swap3A_929, %swap3A_930, %swap3A_931] {strides = array<i32>} : memref<3x256x64xf32, #tpu.memory_space<vmem>>, vector<16xf32>,
        tpu.vector_store %arg15[%swap3A_929, %swap3A_930, %swap3A_931], %mul3A_928 {strides = array<i32>} : memref<3x256x64xf32, #tpu.memory_space<vmem>>, vector<16xf32>,
        %scan3A_933 = arith.constant 0 : i32
        %scan3A_934 = arith.constant 3 : i32
        %scan3A_935 = arith.addi %scan3A_803, %scan3A_934 : i32
        %mul3A_936 = arith.constant 256 : i32
        %mul3A_937 = arith.muli %select_n3A_129, %mul3A_936 : i32
        %add3A_938 = arith.addi %mul3A_937, %scan3A_935 : i32
        %broadcast_in_dim3A_939 = vector.broadcast %add3A_938 : i32 to vector<16xi32>
        %gather3A_940 = tpu.vector_load_idx %arg16[%broadcast_in_dim3A_939] : memref<768xf32, #tpu.memory_space<vmem>>[vector<16xi32>], vector<16xf32>,
        %get3A_941 = arith.index_cast %select_n3A_129 : i32 to index
        %get3A_942 = arith.index_cast %scan3A_935 : i32 to index
        %get3A_943 = arith.constant 0 : index
        %get3A_944 = tpu.vector_load %arg15[%get3A_941, %get3A_942, %get3A_943] {strides = array<i32>} : memref<3x256x64xf32, #tpu.memory_space<vmem>>, vector<16xf32>,
        %mul3A_945 = arith.mulf %get3A_944, %gather3A_940 : vector<16xf32>
        %swap3A_946 = arith.index_cast %select_n3A_129 : i32 to index
        %swap3A_947 = arith.index_cast %scan3A_935 : i32 to index
        %swap3A_948 = arith.constant 0 : index
        %swap3A_949 = tpu.vector_load %arg15[%swap3A_946, %swap3A_947, %swap3A_948] {strides = array<i32>} : memref<3x256x64xf32, #tpu.memory_space<vmem>>, vector<16xf32>,
        tpu.vector_store %arg15[%swap3A_946, %swap3A_947, %swap3A_948], %mul3A_945 {strides = array<i32>} : memref<3x256x64xf32, #tpu.memory_space<vmem>>, vector<16xf32>,
        %get3A_950 = arith.index_cast %select_n3A_129 : i32 to index
        %get3A_951 = arith.index_cast %scan3A_935 : i32 to index
        %get3A_952 = arith.constant 16 : index
        %get3A_953 = tpu.vector_load %arg15[%get3A_950, %get3A_951, %get3A_952] {strides = array<i32>} : memref<3x256x64xf32, #tpu.memory_space<vmem>>, vector<16xf32>,
        %mul3A_954 = arith.mulf %get3A_953, %gather3A_940 : vector<16xf32>
        %swap3A_955 = arith.index_cast %select_n3A_129 : i32 to index
        %swap3A_956 = arith.index_cast %scan3A_935 : i32 to index
        %swap3A_957 = arith.constant 16 : index
        %swap3A_958 = tpu.vector_load %arg15[%swap3A_955, %swap3A_956, %swap3A_957] {strides = array<i32>} : memref<3x256x64xf32, #tpu.memory_space<vmem>>, vector<16xf32>,
        tpu.vector_store %arg15[%swap3A_955, %swap3A_956, %swap3A_957], %mul3A_954 {strides = array<i32>} : memref<3x256x64xf32, #tpu.memory_space<vmem>>, vector<16xf32>,
        %get3A_959 = arith.index_cast %select_n3A_129 : i32 to index
        %get3A_960 = arith.index_cast %scan3A_935 : i32 to index
        %get3A_961 = arith.constant 32 : index
        %get3A_962 = tpu.vector_load %arg15[%get3A_959, %get3A_960, %get3A_961] {strides = array<i32>} : memref<3x256x64xf32, #tpu.memory_space<vmem>>, vector<16xf32>,
        %mul3A_963 = arith.mulf %get3A_962, %gather3A_940 : vector<16xf32>
        %swap3A_964 = arith.index_cast %select_n3A_129 : i32 to index
        %swap3A_965 = arith.index_cast %scan3A_935 : i32 to index
        %swap3A_966 = arith.constant 32 : index
        %swap3A_967 = tpu.vector_load %arg15[%swap3A_964, %swap3A_965, %swap3A_966] {strides = array<i32>} : memref<3x256x64xf32, #tpu.memory_space<vmem>>, vector<16xf32>,
        tpu.vector_store %arg15[%swap3A_964, %swap3A_965, %swap3A_966], %mul3A_963 {strides = array<i32>} : memref<3x256x64xf32, #tpu.memory_space<vmem>>, vector<16xf32>,
        %get3A_968 = arith.index_cast %select_n3A_129 : i32 to index
        %get3A_969 = arith.index_cast %scan3A_935 : i32 to index
        %get3A_970 = arith.constant 48 : index
        %get3A_971 = tpu.vector_load %arg15[%get3A_968, %get3A_969, %get3A_970] {strides = array<i32>} : memref<3x256x64xf32, #tpu.memory_space<vmem>>, vector<16xf32>,
        %mul3A_972 = arith.mulf %get3A_971, %gather3A_940 : vector<16xf32>
        %swap3A_973 = arith.index_cast %select_n3A_129 : i32 to index
        %swap3A_974 = arith.index_cast %scan3A_935 : i32 to index
        %swap3A_975 = arith.constant 48 : index
        %swap3A_976 = tpu.vector_load %arg15[%swap3A_973, %swap3A_974, %swap3A_975] {strides = array<i32>} : memref<3x256x64xf32, #tpu.memory_space<vmem>>, vector<16xf32>,
        tpu.vector_store %arg15[%swap3A_973, %swap3A_974, %swap3A_975], %mul3A_972 {strides = array<i32>} : memref<3x256x64xf32, #tpu.memory_space<vmem>>, vector<16xf32>,
        %scan3A_977 = arith.constant 0 : i32
        scf.yield %scan3A_977 : i32
      }
      %scan3A_761 = arith.constant 256 : i32
      %dma_start3A_762 = arith.constant 0 : i32
      %dma_start3A_763 = arith.constant 0 : i32
      %dma_start3A_764 = arith.constant 0 : i32
      %dma_start3A_765 = tpu.memref_slice %arg15[%select_n3A_129, %dma_start3A_763, %dma_start3A_764] : memref<3x256x64xf32, #tpu.memory_space<vmem>> -> memref<1x256x64xf32, #tpu.memory_space<vmem>>
      %dma_start3A_766 = tpu.memref_squeeze %dma_start3A_765 : memref<1x256x64xf32, #tpu.memory_space<vmem>> -> memref<256x64xf32, #tpu.memory_space<vmem>>
      %dma_start3A_767 = arith.constant 0 : i32
      %dma_start3A_768 = arith.constant 0 : i32
      %dma_start3A_769 = tpu.memref_slice %dma_start3A_766[%dma_start3A_767, %dma_start3A_768] : memref<256x64xf32, #tpu.memory_space<vmem>> -> memref<128x64xf32, #tpu.memory_space<vmem>>
      %dma_start3A_770 = arith.constant 0 : i32
      %dma_start3A_771 = arith.constant 0 : i32
      %dma_start3A_772 = tpu.memref_slice %arg14[%select_n3A_145, %dma_start3A_770, %dma_start3A_771] : memref<4x2x128xi32, #tpu.memory_space<vmem>> -> memref<1x2x128xi32, #tpu.memory_space<vmem>>
      %dma_start3A_773 = tpu.memref_squeeze %dma_start3A_772 : memref<1x2x128xi32, #tpu.memory_space<vmem>> -> memref<2x128xi32, #tpu.memory_space<vmem>>
      %dma_start3A_774 = arith.constant 0 : i32
      %dma_start3A_775 = tpu.memref_slice %dma_start3A_773[%dma_start3A_762, %dma_start3A_774] : memref<2x128xi32, #tpu.memory_space<vmem>> -> memref<1x128xi32, #tpu.memory_space<vmem>>
      %dma_start3A_776 = tpu.memref_squeeze %dma_start3A_775 : memref<1x128xi32, #tpu.memory_space<vmem>> -> memref<128xi32, #tpu.memory_space<vmem>>
      %dma_start3A_777 = arith.constant 0 : i32
      %dma_start3A_778 = arith.constant 0 : i32
      %dma_start3A_779 = tpu.memref_slice %arg17[%dma_start3A_777, %dma_start3A_778] : memref<10240x64xf32, #tpu.memory_space<vmem_shared>> -> memref<10240x64xf32, #tpu.memory_space<vmem_shared>>
      tpu.enqueue_indirect_dma source(%dma_start3A_769 : memref<128x64xf32, #tpu.memory_space<vmem>>) target(%dma_start3A_779 : memref<10240x64xf32, #tpu.memory_space<vmem_shared>>) offsets(%dma_start3A_776 : memref<128xi32, #tpu.memory_space<vmem>>) semaphore(%arg20 : memref<!tpu.dma_semaphore, #tpu.memory_space<semaphore_mem>>) {add = true}
      %dma_start3A_780 = arith.constant 1 : i32
      %dma_start3A_781 = arith.constant 0 : i32
      %dma_start3A_782 = arith.constant 0 : i32
      %dma_start3A_783 = tpu.memref_slice %arg15[%select_n3A_129, %dma_start3A_781, %dma_start3A_782] : memref<3x256x64xf32, #tpu.memory_space<vmem>> -> memref<1x256x64xf32, #tpu.memory_space<vmem>>
      %dma_start3A_784 = tpu.memref_squeeze %dma_start3A_783 : memref<1x256x64xf32, #tpu.memory_space<vmem>> -> memref<256x64xf32, #tpu.memory_space<vmem>>
      %dma_start3A_785 = arith.constant 128 : i32
      %dma_start3A_786 = arith.constant 0 : i32
      %dma_start3A_787 = tpu.memref_slice %dma_start3A_784[%dma_start3A_785, %dma_start3A_786] : memref<256x64xf32, #tpu.memory_space<vmem>> -> memref<128x64xf32, #tpu.memory_space<vmem>>
      %dma_start3A_788 = arith.constant 0 : i32
      %dma_start3A_789 = arith.constant 0 : i32
      %dma_start3A_790 = tpu.memref_slice %arg14[%select_n3A_145, %dma_start3A_788, %dma_start3A_789] : memref<4x2x128xi32, #tpu.memory_space<vmem>> -> memref<1x2x128xi32, #tpu.memory_space<vmem>>
      %dma_start3A_791 = tpu.memref_squeeze %dma_start3A_790 : memref<1x2x128xi32, #tpu.memory_space<vmem>> -> memref<2x128xi32, #tpu.memory_space<vmem>>
      %dma_start3A_792 = arith.constant 0 : i32
      %dma_start3A_793 = tpu.memref_slice %dma_start3A_791[%dma_start3A_780, %dma_start3A_792] : memref<2x128xi32, #tpu.memory_space<vmem>> -> memref<1x128xi32, #tpu.memory_space<vmem>>
      %dma_start3A_794 = tpu.memref_squeeze %dma_start3A_793 : memref<1x128xi32, #tpu.memory_space<vmem>> -> memref<128xi32, #tpu.memory_space<vmem>>
      %dma_start3A_795 = arith.constant 0 : i32
      %dma_start3A_796 = arith.constant 0 : i32
      %dma_start3A_797 = tpu.memref_slice %arg17[%dma_start3A_795, %dma_start3A_796] : memref<10240x64xf32, #tpu.memory_space<vmem_shared>> -> memref<10240x64xf32, #tpu.memory_space<vmem_shared>>
      tpu.enqueue_indirect_dma source(%dma_start3A_787 : memref<128x64xf32, #tpu.memory_space<vmem>>) target(%dma_start3A_797 : memref<10240x64xf32, #tpu.memory_space<vmem_shared>>) offsets(%dma_start3A_794 : memref<128xi32, #tpu.memory_space<vmem>>) semaphore(%arg20 : memref<!tpu.dma_semaphore, #tpu.memory_space<semaphore_mem>>) {add = true}
      %eq3A_798 = arith.constant 0 : i32
      %eq3A_799 = arith.cmpi eq, %arg0, %eq3A_798 : i32
      %convert_element_type3A_800 = arith.extui %eq3A_799 : i1 to i32
      %cond3A_801 = arith.constant 0 : i32
      %cond3A_802 = arith.cmpi ne, %convert_element_type3A_800, %cond3A_801 : i32
      scf.if %cond3A_802 {
        %mul3A_803 = arith.constant 256 : i32
        %mul3A_804 = arith.muli %select_n3A_129, %mul3A_803 : i32
        %add3A_805 = arith.constant 0 : i32
        %add3A_806 = arith.addi %mul3A_804, %add3A_805 : i32
        %dma_start3A_807 = arith.constant 0 : i32
        %dma_start3A_808 = tpu.memref_slice %arg16[%add3A_806] : memref<768xf32, #tpu.memory_space<vmem>> -> memref<128xf32, #tpu.memory_space<vmem>>
        %dma_start3A_809 = arith.constant 0 : i32
        %dma_start3A_810 = arith.constant 0 : i32
        %dma_start3A_811 = tpu.memref_slice %arg14[%select_n3A_145, %dma_start3A_809, %dma_start3A_810] : memref<4x2x128xi32, #tpu.memory_space<vmem>> -> memref<1x2x128xi32, #tpu.memory_space<vmem>>
        %dma_start3A_812 = tpu.memref_squeeze %dma_start3A_811 : memref<1x2x128xi32, #tpu.memory_space<vmem>> -> memref<2x128xi32, #tpu.memory_space<vmem>>
        %dma_start3A_813 = arith.constant 0 : i32
        %dma_start3A_814 = tpu.memref_slice %dma_start3A_812[%dma_start3A_807, %dma_start3A_813] : memref<2x128xi32, #tpu.memory_space<vmem>> -> memref<1x128xi32, #tpu.memory_space<vmem>>
        %dma_start3A_815 = tpu.memref_squeeze %dma_start3A_814 : memref<1x128xi32, #tpu.memory_space<vmem>> -> memref<128xi32, #tpu.memory_space<vmem>>
        %dma_start3A_816 = arith.constant 0 : i32
        %dma_start3A_817 = tpu.memref_slice %arg18[%dma_start3A_816] : memref<10240xf32, #tpu.memory_space<vmem_shared>> -> memref<10240xf32, #tpu.memory_space<vmem_shared>>
        tpu.enqueue_indirect_dma source(%dma_start3A_808 : memref<128xf32, #tpu.memory_space<vmem>>) target(%dma_start3A_817 : memref<10240xf32, #tpu.memory_space<vmem_shared>>) offsets(%dma_start3A_815 : memref<128xi32, #tpu.memory_space<vmem>>) semaphore(%arg20 : memref<!tpu.dma_semaphore, #tpu.memory_space<semaphore_mem>>) {add = true}
        %mul3A_818 = arith.constant 256 : i32
        %mul3A_819 = arith.muli %select_n3A_129, %mul3A_818 : i32
        %add3A_820 = arith.constant 128 : i32
        %add3A_821 = arith.addi %mul3A_819, %add3A_820 : i32
        %dma_start3A_822 = arith.constant 1 : i32
        %dma_start3A_823 = tpu.memref_slice %arg16[%add3A_821] : memref<768xf32, #tpu.memory_space<vmem>> -> memref<128xf32, #tpu.memory_space<vmem>>
        %dma_start3A_824 = arith.constant 0 : i32
        %dma_start3A_825 = arith.constant 0 : i32
        %dma_start3A_826 = tpu.memref_slice %arg14[%select_n3A_145, %dma_start3A_824, %dma_start3A_825] : memref<4x2x128xi32, #tpu.memory_space<vmem>> -> memref<1x2x128xi32, #tpu.memory_space<vmem>>
        %dma_start3A_827 = tpu.memref_squeeze %dma_start3A_826 : memref<1x2x128xi32, #tpu.memory_space<vmem>> -> memref<2x128xi32, #tpu.memory_space<vmem>>
        %dma_start3A_828 = arith.constant 0 : i32
        %dma_start3A_829 = tpu.memref_slice %dma_start3A_827[%dma_start3A_822, %dma_start3A_828] : memref<2x128xi32, #tpu.memory_space<vmem>> -> memref<1x128xi32, #tpu.memory_space<vmem>>
        %dma_start3A_830 = tpu.memref_squeeze %dma_start3A_829 : memref<1x128xi32, #tpu.memory_space<vmem>> -> memref<128xi32, #tpu.memory_space<vmem>>
        %dma_start3A_831 = arith.constant 0 : i32
        %dma_start3A_832 = tpu.memref_slice %arg18[%dma_start3A_831] : memref<10240xf32, #tpu.memory_space<vmem_shared>> -> memref<10240xf32, #tpu.memory_space<vmem_shared>>
        tpu.enqueue_indirect_dma source(%dma_start3A_823 : memref<128xf32, #tpu.memory_space<vmem>>) target(%dma_start3A_832 : memref<10240xf32, #tpu.memory_space<vmem_shared>>) offsets(%dma_start3A_830 : memref<128xi32, #tpu.memory_space<vmem>>) semaphore(%arg20 : memref<!tpu.dma_semaphore, #tpu.memory_space<semaphore_mem>>) {add = true}
      } else {
      }
    }
    %scan3A_90 = arith.constant 84 : i32
    %dma_wait3A = arith.constant 0 : i32
    %dma_wait3A_91 = arith.constant 0 : i32
    %dma_wait3A_92 = tpu.memref_slice %arg17[%dma_wait3A, %dma_wait3A_91] : memref<10240x64xf32, #tpu.memory_space<vmem_shared>> -> memref<256x64xf32, #tpu.memory_space<vmem_shared>>
    %dma_wait3A_93 = arith.constant 0 : i32
    %dma_wait3A_94 = arith.constant 0 : i32
    %dma_wait3A_95 = tpu.memref_slice %arg7[%dma_wait3A_93, %dma_wait3A_94] : memref<10240x64xf32, #tpu.memory_space<hbm>> -> memref<256x64xf32, #tpu.memory_space<hbm>>
    tpu.wait_dma2 semaphore(%arg20 : memref<!tpu.dma_semaphore, #tpu.memory_space<semaphore_mem>>) src(%dma_wait3A_95 : memref<256x64xf32, #tpu.memory_space<hbm>>) dst(%dma_wait3A_92 : memref<256x64xf32, #tpu.memory_space<vmem_shared>>)
    %eq3A = arith.constant 0 : i32
    %eq3A_96 = arith.cmpi eq, %arg0, %eq3A : i32
    %convert_element_type3A = arith.extui %eq3A_96 : i1 to i32
    %cond3A = arith.constant 0 : i32
    %cond3A_97 = arith.cmpi ne, %convert_element_type3A, %cond3A : i32
    scf.if %cond3A_97 {
      %dma_wait3A_119 = arith.constant 0 : i32
      %dma_wait3A_120 = tpu.memref_slice %arg18[%dma_wait3A_119] : memref<10240xf32, #tpu.memory_space<vmem_shared>> -> memref<256xf32, #tpu.memory_space<vmem_shared>>
      %dma_wait3A_121 = arith.constant 0 : i32
      %dma_wait3A_122 = tpu.memref_slice %arg8[%dma_wait3A_121] : memref<10240xf32, #tpu.memory_space<hbm>> -> memref<256xf32, #tpu.memory_space<hbm>>
      tpu.wait_dma2 semaphore(%arg20 : memref<!tpu.dma_semaphore, #tpu.memory_space<semaphore_mem>>) src(%dma_wait3A_122 : memref<256xf32, #tpu.memory_space<hbm>>) dst(%dma_wait3A_120 : memref<256xf32, #tpu.memory_space<vmem_shared>>)
    } else {
    }
    %dma_wait3A_98 = arith.constant 0 : i32
    %dma_wait3A_99 = arith.constant 0 : i32
    %dma_wait3A_100 = tpu.memref_slice %arg17[%dma_wait3A_98, %dma_wait3A_99] : memref<10240x64xf32, #tpu.memory_space<vmem_shared>> -> memref<256x64xf32, #tpu.memory_space<vmem_shared>>
    %dma_wait3A_101 = arith.constant 0 : i32
    %dma_wait3A_102 = arith.constant 0 : i32
    %dma_wait3A_103 = tpu.memref_slice %arg7[%dma_wait3A_101, %dma_wait3A_102] : memref<10240x64xf32, #tpu.memory_space<hbm>> -> memref<256x64xf32, #tpu.memory_space<hbm>>
    tpu.wait_dma2 semaphore(%arg20 : memref<!tpu.dma_semaphore, #tpu.memory_space<semaphore_mem>>) src(%dma_wait3A_103 : memref<256x64xf32, #tpu.memory_space<hbm>>) dst(%dma_wait3A_100 : memref<256x64xf32, #tpu.memory_space<vmem_shared>>)
    %eq3A_104 = arith.constant 0 : i32
    %eq3A_105 = arith.cmpi eq, %arg0, %eq3A_104 : i32
    %convert_element_type3A_106 = arith.extui %eq3A_105 : i1 to i32
    %cond3A_107 = arith.constant 0 : i32
    %cond3A_108 = arith.cmpi ne, %convert_element_type3A_106, %cond3A_107 : i32
    scf.if %cond3A_108 {
      %dma_wait3A_119 = arith.constant 0 : i32
      %dma_wait3A_120 = tpu.memref_slice %arg18[%dma_wait3A_119] : memref<10240xf32, #tpu.memory_space<vmem_shared>> -> memref<256xf32, #tpu.memory_space<vmem_shared>>
      %dma_wait3A_121 = arith.constant 0 : i32
      %dma_wait3A_122 = tpu.memref_slice %arg8[%dma_wait3A_121] : memref<10240xf32, #tpu.memory_space<hbm>> -> memref<256xf32, #tpu.memory_space<hbm>>
      tpu.wait_dma2 semaphore(%arg20 : memref<!tpu.dma_semaphore, #tpu.memory_space<semaphore_mem>>) src(%dma_wait3A_122 : memref<256xf32, #tpu.memory_space<hbm>>) dst(%dma_wait3A_120 : memref<256xf32, #tpu.memory_space<vmem_shared>>)
    } else {
    }
    %barrier3A_109 = arith.constant 0 : index
    tpu.barrier barrier_id(%barrier3A_109)
    %mul3A_110 = arith.constant 640 : i32
    %mul3A_111 = arith.muli %arg1, %mul3A_110 : i32
    %mul3A_112 = arith.constant 640 : i32
    %mul3A_113 = arith.muli %arg1, %mul3A_112 : i32
    "tpu.region"() ({
      %run_scoped3A_119 = tpu.sem_alloc : memref<!tpu.dma_semaphore, #tpu.memory_space<semaphore_mem>>
      %dma_start3A_120 = arith.constant 0 : i32
      %dma_start3A_121 = arith.constant 0 : i32
      %dma_start3A_122 = tpu.memref_slice %arg9[%arg0, %dma_start3A_120, %dma_start3A_121] : memref<2x10240x64xf32, #tpu.memory_space<hbm>> -> memref<1x10240x64xf32, #tpu.memory_space<hbm>>
      %dma_start3A_123 = tpu.memref_squeeze %dma_start3A_122 : memref<1x10240x64xf32, #tpu.memory_space<hbm>> -> memref<10240x64xf32, #tpu.memory_space<hbm>>
      %dma_start3A_124 = arith.constant 0 : i32
      %dma_start3A_125 = tpu.memref_slice %dma_start3A_123[%mul3A_113, %dma_start3A_124] : memref<10240x64xf32, #tpu.memory_space<hbm>> -> memref<640x64xf32, #tpu.memory_space<hbm>>
      %dma_start3A_126 = arith.constant 0 : i32
      %dma_start3A_127 = tpu.memref_slice %arg17[%mul3A_111, %dma_start3A_126] : memref<10240x64xf32, #tpu.memory_space<vmem_shared>> -> memref<640x64xf32, #tpu.memory_space<vmem_shared>>
      tpu.enqueue_dma source(%dma_start3A_127 : memref<640x64xf32, #tpu.memory_space<vmem_shared>>) target(%dma_start3A_125 : memref<640x64xf32, #tpu.memory_space<hbm>>) target_semaphore(%run_scoped3A_119 : memref<!tpu.dma_semaphore, #tpu.memory_space<semaphore_mem>>)
      %dma_wait3A_128 = arith.constant 0 : i32
      %dma_wait3A_129 = arith.constant 0 : i32
      %dma_wait3A_130 = tpu.memref_slice %arg9[%arg0, %dma_wait3A_128, %dma_wait3A_129] : memref<2x10240x64xf32, #tpu.memory_space<hbm>> -> memref<1x10240x64xf32, #tpu.memory_space<hbm>>
      %dma_wait3A_131 = tpu.memref_squeeze %dma_wait3A_130 : memref<1x10240x64xf32, #tpu.memory_space<hbm>> -> memref<10240x64xf32, #tpu.memory_space<hbm>>
      %dma_wait3A_132 = arith.constant 0 : i32
      %dma_wait3A_133 = tpu.memref_slice %dma_wait3A_131[%mul3A_113, %dma_wait3A_132] : memref<10240x64xf32, #tpu.memory_space<hbm>> -> memref<640x64xf32, #tpu.memory_space<hbm>>
      %dma_wait3A_134 = arith.constant 0 : i32
      %dma_wait3A_135 = tpu.memref_slice %arg17[%mul3A_111, %dma_wait3A_134] : memref<10240x64xf32, #tpu.memory_space<vmem_shared>> -> memref<640x64xf32, #tpu.memory_space<vmem_shared>>
      tpu.wait_dma2 semaphore(%run_scoped3A_119 : memref<!tpu.dma_semaphore, #tpu.memory_space<semaphore_mem>>) src(%dma_wait3A_135 : memref<640x64xf32, #tpu.memory_space<vmem_shared>>) dst(%dma_wait3A_133 : memref<640x64xf32, #tpu.memory_space<hbm>>)
      tpu.yield
    }) : () -> ()
    %eq3A_114 = arith.constant 0 : i32
    %eq3A_115 = arith.cmpi eq, %arg0, %eq3A_114 : i32
    %convert_element_type3A_116 = arith.extui %eq3A_115 : i1 to i32
    %cond3A_117 = arith.constant 0 : i32
    %cond3A_118 = arith.cmpi ne, %convert_element_type3A_116, %cond3A_117 : i32
    scf.if %cond3A_118 {
      %mul3A_119 = arith.constant 640 : i32
      %mul3A_120 = arith.muli %arg1, %mul3A_119 : i32
      %mul3A_121 = arith.constant 640 : i32
      %mul3A_122 = arith.muli %arg1, %mul3A_121 : i32
      "tpu.region"() ({
        %run_scoped3A_123 = tpu.sem_alloc : memref<!tpu.dma_semaphore, #tpu.memory_space<semaphore_mem>>
        %dma_start3A_124 = tpu.memref_slice %arg10[%mul3A_122] : memref<10240xf32, #tpu.memory_space<hbm>> -> memref<640xf32, #tpu.memory_space<hbm>>
        %dma_start3A_125 = tpu.memref_slice %arg18[%mul3A_120] : memref<10240xf32, #tpu.memory_space<vmem_shared>> -> memref<640xf32, #tpu.memory_space<vmem_shared>>
        tpu.enqueue_dma source(%dma_start3A_125 : memref<640xf32, #tpu.memory_space<vmem_shared>>) target(%dma_start3A_124 : memref<640xf32, #tpu.memory_space<hbm>>) target_semaphore(%run_scoped3A_123 : memref<!tpu.dma_semaphore, #tpu.memory_space<semaphore_mem>>)
        %dma_wait3A_126 = tpu.memref_slice %arg10[%mul3A_122] : memref<10240xf32, #tpu.memory_space<hbm>> -> memref<640xf32, #tpu.memory_space<hbm>>
        %dma_wait3A_127 = tpu.memref_slice %arg18[%mul3A_120] : memref<10240xf32, #tpu.memory_space<vmem_shared>> -> memref<640xf32, #tpu.memory_space<vmem_shared>>
        tpu.wait_dma2 semaphore(%run_scoped3A_123 : memref<!tpu.dma_semaphore, #tpu.memory_space<semaphore_mem>>) src(%dma_wait3A_127 : memref<640xf32, #tpu.memory_space<vmem_shared>>) dst(%dma_wait3A_126 : memref<640xf32, #tpu.memory_space<hbm>>)
        tpu.yield
      }) : () -> ()
    } else {
    }
    return
  }
}

#map = affine_map<(d0, d1) -> (0, 0, 0)>
#map1 = affine_map<(d0, d1) -> (0)>
#map2 = affine_map<(d0, d1) -> (0, 0)>
module attributes {stable_mosaic.version = 14 : i64} {
  func.func @_edge_body(%arg0: i32, %arg1: i32, %arg2: memref<2x10240x64xf32, #tpu.memory_space<hbm>>, %arg3: memref<10240xf32, #tpu.memory_space<hbm>>, %arg4: memref<10240xf32, #tpu.memory_space<hbm>>, %arg5: memref<2688x128xi32, #tpu.memory_space<hbm>>, %arg6: memref<2688x128xi32, #tpu.memory_space<hbm>>, %arg7: memref<10240x64xf32, #tpu.memory_space<hbm>>, %arg8: memref<10240xf32, #tpu.memory_space<hbm>>, %arg9: memref<2x10240x64xf32, #tpu.memory_space<hbm>>, %arg10: memref<10240xf32, #tpu.memory_space<hbm>>, %arg11: memref<10240xf32, #tpu.memory_space<vmem>>, %arg12: memref<10240xf32, #tpu.memory_space<vmem>>, %arg13: memref<4x2x128xi32, #tpu.memory_space<vmem>>, %arg14: memref<4x2x128xi32, #tpu.memory_space<vmem>>, %arg15: memref<3x256x64xf32, #tpu.memory_space<vmem>>, %arg16: memref<768xf32, #tpu.memory_space<vmem>>, %arg17: memref<10240x64xf32, #tpu.memory_space<vmem_shared>>, %arg18: memref<10240xf32, #tpu.memory_space<vmem_shared>>, %arg19: memref<!tpu.dma_semaphore, #tpu.memory_space<semaphore_mem>>, %arg20: memref<!tpu.dma_semaphore, #tpu.memory_space<semaphore_mem>>, %arg21: memref<!tpu.dma_semaphore, #tpu.memory_space<semaphore_mem>>) attributes {dimension_semantics = [#tpu.dimension_semantics<core_parallel>, #tpu.dimension_semantics<subcore_parallel>], iteration_bounds = array<i64: 2, 16>, scalar_prefetch = 0 : i64, scratch_operands = 11 : i64, tpu.core_type = #tpu.core_type<sc_vector_subcore>, window_params = [{transform_indices = #map}, {transform_indices = #map1}, {transform_indices = #map1}, {transform_indices = #map2}, {transform_indices = #map2}, {transform_indices = #map2}, {transform_indices = #map1}, {transform_indices = #map}, {transform_indices = #map1}]} {
    %mul3A = arith.constant 640 : i32
    %mul3A_0 = arith.muli %arg1, %mul3A : i32
    %mul3A_1 = arith.constant 640 : i32
    %mul3A_2 = arith.muli %arg1, %mul3A_1 : i32
    "tpu.region"() ({
      %run_scoped3A_119 = tpu.sem_alloc : memref<!tpu.dma_semaphore, #tpu.memory_space<semaphore_mem>>
      %dma_start3A_120 = arith.constant 0 : i32
      %dma_start3A_121 = tpu.memref_slice %arg17[%mul3A_2, %dma_start3A_120] : memref<10240x64xf32, #tpu.memory_space<vmem_shared>> -> memref<640x64xf32, #tpu.memory_space<vmem_shared>>
      %dma_start3A_122 = arith.constant 0 : i32
      %dma_start3A_123 = tpu.memref_slice %arg7[%mul3A_0, %dma_start3A_122] : memref<10240x64xf32, #tpu.memory_space<hbm>> -> memref<640x64xf32, #tpu.memory_space<hbm>>
      tpu.enqueue_dma source(%dma_start3A_123 : memref<640x64xf32, #tpu.memory_space<hbm>>) target(%dma_start3A_121 : memref<640x64xf32, #tpu.memory_space<vmem_shared>>) target_semaphore(%run_scoped3A_119 : memref<!tpu.dma_semaphore, #tpu.memory_space<semaphore_mem>>)
      %dma_wait3A_124 = arith.constant 0 : i32
      %dma_wait3A_125 = tpu.memref_slice %arg17[%mul3A_2, %dma_wait3A_124] : memref<10240x64xf32, #tpu.memory_space<vmem_shared>> -> memref<640x64xf32, #tpu.memory_space<vmem_shared>>
      %dma_wait3A_126 = arith.constant 0 : i32
      %dma_wait3A_127 = tpu.memref_slice %arg7[%mul3A_0, %dma_wait3A_126] : memref<10240x64xf32, #tpu.memory_space<hbm>> -> memref<640x64xf32, #tpu.memory_space<hbm>>
      tpu.wait_dma2 semaphore(%run_scoped3A_119 : memref<!tpu.dma_semaphore, #tpu.memory_space<semaphore_mem>>) src(%dma_wait3A_127 : memref<640x64xf32, #tpu.memory_space<hbm>>) dst(%dma_wait3A_125 : memref<640x64xf32, #tpu.memory_space<vmem_shared>>)
      tpu.yield
    }) : () -> ()
    %mul3A_3 = arith.constant 640 : i32
    %mul3A_4 = arith.muli %arg1, %mul3A_3 : i32
    %mul3A_5 = arith.constant 640 : i32
    %mul3A_6 = arith.muli %arg1, %mul3A_5 : i32
    "tpu.region"() ({
      %run_scoped3A_119 = tpu.sem_alloc : memref<!tpu.dma_semaphore, #tpu.memory_space<semaphore_mem>>
      %dma_start3A_120 = tpu.memref_slice %arg18[%mul3A_6] : memref<10240xf32, #tpu.memory_space<vmem_shared>> -> memref<640xf32, #tpu.memory_space<vmem_shared>>
      %dma_start3A_121 = tpu.memref_slice %arg8[%mul3A_4] : memref<10240xf32, #tpu.memory_space<hbm>> -> memref<640xf32, #tpu.memory_space<hbm>>
      tpu.enqueue_dma source(%dma_start3A_121 : memref<640xf32, #tpu.memory_space<hbm>>) target(%dma_start3A_120 : memref<640xf32, #tpu.memory_space<vmem_shared>>) target_semaphore(%run_scoped3A_119 : memref<!tpu.dma_semaphore, #tpu.memory_space<semaphore_mem>>)
      %dma_wait3A_122 = tpu.memref_slice %arg18[%mul3A_6] : memref<10240xf32, #tpu.memory_space<vmem_shared>> -> memref<640xf32, #tpu.memory_space<vmem_shared>>
      %dma_wait3A_123 = tpu.memref_slice %arg8[%mul3A_4] : memref<10240xf32, #tpu.memory_space<hbm>> -> memref<640xf32, #tpu.memory_space<hbm>>
      tpu.wait_dma2 semaphore(%run_scoped3A_119 : memref<!tpu.dma_semaphore, #tpu.memory_space<semaphore_mem>>) src(%dma_wait3A_123 : memref<640xf32, #tpu.memory_space<hbm>>) dst(%dma_wait3A_122 : memref<640xf32, #tpu.memory_space<vmem_shared>>)
      tpu.yield
    }) : () -> ()
    "tpu.region"() ({
      %run_scoped3A_119 = tpu.sem_alloc : memref<!tpu.dma_semaphore, #tpu.memory_space<semaphore_mem>>
      tpu.enqueue_dma source(%arg3 : memref<10240xf32, #tpu.memory_space<hbm>>) target(%arg11 : memref<10240xf32, #tpu.memory_space<vmem>>) target_semaphore(%run_scoped3A_119 : memref<!tpu.dma_semaphore, #tpu.memory_space<semaphore_mem>>)
      tpu.wait_dma2 semaphore(%run_scoped3A_119 : memref<!tpu.dma_semaphore, #tpu.memory_space<semaphore_mem>>) src(%arg3 : memref<10240xf32, #tpu.memory_space<hbm>>) dst(%arg11 : memref<10240xf32, #tpu.memory_space<vmem>>)
      tpu.yield
    }) : () -> ()
    "tpu.region"() ({
      %run_scoped3A_119 = tpu.sem_alloc : memref<!tpu.dma_semaphore, #tpu.memory_space<semaphore_mem>>
      tpu.enqueue_dma source(%arg4 : memref<10240xf32, #tpu.memory_space<hbm>>) target(%arg12 : memref<10240xf32, #tpu.memory_space<vmem>>) target_semaphore(%run_scoped3A_119 : memref<!tpu.dma_semaphore, #tpu.memory_space<semaphore_mem>>)
      tpu.wait_dma2 semaphore(%run_scoped3A_119 : memref<!tpu.dma_semaphore, #tpu.memory_space<semaphore_mem>>) src(%arg4 : memref<10240xf32, #tpu.memory_space<hbm>>) dst(%arg12 : memref<10240xf32, #tpu.memory_space<vmem>>)
      tpu.yield
    }) : () -> ()
    %barrier3A = arith.constant 0 : index
    tpu.barrier barrier_id(%barrier3A)
    %mul3A_7 = arith.constant 168 : i32
    %mul3A_8 = arith.muli %arg1, %mul3A_7 : i32
    %add3A = arith.constant 0 : i32
    %add3A_9 = arith.addi %mul3A_8, %add3A : i32
    %run_scoped3A = arith.constant 0 : i32
    "tpu.region"() ({
      %run_scoped3A_119 = tpu.sem_alloc : memref<!tpu.dma_semaphore, #tpu.memory_space<semaphore_mem>>
      %dma_start3A_120 = arith.constant 0 : i32
      %dma_start3A_121 = arith.constant 0 : i32
      %dma_start3A_122 = tpu.memref_slice %arg13[%run_scoped3A, %dma_start3A_120, %dma_start3A_121] : memref<4x2x128xi32, #tpu.memory_space<vmem>> -> memref<1x2x128xi32, #tpu.memory_space<vmem>>
      %dma_start3A_123 = tpu.memref_squeeze %dma_start3A_122 : memref<1x2x128xi32, #tpu.memory_space<vmem>> -> memref<2x128xi32, #tpu.memory_space<vmem>>
      %dma_start3A_124 = arith.constant 0 : i32
      %dma_start3A_125 = tpu.memref_slice %arg5[%add3A_9, %dma_start3A_124] : memref<2688x128xi32, #tpu.memory_space<hbm>> -> memref<2x128xi32, #tpu.memory_space<hbm>>
      %dma_start3A_126 = arith.constant 0 : i32
      %dma_start3A_127 = arith.constant 0 : i32
      %dma_start3A_128 = tpu.memref_slice %arg13[%run_scoped3A, %dma_start3A_126, %dma_start3A_127] : memref<4x2x128xi32, #tpu.memory_space<vmem>> -> memref<1x2x128xi32, #tpu.memory_space<vmem>>
      %dma_start3A_129 = tpu.memref_squeeze %dma_start3A_128 : memref<1x2x128xi32, #tpu.memory_space<vmem>> -> memref<2x128xi32, #tpu.memory_space<vmem>>
      %dma_start3A_130 = arith.constant 0 : i32
      %dma_start3A_131 = tpu.memref_slice %arg5[%add3A_9, %dma_start3A_130] : memref<2688x128xi32, #tpu.memory_space<hbm>> -> memref<2x128xi32, #tpu.memory_space<hbm>>
      tpu.enqueue_dma source(%dma_start3A_131 : memref<2x128xi32, #tpu.memory_space<hbm>>) target(%dma_start3A_129 : memref<2x128xi32, #tpu.memory_space<vmem>>) target_semaphore(%run_scoped3A_119 : memref<!tpu.dma_semaphore, #tpu.memory_space<semaphore_mem>>)
      %dma_wait3A_132 = arith.constant 0 : i32
      %dma_wait3A_133 = arith.constant 0 : i32
      %dma_wait3A_134 = tpu.memref_slice %arg13[%run_scoped3A, %dma_wait3A_132, %dma_wait3A_133] : memref<4x2x128xi32, #tpu.memory_space<vmem>> -> memref<1x2x128xi32, #tpu.memory_space<vmem>>
      %dma_wait3A_135 = tpu.memref_squeeze %dma_wait3A_134 : memref<1x2x128xi32, #tpu.memory_space<vmem>> -> memref<2x128xi32, #tpu.memory_space<vmem>>
      %dma_wait3A_136 = arith.constant 0 : i32
      %dma_wait3A_137 = tpu.memref_slice %arg5[%add3A_9, %dma_wait3A_136] : memref<2688x128xi32, #tpu.memory_space<hbm>> -> memref<2x128xi32, #tpu.memory_space<hbm>>
      %dma_wait3A_138 = arith.constant 0 : i32
      %dma_wait3A_139 = arith.constant 0 : i32
      %dma_wait3A_140 = tpu.memref_slice %arg13[%run_scoped3A, %dma_wait3A_138, %dma_wait3A_139] : memref<4x2x128xi32, #tpu.memory_space<vmem>> -> memref<1x2x128xi32, #tpu.memory_space<vmem>>
      %dma_wait3A_141 = tpu.memref_squeeze %dma_wait3A_140 : memref<1x2x128xi32, #tpu.memory_space<vmem>> -> memref<2x128xi32, #tpu.memory_space<vmem>>
      %dma_wait3A_142 = arith.constant 0 : i32
      %dma_wait3A_143 = tpu.memref_slice %arg5[%add3A_9, %dma_wait3A_142] : memref<2688x128xi32, #tpu.memory_space<hbm>> -> memref<2x128xi32, #tpu.memory_space<hbm>>
      tpu.wait_dma2 semaphore(%run_scoped3A_119 : memref<!tpu.dma_semaphore, #tpu.memory_space<semaphore_mem>>) src(%dma_wait3A_143 : memref<2x128xi32, #tpu.memory_space<hbm>>) dst(%dma_wait3A_141 : memref<2x128xi32, #tpu.memory_space<vmem>>)
      tpu.yield
    }) : () -> ()
    %run_scoped3A_10 = arith.constant 0 : i32
    "tpu.region"() ({
      %run_scoped3A_119 = tpu.sem_alloc : memref<!tpu.dma_semaphore, #tpu.memory_space<semaphore_mem>>
      %dma_start3A_120 = arith.constant 0 : i32
      %dma_start3A_121 = arith.constant 0 : i32
      %dma_start3A_122 = tpu.memref_slice %arg14[%run_scoped3A_10, %dma_start3A_120, %dma_start3A_121] : memref<4x2x128xi32, #tpu.memory_space<vmem>> -> memref<1x2x128xi32, #tpu.memory_space<vmem>>
      %dma_start3A_123 = tpu.memref_squeeze %dma_start3A_122 : memref<1x2x128xi32, #tpu.memory_space<vmem>> -> memref<2x128xi32, #tpu.memory_space<vmem>>
      %dma_start3A_124 = arith.constant 0 : i32
      %dma_start3A_125 = tpu.memref_slice %arg6[%add3A_9, %dma_start3A_124] : memref<2688x128xi32, #tpu.memory_space<hbm>> -> memref<2x128xi32, #tpu.memory_space<hbm>>
      %dma_start3A_126 = arith.constant 0 : i32
      %dma_start3A_127 = arith.constant 0 : i32
      %dma_start3A_128 = tpu.memref_slice %arg14[%run_scoped3A_10, %dma_start3A_126, %dma_start3A_127] : memref<4x2x128xi32, #tpu.memory_space<vmem>> -> memref<1x2x128xi32, #tpu.memory_space<vmem>>
      %dma_start3A_129 = tpu.memref_squeeze %dma_start3A_128 : memref<1x2x128xi32, #tpu.memory_space<vmem>> -> memref<2x128xi32, #tpu.memory_space<vmem>>
      %dma_start3A_130 = arith.constant 0 : i32
      %dma_start3A_131 = tpu.memref_slice %arg6[%add3A_9, %dma_start3A_130] : memref<2688x128xi32, #tpu.memory_space<hbm>> -> memref<2x128xi32, #tpu.memory_space<hbm>>
      tpu.enqueue_dma source(%dma_start3A_131 : memref<2x128xi32, #tpu.memory_space<hbm>>) target(%dma_start3A_129 : memref<2x128xi32, #tpu.memory_space<vmem>>) target_semaphore(%run_scoped3A_119 : memref<!tpu.dma_semaphore, #tpu.memory_space<semaphore_mem>>)
      %dma_wait3A_132 = arith.constant 0 : i32
      %dma_wait3A_133 = arith.constant 0 : i32
      %dma_wait3A_134 = tpu.memref_slice %arg14[%run_scoped3A_10, %dma_wait3A_132, %dma_wait3A_133] : memref<4x2x128xi32, #tpu.memory_space<vmem>> -> memref<1x2x128xi32, #tpu.memory_space<vmem>>
      %dma_wait3A_135 = tpu.memref_squeeze %dma_wait3A_134 : memref<1x2x128xi32, #tpu.memory_space<vmem>> -> memref<2x128xi32, #tpu.memory_space<vmem>>
      %dma_wait3A_136 = arith.constant 0 : i32
      %dma_wait3A_137 = tpu.memref_slice %arg6[%add3A_9, %dma_wait3A_136] : memref<2688x128xi32, #tpu.memory_space<hbm>> -> memref<2x128xi32, #tpu.memory_space<hbm>>
      %dma_wait3A_138 = arith.constant 0 : i32
      %dma_wait3A_139 = arith.constant 0 : i32
      %dma_wait3A_140 = tpu.memref_slice %arg14[%run_scoped3A_10, %dma_wait3A_138, %dma_wait3A_139] : memref<4x2x128xi32, #tpu.memory_space<vmem>> -> memref<1x2x128xi32, #tpu.memory_space<vmem>>
      %dma_wait3A_141 = tpu.memref_squeeze %dma_wait3A_140 : memref<1x2x128xi32, #tpu.memory_space<vmem>> -> memref<2x128xi32, #tpu.memory_space<vmem>>
      %dma_wait3A_142 = arith.constant 0 : i32
      %dma_wait3A_143 = tpu.memref_slice %arg6[%add3A_9, %dma_wait3A_142] : memref<2688x128xi32, #tpu.memory_space<hbm>> -> memref<2x128xi32, #tpu.memory_space<hbm>>
      tpu.wait_dma2 semaphore(%run_scoped3A_119 : memref<!tpu.dma_semaphore, #tpu.memory_space<semaphore_mem>>) src(%dma_wait3A_143 : memref<2x128xi32, #tpu.memory_space<hbm>>) dst(%dma_wait3A_141 : memref<2x128xi32, #tpu.memory_space<vmem>>)
      tpu.yield
    }) : () -> ()
    %add3A_11 = arith.constant 2 : i32
    %add3A_12 = arith.addi %mul3A_8, %add3A_11 : i32
    %dma_start3A = arith.constant 1 : i32
    %dma_start3A_13 = arith.constant 0 : i32
    %dma_start3A_14 = arith.constant 0 : i32
    %dma_start3A_15 = tpu.memref_slice %arg13[%dma_start3A, %dma_start3A_13, %dma_start3A_14] : memref<4x2x128xi32, #tpu.memory_space<vmem>> -> memref<1x2x128xi32, #tpu.memory_space<vmem>>
    %dma_start3A_16 = tpu.memref_squeeze %dma_start3A_15 : memref<1x2x128xi32, #tpu.memory_space<vmem>> -> memref<2x128xi32, #tpu.memory_space<vmem>>
    %dma_start3A_17 = arith.constant 0 : i32
    %dma_start3A_18 = tpu.memref_slice %arg5[%add3A_12, %dma_start3A_17] : memref<2688x128xi32, #tpu.memory_space<hbm>> -> memref<2x128xi32, #tpu.memory_space<hbm>>
    %dma_start3A_19 = arith.constant 0 : i32
    %dma_start3A_20 = arith.constant 0 : i32
    %dma_start3A_21 = tpu.memref_slice %arg13[%dma_start3A, %dma_start3A_19, %dma_start3A_20] : memref<4x2x128xi32, #tpu.memory_space<vmem>> -> memref<1x2x128xi32, #tpu.memory_space<vmem>>
    %dma_start3A_22 = tpu.memref_squeeze %dma_start3A_21 : memref<1x2x128xi32, #tpu.memory_space<vmem>> -> memref<2x128xi32, #tpu.memory_space<vmem>>
    %dma_start3A_23 = arith.constant 0 : i32
    %dma_start3A_24 = tpu.memref_slice %arg5[%add3A_12, %dma_start3A_23] : memref<2688x128xi32, #tpu.memory_space<hbm>> -> memref<2x128xi32, #tpu.memory_space<hbm>>
    tpu.enqueue_dma source(%dma_start3A_24 : memref<2x128xi32, #tpu.memory_space<hbm>>) target(%dma_start3A_22 : memref<2x128xi32, #tpu.memory_space<vmem>>) target_semaphore(%arg21 : memref<!tpu.dma_semaphore, #tpu.memory_space<semaphore_mem>>)
    %dma_start3A_25 = arith.constant 1 : i32
    %dma_start3A_26 = arith.constant 0 : i32
    %dma_start3A_27 = arith.constant 0 : i32
    %dma_start3A_28 = tpu.memref_slice %arg14[%dma_start3A_25, %dma_start3A_26, %dma_start3A_27] : memref<4x2x128xi32, #tpu.memory_space<vmem>> -> memref<1x2x128xi32, #tpu.memory_space<vmem>>
    %dma_start3A_29 = tpu.memref_squeeze %dma_start3A_28 : memref<1x2x128xi32, #tpu.memory_space<vmem>> -> memref<2x128xi32, #tpu.memory_space<vmem>>
    %dma_start3A_30 = arith.constant 0 : i32
    %dma_start3A_31 = tpu.memref_slice %arg6[%add3A_12, %dma_start3A_30] : memref<2688x128xi32, #tpu.memory_space<hbm>> -> memref<2x128xi32, #tpu.memory_space<hbm>>
    %dma_start3A_32 = arith.constant 0 : i32
    %dma_start3A_33 = arith.constant 0 : i32
    %dma_start3A_34 = tpu.memref_slice %arg14[%dma_start3A_25, %dma_start3A_32, %dma_start3A_33] : memref<4x2x128xi32, #tpu.memory_space<vmem>> -> memref<1x2x128xi32, #tpu.memory_space<vmem>>
    %dma_start3A_35 = tpu.memref_squeeze %dma_start3A_34 : memref<1x2x128xi32, #tpu.memory_space<vmem>> -> memref<2x128xi32, #tpu.memory_space<vmem>>
    %dma_start3A_36 = arith.constant 0 : i32
    %dma_start3A_37 = tpu.memref_slice %arg6[%add3A_12, %dma_start3A_36] : memref<2688x128xi32, #tpu.memory_space<hbm>> -> memref<2x128xi32, #tpu.memory_space<hbm>>
    tpu.enqueue_dma source(%dma_start3A_37 : memref<2x128xi32, #tpu.memory_space<hbm>>) target(%dma_start3A_35 : memref<2x128xi32, #tpu.memory_space<vmem>>) target_semaphore(%arg21 : memref<!tpu.dma_semaphore, #tpu.memory_space<semaphore_mem>>)
    %dma_start3A_38 = arith.constant 0 : i32
    %dma_start3A_39 = arith.constant 0 : i32
    %dma_start3A_40 = arith.constant 0 : i32
    %dma_start3A_41 = arith.constant 0 : i32
    %dma_start3A_42 = arith.constant 0 : i32
    %dma_start3A_43 = tpu.memref_slice %arg15[%dma_start3A_40, %dma_start3A_41, %dma_start3A_42] : memref<3x256x64xf32, #tpu.memory_space<vmem>> -> memref<1x256x64xf32, #tpu.memory_space<vmem>>
    %dma_start3A_44 = tpu.memref_squeeze %dma_start3A_43 : memref<1x256x64xf32, #tpu.memory_space<vmem>> -> memref<256x64xf32, #tpu.memory_space<vmem>>
    %dma_start3A_45 = arith.constant 0 : i32
    %dma_start3A_46 = arith.constant 0 : i32
    %dma_start3A_47 = tpu.memref_slice %dma_start3A_44[%dma_start3A_45, %dma_start3A_46] : memref<256x64xf32, #tpu.memory_space<vmem>> -> memref<128x64xf32, #tpu.memory_space<vmem>>
    %dma_start3A_48 = arith.constant 0 : i32
    %dma_start3A_49 = arith.constant 0 : i32
    %dma_start3A_50 = tpu.memref_slice %arg13[%dma_start3A_38, %dma_start3A_48, %dma_start3A_49] : memref<4x2x128xi32, #tpu.memory_space<vmem>> -> memref<1x2x128xi32, #tpu.memory_space<vmem>>
    %dma_start3A_51 = tpu.memref_squeeze %dma_start3A_50 : memref<1x2x128xi32, #tpu.memory_space<vmem>> -> memref<2x128xi32, #tpu.memory_space<vmem>>
    %dma_start3A_52 = arith.constant 0 : i32
    %dma_start3A_53 = tpu.memref_slice %dma_start3A_51[%dma_start3A_39, %dma_start3A_52] : memref<2x128xi32, #tpu.memory_space<vmem>> -> memref<1x128xi32, #tpu.memory_space<vmem>>
    %dma_start3A_54 = tpu.memref_squeeze %dma_start3A_53 : memref<1x128xi32, #tpu.memory_space<vmem>> -> memref<128xi32, #tpu.memory_space<vmem>>
    %dma_start3A_55 = arith.constant 0 : i32
    %dma_start3A_56 = arith.constant 0 : i32
    %dma_start3A_57 = tpu.memref_slice %arg2[%arg0, %dma_start3A_55, %dma_start3A_56] : memref<2x10240x64xf32, #tpu.memory_space<hbm>> -> memref<1x10240x64xf32, #tpu.memory_space<hbm>>
    %dma_start3A_58 = tpu.memref_squeeze %dma_start3A_57 : memref<1x10240x64xf32, #tpu.memory_space<hbm>> -> memref<10240x64xf32, #tpu.memory_space<hbm>>
    %dma_start3A_59 = arith.constant 0 : i32
    %dma_start3A_60 = arith.constant 0 : i32
    %dma_start3A_61 = tpu.memref_slice %dma_start3A_58[%dma_start3A_59, %dma_start3A_60] : memref<10240x64xf32, #tpu.memory_space<hbm>> -> memref<10240x64xf32, #tpu.memory_space<hbm>>
    tpu.enqueue_indirect_dma source(%dma_start3A_61 : memref<10240x64xf32, #tpu.memory_space<hbm>>) target(%dma_start3A_47 : memref<128x64xf32, #tpu.memory_space<vmem>>) offsets(%dma_start3A_54 : memref<128xi32, #tpu.memory_space<vmem>>) semaphore(%arg19 : memref<!tpu.dma_semaphore, #tpu.memory_space<semaphore_mem>>)
    %dma_start3A_62 = arith.constant 0 : i32
    %dma_start3A_63 = arith.constant 1 : i32
    %dma_start3A_64 = arith.constant 0 : i32
    %dma_start3A_65 = arith.constant 0 : i32
    %dma_start3A_66 = arith.constant 0 : i32
    %dma_start3A_67 = tpu.memref_slice %arg15[%dma_start3A_64, %dma_start3A_65, %dma_start3A_66] : memref<3x256x64xf32, #tpu.memory_space<vmem>> -> memref<1x256x64xf32, #tpu.memory_space<vmem>>
    %dma_start3A_68 = tpu.memref_squeeze %dma_start3A_67 : memref<1x256x64xf32, #tpu.memory_space<vmem>> -> memref<256x64xf32, #tpu.memory_space<vmem>>
    %dma_start3A_69 = arith.constant 128 : i32
    %dma_start3A_70 = arith.constant 0 : i32
    %dma_start3A_71 = tpu.memref_slice %dma_start3A_68[%dma_start3A_69, %dma_start3A_70] : memref<256x64xf32, #tpu.memory_space<vmem>> -> memref<128x64xf32, #tpu.memory_space<vmem>>
    %dma_start3A_72 = arith.constant 0 : i32
    %dma_start3A_73 = arith.constant 0 : i32
    %dma_start3A_74 = tpu.memref_slice %arg13[%dma_start3A_62, %dma_start3A_72, %dma_start3A_73] : memref<4x2x128xi32, #tpu.memory_space<vmem>> -> memref<1x2x128xi32, #tpu.memory_space<vmem>>
    %dma_start3A_75 = tpu.memref_squeeze %dma_start3A_74 : memref<1x2x128xi32, #tpu.memory_space<vmem>> -> memref<2x128xi32, #tpu.memory_space<vmem>>
    %dma_start3A_76 = arith.constant 0 : i32
    %dma_start3A_77 = tpu.memref_slice %dma_start3A_75[%dma_start3A_63, %dma_start3A_76] : memref<2x128xi32, #tpu.memory_space<vmem>> -> memref<1x128xi32, #tpu.memory_space<vmem>>
    %dma_start3A_78 = tpu.memref_squeeze %dma_start3A_77 : memref<1x128xi32, #tpu.memory_space<vmem>> -> memref<128xi32, #tpu.memory_space<vmem>>
    %dma_start3A_79 = arith.constant 0 : i32
    %dma_start3A_80 = arith.constant 0 : i32
    %dma_start3A_81 = tpu.memref_slice %arg2[%arg0, %dma_start3A_79, %dma_start3A_80] : memref<2x10240x64xf32, #tpu.memory_space<hbm>> -> memref<1x10240x64xf32, #tpu.memory_space<hbm>>
    %dma_start3A_82 = tpu.memref_squeeze %dma_start3A_81 : memref<1x10240x64xf32, #tpu.memory_space<hbm>> -> memref<10240x64xf32, #tpu.memory_space<hbm>>
    %dma_start3A_83 = arith.constant 0 : i32
    %dma_start3A_84 = arith.constant 0 : i32
    %dma_start3A_85 = tpu.memref_slice %dma_start3A_82[%dma_start3A_83, %dma_start3A_84] : memref<10240x64xf32, #tpu.memory_space<hbm>> -> memref<10240x64xf32, #tpu.memory_space<hbm>>
    tpu.enqueue_indirect_dma source(%dma_start3A_85 : memref<10240x64xf32, #tpu.memory_space<hbm>>) target(%dma_start3A_71 : memref<128x64xf32, #tpu.memory_space<vmem>>) offsets(%dma_start3A_78 : memref<128xi32, #tpu.memory_space<vmem>>) semaphore(%arg19 : memref<!tpu.dma_semaphore, #tpu.memory_space<semaphore_mem>>)
    %scan3A = arith.constant 0 : i32
    %scan3A_86 = arith.constant 0 : i32
    %scan3A_87 = arith.constant 84 : i32
    %scan3A_88 = arith.addi %scan3A_86, %scan3A_87 : i32
    %scan3A_89 = arith.constant 1 : i32
    scf.for %scan3A_119 = %scan3A_86 to %scan3A_88 step %scan3A_89  : i32 {
      %jit3A = arith.constant 3 : i32
      %eq3A_120 = arith.constant 0 : i32
      %eq3A_121 = arith.cmpi eq, %jit3A, %eq3A_120 : i32
      %jit3A_122 = arith.constant 1 : i32
      %select_n3A = arith.select %eq3A_121, %jit3A_122, %jit3A : i32
      %rem3A = arith.remsi %scan3A_119, %select_n3A : i32
      %ne3A = arith.constant 0 : i32
      %ne3A_123 = arith.cmpi ne, %rem3A, %ne3A : i32
      %lt3A = arith.constant 0 : i32
      %lt3A_124 = arith.cmpi slt, %rem3A, %lt3A : i32
      %lt3A_125 = arith.constant 0 : i32
      %lt3A_126 = arith.cmpi slt, %select_n3A, %lt3A_125 : i32
      %ne3A_127 = arith.xori %lt3A_124, %lt3A_126 : i1
      %and3A = arith.andi %ne3A_127, %ne3A_123 : i1
      %add3A_128 = arith.addi %rem3A, %select_n3A : i32
      %select_n3A_129 = arith.select %and3A, %add3A_128, %rem3A : i32
      %jit3A_130 = arith.constant 4 : i32
      %eq3A_131 = arith.constant 0 : i32
      %eq3A_132 = arith.cmpi eq, %jit3A_130, %eq3A_131 : i32
      %jit3A_133 = arith.constant 1 : i32
      %select_n3A_134 = arith.select %eq3A_132, %jit3A_133, %jit3A_130 : i32
      %rem3A_135 = arith.remsi %scan3A_119, %select_n3A_134 : i32
      %ne3A_136 = arith.constant 0 : i32
      %ne3A_137 = arith.cmpi ne, %rem3A_135, %ne3A_136 : i32
      %lt3A_138 = arith.constant 0 : i32
      %lt3A_139 = arith.cmpi slt, %rem3A_135, %lt3A_138 : i32
      %lt3A_140 = arith.constant 0 : i32
      %lt3A_141 = arith.cmpi slt, %select_n3A_134, %lt3A_140 : i32
      %ne3A_142 = arith.xori %lt3A_139, %lt3A_141 : i1
      %and3A_143 = arith.andi %ne3A_142, %ne3A_137 : i1
      %add3A_144 = arith.addi %rem3A_135, %select_n3A_134 : i32
      %select_n3A_145 = arith.select %and3A_143, %add3A_144, %rem3A_135 : i32
      %ge3A = arith.constant 2 : i32
      %ge3A_146 = arith.cmpi sge, %scan3A_119, %ge3A : i32
      %convert_element_type3A_147 = arith.extui %ge3A_146 : i1 to i32
      %cond3A_148 = arith.constant 0 : i32
      %cond3A_149 = arith.cmpi ne, %convert_element_type3A_147, %cond3A_148 : i32
      scf.if %cond3A_149 {
        %dma_wait3A_803 = arith.constant 0 : i32
        %dma_wait3A_804 = arith.constant 0 : i32
        %dma_wait3A_805 = tpu.memref_slice %arg17[%dma_wait3A_803, %dma_wait3A_804] : memref<10240x64xf32, #tpu.memory_space<vmem_shared>> -> memref<256x64xf32, #tpu.memory_space<vmem_shared>>
        %dma_wait3A_806 = arith.constant 0 : i32
        %dma_wait3A_807 = arith.constant 0 : i32
        %dma_wait3A_808 = tpu.memref_slice %arg7[%dma_wait3A_806, %dma_wait3A_807] : memref<10240x64xf32, #tpu.memory_space<hbm>> -> memref<256x64xf32, #tpu.memory_space<hbm>>
        tpu.wait_dma2 semaphore(%arg20 : memref<!tpu.dma_semaphore, #tpu.memory_space<semaphore_mem>>) src(%dma_wait3A_808 : memref<256x64xf32, #tpu.memory_space<hbm>>) dst(%dma_wait3A_805 : memref<256x64xf32, #tpu.memory_space<vmem_shared>>)
        %eq3A_809 = arith.constant 0 : i32
        %eq3A_810 = arith.cmpi eq, %arg0, %eq3A_809 : i32
        %convert_element_type3A_811 = arith.extui %eq3A_810 : i1 to i32
        %cond3A_812 = arith.constant 0 : i32
        %cond3A_813 = arith.cmpi ne, %convert_element_type3A_811, %cond3A_812 : i32
        scf.if %cond3A_813 {
          %dma_wait3A_814 = arith.constant 0 : i32
          %dma_wait3A_815 = tpu.memref_slice %arg18[%dma_wait3A_814] : memref<10240xf32, #tpu.memory_space<vmem_shared>> -> memref<256xf32, #tpu.memory_space<vmem_shared>>
          %dma_wait3A_816 = arith.constant 0 : i32
          %dma_wait3A_817 = tpu.memref_slice %arg8[%dma_wait3A_816] : memref<10240xf32, #tpu.memory_space<hbm>> -> memref<256xf32, #tpu.memory_space<hbm>>
          tpu.wait_dma2 semaphore(%arg20 : memref<!tpu.dma_semaphore, #tpu.memory_space<semaphore_mem>>) src(%dma_wait3A_817 : memref<256xf32, #tpu.memory_space<hbm>>) dst(%dma_wait3A_815 : memref<256xf32, #tpu.memory_space<vmem_shared>>)
        } else {
        }
      } else {
      }
      %add3A_150 = arith.constant 2 : i32
      %add3A_151 = arith.addi %scan3A_119, %add3A_150 : i32
      %lt3A_152 = arith.constant 84 : i32
      %lt3A_153 = arith.cmpi slt, %add3A_151, %lt3A_152 : i32
      %convert_element_type3A_154 = arith.extui %lt3A_153 : i1 to i32
      %cond3A_155 = arith.constant 0 : i32
      %cond3A_156 = arith.cmpi ne, %convert_element_type3A_154, %cond3A_155 : i32
      scf.if %cond3A_156 {
        %add3A_803 = arith.constant 2 : i32
        %add3A_804 = arith.addi %scan3A_119, %add3A_803 : i32
        %add3A_805 = arith.constant 2 : i32
        %add3A_806 = arith.addi %scan3A_119, %add3A_805 : i32
        %jit3A_807 = arith.constant 4 : i32
        %eq3A_808 = arith.constant 0 : i32
        %eq3A_809 = arith.cmpi eq, %jit3A_807, %eq3A_808 : i32
        %jit3A_810 = arith.constant 1 : i32
        %select_n3A_811 = arith.select %eq3A_809, %jit3A_810, %jit3A_807 : i32
        %rem3A_812 = arith.remsi %add3A_806, %select_n3A_811 : i32
        %ne3A_813 = arith.constant 0 : i32
        %ne3A_814 = arith.cmpi ne, %rem3A_812, %ne3A_813 : i32
        %lt3A_815 = arith.constant 0 : i32
        %lt3A_816 = arith.cmpi slt, %rem3A_812, %lt3A_815 : i32
        %lt3A_817 = arith.constant 0 : i32
        %lt3A_818 = arith.cmpi slt, %select_n3A_811, %lt3A_817 : i32
        %ne3A_819 = arith.xori %lt3A_816, %lt3A_818 : i1
        %and3A_820 = arith.andi %ne3A_819, %ne3A_814 : i1
        %add3A_821 = arith.addi %rem3A_812, %select_n3A_811 : i32
        %select_n3A_822 = arith.select %and3A_820, %add3A_821, %rem3A_812 : i32
        %mul3A_823 = arith.constant 2 : i32
        %mul3A_824 = arith.muli %add3A_804, %mul3A_823 : i32
        %add3A_825 = arith.addi %mul3A_8, %mul3A_824 : i32
        %dma_start3A_826 = arith.constant 0 : i32
        %dma_start3A_827 = arith.constant 0 : i32
        %dma_start3A_828 = tpu.memref_slice %arg13[%select_n3A_822, %dma_start3A_826, %dma_start3A_827] : memref<4x2x128xi32, #tpu.memory_space<vmem>> -> memref<1x2x128xi32, #tpu.memory_space<vmem>>
        %dma_start3A_829 = tpu.memref_squeeze %dma_start3A_828 : memref<1x2x128xi32, #tpu.memory_space<vmem>> -> memref<2x128xi32, #tpu.memory_space<vmem>>
        %dma_start3A_830 = arith.constant 0 : i32
        %dma_start3A_831 = tpu.memref_slice %arg5[%add3A_825, %dma_start3A_830] : memref<2688x128xi32, #tpu.memory_space<hbm>> -> memref<2x128xi32, #tpu.memory_space<hbm>>
        %dma_start3A_832 = arith.constant 0 : i32
        %dma_start3A_833 = arith.constant 0 : i32
        %dma_start3A_834 = tpu.memref_slice %arg13[%select_n3A_822, %dma_start3A_832, %dma_start3A_833] : memref<4x2x128xi32, #tpu.memory_space<vmem>> -> memref<1x2x128xi32, #tpu.memory_space<vmem>>
        %dma_start3A_835 = tpu.memref_squeeze %dma_start3A_834 : memref<1x2x128xi32, #tpu.memory_space<vmem>> -> memref<2x128xi32, #tpu.memory_space<vmem>>
        %dma_start3A_836 = arith.constant 0 : i32
        %dma_start3A_837 = tpu.memref_slice %arg5[%add3A_825, %dma_start3A_836] : memref<2688x128xi32, #tpu.memory_space<hbm>> -> memref<2x128xi32, #tpu.memory_space<hbm>>
        tpu.enqueue_dma source(%dma_start3A_837 : memref<2x128xi32, #tpu.memory_space<hbm>>) target(%dma_start3A_835 : memref<2x128xi32, #tpu.memory_space<vmem>>) target_semaphore(%arg21 : memref<!tpu.dma_semaphore, #tpu.memory_space<semaphore_mem>>)
        %dma_start3A_838 = arith.constant 0 : i32
        %dma_start3A_839 = arith.constant 0 : i32
        %dma_start3A_840 = tpu.memref_slice %arg14[%select_n3A_822, %dma_start3A_838, %dma_start3A_839] : memref<4x2x128xi32, #tpu.memory_space<vmem>> -> memref<1x2x128xi32, #tpu.memory_space<vmem>>
        %dma_start3A_841 = tpu.memref_squeeze %dma_start3A_840 : memref<1x2x128xi32, #tpu.memory_space<vmem>> -> memref<2x128xi32, #tpu.memory_space<vmem>>
        %dma_start3A_842 = arith.constant 0 : i32
        %dma_start3A_843 = tpu.memref_slice %arg6[%add3A_825, %dma_start3A_842] : memref<2688x128xi32, #tpu.memory_space<hbm>> -> memref<2x128xi32, #tpu.memory_space<hbm>>
        %dma_start3A_844 = arith.constant 0 : i32
        %dma_start3A_845 = arith.constant 0 : i32
        %dma_start3A_846 = tpu.memref_slice %arg14[%select_n3A_822, %dma_start3A_844, %dma_start3A_845] : memref<4x2x128xi32, #tpu.memory_space<vmem>> -> memref<1x2x128xi32, #tpu.memory_space<vmem>>
        %dma_start3A_847 = tpu.memref_squeeze %dma_start3A_846 : memref<1x2x128xi32, #tpu.memory_space<vmem>> -> memref<2x128xi32, #tpu.memory_space<vmem>>
        %dma_start3A_848 = arith.constant 0 : i32
        %dma_start3A_849 = tpu.memref_slice %arg6[%add3A_825, %dma_start3A_848] : memref<2688x128xi32, #tpu.memory_space<hbm>> -> memref<2x128xi32, #tpu.memory_space<hbm>>
        tpu.enqueue_dma source(%dma_start3A_849 : memref<2x128xi32, #tpu.memory_space<hbm>>) target(%dma_start3A_847 : memref<2x128xi32, #tpu.memory_space<vmem>>) target_semaphore(%arg21 : memref<!tpu.dma_semaphore, #tpu.memory_space<semaphore_mem>>)
      } else {
      }
      %add3A_157 = arith.constant 1 : i32
      %add3A_158 = arith.addi %scan3A_119, %add3A_157 : i32
      %lt3A_159 = arith.constant 84 : i32
      %lt3A_160 = arith.cmpi slt, %add3A_158, %lt3A_159 : i32
      %convert_element_type3A_161 = arith.extui %lt3A_160 : i1 to i32
      %cond3A_162 = arith.constant 0 : i32
      %cond3A_163 = arith.cmpi ne, %convert_element_type3A_161, %cond3A_162 : i32
      scf.if %cond3A_163 {
        %dma_wait3A_803 = arith.constant 0 : i32
        %dma_wait3A_804 = arith.constant 0 : i32
        %dma_wait3A_805 = arith.constant 0 : i32
        %dma_wait3A_806 = tpu.memref_slice %arg13[%dma_wait3A_803, %dma_wait3A_804, %dma_wait3A_805] : memref<4x2x128xi32, #tpu.memory_space<vmem>> -> memref<1x2x128xi32, #tpu.memory_space<vmem>>
        %dma_wait3A_807 = tpu.memref_squeeze %dma_wait3A_806 : memref<1x2x128xi32, #tpu.memory_space<vmem>> -> memref<2x128xi32, #tpu.memory_space<vmem>>
        %dma_wait3A_808 = arith.constant 0 : i32
        %dma_wait3A_809 = arith.constant 0 : i32
        %dma_wait3A_810 = tpu.memref_slice %arg5[%dma_wait3A_808, %dma_wait3A_809] : memref<2688x128xi32, #tpu.memory_space<hbm>> -> memref<2x128xi32, #tpu.memory_space<hbm>>
        %dma_wait3A_811 = arith.constant 0 : i32
        %dma_wait3A_812 = arith.constant 0 : i32
        %dma_wait3A_813 = tpu.memref_slice %arg13[%dma_wait3A_803, %dma_wait3A_811, %dma_wait3A_812] : memref<4x2x128xi32, #tpu.memory_space<vmem>> -> memref<1x2x128xi32, #tpu.memory_space<vmem>>
        %dma_wait3A_814 = tpu.memref_squeeze %dma_wait3A_813 : memref<1x2x128xi32, #tpu.memory_space<vmem>> -> memref<2x128xi32, #tpu.memory_space<vmem>>
        %dma_wait3A_815 = arith.constant 0 : i32
        %dma_wait3A_816 = arith.constant 0 : i32
        %dma_wait3A_817 = tpu.memref_slice %arg5[%dma_wait3A_815, %dma_wait3A_816] : memref<2688x128xi32, #tpu.memory_space<hbm>> -> memref<2x128xi32, #tpu.memory_space<hbm>>
        tpu.wait_dma2 semaphore(%arg21 : memref<!tpu.dma_semaphore, #tpu.memory_space<semaphore_mem>>) src(%dma_wait3A_817 : memref<2x128xi32, #tpu.memory_space<hbm>>) dst(%dma_wait3A_814 : memref<2x128xi32, #tpu.memory_space<vmem>>)
        %dma_wait3A_818 = arith.constant 0 : i32
        %dma_wait3A_819 = arith.constant 0 : i32
        %dma_wait3A_820 = arith.constant 0 : i32
        %dma_wait3A_821 = tpu.memref_slice %arg13[%dma_wait3A_818, %dma_wait3A_819, %dma_wait3A_820] : memref<4x2x128xi32, #tpu.memory_space<vmem>> -> memref<1x2x128xi32, #tpu.memory_space<vmem>>
        %dma_wait3A_822 = tpu.memref_squeeze %dma_wait3A_821 : memref<1x2x128xi32, #tpu.memory_space<vmem>> -> memref<2x128xi32, #tpu.memory_space<vmem>>
        %dma_wait3A_823 = arith.constant 0 : i32
        %dma_wait3A_824 = arith.constant 0 : i32
        %dma_wait3A_825 = tpu.memref_slice %arg5[%dma_wait3A_823, %dma_wait3A_824] : memref<2688x128xi32, #tpu.memory_space<hbm>> -> memref<2x128xi32, #tpu.memory_space<hbm>>
        %dma_wait3A_826 = arith.constant 0 : i32
        %dma_wait3A_827 = arith.constant 0 : i32
        %dma_wait3A_828 = tpu.memref_slice %arg13[%dma_wait3A_818, %dma_wait3A_826, %dma_wait3A_827] : memref<4x2x128xi32, #tpu.memory_space<vmem>> -> memref<1x2x128xi32, #tpu.memory_space<vmem>>
        %dma_wait3A_829 = tpu.memref_squeeze %dma_wait3A_828 : memref<1x2x128xi32, #tpu.memory_space<vmem>> -> memref<2x128xi32, #tpu.memory_space<vmem>>
        %dma_wait3A_830 = arith.constant 0 : i32
        %dma_wait3A_831 = arith.constant 0 : i32
        %dma_wait3A_832 = tpu.memref_slice %arg5[%dma_wait3A_830, %dma_wait3A_831] : memref<2688x128xi32, #tpu.memory_space<hbm>> -> memref<2x128xi32, #tpu.memory_space<hbm>>
        tpu.wait_dma2 semaphore(%arg21 : memref<!tpu.dma_semaphore, #tpu.memory_space<semaphore_mem>>) src(%dma_wait3A_832 : memref<2x128xi32, #tpu.memory_space<hbm>>) dst(%dma_wait3A_829 : memref<2x128xi32, #tpu.memory_space<vmem>>)
        %add3A_833 = arith.constant 1 : i32
        %add3A_834 = arith.addi %scan3A_119, %add3A_833 : i32
        %jit3A_835 = arith.constant 4 : i32
        %eq3A_836 = arith.constant 0 : i32
        %eq3A_837 = arith.cmpi eq, %jit3A_835, %eq3A_836 : i32
        %jit3A_838 = arith.constant 1 : i32
        %select_n3A_839 = arith.select %eq3A_837, %jit3A_838, %jit3A_835 : i32
        %rem3A_840 = arith.remsi %add3A_834, %select_n3A_839 : i32
        %ne3A_841 = arith.constant 0 : i32
        %ne3A_842 = arith.cmpi ne, %rem3A_840, %ne3A_841 : i32
        %lt3A_843 = arith.constant 0 : i32
        %lt3A_844 = arith.cmpi slt, %rem3A_840, %lt3A_843 : i32
        %lt3A_845 = arith.constant 0 : i32
        %lt3A_846 = arith.cmpi slt, %select_n3A_839, %lt3A_845 : i32
        %ne3A_847 = arith.xori %lt3A_844, %lt3A_846 : i1
        %and3A_848 = arith.andi %ne3A_847, %ne3A_842 : i1
        %add3A_849 = arith.addi %rem3A_840, %select_n3A_839 : i32
        %select_n3A_850 = arith.select %and3A_848, %add3A_849, %rem3A_840 : i32
        %add3A_851 = arith.constant 1 : i32
        %add3A_852 = arith.addi %scan3A_119, %add3A_851 : i32
        %jit3A_853 = arith.constant 3 : i32
        %eq3A_854 = arith.constant 0 : i32
        %eq3A_855 = arith.cmpi eq, %jit3A_853, %eq3A_854 : i32
        %jit3A_856 = arith.constant 1 : i32
        %select_n3A_857 = arith.select %eq3A_855, %jit3A_856, %jit3A_853 : i32
        %rem3A_858 = arith.remsi %add3A_852, %select_n3A_857 : i32
        %ne3A_859 = arith.constant 0 : i32
        %ne3A_860 = arith.cmpi ne, %rem3A_858, %ne3A_859 : i32
        %lt3A_861 = arith.constant 0 : i32
        %lt3A_862 = arith.cmpi slt, %rem3A_858, %lt3A_861 : i32
        %lt3A_863 = arith.constant 0 : i32
        %lt3A_864 = arith.cmpi slt, %select_n3A_857, %lt3A_863 : i32
        %ne3A_865 = arith.xori %lt3A_862, %lt3A_864 : i1
        %and3A_866 = arith.andi %ne3A_865, %ne3A_860 : i1
        %add3A_867 = arith.addi %rem3A_858, %select_n3A_857 : i32
        %select_n3A_868 = arith.select %and3A_866, %add3A_867, %rem3A_858 : i32
        %dma_start3A_869 = arith.constant 0 : i32
        %dma_start3A_870 = arith.constant 0 : i32
        %dma_start3A_871 = arith.constant 0 : i32
        %dma_start3A_872 = tpu.memref_slice %arg15[%select_n3A_868, %dma_start3A_870, %dma_start3A_871] : memref<3x256x64xf32, #tpu.memory_space<vmem>> -> memref<1x256x64xf32, #tpu.memory_space<vmem>>
        %dma_start3A_873 = tpu.memref_squeeze %dma_start3A_872 : memref<1x256x64xf32, #tpu.memory_space<vmem>> -> memref<256x64xf32, #tpu.memory_space<vmem>>
        %dma_start3A_874 = arith.constant 0 : i32
        %dma_start3A_875 = arith.constant 0 : i32
        %dma_start3A_876 = tpu.memref_slice %dma_start3A_873[%dma_start3A_874, %dma_start3A_875] : memref<256x64xf32, #tpu.memory_space<vmem>> -> memref<128x64xf32, #tpu.memory_space<vmem>>
        %dma_start3A_877 = arith.constant 0 : i32
        %dma_start3A_878 = arith.constant 0 : i32
        %dma_start3A_879 = tpu.memref_slice %arg13[%select_n3A_850, %dma_start3A_877, %dma_start3A_878] : memref<4x2x128xi32, #tpu.memory_space<vmem>> -> memref<1x2x128xi32, #tpu.memory_space<vmem>>
        %dma_start3A_880 = tpu.memref_squeeze %dma_start3A_879 : memref<1x2x128xi32, #tpu.memory_space<vmem>> -> memref<2x128xi32, #tpu.memory_space<vmem>>
        %dma_start3A_881 = arith.constant 0 : i32
        %dma_start3A_882 = tpu.memref_slice %dma_start3A_880[%dma_start3A_869, %dma_start3A_881] : memref<2x128xi32, #tpu.memory_space<vmem>> -> memref<1x128xi32, #tpu.memory_space<vmem>>
        %dma_start3A_883 = tpu.memref_squeeze %dma_start3A_882 : memref<1x128xi32, #tpu.memory_space<vmem>> -> memref<128xi32, #tpu.memory_space<vmem>>
        %dma_start3A_884 = arith.constant 0 : i32
        %dma_start3A_885 = arith.constant 0 : i32
        %dma_start3A_886 = tpu.memref_slice %arg2[%arg0, %dma_start3A_884, %dma_start3A_885] : memref<2x10240x64xf32, #tpu.memory_space<hbm>> -> memref<1x10240x64xf32, #tpu.memory_space<hbm>>
        %dma_start3A_887 = tpu.memref_squeeze %dma_start3A_886 : memref<1x10240x64xf32, #tpu.memory_space<hbm>> -> memref<10240x64xf32, #tpu.memory_space<hbm>>
        %dma_start3A_888 = arith.constant 0 : i32
        %dma_start3A_889 = arith.constant 0 : i32
        %dma_start3A_890 = tpu.memref_slice %dma_start3A_887[%dma_start3A_888, %dma_start3A_889] : memref<10240x64xf32, #tpu.memory_space<hbm>> -> memref<10240x64xf32, #tpu.memory_space<hbm>>
        tpu.enqueue_indirect_dma source(%dma_start3A_890 : memref<10240x64xf32, #tpu.memory_space<hbm>>) target(%dma_start3A_876 : memref<128x64xf32, #tpu.memory_space<vmem>>) offsets(%dma_start3A_883 : memref<128xi32, #tpu.memory_space<vmem>>) semaphore(%arg19 : memref<!tpu.dma_semaphore, #tpu.memory_space<semaphore_mem>>)
        %dma_start3A_891 = arith.constant 1 : i32
        %dma_start3A_892 = arith.constant 0 : i32
        %dma_start3A_893 = arith.constant 0 : i32
        %dma_start3A_894 = tpu.memref_slice %arg15[%select_n3A_868, %dma_start3A_892, %dma_start3A_893] : memref<3x256x64xf32, #tpu.memory_space<vmem>> -> memref<1x256x64xf32, #tpu.memory_space<vmem>>
        %dma_start3A_895 = tpu.memref_squeeze %dma_start3A_894 : memref<1x256x64xf32, #tpu.memory_space<vmem>> -> memref<256x64xf32, #tpu.memory_space<vmem>>
        %dma_start3A_896 = arith.constant 128 : i32
        %dma_start3A_897 = arith.constant 0 : i32
        %dma_start3A_898 = tpu.memref_slice %dma_start3A_895[%dma_start3A_896, %dma_start3A_897] : memref<256x64xf32, #tpu.memory_space<vmem>> -> memref<128x64xf32, #tpu.memory_space<vmem>>
        %dma_start3A_899 = arith.constant 0 : i32
        %dma_start3A_900 = arith.constant 0 : i32
        %dma_start3A_901 = tpu.memref_slice %arg13[%select_n3A_850, %dma_start3A_899, %dma_start3A_900] : memref<4x2x128xi32, #tpu.memory_space<vmem>> -> memref<1x2x128xi32, #tpu.memory_space<vmem>>
        %dma_start3A_902 = tpu.memref_squeeze %dma_start3A_901 : memref<1x2x128xi32, #tpu.memory_space<vmem>> -> memref<2x128xi32, #tpu.memory_space<vmem>>
        %dma_start3A_903 = arith.constant 0 : i32
        %dma_start3A_904 = tpu.memref_slice %dma_start3A_902[%dma_start3A_891, %dma_start3A_903] : memref<2x128xi32, #tpu.memory_space<vmem>> -> memref<1x128xi32, #tpu.memory_space<vmem>>
        %dma_start3A_905 = tpu.memref_squeeze %dma_start3A_904 : memref<1x128xi32, #tpu.memory_space<vmem>> -> memref<128xi32, #tpu.memory_space<vmem>>
        %dma_start3A_906 = arith.constant 0 : i32
        %dma_start3A_907 = arith.constant 0 : i32
        %dma_start3A_908 = tpu.memref_slice %arg2[%arg0, %dma_start3A_906, %dma_start3A_907] : memref<2x10240x64xf32, #tpu.memory_space<hbm>> -> memref<1x10240x64xf32, #tpu.memory_space<hbm>>
        %dma_start3A_909 = tpu.memref_squeeze %dma_start3A_908 : memref<1x10240x64xf32, #tpu.memory_space<hbm>> -> memref<10240x64xf32, #tpu.memory_space<hbm>>
        %dma_start3A_910 = arith.constant 0 : i32
        %dma_start3A_911 = arith.constant 0 : i32
        %dma_start3A_912 = tpu.memref_slice %dma_start3A_909[%dma_start3A_910, %dma_start3A_911] : memref<10240x64xf32, #tpu.memory_space<hbm>> -> memref<10240x64xf32, #tpu.memory_space<hbm>>
        tpu.enqueue_indirect_dma source(%dma_start3A_912 : memref<10240x64xf32, #tpu.memory_space<hbm>>) target(%dma_start3A_898 : memref<128x64xf32, #tpu.memory_space<vmem>>) offsets(%dma_start3A_905 : memref<128xi32, #tpu.memory_space<vmem>>) semaphore(%arg19 : memref<!tpu.dma_semaphore, #tpu.memory_space<semaphore_mem>>)
      } else {
      }
      %dma_wait3A_164 = arith.constant 0 : i32
      %dma_wait3A_165 = arith.constant 0 : i32
      %dma_wait3A_166 = arith.constant 0 : i32
      %dma_wait3A_167 = tpu.memref_slice %arg15[%dma_wait3A_164, %dma_wait3A_165, %dma_wait3A_166] : memref<3x256x64xf32, #tpu.memory_space<vmem>> -> memref<1x256x64xf32, #tpu.memory_space<vmem>>
      %dma_wait3A_168 = tpu.memref_squeeze %dma_wait3A_167 : memref<1x256x64xf32, #tpu.memory_space<vmem>> -> memref<256x64xf32, #tpu.memory_space<vmem>>
      %dma_wait3A_169 = arith.constant 0 : i32
      %dma_wait3A_170 = arith.constant 0 : i32
      %dma_wait3A_171 = tpu.memref_slice %arg7[%dma_wait3A_169, %dma_wait3A_170] : memref<10240x64xf32, #tpu.memory_space<hbm>> -> memref<256x64xf32, #tpu.memory_space<hbm>>
      %dma_wait3A_172 = arith.constant 0 : i32
      %dma_wait3A_173 = arith.constant 0 : i32
      %dma_wait3A_174 = tpu.memref_slice %arg15[%dma_wait3A_164, %dma_wait3A_172, %dma_wait3A_173] : memref<3x256x64xf32, #tpu.memory_space<vmem>> -> memref<1x256x64xf32, #tpu.memory_space<vmem>>
      %dma_wait3A_175 = tpu.memref_squeeze %dma_wait3A_174 : memref<1x256x64xf32, #tpu.memory_space<vmem>> -> memref<256x64xf32, #tpu.memory_space<vmem>>
      %dma_wait3A_176 = arith.constant 0 : i32
      %dma_wait3A_177 = arith.constant 0 : i32
      %dma_wait3A_178 = tpu.memref_slice %arg7[%dma_wait3A_176, %dma_wait3A_177] : memref<10240x64xf32, #tpu.memory_space<hbm>> -> memref<256x64xf32, #tpu.memory_space<hbm>>
      tpu.wait_dma2 semaphore(%arg19 : memref<!tpu.dma_semaphore, #tpu.memory_space<semaphore_mem>>) src(%dma_wait3A_178 : memref<256x64xf32, #tpu.memory_space<hbm>>) dst(%dma_wait3A_175 : memref<256x64xf32, #tpu.memory_space<vmem>>)
      %scan3A_179 = arith.constant 0 : i32
      %scan3A_180 = arith.constant 0 : i32
      %mul3A_181 = arith.constant 16 : i32
      %mul3A_182 = arith.muli %scan3A_180, %mul3A_181 : i32
      %get3A = arith.constant 0 : i32
      %get3A_183 = arith.index_cast %select_n3A_145 : i32 to index
      %get3A_184 = arith.index_cast %get3A : i32 to index
      %get3A_185 = arith.index_cast %mul3A_182 : i32 to index
      %get3A_186 = tpu.vector_load %arg13[%get3A_183, %get3A_184, %get3A_185] {strides = array<i32>} : memref<4x2x128xi32, #tpu.memory_space<vmem>>, vector<16xi32>,
      %mul3A_187 = arith.constant 16 : i32
      %mul3A_188 = arith.muli %scan3A_180, %mul3A_187 : i32
      %get3A_189 = arith.constant 0 : i32
      %get3A_190 = arith.index_cast %select_n3A_145 : i32 to index
      %get3A_191 = arith.index_cast %get3A_189 : i32 to index
      %get3A_192 = arith.index_cast %mul3A_188 : i32 to index
      %get3A_193 = tpu.vector_load %arg14[%get3A_190, %get3A_191, %get3A_192] {strides = array<i32>} : memref<4x2x128xi32, #tpu.memory_space<vmem>>, vector<16xi32>,
      %gather3A = tpu.vector_load_idx %arg11[%get3A_186] : memref<10240xf32, #tpu.memory_space<vmem>>[vector<16xi32>], vector<16xf32>,
      %gather3A_194 = tpu.vector_load_idx %arg12[%get3A_193] : memref<10240xf32, #tpu.memory_space<vmem>>[vector<16xi32>], vector<16xf32>,
      %add3A_195 = arith.addf %gather3A, %gather3A_194 : vector<16xf32>
      %ge3A_196 = arith.constant 0.000000e+00 : f32
      %ge3A_197 = vector.broadcast %ge3A_196 : f32 to vector<16xf32>
      %ge3A_198 = arith.cmpf oge, %add3A_195, %ge3A_197 : vector<16xf32>
      %mul3A_199 = arith.constant 2.000000e-01 : f32
      %mul3A_200 = vector.broadcast %mul3A_199 : f32 to vector<16xf32>
      %mul3A_201 = arith.mulf %mul3A_200, %add3A_195 : vector<16xf32>
      %select_n3A_202 = arith.select %ge3A_198, %add3A_195, %mul3A_201 : vector<16xi1>, vector<16xf32>
      %exp3A = math.exp %select_n3A_202 : vector<16xf32>
      %mul3A_203 = arith.constant 256 : i32
      %mul3A_204 = arith.muli %select_n3A_129, %mul3A_203 : i32
      %add3A_205 = arith.constant 0 : i32
      %add3A_206 = arith.addi %mul3A_204, %add3A_205 : i32
      %mul3A_207 = arith.constant 16 : i32
      %mul3A_208 = arith.muli %scan3A_180, %mul3A_207 : i32
      %add3A_209 = arith.addi %add3A_206, %mul3A_208 : i32
      %swap3A = arith.index_cast %add3A_209 : i32 to index
      %swap3A_210 = tpu.vector_load %arg16[%swap3A] {strides = array<i32>} : memref<768xf32, #tpu.memory_space<vmem>>, vector<16xf32>,
      tpu.vector_store %arg16[%swap3A], %exp3A {strides = array<i32>} : memref<768xf32, #tpu.memory_space<vmem>>, vector<16xf32>,
      %scan3A_211 = arith.constant 0 : i32
      %scan3A_212 = arith.constant 1 : i32
      %mul3A_213 = arith.constant 16 : i32
      %mul3A_214 = arith.muli %scan3A_212, %mul3A_213 : i32
      %get3A_215 = arith.constant 0 : i32
      %get3A_216 = arith.index_cast %select_n3A_145 : i32 to index
      %get3A_217 = arith.index_cast %get3A_215 : i32 to index
      %get3A_218 = arith.index_cast %mul3A_214 : i32 to index
      %get3A_219 = tpu.vector_load %arg13[%get3A_216, %get3A_217, %get3A_218] {strides = array<i32>} : memref<4x2x128xi32, #tpu.memory_space<vmem>>, vector<16xi32>,
      %mul3A_220 = arith.constant 16 : i32
      %mul3A_221 = arith.muli %scan3A_212, %mul3A_220 : i32
      %get3A_222 = arith.constant 0 : i32
      %get3A_223 = arith.index_cast %select_n3A_145 : i32 to index
      %get3A_224 = arith.index_cast %get3A_222 : i32 to index
      %get3A_225 = arith.index_cast %mul3A_221 : i32 to index
      %get3A_226 = tpu.vector_load %arg14[%get3A_223, %get3A_224, %get3A_225] {strides = array<i32>} : memref<4x2x128xi32, #tpu.memory_space<vmem>>, vector<16xi32>,
      %gather3A_227 = tpu.vector_load_idx %arg11[%get3A_219] : memref<10240xf32, #tpu.memory_space<vmem>>[vector<16xi32>], vector<16xf32>,
      %gather3A_228 = tpu.vector_load_idx %arg12[%get3A_226] : memref<10240xf32, #tpu.memory_space<vmem>>[vector<16xi32>], vector<16xf32>,
      %add3A_229 = arith.addf %gather3A_227, %gather3A_228 : vector<16xf32>
      %ge3A_230 = arith.constant 0.000000e+00 : f32
      %ge3A_231 = vector.broadcast %ge3A_230 : f32 to vector<16xf32>
      %ge3A_232 = arith.cmpf oge, %add3A_229, %ge3A_231 : vector<16xf32>
      %mul3A_233 = arith.constant 2.000000e-01 : f32
      %mul3A_234 = vector.broadcast %mul3A_233 : f32 to vector<16xf32>
      %mul3A_235 = arith.mulf %mul3A_234, %add3A_229 : vector<16xf32>
      %select_n3A_236 = arith.select %ge3A_232, %add3A_229, %mul3A_235 : vector<16xi1>, vector<16xf32>
      %exp3A_237 = math.exp %select_n3A_236 : vector<16xf32>
      %mul3A_238 = arith.constant 256 : i32
      %mul3A_239 = arith.muli %select_n3A_129, %mul3A_238 : i32
      %add3A_240 = arith.constant 0 : i32
      %add3A_241 = arith.addi %mul3A_239, %add3A_240 : i32
      %mul3A_242 = arith.constant 16 : i32
      %mul3A_243 = arith.muli %scan3A_212, %mul3A_242 : i32
      %add3A_244 = arith.addi %add3A_241, %mul3A_243 : i32
      %swap3A_245 = arith.index_cast %add3A_244 : i32 to index
      %swap3A_246 = tpu.vector_load %arg16[%swap3A_245] {strides = array<i32>} : memref<768xf32, #tpu.memory_space<vmem>>, vector<16xf32>,
      tpu.vector_store %arg16[%swap3A_245], %exp3A_237 {strides = array<i32>} : memref<768xf32, #tpu.memory_space<vmem>>, vector<16xf32>,
      %scan3A_247 = arith.constant 0 : i32
      %scan3A_248 = arith.constant 2 : i32
      %mul3A_249 = arith.constant 16 : i32
      %mul3A_250 = arith.muli %scan3A_248, %mul3A_249 : i32
      %get3A_251 = arith.constant 0 : i32
      %get3A_252 = arith.index_cast %select_n3A_145 : i32 to index
      %get3A_253 = arith.index_cast %get3A_251 : i32 to index
      %get3A_254 = arith.index_cast %mul3A_250 : i32 to index
      %get3A_255 = tpu.vector_load %arg13[%get3A_252, %get3A_253, %get3A_254] {strides = array<i32>} : memref<4x2x128xi32, #tpu.memory_space<vmem>>, vector<16xi32>,
      %mul3A_256 = arith.constant 16 : i32
      %mul3A_257 = arith.muli %scan3A_248, %mul3A_256 : i32
      %get3A_258 = arith.constant 0 : i32
      %get3A_259 = arith.index_cast %select_n3A_145 : i32 to index
      %get3A_260 = arith.index_cast %get3A_258 : i32 to index
      %get3A_261 = arith.index_cast %mul3A_257 : i32 to index
      %get3A_262 = tpu.vector_load %arg14[%get3A_259, %get3A_260, %get3A_261] {strides = array<i32>} : memref<4x2x128xi32, #tpu.memory_space<vmem>>, vector<16xi32>,
      %gather3A_263 = tpu.vector_load_idx %arg11[%get3A_255] : memref<10240xf32, #tpu.memory_space<vmem>>[vector<16xi32>], vector<16xf32>,
      %gather3A_264 = tpu.vector_load_idx %arg12[%get3A_262] : memref<10240xf32, #tpu.memory_space<vmem>>[vector<16xi32>], vector<16xf32>,
      %add3A_265 = arith.addf %gather3A_263, %gather3A_264 : vector<16xf32>
      %ge3A_266 = arith.constant 0.000000e+00 : f32
      %ge3A_267 = vector.broadcast %ge3A_266 : f32 to vector<16xf32>
      %ge3A_268 = arith.cmpf oge, %add3A_265, %ge3A_267 : vector<16xf32>
      %mul3A_269 = arith.constant 2.000000e-01 : f32
      %mul3A_270 = vector.broadcast %mul3A_269 : f32 to vector<16xf32>
      %mul3A_271 = arith.mulf %mul3A_270, %add3A_265 : vector<16xf32>
      %select_n3A_272 = arith.select %ge3A_268, %add3A_265, %mul3A_271 : vector<16xi1>, vector<16xf32>
      %exp3A_273 = math.exp %select_n3A_272 : vector<16xf32>
      %mul3A_274 = arith.constant 256 : i32
      %mul3A_275 = arith.muli %select_n3A_129, %mul3A_274 : i32
      %add3A_276 = arith.constant 0 : i32
      %add3A_277 = arith.addi %mul3A_275, %add3A_276 : i32
      %mul3A_278 = arith.constant 16 : i32
      %mul3A_279 = arith.muli %scan3A_248, %mul3A_278 : i32
      %add3A_280 = arith.addi %add3A_277, %mul3A_279 : i32
      %swap3A_281 = arith.index_cast %add3A_280 : i32 to index
      %swap3A_282 = tpu.vector_load %arg16[%swap3A_281] {strides = array<i32>} : memref<768xf32, #tpu.memory_space<vmem>>, vector<16xf32>,
      tpu.vector_store %arg16[%swap3A_281], %exp3A_273 {strides = array<i32>} : memref<768xf32, #tpu.memory_space<vmem>>, vector<16xf32>,
      %scan3A_283 = arith.constant 0 : i32
      %scan3A_284 = arith.constant 3 : i32
      %mul3A_285 = arith.constant 16 : i32
      %mul3A_286 = arith.muli %scan3A_284, %mul3A_285 : i32
      %get3A_287 = arith.constant 0 : i32
      %get3A_288 = arith.index_cast %select_n3A_145 : i32 to index
      %get3A_289 = arith.index_cast %get3A_287 : i32 to index
      %get3A_290 = arith.index_cast %mul3A_286 : i32 to index
      %get3A_291 = tpu.vector_load %arg13[%get3A_288, %get3A_289, %get3A_290] {strides = array<i32>} : memref<4x2x128xi32, #tpu.memory_space<vmem>>, vector<16xi32>,
      %mul3A_292 = arith.constant 16 : i32
      %mul3A_293 = arith.muli %scan3A_284, %mul3A_292 : i32
      %get3A_294 = arith.constant 0 : i32
      %get3A_295 = arith.index_cast %select_n3A_145 : i32 to index
      %get3A_296 = arith.index_cast %get3A_294 : i32 to index
      %get3A_297 = arith.index_cast %mul3A_293 : i32 to index
      %get3A_298 = tpu.vector_load %arg14[%get3A_295, %get3A_296, %get3A_297] {strides = array<i32>} : memref<4x2x128xi32, #tpu.memory_space<vmem>>, vector<16xi32>,
      %gather3A_299 = tpu.vector_load_idx %arg11[%get3A_291] : memref<10240xf32, #tpu.memory_space<vmem>>[vector<16xi32>], vector<16xf32>,
      %gather3A_300 = tpu.vector_load_idx %arg12[%get3A_298] : memref<10240xf32, #tpu.memory_space<vmem>>[vector<16xi32>], vector<16xf32>,
      %add3A_301 = arith.addf %gather3A_299, %gather3A_300 : vector<16xf32>
      %ge3A_302 = arith.constant 0.000000e+00 : f32
      %ge3A_303 = vector.broadcast %ge3A_302 : f32 to vector<16xf32>
      %ge3A_304 = arith.cmpf oge, %add3A_301, %ge3A_303 : vector<16xf32>
      %mul3A_305 = arith.constant 2.000000e-01 : f32
      %mul3A_306 = vector.broadcast %mul3A_305 : f32 to vector<16xf32>
      %mul3A_307 = arith.mulf %mul3A_306, %add3A_301 : vector<16xf32>
      %select_n3A_308 = arith.select %ge3A_304, %add3A_301, %mul3A_307 : vector<16xi1>, vector<16xf32>
      %exp3A_309 = math.exp %select_n3A_308 : vector<16xf32>
      %mul3A_310 = arith.constant 256 : i32
      %mul3A_311 = arith.muli %select_n3A_129, %mul3A_310 : i32
      %add3A_312 = arith.constant 0 : i32
      %add3A_313 = arith.addi %mul3A_311, %add3A_312 : i32
      %mul3A_314 = arith.constant 16 : i32
      %mul3A_315 = arith.muli %scan3A_284, %mul3A_314 : i32
      %add3A_316 = arith.addi %add3A_313, %mul3A_315 : i32
      %swap3A_317 = arith.index_cast %add3A_316 : i32 to index
      %swap3A_318 = tpu.vector_load %arg16[%swap3A_317] {strides = array<i32>} : memref<768xf32, #tpu.memory_space<vmem>>, vector<16xf32>,
      tpu.vector_store %arg16[%swap3A_317], %exp3A_309 {strides = array<i32>} : memref<768xf32, #tpu.memory_space<vmem>>, vector<16xf32>,
      %scan3A_319 = arith.constant 0 : i32
      %scan3A_320 = arith.constant 4 : i32
      %mul3A_321 = arith.constant 16 : i32
      %mul3A_322 = arith.muli %scan3A_320, %mul3A_321 : i32
      %get3A_323 = arith.constant 0 : i32
      %get3A_324 = arith.index_cast %select_n3A_145 : i32 to index
      %get3A_325 = arith.index_cast %get3A_323 : i32 to index
      %get3A_326 = arith.index_cast %mul3A_322 : i32 to index
      %get3A_327 = tpu.vector_load %arg13[%get3A_324, %get3A_325, %get3A_326] {strides = array<i32>} : memref<4x2x128xi32, #tpu.memory_space<vmem>>, vector<16xi32>,
      %mul3A_328 = arith.constant 16 : i32
      %mul3A_329 = arith.muli %scan3A_320, %mul3A_328 : i32
      %get3A_330 = arith.constant 0 : i32
      %get3A_331 = arith.index_cast %select_n3A_145 : i32 to index
      %get3A_332 = arith.index_cast %get3A_330 : i32 to index
      %get3A_333 = arith.index_cast %mul3A_329 : i32 to index
      %get3A_334 = tpu.vector_load %arg14[%get3A_331, %get3A_332, %get3A_333] {strides = array<i32>} : memref<4x2x128xi32, #tpu.memory_space<vmem>>, vector<16xi32>,
      %gather3A_335 = tpu.vector_load_idx %arg11[%get3A_327] : memref<10240xf32, #tpu.memory_space<vmem>>[vector<16xi32>], vector<16xf32>,
      %gather3A_336 = tpu.vector_load_idx %arg12[%get3A_334] : memref<10240xf32, #tpu.memory_space<vmem>>[vector<16xi32>], vector<16xf32>,
      %add3A_337 = arith.addf %gather3A_335, %gather3A_336 : vector<16xf32>
      %ge3A_338 = arith.constant 0.000000e+00 : f32
      %ge3A_339 = vector.broadcast %ge3A_338 : f32 to vector<16xf32>
      %ge3A_340 = arith.cmpf oge, %add3A_337, %ge3A_339 : vector<16xf32>
      %mul3A_341 = arith.constant 2.000000e-01 : f32
      %mul3A_342 = vector.broadcast %mul3A_341 : f32 to vector<16xf32>
      %mul3A_343 = arith.mulf %mul3A_342, %add3A_337 : vector<16xf32>
      %select_n3A_344 = arith.select %ge3A_340, %add3A_337, %mul3A_343 : vector<16xi1>, vector<16xf32>
      %exp3A_345 = math.exp %select_n3A_344 : vector<16xf32>
      %mul3A_346 = arith.constant 256 : i32
      %mul3A_347 = arith.muli %select_n3A_129, %mul3A_346 : i32
      %add3A_348 = arith.constant 0 : i32
      %add3A_349 = arith.addi %mul3A_347, %add3A_348 : i32
      %mul3A_350 = arith.constant 16 : i32
      %mul3A_351 = arith.muli %scan3A_320, %mul3A_350 : i32
      %add3A_352 = arith.addi %add3A_349, %mul3A_351 : i32
      %swap3A_353 = arith.index_cast %add3A_352 : i32 to index
      %swap3A_354 = tpu.vector_load %arg16[%swap3A_353] {strides = array<i32>} : memref<768xf32, #tpu.memory_space<vmem>>, vector<16xf32>,
      tpu.vector_store %arg16[%swap3A_353], %exp3A_345 {strides = array<i32>} : memref<768xf32, #tpu.memory_space<vmem>>, vector<16xf32>,
      %scan3A_355 = arith.constant 0 : i32
      %scan3A_356 = arith.constant 5 : i32
      %mul3A_357 = arith.constant 16 : i32
      %mul3A_358 = arith.muli %scan3A_356, %mul3A_357 : i32
      %get3A_359 = arith.constant 0 : i32
      %get3A_360 = arith.index_cast %select_n3A_145 : i32 to index
      %get3A_361 = arith.index_cast %get3A_359 : i32 to index
      %get3A_362 = arith.index_cast %mul3A_358 : i32 to index
      %get3A_363 = tpu.vector_load %arg13[%get3A_360, %get3A_361, %get3A_362] {strides = array<i32>} : memref<4x2x128xi32, #tpu.memory_space<vmem>>, vector<16xi32>,
      %mul3A_364 = arith.constant 16 : i32
      %mul3A_365 = arith.muli %scan3A_356, %mul3A_364 : i32
      %get3A_366 = arith.constant 0 : i32
      %get3A_367 = arith.index_cast %select_n3A_145 : i32 to index
      %get3A_368 = arith.index_cast %get3A_366 : i32 to index
      %get3A_369 = arith.index_cast %mul3A_365 : i32 to index
      %get3A_370 = tpu.vector_load %arg14[%get3A_367, %get3A_368, %get3A_369] {strides = array<i32>} : memref<4x2x128xi32, #tpu.memory_space<vmem>>, vector<16xi32>,
      %gather3A_371 = tpu.vector_load_idx %arg11[%get3A_363] : memref<10240xf32, #tpu.memory_space<vmem>>[vector<16xi32>], vector<16xf32>,
      %gather3A_372 = tpu.vector_load_idx %arg12[%get3A_370] : memref<10240xf32, #tpu.memory_space<vmem>>[vector<16xi32>], vector<16xf32>,
      %add3A_373 = arith.addf %gather3A_371, %gather3A_372 : vector<16xf32>
      %ge3A_374 = arith.constant 0.000000e+00 : f32
      %ge3A_375 = vector.broadcast %ge3A_374 : f32 to vector<16xf32>
      %ge3A_376 = arith.cmpf oge, %add3A_373, %ge3A_375 : vector<16xf32>
      %mul3A_377 = arith.constant 2.000000e-01 : f32
      %mul3A_378 = vector.broadcast %mul3A_377 : f32 to vector<16xf32>
      %mul3A_379 = arith.mulf %mul3A_378, %add3A_373 : vector<16xf32>
      %select_n3A_380 = arith.select %ge3A_376, %add3A_373, %mul3A_379 : vector<16xi1>, vector<16xf32>
      %exp3A_381 = math.exp %select_n3A_380 : vector<16xf32>
      %mul3A_382 = arith.constant 256 : i32
      %mul3A_383 = arith.muli %select_n3A_129, %mul3A_382 : i32
      %add3A_384 = arith.constant 0 : i32
      %add3A_385 = arith.addi %mul3A_383, %add3A_384 : i32
      %mul3A_386 = arith.constant 16 : i32
      %mul3A_387 = arith.muli %scan3A_356, %mul3A_386 : i32
      %add3A_388 = arith.addi %add3A_385, %mul3A_387 : i32
      %swap3A_389 = arith.index_cast %add3A_388 : i32 to index
      %swap3A_390 = tpu.vector_load %arg16[%swap3A_389] {strides = array<i32>} : memref<768xf32, #tpu.memory_space<vmem>>, vector<16xf32>,
      tpu.vector_store %arg16[%swap3A_389], %exp3A_381 {strides = array<i32>} : memref<768xf32, #tpu.memory_space<vmem>>, vector<16xf32>,
      %scan3A_391 = arith.constant 0 : i32
      %scan3A_392 = arith.constant 6 : i32
      %mul3A_393 = arith.constant 16 : i32
      %mul3A_394 = arith.muli %scan3A_392, %mul3A_393 : i32
      %get3A_395 = arith.constant 0 : i32
      %get3A_396 = arith.index_cast %select_n3A_145 : i32 to index
      %get3A_397 = arith.index_cast %get3A_395 : i32 to index
      %get3A_398 = arith.index_cast %mul3A_394 : i32 to index
      %get3A_399 = tpu.vector_load %arg13[%get3A_396, %get3A_397, %get3A_398] {strides = array<i32>} : memref<4x2x128xi32, #tpu.memory_space<vmem>>, vector<16xi32>,
      %mul3A_400 = arith.constant 16 : i32
      %mul3A_401 = arith.muli %scan3A_392, %mul3A_400 : i32
      %get3A_402 = arith.constant 0 : i32
      %get3A_403 = arith.index_cast %select_n3A_145 : i32 to index
      %get3A_404 = arith.index_cast %get3A_402 : i32 to index
      %get3A_405 = arith.index_cast %mul3A_401 : i32 to index
      %get3A_406 = tpu.vector_load %arg14[%get3A_403, %get3A_404, %get3A_405] {strides = array<i32>} : memref<4x2x128xi32, #tpu.memory_space<vmem>>, vector<16xi32>,
      %gather3A_407 = tpu.vector_load_idx %arg11[%get3A_399] : memref<10240xf32, #tpu.memory_space<vmem>>[vector<16xi32>], vector<16xf32>,
      %gather3A_408 = tpu.vector_load_idx %arg12[%get3A_406] : memref<10240xf32, #tpu.memory_space<vmem>>[vector<16xi32>], vector<16xf32>,
      %add3A_409 = arith.addf %gather3A_407, %gather3A_408 : vector<16xf32>
      %ge3A_410 = arith.constant 0.000000e+00 : f32
      %ge3A_411 = vector.broadcast %ge3A_410 : f32 to vector<16xf32>
      %ge3A_412 = arith.cmpf oge, %add3A_409, %ge3A_411 : vector<16xf32>
      %mul3A_413 = arith.constant 2.000000e-01 : f32
      %mul3A_414 = vector.broadcast %mul3A_413 : f32 to vector<16xf32>
      %mul3A_415 = arith.mulf %mul3A_414, %add3A_409 : vector<16xf32>
      %select_n3A_416 = arith.select %ge3A_412, %add3A_409, %mul3A_415 : vector<16xi1>, vector<16xf32>
      %exp3A_417 = math.exp %select_n3A_416 : vector<16xf32>
      %mul3A_418 = arith.constant 256 : i32
      %mul3A_419 = arith.muli %select_n3A_129, %mul3A_418 : i32
      %add3A_420 = arith.constant 0 : i32
      %add3A_421 = arith.addi %mul3A_419, %add3A_420 : i32
      %mul3A_422 = arith.constant 16 : i32
      %mul3A_423 = arith.muli %scan3A_392, %mul3A_422 : i32
      %add3A_424 = arith.addi %add3A_421, %mul3A_423 : i32
      %swap3A_425 = arith.index_cast %add3A_424 : i32 to index
      %swap3A_426 = tpu.vector_load %arg16[%swap3A_425] {strides = array<i32>} : memref<768xf32, #tpu.memory_space<vmem>>, vector<16xf32>,
      tpu.vector_store %arg16[%swap3A_425], %exp3A_417 {strides = array<i32>} : memref<768xf32, #tpu.memory_space<vmem>>, vector<16xf32>,
      %scan3A_427 = arith.constant 0 : i32
      %scan3A_428 = arith.constant 7 : i32
      %mul3A_429 = arith.constant 16 : i32
      %mul3A_430 = arith.muli %scan3A_428, %mul3A_429 : i32
      %get3A_431 = arith.constant 0 : i32
      %get3A_432 = arith.index_cast %select_n3A_145 : i32 to index
      %get3A_433 = arith.index_cast %get3A_431 : i32 to index
      %get3A_434 = arith.index_cast %mul3A_430 : i32 to index
      %get3A_435 = tpu.vector_load %arg13[%get3A_432, %get3A_433, %get3A_434] {strides = array<i32>} : memref<4x2x128xi32, #tpu.memory_space<vmem>>, vector<16xi32>,
      %mul3A_436 = arith.constant 16 : i32
      %mul3A_437 = arith.muli %scan3A_428, %mul3A_436 : i32
      %get3A_438 = arith.constant 0 : i32
      %get3A_439 = arith.index_cast %select_n3A_145 : i32 to index
      %get3A_440 = arith.index_cast %get3A_438 : i32 to index
      %get3A_441 = arith.index_cast %mul3A_437 : i32 to index
      %get3A_442 = tpu.vector_load %arg14[%get3A_439, %get3A_440, %get3A_441] {strides = array<i32>} : memref<4x2x128xi32, #tpu.memory_space<vmem>>, vector<16xi32>,
      %gather3A_443 = tpu.vector_load_idx %arg11[%get3A_435] : memref<10240xf32, #tpu.memory_space<vmem>>[vector<16xi32>], vector<16xf32>,
      %gather3A_444 = tpu.vector_load_idx %arg12[%get3A_442] : memref<10240xf32, #tpu.memory_space<vmem>>[vector<16xi32>], vector<16xf32>,
      %add3A_445 = arith.addf %gather3A_443, %gather3A_444 : vector<16xf32>
      %ge3A_446 = arith.constant 0.000000e+00 : f32
      %ge3A_447 = vector.broadcast %ge3A_446 : f32 to vector<16xf32>
      %ge3A_448 = arith.cmpf oge, %add3A_445, %ge3A_447 : vector<16xf32>
      %mul3A_449 = arith.constant 2.000000e-01 : f32
      %mul3A_450 = vector.broadcast %mul3A_449 : f32 to vector<16xf32>
      %mul3A_451 = arith.mulf %mul3A_450, %add3A_445 : vector<16xf32>
      %select_n3A_452 = arith.select %ge3A_448, %add3A_445, %mul3A_451 : vector<16xi1>, vector<16xf32>
      %exp3A_453 = math.exp %select_n3A_452 : vector<16xf32>
      %mul3A_454 = arith.constant 256 : i32
      %mul3A_455 = arith.muli %select_n3A_129, %mul3A_454 : i32
      %add3A_456 = arith.constant 0 : i32
      %add3A_457 = arith.addi %mul3A_455, %add3A_456 : i32
      %mul3A_458 = arith.constant 16 : i32
      %mul3A_459 = arith.muli %scan3A_428, %mul3A_458 : i32
      %add3A_460 = arith.addi %add3A_457, %mul3A_459 : i32
      %swap3A_461 = arith.index_cast %add3A_460 : i32 to index
      %swap3A_462 = tpu.vector_load %arg16[%swap3A_461] {strides = array<i32>} : memref<768xf32, #tpu.memory_space<vmem>>, vector<16xf32>,
      tpu.vector_store %arg16[%swap3A_461], %exp3A_453 {strides = array<i32>} : memref<768xf32, #tpu.memory_space<vmem>>, vector<16xf32>,
      %scan3A_463 = arith.constant 0 : i32
      %scan3A_464 = arith.constant 8 : i32
      %scan3A_465 = arith.constant 0 : i32
      %scan3A_466 = arith.constant 0 : i32
      %mul3A_467 = arith.constant 16 : i32
      %mul3A_468 = arith.muli %scan3A_466, %mul3A_467 : i32
      %get3A_469 = arith.constant 1 : i32
      %get3A_470 = arith.index_cast %select_n3A_145 : i32 to index
      %get3A_471 = arith.index_cast %get3A_469 : i32 to index
      %get3A_472 = arith.index_cast %mul3A_468 : i32 to index
      %get3A_473 = tpu.vector_load %arg13[%get3A_470, %get3A_471, %get3A_472] {strides = array<i32>} : memref<4x2x128xi32, #tpu.memory_space<vmem>>, vector<16xi32>,
      %mul3A_474 = arith.constant 16 : i32
      %mul3A_475 = arith.muli %scan3A_466, %mul3A_474 : i32
      %get3A_476 = arith.constant 1 : i32
      %get3A_477 = arith.index_cast %select_n3A_145 : i32 to index
      %get3A_478 = arith.index_cast %get3A_476 : i32 to index
      %get3A_479 = arith.index_cast %mul3A_475 : i32 to index
      %get3A_480 = tpu.vector_load %arg14[%get3A_477, %get3A_478, %get3A_479] {strides = array<i32>} : memref<4x2x128xi32, #tpu.memory_space<vmem>>, vector<16xi32>,
      %gather3A_481 = tpu.vector_load_idx %arg11[%get3A_473] : memref<10240xf32, #tpu.memory_space<vmem>>[vector<16xi32>], vector<16xf32>,
      %gather3A_482 = tpu.vector_load_idx %arg12[%get3A_480] : memref<10240xf32, #tpu.memory_space<vmem>>[vector<16xi32>], vector<16xf32>,
      %add3A_483 = arith.addf %gather3A_481, %gather3A_482 : vector<16xf32>
      %ge3A_484 = arith.constant 0.000000e+00 : f32
      %ge3A_485 = vector.broadcast %ge3A_484 : f32 to vector<16xf32>
      %ge3A_486 = arith.cmpf oge, %add3A_483, %ge3A_485 : vector<16xf32>
      %mul3A_487 = arith.constant 2.000000e-01 : f32
      %mul3A_488 = vector.broadcast %mul3A_487 : f32 to vector<16xf32>
      %mul3A_489 = arith.mulf %mul3A_488, %add3A_483 : vector<16xf32>
      %select_n3A_490 = arith.select %ge3A_486, %add3A_483, %mul3A_489 : vector<16xi1>, vector<16xf32>
      %exp3A_491 = math.exp %select_n3A_490 : vector<16xf32>
      %mul3A_492 = arith.constant 256 : i32
      %mul3A_493 = arith.muli %select_n3A_129, %mul3A_492 : i32
      %add3A_494 = arith.constant 128 : i32
      %add3A_495 = arith.addi %mul3A_493, %add3A_494 : i32
      %mul3A_496 = arith.constant 16 : i32
      %mul3A_497 = arith.muli %scan3A_466, %mul3A_496 : i32
      %add3A_498 = arith.addi %add3A_495, %mul3A_497 : i32
      %swap3A_499 = arith.index_cast %add3A_498 : i32 to index
      %swap3A_500 = tpu.vector_load %arg16[%swap3A_499] {strides = array<i32>} : memref<768xf32, #tpu.memory_space<vmem>>, vector<16xf32>,
      tpu.vector_store %arg16[%swap3A_499], %exp3A_491 {strides = array<i32>} : memref<768xf32, #tpu.memory_space<vmem>>, vector<16xf32>,
      %scan3A_501 = arith.constant 0 : i32
      %scan3A_502 = arith.constant 1 : i32
      %mul3A_503 = arith.constant 16 : i32
      %mul3A_504 = arith.muli %scan3A_502, %mul3A_503 : i32
      %get3A_505 = arith.constant 1 : i32
      %get3A_506 = arith.index_cast %select_n3A_145 : i32 to index
      %get3A_507 = arith.index_cast %get3A_505 : i32 to index
      %get3A_508 = arith.index_cast %mul3A_504 : i32 to index
      %get3A_509 = tpu.vector_load %arg13[%get3A_506, %get3A_507, %get3A_508] {strides = array<i32>} : memref<4x2x128xi32, #tpu.memory_space<vmem>>, vector<16xi32>,
      %mul3A_510 = arith.constant 16 : i32
      %mul3A_511 = arith.muli %scan3A_502, %mul3A_510 : i32
      %get3A_512 = arith.constant 1 : i32
      %get3A_513 = arith.index_cast %select_n3A_145 : i32 to index
      %get3A_514 = arith.index_cast %get3A_512 : i32 to index
      %get3A_515 = arith.index_cast %mul3A_511 : i32 to index
      %get3A_516 = tpu.vector_load %arg14[%get3A_513, %get3A_514, %get3A_515] {strides = array<i32>} : memref<4x2x128xi32, #tpu.memory_space<vmem>>, vector<16xi32>,
      %gather3A_517 = tpu.vector_load_idx %arg11[%get3A_509] : memref<10240xf32, #tpu.memory_space<vmem>>[vector<16xi32>], vector<16xf32>,
      %gather3A_518 = tpu.vector_load_idx %arg12[%get3A_516] : memref<10240xf32, #tpu.memory_space<vmem>>[vector<16xi32>], vector<16xf32>,
      %add3A_519 = arith.addf %gather3A_517, %gather3A_518 : vector<16xf32>
      %ge3A_520 = arith.constant 0.000000e+00 : f32
      %ge3A_521 = vector.broadcast %ge3A_520 : f32 to vector<16xf32>
      %ge3A_522 = arith.cmpf oge, %add3A_519, %ge3A_521 : vector<16xf32>
      %mul3A_523 = arith.constant 2.000000e-01 : f32
      %mul3A_524 = vector.broadcast %mul3A_523 : f32 to vector<16xf32>
      %mul3A_525 = arith.mulf %mul3A_524, %add3A_519 : vector<16xf32>
      %select_n3A_526 = arith.select %ge3A_522, %add3A_519, %mul3A_525 : vector<16xi1>, vector<16xf32>
      %exp3A_527 = math.exp %select_n3A_526 : vector<16xf32>
      %mul3A_528 = arith.constant 256 : i32
      %mul3A_529 = arith.muli %select_n3A_129, %mul3A_528 : i32
      %add3A_530 = arith.constant 128 : i32
      %add3A_531 = arith.addi %mul3A_529, %add3A_530 : i32
      %mul3A_532 = arith.constant 16 : i32
      %mul3A_533 = arith.muli %scan3A_502, %mul3A_532 : i32
      %add3A_534 = arith.addi %add3A_531, %mul3A_533 : i32
      %swap3A_535 = arith.index_cast %add3A_534 : i32 to index
      %swap3A_536 = tpu.vector_load %arg16[%swap3A_535] {strides = array<i32>} : memref<768xf32, #tpu.memory_space<vmem>>, vector<16xf32>,
      tpu.vector_store %arg16[%swap3A_535], %exp3A_527 {strides = array<i32>} : memref<768xf32, #tpu.memory_space<vmem>>, vector<16xf32>,
      %scan3A_537 = arith.constant 0 : i32
      %scan3A_538 = arith.constant 2 : i32
      %mul3A_539 = arith.constant 16 : i32
      %mul3A_540 = arith.muli %scan3A_538, %mul3A_539 : i32
      %get3A_541 = arith.constant 1 : i32
      %get3A_542 = arith.index_cast %select_n3A_145 : i32 to index
      %get3A_543 = arith.index_cast %get3A_541 : i32 to index
      %get3A_544 = arith.index_cast %mul3A_540 : i32 to index
      %get3A_545 = tpu.vector_load %arg13[%get3A_542, %get3A_543, %get3A_544] {strides = array<i32>} : memref<4x2x128xi32, #tpu.memory_space<vmem>>, vector<16xi32>,
      %mul3A_546 = arith.constant 16 : i32
      %mul3A_547 = arith.muli %scan3A_538, %mul3A_546 : i32
      %get3A_548 = arith.constant 1 : i32
      %get3A_549 = arith.index_cast %select_n3A_145 : i32 to index
      %get3A_550 = arith.index_cast %get3A_548 : i32 to index
      %get3A_551 = arith.index_cast %mul3A_547 : i32 to index
      %get3A_552 = tpu.vector_load %arg14[%get3A_549, %get3A_550, %get3A_551] {strides = array<i32>} : memref<4x2x128xi32, #tpu.memory_space<vmem>>, vector<16xi32>,
      %gather3A_553 = tpu.vector_load_idx %arg11[%get3A_545] : memref<10240xf32, #tpu.memory_space<vmem>>[vector<16xi32>], vector<16xf32>,
      %gather3A_554 = tpu.vector_load_idx %arg12[%get3A_552] : memref<10240xf32, #tpu.memory_space<vmem>>[vector<16xi32>], vector<16xf32>,
      %add3A_555 = arith.addf %gather3A_553, %gather3A_554 : vector<16xf32>
      %ge3A_556 = arith.constant 0.000000e+00 : f32
      %ge3A_557 = vector.broadcast %ge3A_556 : f32 to vector<16xf32>
      %ge3A_558 = arith.cmpf oge, %add3A_555, %ge3A_557 : vector<16xf32>
      %mul3A_559 = arith.constant 2.000000e-01 : f32
      %mul3A_560 = vector.broadcast %mul3A_559 : f32 to vector<16xf32>
      %mul3A_561 = arith.mulf %mul3A_560, %add3A_555 : vector<16xf32>
      %select_n3A_562 = arith.select %ge3A_558, %add3A_555, %mul3A_561 : vector<16xi1>, vector<16xf32>
      %exp3A_563 = math.exp %select_n3A_562 : vector<16xf32>
      %mul3A_564 = arith.constant 256 : i32
      %mul3A_565 = arith.muli %select_n3A_129, %mul3A_564 : i32
      %add3A_566 = arith.constant 128 : i32
      %add3A_567 = arith.addi %mul3A_565, %add3A_566 : i32
      %mul3A_568 = arith.constant 16 : i32
      %mul3A_569 = arith.muli %scan3A_538, %mul3A_568 : i32
      %add3A_570 = arith.addi %add3A_567, %mul3A_569 : i32
      %swap3A_571 = arith.index_cast %add3A_570 : i32 to index
      %swap3A_572 = tpu.vector_load %arg16[%swap3A_571] {strides = array<i32>} : memref<768xf32, #tpu.memory_space<vmem>>, vector<16xf32>,
      tpu.vector_store %arg16[%swap3A_571], %exp3A_563 {strides = array<i32>} : memref<768xf32, #tpu.memory_space<vmem>>, vector<16xf32>,
      %scan3A_573 = arith.constant 0 : i32
      %scan3A_574 = arith.constant 3 : i32
      %mul3A_575 = arith.constant 16 : i32
      %mul3A_576 = arith.muli %scan3A_574, %mul3A_575 : i32
      %get3A_577 = arith.constant 1 : i32
      %get3A_578 = arith.index_cast %select_n3A_145 : i32 to index
      %get3A_579 = arith.index_cast %get3A_577 : i32 to index
      %get3A_580 = arith.index_cast %mul3A_576 : i32 to index
      %get3A_581 = tpu.vector_load %arg13[%get3A_578, %get3A_579, %get3A_580] {strides = array<i32>} : memref<4x2x128xi32, #tpu.memory_space<vmem>>, vector<16xi32>,
      %mul3A_582 = arith.constant 16 : i32
      %mul3A_583 = arith.muli %scan3A_574, %mul3A_582 : i32
      %get3A_584 = arith.constant 1 : i32
      %get3A_585 = arith.index_cast %select_n3A_145 : i32 to index
      %get3A_586 = arith.index_cast %get3A_584 : i32 to index
      %get3A_587 = arith.index_cast %mul3A_583 : i32 to index
      %get3A_588 = tpu.vector_load %arg14[%get3A_585, %get3A_586, %get3A_587] {strides = array<i32>} : memref<4x2x128xi32, #tpu.memory_space<vmem>>, vector<16xi32>,
      %gather3A_589 = tpu.vector_load_idx %arg11[%get3A_581] : memref<10240xf32, #tpu.memory_space<vmem>>[vector<16xi32>], vector<16xf32>,
      %gather3A_590 = tpu.vector_load_idx %arg12[%get3A_588] : memref<10240xf32, #tpu.memory_space<vmem>>[vector<16xi32>], vector<16xf32>,
      %add3A_591 = arith.addf %gather3A_589, %gather3A_590 : vector<16xf32>
      %ge3A_592 = arith.constant 0.000000e+00 : f32
      %ge3A_593 = vector.broadcast %ge3A_592 : f32 to vector<16xf32>
      %ge3A_594 = arith.cmpf oge, %add3A_591, %ge3A_593 : vector<16xf32>
      %mul3A_595 = arith.constant 2.000000e-01 : f32
      %mul3A_596 = vector.broadcast %mul3A_595 : f32 to vector<16xf32>
      %mul3A_597 = arith.mulf %mul3A_596, %add3A_591 : vector<16xf32>
      %select_n3A_598 = arith.select %ge3A_594, %add3A_591, %mul3A_597 : vector<16xi1>, vector<16xf32>
      %exp3A_599 = math.exp %select_n3A_598 : vector<16xf32>
      %mul3A_600 = arith.constant 256 : i32
      %mul3A_601 = arith.muli %select_n3A_129, %mul3A_600 : i32
      %add3A_602 = arith.constant 128 : i32
      %add3A_603 = arith.addi %mul3A_601, %add3A_602 : i32
      %mul3A_604 = arith.constant 16 : i32
      %mul3A_605 = arith.muli %scan3A_574, %mul3A_604 : i32
      %add3A_606 = arith.addi %add3A_603, %mul3A_605 : i32
      %swap3A_607 = arith.index_cast %add3A_606 : i32 to index
      %swap3A_608 = tpu.vector_load %arg16[%swap3A_607] {strides = array<i32>} : memref<768xf32, #tpu.memory_space<vmem>>, vector<16xf32>,
      tpu.vector_store %arg16[%swap3A_607], %exp3A_599 {strides = array<i32>} : memref<768xf32, #tpu.memory_space<vmem>>, vector<16xf32>,
      %scan3A_609 = arith.constant 0 : i32
      %scan3A_610 = arith.constant 4 : i32
      %mul3A_611 = arith.constant 16 : i32
      %mul3A_612 = arith.muli %scan3A_610, %mul3A_611 : i32
      %get3A_613 = arith.constant 1 : i32
      %get3A_614 = arith.index_cast %select_n3A_145 : i32 to index
      %get3A_615 = arith.index_cast %get3A_613 : i32 to index
      %get3A_616 = arith.index_cast %mul3A_612 : i32 to index
      %get3A_617 = tpu.vector_load %arg13[%get3A_614, %get3A_615, %get3A_616] {strides = array<i32>} : memref<4x2x128xi32, #tpu.memory_space<vmem>>, vector<16xi32>,
      %mul3A_618 = arith.constant 16 : i32
      %mul3A_619 = arith.muli %scan3A_610, %mul3A_618 : i32
      %get3A_620 = arith.constant 1 : i32
      %get3A_621 = arith.index_cast %select_n3A_145 : i32 to index
      %get3A_622 = arith.index_cast %get3A_620 : i32 to index
      %get3A_623 = arith.index_cast %mul3A_619 : i32 to index
      %get3A_624 = tpu.vector_load %arg14[%get3A_621, %get3A_622, %get3A_623] {strides = array<i32>} : memref<4x2x128xi32, #tpu.memory_space<vmem>>, vector<16xi32>,
      %gather3A_625 = tpu.vector_load_idx %arg11[%get3A_617] : memref<10240xf32, #tpu.memory_space<vmem>>[vector<16xi32>], vector<16xf32>,
      %gather3A_626 = tpu.vector_load_idx %arg12[%get3A_624] : memref<10240xf32, #tpu.memory_space<vmem>>[vector<16xi32>], vector<16xf32>,
      %add3A_627 = arith.addf %gather3A_625, %gather3A_626 : vector<16xf32>
      %ge3A_628 = arith.constant 0.000000e+00 : f32
      %ge3A_629 = vector.broadcast %ge3A_628 : f32 to vector<16xf32>
      %ge3A_630 = arith.cmpf oge, %add3A_627, %ge3A_629 : vector<16xf32>
      %mul3A_631 = arith.constant 2.000000e-01 : f32
      %mul3A_632 = vector.broadcast %mul3A_631 : f32 to vector<16xf32>
      %mul3A_633 = arith.mulf %mul3A_632, %add3A_627 : vector<16xf32>
      %select_n3A_634 = arith.select %ge3A_630, %add3A_627, %mul3A_633 : vector<16xi1>, vector<16xf32>
      %exp3A_635 = math.exp %select_n3A_634 : vector<16xf32>
      %mul3A_636 = arith.constant 256 : i32
      %mul3A_637 = arith.muli %select_n3A_129, %mul3A_636 : i32
      %add3A_638 = arith.constant 128 : i32
      %add3A_639 = arith.addi %mul3A_637, %add3A_638 : i32
      %mul3A_640 = arith.constant 16 : i32
      %mul3A_641 = arith.muli %scan3A_610, %mul3A_640 : i32
      %add3A_642 = arith.addi %add3A_639, %mul3A_641 : i32
      %swap3A_643 = arith.index_cast %add3A_642 : i32 to index
      %swap3A_644 = tpu.vector_load %arg16[%swap3A_643] {strides = array<i32>} : memref<768xf32, #tpu.memory_space<vmem>>, vector<16xf32>,
      tpu.vector_store %arg16[%swap3A_643], %exp3A_635 {strides = array<i32>} : memref<768xf32, #tpu.memory_space<vmem>>, vector<16xf32>,
      %scan3A_645 = arith.constant 0 : i32
      %scan3A_646 = arith.constant 5 : i32
      %mul3A_647 = arith.constant 16 : i32
      %mul3A_648 = arith.muli %scan3A_646, %mul3A_647 : i32
      %get3A_649 = arith.constant 1 : i32
      %get3A_650 = arith.index_cast %select_n3A_145 : i32 to index
      %get3A_651 = arith.index_cast %get3A_649 : i32 to index
      %get3A_652 = arith.index_cast %mul3A_648 : i32 to index
      %get3A_653 = tpu.vector_load %arg13[%get3A_650, %get3A_651, %get3A_652] {strides = array<i32>} : memref<4x2x128xi32, #tpu.memory_space<vmem>>, vector<16xi32>,
      %mul3A_654 = arith.constant 16 : i32
      %mul3A_655 = arith.muli %scan3A_646, %mul3A_654 : i32
      %get3A_656 = arith.constant 1 : i32
      %get3A_657 = arith.index_cast %select_n3A_145 : i32 to index
      %get3A_658 = arith.index_cast %get3A_656 : i32 to index
      %get3A_659 = arith.index_cast %mul3A_655 : i32 to index
      %get3A_660 = tpu.vector_load %arg14[%get3A_657, %get3A_658, %get3A_659] {strides = array<i32>} : memref<4x2x128xi32, #tpu.memory_space<vmem>>, vector<16xi32>,
      %gather3A_661 = tpu.vector_load_idx %arg11[%get3A_653] : memref<10240xf32, #tpu.memory_space<vmem>>[vector<16xi32>], vector<16xf32>,
      %gather3A_662 = tpu.vector_load_idx %arg12[%get3A_660] : memref<10240xf32, #tpu.memory_space<vmem>>[vector<16xi32>], vector<16xf32>,
      %add3A_663 = arith.addf %gather3A_661, %gather3A_662 : vector<16xf32>
      %ge3A_664 = arith.constant 0.000000e+00 : f32
      %ge3A_665 = vector.broadcast %ge3A_664 : f32 to vector<16xf32>
      %ge3A_666 = arith.cmpf oge, %add3A_663, %ge3A_665 : vector<16xf32>
      %mul3A_667 = arith.constant 2.000000e-01 : f32
      %mul3A_668 = vector.broadcast %mul3A_667 : f32 to vector<16xf32>
      %mul3A_669 = arith.mulf %mul3A_668, %add3A_663 : vector<16xf32>
      %select_n3A_670 = arith.select %ge3A_666, %add3A_663, %mul3A_669 : vector<16xi1>, vector<16xf32>
      %exp3A_671 = math.exp %select_n3A_670 : vector<16xf32>
      %mul3A_672 = arith.constant 256 : i32
      %mul3A_673 = arith.muli %select_n3A_129, %mul3A_672 : i32
      %add3A_674 = arith.constant 128 : i32
      %add3A_675 = arith.addi %mul3A_673, %add3A_674 : i32
      %mul3A_676 = arith.constant 16 : i32
      %mul3A_677 = arith.muli %scan3A_646, %mul3A_676 : i32
      %add3A_678 = arith.addi %add3A_675, %mul3A_677 : i32
      %swap3A_679 = arith.index_cast %add3A_678 : i32 to index
      %swap3A_680 = tpu.vector_load %arg16[%swap3A_679] {strides = array<i32>} : memref<768xf32, #tpu.memory_space<vmem>>, vector<16xf32>,
      tpu.vector_store %arg16[%swap3A_679], %exp3A_671 {strides = array<i32>} : memref<768xf32, #tpu.memory_space<vmem>>, vector<16xf32>,
      %scan3A_681 = arith.constant 0 : i32
      %scan3A_682 = arith.constant 6 : i32
      %mul3A_683 = arith.constant 16 : i32
      %mul3A_684 = arith.muli %scan3A_682, %mul3A_683 : i32
      %get3A_685 = arith.constant 1 : i32
      %get3A_686 = arith.index_cast %select_n3A_145 : i32 to index
      %get3A_687 = arith.index_cast %get3A_685 : i32 to index
      %get3A_688 = arith.index_cast %mul3A_684 : i32 to index
      %get3A_689 = tpu.vector_load %arg13[%get3A_686, %get3A_687, %get3A_688] {strides = array<i32>} : memref<4x2x128xi32, #tpu.memory_space<vmem>>, vector<16xi32>,
      %mul3A_690 = arith.constant 16 : i32
      %mul3A_691 = arith.muli %scan3A_682, %mul3A_690 : i32
      %get3A_692 = arith.constant 1 : i32
      %get3A_693 = arith.index_cast %select_n3A_145 : i32 to index
      %get3A_694 = arith.index_cast %get3A_692 : i32 to index
      %get3A_695 = arith.index_cast %mul3A_691 : i32 to index
      %get3A_696 = tpu.vector_load %arg14[%get3A_693, %get3A_694, %get3A_695] {strides = array<i32>} : memref<4x2x128xi32, #tpu.memory_space<vmem>>, vector<16xi32>,
      %gather3A_697 = tpu.vector_load_idx %arg11[%get3A_689] : memref<10240xf32, #tpu.memory_space<vmem>>[vector<16xi32>], vector<16xf32>,
      %gather3A_698 = tpu.vector_load_idx %arg12[%get3A_696] : memref<10240xf32, #tpu.memory_space<vmem>>[vector<16xi32>], vector<16xf32>,
      %add3A_699 = arith.addf %gather3A_697, %gather3A_698 : vector<16xf32>
      %ge3A_700 = arith.constant 0.000000e+00 : f32
      %ge3A_701 = vector.broadcast %ge3A_700 : f32 to vector<16xf32>
      %ge3A_702 = arith.cmpf oge, %add3A_699, %ge3A_701 : vector<16xf32>
      %mul3A_703 = arith.constant 2.000000e-01 : f32
      %mul3A_704 = vector.broadcast %mul3A_703 : f32 to vector<16xf32>
      %mul3A_705 = arith.mulf %mul3A_704, %add3A_699 : vector<16xf32>
      %select_n3A_706 = arith.select %ge3A_702, %add3A_699, %mul3A_705 : vector<16xi1>, vector<16xf32>
      %exp3A_707 = math.exp %select_n3A_706 : vector<16xf32>
      %mul3A_708 = arith.constant 256 : i32
      %mul3A_709 = arith.muli %select_n3A_129, %mul3A_708 : i32
      %add3A_710 = arith.constant 128 : i32
      %add3A_711 = arith.addi %mul3A_709, %add3A_710 : i32
      %mul3A_712 = arith.constant 16 : i32
      %mul3A_713 = arith.muli %scan3A_682, %mul3A_712 : i32
      %add3A_714 = arith.addi %add3A_711, %mul3A_713 : i32
      %swap3A_715 = arith.index_cast %add3A_714 : i32 to index
      %swap3A_716 = tpu.vector_load %arg16[%swap3A_715] {strides = array<i32>} : memref<768xf32, #tpu.memory_space<vmem>>, vector<16xf32>,
      tpu.vector_store %arg16[%swap3A_715], %exp3A_707 {strides = array<i32>} : memref<768xf32, #tpu.memory_space<vmem>>, vector<16xf32>,
      %scan3A_717 = arith.constant 0 : i32
      %scan3A_718 = arith.constant 7 : i32
      %mul3A_719 = arith.constant 16 : i32
      %mul3A_720 = arith.muli %scan3A_718, %mul3A_719 : i32
      %get3A_721 = arith.constant 1 : i32
      %get3A_722 = arith.index_cast %select_n3A_145 : i32 to index
      %get3A_723 = arith.index_cast %get3A_721 : i32 to index
      %get3A_724 = arith.index_cast %mul3A_720 : i32 to index
      %get3A_725 = tpu.vector_load %arg13[%get3A_722, %get3A_723, %get3A_724] {strides = array<i32>} : memref<4x2x128xi32, #tpu.memory_space<vmem>>, vector<16xi32>,
      %mul3A_726 = arith.constant 16 : i32
      %mul3A_727 = arith.muli %scan3A_718, %mul3A_726 : i32
      %get3A_728 = arith.constant 1 : i32
      %get3A_729 = arith.index_cast %select_n3A_145 : i32 to index
      %get3A_730 = arith.index_cast %get3A_728 : i32 to index
      %get3A_731 = arith.index_cast %mul3A_727 : i32 to index
      %get3A_732 = tpu.vector_load %arg14[%get3A_729, %get3A_730, %get3A_731] {strides = array<i32>} : memref<4x2x128xi32, #tpu.memory_space<vmem>>, vector<16xi32>,
      %gather3A_733 = tpu.vector_load_idx %arg11[%get3A_725] : memref<10240xf32, #tpu.memory_space<vmem>>[vector<16xi32>], vector<16xf32>,
      %gather3A_734 = tpu.vector_load_idx %arg12[%get3A_732] : memref<10240xf32, #tpu.memory_space<vmem>>[vector<16xi32>], vector<16xf32>,
      %add3A_735 = arith.addf %gather3A_733, %gather3A_734 : vector<16xf32>
      %ge3A_736 = arith.constant 0.000000e+00 : f32
      %ge3A_737 = vector.broadcast %ge3A_736 : f32 to vector<16xf32>
      %ge3A_738 = arith.cmpf oge, %add3A_735, %ge3A_737 : vector<16xf32>
      %mul3A_739 = arith.constant 2.000000e-01 : f32
      %mul3A_740 = vector.broadcast %mul3A_739 : f32 to vector<16xf32>
      %mul3A_741 = arith.mulf %mul3A_740, %add3A_735 : vector<16xf32>
      %select_n3A_742 = arith.select %ge3A_738, %add3A_735, %mul3A_741 : vector<16xi1>, vector<16xf32>
      %exp3A_743 = math.exp %select_n3A_742 : vector<16xf32>
      %mul3A_744 = arith.constant 256 : i32
      %mul3A_745 = arith.muli %select_n3A_129, %mul3A_744 : i32
      %add3A_746 = arith.constant 128 : i32
      %add3A_747 = arith.addi %mul3A_745, %add3A_746 : i32
      %mul3A_748 = arith.constant 16 : i32
      %mul3A_749 = arith.muli %scan3A_718, %mul3A_748 : i32
      %add3A_750 = arith.addi %add3A_747, %mul3A_749 : i32
      %swap3A_751 = arith.index_cast %add3A_750 : i32 to index
      %swap3A_752 = tpu.vector_load %arg16[%swap3A_751] {strides = array<i32>} : memref<768xf32, #tpu.memory_space<vmem>>, vector<16xf32>,
      tpu.vector_store %arg16[%swap3A_751], %exp3A_743 {strides = array<i32>} : memref<768xf32, #tpu.memory_space<vmem>>, vector<16xf32>,
      %scan3A_753 = arith.constant 0 : i32
      %scan3A_754 = arith.constant 8 : i32
      %scan3A_755 = arith.constant 0 : i32
      %scan3A_756 = arith.constant 0 : i32
      %scan3A_757 = arith.constant 256 : i32
      %scan3A_758 = arith.addi %scan3A_756, %scan3A_757 : i32
      %scan3A_759 = arith.constant 4 : i32
      %scan3A_760 = scf.for %scan3A_803 = %scan3A_756 to %scan3A_758 step %scan3A_759 iter_args(%scan3A_804 = %scan3A_755) -> (i32)  : i32 {
        %mul3A_805 = arith.constant 256 : i32
        %mul3A_806 = arith.muli %select_n3A_129, %mul3A_805 : i32
        %add3A_807 = arith.addi %mul3A_806, %scan3A_803 : i32
        %broadcast_in_dim3A = vector.broadcast %add3A_807 : i32 to vector<16xi32>
        %gather3A_808 = tpu.vector_load_idx %arg16[%broadcast_in_dim3A] : memref<768xf32, #tpu.memory_space<vmem>>[vector<16xi32>], vector<16xf32>,
        %get3A_809 = arith.index_cast %select_n3A_129 : i32 to index
        %get3A_810 = arith.index_cast %scan3A_803 : i32 to index
        %get3A_811 = arith.constant 0 : index
        %get3A_812 = tpu.vector_load %arg15[%get3A_809, %get3A_810, %get3A_811] {strides = array<i32>} : memref<3x256x64xf32, #tpu.memory_space<vmem>>, vector<16xf32>,
        %mul3A_813 = arith.mulf %get3A_812, %gather3A_808 : vector<16xf32>
        %swap3A_814 = arith.index_cast %select_n3A_129 : i32 to index
        %swap3A_815 = arith.index_cast %scan3A_803 : i32 to index
        %swap3A_816 = arith.constant 0 : index
        %swap3A_817 = tpu.vector_load %arg15[%swap3A_814, %swap3A_815, %swap3A_816] {strides = array<i32>} : memref<3x256x64xf32, #tpu.memory_space<vmem>>, vector<16xf32>,
        tpu.vector_store %arg15[%swap3A_814, %swap3A_815, %swap3A_816], %mul3A_813 {strides = array<i32>} : memref<3x256x64xf32, #tpu.memory_space<vmem>>, vector<16xf32>,
        %get3A_818 = arith.index_cast %select_n3A_129 : i32 to index
        %get3A_819 = arith.index_cast %scan3A_803 : i32 to index
        %get3A_820 = arith.constant 16 : index
        %get3A_821 = tpu.vector_load %arg15[%get3A_818, %get3A_819, %get3A_820] {strides = array<i32>} : memref<3x256x64xf32, #tpu.memory_space<vmem>>, vector<16xf32>,
        %mul3A_822 = arith.mulf %get3A_821, %gather3A_808 : vector<16xf32>
        %swap3A_823 = arith.index_cast %select_n3A_129 : i32 to index
        %swap3A_824 = arith.index_cast %scan3A_803 : i32 to index
        %swap3A_825 = arith.constant 16 : index
        %swap3A_826 = tpu.vector_load %arg15[%swap3A_823, %swap3A_824, %swap3A_825] {strides = array<i32>} : memref<3x256x64xf32, #tpu.memory_space<vmem>>, vector<16xf32>,
        tpu.vector_store %arg15[%swap3A_823, %swap3A_824, %swap3A_825], %mul3A_822 {strides = array<i32>} : memref<3x256x64xf32, #tpu.memory_space<vmem>>, vector<16xf32>,
        %get3A_827 = arith.index_cast %select_n3A_129 : i32 to index
        %get3A_828 = arith.index_cast %scan3A_803 : i32 to index
        %get3A_829 = arith.constant 32 : index
        %get3A_830 = tpu.vector_load %arg15[%get3A_827, %get3A_828, %get3A_829] {strides = array<i32>} : memref<3x256x64xf32, #tpu.memory_space<vmem>>, vector<16xf32>,
        %mul3A_831 = arith.mulf %get3A_830, %gather3A_808 : vector<16xf32>
        %swap3A_832 = arith.index_cast %select_n3A_129 : i32 to index
        %swap3A_833 = arith.index_cast %scan3A_803 : i32 to index
        %swap3A_834 = arith.constant 32 : index
        %swap3A_835 = tpu.vector_load %arg15[%swap3A_832, %swap3A_833, %swap3A_834] {strides = array<i32>} : memref<3x256x64xf32, #tpu.memory_space<vmem>>, vector<16xf32>,
        tpu.vector_store %arg15[%swap3A_832, %swap3A_833, %swap3A_834], %mul3A_831 {strides = array<i32>} : memref<3x256x64xf32, #tpu.memory_space<vmem>>, vector<16xf32>,
        %get3A_836 = arith.index_cast %select_n3A_129 : i32 to index
        %get3A_837 = arith.index_cast %scan3A_803 : i32 to index
        %get3A_838 = arith.constant 48 : index
        %get3A_839 = tpu.vector_load %arg15[%get3A_836, %get3A_837, %get3A_838] {strides = array<i32>} : memref<3x256x64xf32, #tpu.memory_space<vmem>>, vector<16xf32>,
        %mul3A_840 = arith.mulf %get3A_839, %gather3A_808 : vector<16xf32>
        %swap3A_841 = arith.index_cast %select_n3A_129 : i32 to index
        %swap3A_842 = arith.index_cast %scan3A_803 : i32 to index
        %swap3A_843 = arith.constant 48 : index
        %swap3A_844 = tpu.vector_load %arg15[%swap3A_841, %swap3A_842, %swap3A_843] {strides = array<i32>} : memref<3x256x64xf32, #tpu.memory_space<vmem>>, vector<16xf32>,
        tpu.vector_store %arg15[%swap3A_841, %swap3A_842, %swap3A_843], %mul3A_840 {strides = array<i32>} : memref<3x256x64xf32, #tpu.memory_space<vmem>>, vector<16xf32>,
        %scan3A_845 = arith.constant 0 : i32
        %scan3A_846 = arith.constant 1 : i32
        %scan3A_847 = arith.addi %scan3A_803, %scan3A_846 : i32
        %mul3A_848 = arith.constant 256 : i32
        %mul3A_849 = arith.muli %select_n3A_129, %mul3A_848 : i32
        %add3A_850 = arith.addi %mul3A_849, %scan3A_847 : i32
        %broadcast_in_dim3A_851 = vector.broadcast %add3A_850 : i32 to vector<16xi32>
        %gather3A_852 = tpu.vector_load_idx %arg16[%broadcast_in_dim3A_851] : memref<768xf32, #tpu.memory_space<vmem>>[vector<16xi32>], vector<16xf32>,
        %get3A_853 = arith.index_cast %select_n3A_129 : i32 to index
        %get3A_854 = arith.index_cast %scan3A_847 : i32 to index
        %get3A_855 = arith.constant 0 : index
        %get3A_856 = tpu.vector_load %arg15[%get3A_853, %get3A_854, %get3A_855] {strides = array<i32>} : memref<3x256x64xf32, #tpu.memory_space<vmem>>, vector<16xf32>,
        %mul3A_857 = arith.mulf %get3A_856, %gather3A_852 : vector<16xf32>
        %swap3A_858 = arith.index_cast %select_n3A_129 : i32 to index
        %swap3A_859 = arith.index_cast %scan3A_847 : i32 to index
        %swap3A_860 = arith.constant 0 : index
        %swap3A_861 = tpu.vector_load %arg15[%swap3A_858, %swap3A_859, %swap3A_860] {strides = array<i32>} : memref<3x256x64xf32, #tpu.memory_space<vmem>>, vector<16xf32>,
        tpu.vector_store %arg15[%swap3A_858, %swap3A_859, %swap3A_860], %mul3A_857 {strides = array<i32>} : memref<3x256x64xf32, #tpu.memory_space<vmem>>, vector<16xf32>,
        %get3A_862 = arith.index_cast %select_n3A_129 : i32 to index
        %get3A_863 = arith.index_cast %scan3A_847 : i32 to index
        %get3A_864 = arith.constant 16 : index
        %get3A_865 = tpu.vector_load %arg15[%get3A_862, %get3A_863, %get3A_864] {strides = array<i32>} : memref<3x256x64xf32, #tpu.memory_space<vmem>>, vector<16xf32>,
        %mul3A_866 = arith.mulf %get3A_865, %gather3A_852 : vector<16xf32>
        %swap3A_867 = arith.index_cast %select_n3A_129 : i32 to index
        %swap3A_868 = arith.index_cast %scan3A_847 : i32 to index
        %swap3A_869 = arith.constant 16 : index
        %swap3A_870 = tpu.vector_load %arg15[%swap3A_867, %swap3A_868, %swap3A_869] {strides = array<i32>} : memref<3x256x64xf32, #tpu.memory_space<vmem>>, vector<16xf32>,
        tpu.vector_store %arg15[%swap3A_867, %swap3A_868, %swap3A_869], %mul3A_866 {strides = array<i32>} : memref<3x256x64xf32, #tpu.memory_space<vmem>>, vector<16xf32>,
        %get3A_871 = arith.index_cast %select_n3A_129 : i32 to index
        %get3A_872 = arith.index_cast %scan3A_847 : i32 to index
        %get3A_873 = arith.constant 32 : index
        %get3A_874 = tpu.vector_load %arg15[%get3A_871, %get3A_872, %get3A_873] {strides = array<i32>} : memref<3x256x64xf32, #tpu.memory_space<vmem>>, vector<16xf32>,
        %mul3A_875 = arith.mulf %get3A_874, %gather3A_852 : vector<16xf32>
        %swap3A_876 = arith.index_cast %select_n3A_129 : i32 to index
        %swap3A_877 = arith.index_cast %scan3A_847 : i32 to index
        %swap3A_878 = arith.constant 32 : index
        %swap3A_879 = tpu.vector_load %arg15[%swap3A_876, %swap3A_877, %swap3A_878] {strides = array<i32>} : memref<3x256x64xf32, #tpu.memory_space<vmem>>, vector<16xf32>,
        tpu.vector_store %arg15[%swap3A_876, %swap3A_877, %swap3A_878], %mul3A_875 {strides = array<i32>} : memref<3x256x64xf32, #tpu.memory_space<vmem>>, vector<16xf32>,
        %get3A_880 = arith.index_cast %select_n3A_129 : i32 to index
        %get3A_881 = arith.index_cast %scan3A_847 : i32 to index
        %get3A_882 = arith.constant 48 : index
        %get3A_883 = tpu.vector_load %arg15[%get3A_880, %get3A_881, %get3A_882] {strides = array<i32>} : memref<3x256x64xf32, #tpu.memory_space<vmem>>, vector<16xf32>,
        %mul3A_884 = arith.mulf %get3A_883, %gather3A_852 : vector<16xf32>
        %swap3A_885 = arith.index_cast %select_n3A_129 : i32 to index
        %swap3A_886 = arith.index_cast %scan3A_847 : i32 to index
        %swap3A_887 = arith.constant 48 : index
        %swap3A_888 = tpu.vector_load %arg15[%swap3A_885, %swap3A_886, %swap3A_887] {strides = array<i32>} : memref<3x256x64xf32, #tpu.memory_space<vmem>>, vector<16xf32>,
        tpu.vector_store %arg15[%swap3A_885, %swap3A_886, %swap3A_887], %mul3A_884 {strides = array<i32>} : memref<3x256x64xf32, #tpu.memory_space<vmem>>, vector<16xf32>,
        %scan3A_889 = arith.constant 0 : i32
        %scan3A_890 = arith.constant 2 : i32
        %scan3A_891 = arith.addi %scan3A_803, %scan3A_890 : i32
        %mul3A_892 = arith.constant 256 : i32
        %mul3A_893 = arith.muli %select_n3A_129, %mul3A_892 : i32
        %add3A_894 = arith.addi %mul3A_893, %scan3A_891 : i32
        %broadcast_in_dim3A_895 = vector.broadcast %add3A_894 : i32 to vector<16xi32>
        %gather3A_896 = tpu.vector_load_idx %arg16[%broadcast_in_dim3A_895] : memref<768xf32, #tpu.memory_space<vmem>>[vector<16xi32>], vector<16xf32>,
        %get3A_897 = arith.index_cast %select_n3A_129 : i32 to index
        %get3A_898 = arith.index_cast %scan3A_891 : i32 to index
        %get3A_899 = arith.constant 0 : index
        %get3A_900 = tpu.vector_load %arg15[%get3A_897, %get3A_898, %get3A_899] {strides = array<i32>} : memref<3x256x64xf32, #tpu.memory_space<vmem>>, vector<16xf32>,
        %mul3A_901 = arith.mulf %get3A_900, %gather3A_896 : vector<16xf32>
        %swap3A_902 = arith.index_cast %select_n3A_129 : i32 to index
        %swap3A_903 = arith.index_cast %scan3A_891 : i32 to index
        %swap3A_904 = arith.constant 0 : index
        %swap3A_905 = tpu.vector_load %arg15[%swap3A_902, %swap3A_903, %swap3A_904] {strides = array<i32>} : memref<3x256x64xf32, #tpu.memory_space<vmem>>, vector<16xf32>,
        tpu.vector_store %arg15[%swap3A_902, %swap3A_903, %swap3A_904], %mul3A_901 {strides = array<i32>} : memref<3x256x64xf32, #tpu.memory_space<vmem>>, vector<16xf32>,
        %get3A_906 = arith.index_cast %select_n3A_129 : i32 to index
        %get3A_907 = arith.index_cast %scan3A_891 : i32 to index
        %get3A_908 = arith.constant 16 : index
        %get3A_909 = tpu.vector_load %arg15[%get3A_906, %get3A_907, %get3A_908] {strides = array<i32>} : memref<3x256x64xf32, #tpu.memory_space<vmem>>, vector<16xf32>,
        %mul3A_910 = arith.mulf %get3A_909, %gather3A_896 : vector<16xf32>
        %swap3A_911 = arith.index_cast %select_n3A_129 : i32 to index
        %swap3A_912 = arith.index_cast %scan3A_891 : i32 to index
        %swap3A_913 = arith.constant 16 : index
        %swap3A_914 = tpu.vector_load %arg15[%swap3A_911, %swap3A_912, %swap3A_913] {strides = array<i32>} : memref<3x256x64xf32, #tpu.memory_space<vmem>>, vector<16xf32>,
        tpu.vector_store %arg15[%swap3A_911, %swap3A_912, %swap3A_913], %mul3A_910 {strides = array<i32>} : memref<3x256x64xf32, #tpu.memory_space<vmem>>, vector<16xf32>,
        %get3A_915 = arith.index_cast %select_n3A_129 : i32 to index
        %get3A_916 = arith.index_cast %scan3A_891 : i32 to index
        %get3A_917 = arith.constant 32 : index
        %get3A_918 = tpu.vector_load %arg15[%get3A_915, %get3A_916, %get3A_917] {strides = array<i32>} : memref<3x256x64xf32, #tpu.memory_space<vmem>>, vector<16xf32>,
        %mul3A_919 = arith.mulf %get3A_918, %gather3A_896 : vector<16xf32>
        %swap3A_920 = arith.index_cast %select_n3A_129 : i32 to index
        %swap3A_921 = arith.index_cast %scan3A_891 : i32 to index
        %swap3A_922 = arith.constant 32 : index
        %swap3A_923 = tpu.vector_load %arg15[%swap3A_920, %swap3A_921, %swap3A_922] {strides = array<i32>} : memref<3x256x64xf32, #tpu.memory_space<vmem>>, vector<16xf32>,
        tpu.vector_store %arg15[%swap3A_920, %swap3A_921, %swap3A_922], %mul3A_919 {strides = array<i32>} : memref<3x256x64xf32, #tpu.memory_space<vmem>>, vector<16xf32>,
        %get3A_924 = arith.index_cast %select_n3A_129 : i32 to index
        %get3A_925 = arith.index_cast %scan3A_891 : i32 to index
        %get3A_926 = arith.constant 48 : index
        %get3A_927 = tpu.vector_load %arg15[%get3A_924, %get3A_925, %get3A_926] {strides = array<i32>} : memref<3x256x64xf32, #tpu.memory_space<vmem>>, vector<16xf32>,
        %mul3A_928 = arith.mulf %get3A_927, %gather3A_896 : vector<16xf32>
        %swap3A_929 = arith.index_cast %select_n3A_129 : i32 to index
        %swap3A_930 = arith.index_cast %scan3A_891 : i32 to index
        %swap3A_931 = arith.constant 48 : index
        %swap3A_932 = tpu.vector_load %arg15[%swap3A_929, %swap3A_930, %swap3A_931] {strides = array<i32>} : memref<3x256x64xf32, #tpu.memory_space<vmem>>, vector<16xf32>,
        tpu.vector_store %arg15[%swap3A_929, %swap3A_930, %swap3A_931], %mul3A_928 {strides = array<i32>} : memref<3x256x64xf32, #tpu.memory_space<vmem>>, vector<16xf32>,
        %scan3A_933 = arith.constant 0 : i32
        %scan3A_934 = arith.constant 3 : i32
        %scan3A_935 = arith.addi %scan3A_803, %scan3A_934 : i32
        %mul3A_936 = arith.constant 256 : i32
        %mul3A_937 = arith.muli %select_n3A_129, %mul3A_936 : i32
        %add3A_938 = arith.addi %mul3A_937, %scan3A_935 : i32
        %broadcast_in_dim3A_939 = vector.broadcast %add3A_938 : i32 to vector<16xi32>
        %gather3A_940 = tpu.vector_load_idx %arg16[%broadcast_in_dim3A_939] : memref<768xf32, #tpu.memory_space<vmem>>[vector<16xi32>], vector<16xf32>,
        %get3A_941 = arith.index_cast %select_n3A_129 : i32 to index
        %get3A_942 = arith.index_cast %scan3A_935 : i32 to index
        %get3A_943 = arith.constant 0 : index
        %get3A_944 = tpu.vector_load %arg15[%get3A_941, %get3A_942, %get3A_943] {strides = array<i32>} : memref<3x256x64xf32, #tpu.memory_space<vmem>>, vector<16xf32>,
        %mul3A_945 = arith.mulf %get3A_944, %gather3A_940 : vector<16xf32>
        %swap3A_946 = arith.index_cast %select_n3A_129 : i32 to index
        %swap3A_947 = arith.index_cast %scan3A_935 : i32 to index
        %swap3A_948 = arith.constant 0 : index
        %swap3A_949 = tpu.vector_load %arg15[%swap3A_946, %swap3A_947, %swap3A_948] {strides = array<i32>} : memref<3x256x64xf32, #tpu.memory_space<vmem>>, vector<16xf32>,
        tpu.vector_store %arg15[%swap3A_946, %swap3A_947, %swap3A_948], %mul3A_945 {strides = array<i32>} : memref<3x256x64xf32, #tpu.memory_space<vmem>>, vector<16xf32>,
        %get3A_950 = arith.index_cast %select_n3A_129 : i32 to index
        %get3A_951 = arith.index_cast %scan3A_935 : i32 to index
        %get3A_952 = arith.constant 16 : index
        %get3A_953 = tpu.vector_load %arg15[%get3A_950, %get3A_951, %get3A_952] {strides = array<i32>} : memref<3x256x64xf32, #tpu.memory_space<vmem>>, vector<16xf32>,
        %mul3A_954 = arith.mulf %get3A_953, %gather3A_940 : vector<16xf32>
        %swap3A_955 = arith.index_cast %select_n3A_129 : i32 to index
        %swap3A_956 = arith.index_cast %scan3A_935 : i32 to index
        %swap3A_957 = arith.constant 16 : index
        %swap3A_958 = tpu.vector_load %arg15[%swap3A_955, %swap3A_956, %swap3A_957] {strides = array<i32>} : memref<3x256x64xf32, #tpu.memory_space<vmem>>, vector<16xf32>,
        tpu.vector_store %arg15[%swap3A_955, %swap3A_956, %swap3A_957], %mul3A_954 {strides = array<i32>} : memref<3x256x64xf32, #tpu.memory_space<vmem>>, vector<16xf32>,
        %get3A_959 = arith.index_cast %select_n3A_129 : i32 to index
        %get3A_960 = arith.index_cast %scan3A_935 : i32 to index
        %get3A_961 = arith.constant 32 : index
        %get3A_962 = tpu.vector_load %arg15[%get3A_959, %get3A_960, %get3A_961] {strides = array<i32>} : memref<3x256x64xf32, #tpu.memory_space<vmem>>, vector<16xf32>,
        %mul3A_963 = arith.mulf %get3A_962, %gather3A_940 : vector<16xf32>
        %swap3A_964 = arith.index_cast %select_n3A_129 : i32 to index
        %swap3A_965 = arith.index_cast %scan3A_935 : i32 to index
        %swap3A_966 = arith.constant 32 : index
        %swap3A_967 = tpu.vector_load %arg15[%swap3A_964, %swap3A_965, %swap3A_966] {strides = array<i32>} : memref<3x256x64xf32, #tpu.memory_space<vmem>>, vector<16xf32>,
        tpu.vector_store %arg15[%swap3A_964, %swap3A_965, %swap3A_966], %mul3A_963 {strides = array<i32>} : memref<3x256x64xf32, #tpu.memory_space<vmem>>, vector<16xf32>,
        %get3A_968 = arith.index_cast %select_n3A_129 : i32 to index
        %get3A_969 = arith.index_cast %scan3A_935 : i32 to index
        %get3A_970 = arith.constant 48 : index
        %get3A_971 = tpu.vector_load %arg15[%get3A_968, %get3A_969, %get3A_970] {strides = array<i32>} : memref<3x256x64xf32, #tpu.memory_space<vmem>>, vector<16xf32>,
        %mul3A_972 = arith.mulf %get3A_971, %gather3A_940 : vector<16xf32>
        %swap3A_973 = arith.index_cast %select_n3A_129 : i32 to index
        %swap3A_974 = arith.index_cast %scan3A_935 : i32 to index
        %swap3A_975 = arith.constant 48 : index
        %swap3A_976 = tpu.vector_load %arg15[%swap3A_973, %swap3A_974, %swap3A_975] {strides = array<i32>} : memref<3x256x64xf32, #tpu.memory_space<vmem>>, vector<16xf32>,
        tpu.vector_store %arg15[%swap3A_973, %swap3A_974, %swap3A_975], %mul3A_972 {strides = array<i32>} : memref<3x256x64xf32, #tpu.memory_space<vmem>>, vector<16xf32>,
        %scan3A_977 = arith.constant 0 : i32
        scf.yield %scan3A_977 : i32
      }
      %scan3A_761 = arith.constant 256 : i32
      %dma_start3A_762 = arith.constant 0 : i32
      %dma_start3A_763 = arith.constant 0 : i32
      %dma_start3A_764 = arith.constant 0 : i32
      %dma_start3A_765 = tpu.memref_slice %arg15[%select_n3A_129, %dma_start3A_763, %dma_start3A_764] : memref<3x256x64xf32, #tpu.memory_space<vmem>> -> memref<1x256x64xf32, #tpu.memory_space<vmem>>
      %dma_start3A_766 = tpu.memref_squeeze %dma_start3A_765 : memref<1x256x64xf32, #tpu.memory_space<vmem>> -> memref<256x64xf32, #tpu.memory_space<vmem>>
      %dma_start3A_767 = arith.constant 0 : i32
      %dma_start3A_768 = arith.constant 0 : i32
      %dma_start3A_769 = tpu.memref_slice %dma_start3A_766[%dma_start3A_767, %dma_start3A_768] : memref<256x64xf32, #tpu.memory_space<vmem>> -> memref<128x64xf32, #tpu.memory_space<vmem>>
      %dma_start3A_770 = arith.constant 0 : i32
      %dma_start3A_771 = arith.constant 0 : i32
      %dma_start3A_772 = tpu.memref_slice %arg14[%select_n3A_145, %dma_start3A_770, %dma_start3A_771] : memref<4x2x128xi32, #tpu.memory_space<vmem>> -> memref<1x2x128xi32, #tpu.memory_space<vmem>>
      %dma_start3A_773 = tpu.memref_squeeze %dma_start3A_772 : memref<1x2x128xi32, #tpu.memory_space<vmem>> -> memref<2x128xi32, #tpu.memory_space<vmem>>
      %dma_start3A_774 = arith.constant 0 : i32
      %dma_start3A_775 = tpu.memref_slice %dma_start3A_773[%dma_start3A_762, %dma_start3A_774] : memref<2x128xi32, #tpu.memory_space<vmem>> -> memref<1x128xi32, #tpu.memory_space<vmem>>
      %dma_start3A_776 = tpu.memref_squeeze %dma_start3A_775 : memref<1x128xi32, #tpu.memory_space<vmem>> -> memref<128xi32, #tpu.memory_space<vmem>>
      %dma_start3A_777 = arith.constant 0 : i32
      %dma_start3A_778 = arith.constant 0 : i32
      %dma_start3A_779 = tpu.memref_slice %arg17[%dma_start3A_777, %dma_start3A_778] : memref<10240x64xf32, #tpu.memory_space<vmem_shared>> -> memref<10240x64xf32, #tpu.memory_space<vmem_shared>>
      tpu.enqueue_indirect_dma source(%dma_start3A_769 : memref<128x64xf32, #tpu.memory_space<vmem>>) target(%dma_start3A_779 : memref<10240x64xf32, #tpu.memory_space<vmem_shared>>) offsets(%dma_start3A_776 : memref<128xi32, #tpu.memory_space<vmem>>) semaphore(%arg20 : memref<!tpu.dma_semaphore, #tpu.memory_space<semaphore_mem>>) {add = true}
      %dma_start3A_780 = arith.constant 1 : i32
      %dma_start3A_781 = arith.constant 0 : i32
      %dma_start3A_782 = arith.constant 0 : i32
      %dma_start3A_783 = tpu.memref_slice %arg15[%select_n3A_129, %dma_start3A_781, %dma_start3A_782] : memref<3x256x64xf32, #tpu.memory_space<vmem>> -> memref<1x256x64xf32, #tpu.memory_space<vmem>>
      %dma_start3A_784 = tpu.memref_squeeze %dma_start3A_783 : memref<1x256x64xf32, #tpu.memory_space<vmem>> -> memref<256x64xf32, #tpu.memory_space<vmem>>
      %dma_start3A_785 = arith.constant 128 : i32
      %dma_start3A_786 = arith.constant 0 : i32
      %dma_start3A_787 = tpu.memref_slice %dma_start3A_784[%dma_start3A_785, %dma_start3A_786] : memref<256x64xf32, #tpu.memory_space<vmem>> -> memref<128x64xf32, #tpu.memory_space<vmem>>
      %dma_start3A_788 = arith.constant 0 : i32
      %dma_start3A_789 = arith.constant 0 : i32
      %dma_start3A_790 = tpu.memref_slice %arg14[%select_n3A_145, %dma_start3A_788, %dma_start3A_789] : memref<4x2x128xi32, #tpu.memory_space<vmem>> -> memref<1x2x128xi32, #tpu.memory_space<vmem>>
      %dma_start3A_791 = tpu.memref_squeeze %dma_start3A_790 : memref<1x2x128xi32, #tpu.memory_space<vmem>> -> memref<2x128xi32, #tpu.memory_space<vmem>>
      %dma_start3A_792 = arith.constant 0 : i32
      %dma_start3A_793 = tpu.memref_slice %dma_start3A_791[%dma_start3A_780, %dma_start3A_792] : memref<2x128xi32, #tpu.memory_space<vmem>> -> memref<1x128xi32, #tpu.memory_space<vmem>>
      %dma_start3A_794 = tpu.memref_squeeze %dma_start3A_793 : memref<1x128xi32, #tpu.memory_space<vmem>> -> memref<128xi32, #tpu.memory_space<vmem>>
      %dma_start3A_795 = arith.constant 0 : i32
      %dma_start3A_796 = arith.constant 0 : i32
      %dma_start3A_797 = tpu.memref_slice %arg17[%dma_start3A_795, %dma_start3A_796] : memref<10240x64xf32, #tpu.memory_space<vmem_shared>> -> memref<10240x64xf32, #tpu.memory_space<vmem_shared>>
      tpu.enqueue_indirect_dma source(%dma_start3A_787 : memref<128x64xf32, #tpu.memory_space<vmem>>) target(%dma_start3A_797 : memref<10240x64xf32, #tpu.memory_space<vmem_shared>>) offsets(%dma_start3A_794 : memref<128xi32, #tpu.memory_space<vmem>>) semaphore(%arg20 : memref<!tpu.dma_semaphore, #tpu.memory_space<semaphore_mem>>) {add = true}
      %eq3A_798 = arith.constant 0 : i32
      %eq3A_799 = arith.cmpi eq, %arg0, %eq3A_798 : i32
      %convert_element_type3A_800 = arith.extui %eq3A_799 : i1 to i32
      %cond3A_801 = arith.constant 0 : i32
      %cond3A_802 = arith.cmpi ne, %convert_element_type3A_800, %cond3A_801 : i32
      scf.if %cond3A_802 {
        %mul3A_803 = arith.constant 256 : i32
        %mul3A_804 = arith.muli %select_n3A_129, %mul3A_803 : i32
        %add3A_805 = arith.constant 0 : i32
        %add3A_806 = arith.addi %mul3A_804, %add3A_805 : i32
        %dma_start3A_807 = arith.constant 0 : i32
        %dma_start3A_808 = tpu.memref_slice %arg16[%add3A_806] : memref<768xf32, #tpu.memory_space<vmem>> -> memref<128xf32, #tpu.memory_space<vmem>>
        %dma_start3A_809 = arith.constant 0 : i32
        %dma_start3A_810 = arith.constant 0 : i32
        %dma_start3A_811 = tpu.memref_slice %arg14[%select_n3A_145, %dma_start3A_809, %dma_start3A_810] : memref<4x2x128xi32, #tpu.memory_space<vmem>> -> memref<1x2x128xi32, #tpu.memory_space<vmem>>
        %dma_start3A_812 = tpu.memref_squeeze %dma_start3A_811 : memref<1x2x128xi32, #tpu.memory_space<vmem>> -> memref<2x128xi32, #tpu.memory_space<vmem>>
        %dma_start3A_813 = arith.constant 0 : i32
        %dma_start3A_814 = tpu.memref_slice %dma_start3A_812[%dma_start3A_807, %dma_start3A_813] : memref<2x128xi32, #tpu.memory_space<vmem>> -> memref<1x128xi32, #tpu.memory_space<vmem>>
        %dma_start3A_815 = tpu.memref_squeeze %dma_start3A_814 : memref<1x128xi32, #tpu.memory_space<vmem>> -> memref<128xi32, #tpu.memory_space<vmem>>
        %dma_start3A_816 = arith.constant 0 : i32
        %dma_start3A_817 = tpu.memref_slice %arg18[%dma_start3A_816] : memref<10240xf32, #tpu.memory_space<vmem_shared>> -> memref<10240xf32, #tpu.memory_space<vmem_shared>>
        tpu.enqueue_indirect_dma source(%dma_start3A_808 : memref<128xf32, #tpu.memory_space<vmem>>) target(%dma_start3A_817 : memref<10240xf32, #tpu.memory_space<vmem_shared>>) offsets(%dma_start3A_815 : memref<128xi32, #tpu.memory_space<vmem>>) semaphore(%arg20 : memref<!tpu.dma_semaphore, #tpu.memory_space<semaphore_mem>>) {add = true}
        %mul3A_818 = arith.constant 256 : i32
        %mul3A_819 = arith.muli %select_n3A_129, %mul3A_818 : i32
        %add3A_820 = arith.constant 128 : i32
        %add3A_821 = arith.addi %mul3A_819, %add3A_820 : i32
        %dma_start3A_822 = arith.constant 1 : i32
        %dma_start3A_823 = tpu.memref_slice %arg16[%add3A_821] : memref<768xf32, #tpu.memory_space<vmem>> -> memref<128xf32, #tpu.memory_space<vmem>>
        %dma_start3A_824 = arith.constant 0 : i32
        %dma_start3A_825 = arith.constant 0 : i32
        %dma_start3A_826 = tpu.memref_slice %arg14[%select_n3A_145, %dma_start3A_824, %dma_start3A_825] : memref<4x2x128xi32, #tpu.memory_space<vmem>> -> memref<1x2x128xi32, #tpu.memory_space<vmem>>
        %dma_start3A_827 = tpu.memref_squeeze %dma_start3A_826 : memref<1x2x128xi32, #tpu.memory_space<vmem>> -> memref<2x128xi32, #tpu.memory_space<vmem>>
        %dma_start3A_828 = arith.constant 0 : i32
        %dma_start3A_829 = tpu.memref_slice %dma_start3A_827[%dma_start3A_822, %dma_start3A_828] : memref<2x128xi32, #tpu.memory_space<vmem>> -> memref<1x128xi32, #tpu.memory_space<vmem>>
        %dma_start3A_830 = tpu.memref_squeeze %dma_start3A_829 : memref<1x128xi32, #tpu.memory_space<vmem>> -> memref<128xi32, #tpu.memory_space<vmem>>
        %dma_start3A_831 = arith.constant 0 : i32
        %dma_start3A_832 = tpu.memref_slice %arg18[%dma_start3A_831] : memref<10240xf32, #tpu.memory_space<vmem_shared>> -> memref<10240xf32, #tpu.memory_space<vmem_shared>>
        tpu.enqueue_indirect_dma source(%dma_start3A_823 : memref<128xf32, #tpu.memory_space<vmem>>) target(%dma_start3A_832 : memref<10240xf32, #tpu.memory_space<vmem_shared>>) offsets(%dma_start3A_830 : memref<128xi32, #tpu.memory_space<vmem>>) semaphore(%arg20 : memref<!tpu.dma_semaphore, #tpu.memory_space<semaphore_mem>>) {add = true}
      } else {
      }
    }
    %scan3A_90 = arith.constant 84 : i32
    %dma_wait3A = arith.constant 0 : i32
    %dma_wait3A_91 = arith.constant 0 : i32
    %dma_wait3A_92 = tpu.memref_slice %arg17[%dma_wait3A, %dma_wait3A_91] : memref<10240x64xf32, #tpu.memory_space<vmem_shared>> -> memref<256x64xf32, #tpu.memory_space<vmem_shared>>
    %dma_wait3A_93 = arith.constant 0 : i32
    %dma_wait3A_94 = arith.constant 0 : i32
    %dma_wait3A_95 = tpu.memref_slice %arg7[%dma_wait3A_93, %dma_wait3A_94] : memref<10240x64xf32, #tpu.memory_space<hbm>> -> memref<256x64xf32, #tpu.memory_space<hbm>>
    tpu.wait_dma2 semaphore(%arg20 : memref<!tpu.dma_semaphore, #tpu.memory_space<semaphore_mem>>) src(%dma_wait3A_95 : memref<256x64xf32, #tpu.memory_space<hbm>>) dst(%dma_wait3A_92 : memref<256x64xf32, #tpu.memory_space<vmem_shared>>)
    %eq3A = arith.constant 0 : i32
    %eq3A_96 = arith.cmpi eq, %arg0, %eq3A : i32
    %convert_element_type3A = arith.extui %eq3A_96 : i1 to i32
    %cond3A = arith.constant 0 : i32
    %cond3A_97 = arith.cmpi ne, %convert_element_type3A, %cond3A : i32
    scf.if %cond3A_97 {
      %dma_wait3A_119 = arith.constant 0 : i32
      %dma_wait3A_120 = tpu.memref_slice %arg18[%dma_wait3A_119] : memref<10240xf32, #tpu.memory_space<vmem_shared>> -> memref<256xf32, #tpu.memory_space<vmem_shared>>
      %dma_wait3A_121 = arith.constant 0 : i32
      %dma_wait3A_122 = tpu.memref_slice %arg8[%dma_wait3A_121] : memref<10240xf32, #tpu.memory_space<hbm>> -> memref<256xf32, #tpu.memory_space<hbm>>
      tpu.wait_dma2 semaphore(%arg20 : memref<!tpu.dma_semaphore, #tpu.memory_space<semaphore_mem>>) src(%dma_wait3A_122 : memref<256xf32, #tpu.memory_space<hbm>>) dst(%dma_wait3A_120 : memref<256xf32, #tpu.memory_space<vmem_shared>>)
    } else {
    }
    %dma_wait3A_98 = arith.constant 0 : i32
    %dma_wait3A_99 = arith.constant 0 : i32
    %dma_wait3A_100 = tpu.memref_slice %arg17[%dma_wait3A_98, %dma_wait3A_99] : memref<10240x64xf32, #tpu.memory_space<vmem_shared>> -> memref<256x64xf32, #tpu.memory_space<vmem_shared>>
    %dma_wait3A_101 = arith.constant 0 : i32
    %dma_wait3A_102 = arith.constant 0 : i32
    %dma_wait3A_103 = tpu.memref_slice %arg7[%dma_wait3A_101, %dma_wait3A_102] : memref<10240x64xf32, #tpu.memory_space<hbm>> -> memref<256x64xf32, #tpu.memory_space<hbm>>
    tpu.wait_dma2 semaphore(%arg20 : memref<!tpu.dma_semaphore, #tpu.memory_space<semaphore_mem>>) src(%dma_wait3A_103 : memref<256x64xf32, #tpu.memory_space<hbm>>) dst(%dma_wait3A_100 : memref<256x64xf32, #tpu.memory_space<vmem_shared>>)
    %eq3A_104 = arith.constant 0 : i32
    %eq3A_105 = arith.cmpi eq, %arg0, %eq3A_104 : i32
    %convert_element_type3A_106 = arith.extui %eq3A_105 : i1 to i32
    %cond3A_107 = arith.constant 0 : i32
    %cond3A_108 = arith.cmpi ne, %convert_element_type3A_106, %cond3A_107 : i32
    scf.if %cond3A_108 {
      %dma_wait3A_119 = arith.constant 0 : i32
      %dma_wait3A_120 = tpu.memref_slice %arg18[%dma_wait3A_119] : memref<10240xf32, #tpu.memory_space<vmem_shared>> -> memref<256xf32, #tpu.memory_space<vmem_shared>>
      %dma_wait3A_121 = arith.constant 0 : i32
      %dma_wait3A_122 = tpu.memref_slice %arg8[%dma_wait3A_121] : memref<10240xf32, #tpu.memory_space<hbm>> -> memref<256xf32, #tpu.memory_space<hbm>>
      tpu.wait_dma2 semaphore(%arg20 : memref<!tpu.dma_semaphore, #tpu.memory_space<semaphore_mem>>) src(%dma_wait3A_122 : memref<256xf32, #tpu.memory_space<hbm>>) dst(%dma_wait3A_120 : memref<256xf32, #tpu.memory_space<vmem_shared>>)
    } else {
    }
    %barrier3A_109 = arith.constant 0 : index
    tpu.barrier barrier_id(%barrier3A_109)
    %mul3A_110 = arith.constant 640 : i32
    %mul3A_111 = arith.muli %arg1, %mul3A_110 : i32
    %mul3A_112 = arith.constant 640 : i32
    %mul3A_113 = arith.muli %arg1, %mul3A_112 : i32
    "tpu.region"() ({
      %run_scoped3A_119 = tpu.sem_alloc : memref<!tpu.dma_semaphore, #tpu.memory_space<semaphore_mem>>
      %dma_start3A_120 = arith.constant 0 : i32
      %dma_start3A_121 = arith.constant 0 : i32
      %dma_start3A_122 = tpu.memref_slice %arg9[%arg0, %dma_start3A_120, %dma_start3A_121] : memref<2x10240x64xf32, #tpu.memory_space<hbm>> -> memref<1x10240x64xf32, #tpu.memory_space<hbm>>
      %dma_start3A_123 = tpu.memref_squeeze %dma_start3A_122 : memref<1x10240x64xf32, #tpu.memory_space<hbm>> -> memref<10240x64xf32, #tpu.memory_space<hbm>>
      %dma_start3A_124 = arith.constant 0 : i32
      %dma_start3A_125 = tpu.memref_slice %dma_start3A_123[%mul3A_113, %dma_start3A_124] : memref<10240x64xf32, #tpu.memory_space<hbm>> -> memref<640x64xf32, #tpu.memory_space<hbm>>
      %dma_start3A_126 = arith.constant 0 : i32
      %dma_start3A_127 = tpu.memref_slice %arg17[%mul3A_111, %dma_start3A_126] : memref<10240x64xf32, #tpu.memory_space<vmem_shared>> -> memref<640x64xf32, #tpu.memory_space<vmem_shared>>
      tpu.enqueue_dma source(%dma_start3A_127 : memref<640x64xf32, #tpu.memory_space<vmem_shared>>) target(%dma_start3A_125 : memref<640x64xf32, #tpu.memory_space<hbm>>) target_semaphore(%run_scoped3A_119 : memref<!tpu.dma_semaphore, #tpu.memory_space<semaphore_mem>>)
      %dma_wait3A_128 = arith.constant 0 : i32
      %dma_wait3A_129 = arith.constant 0 : i32
      %dma_wait3A_130 = tpu.memref_slice %arg9[%arg0, %dma_wait3A_128, %dma_wait3A_129] : memref<2x10240x64xf32, #tpu.memory_space<hbm>> -> memref<1x10240x64xf32, #tpu.memory_space<hbm>>
      %dma_wait3A_131 = tpu.memref_squeeze %dma_wait3A_130 : memref<1x10240x64xf32, #tpu.memory_space<hbm>> -> memref<10240x64xf32, #tpu.memory_space<hbm>>
      %dma_wait3A_132 = arith.constant 0 : i32
      %dma_wait3A_133 = tpu.memref_slice %dma_wait3A_131[%mul3A_113, %dma_wait3A_132] : memref<10240x64xf32, #tpu.memory_space<hbm>> -> memref<640x64xf32, #tpu.memory_space<hbm>>
      %dma_wait3A_134 = arith.constant 0 : i32
      %dma_wait3A_135 = tpu.memref_slice %arg17[%mul3A_111, %dma_wait3A_134] : memref<10240x64xf32, #tpu.memory_space<vmem_shared>> -> memref<640x64xf32, #tpu.memory_space<vmem_shared>>
      tpu.wait_dma2 semaphore(%run_scoped3A_119 : memref<!tpu.dma_semaphore, #tpu.memory_space<semaphore_mem>>) src(%dma_wait3A_135 : memref<640x64xf32, #tpu.memory_space<vmem_shared>>) dst(%dma_wait3A_133 : memref<640x64xf32, #tpu.memory_space<hbm>>)
      tpu.yield
    }) : () -> ()
    %eq3A_114 = arith.constant 0 : i32
    %eq3A_115 = arith.cmpi eq, %arg0, %eq3A_114 : i32
    %convert_element_type3A_116 = arith.extui %eq3A_115 : i1 to i32
    %cond3A_117 = arith.constant 0 : i32
    %cond3A_118 = arith.cmpi ne, %convert_element_type3A_116, %cond3A_117 : i32
    scf.if %cond3A_118 {
      %mul3A_119 = arith.constant 640 : i32
      %mul3A_120 = arith.muli %arg1, %mul3A_119 : i32
      %mul3A_121 = arith.constant 640 : i32
      %mul3A_122 = arith.muli %arg1, %mul3A_121 : i32
      "tpu.region"() ({
        %run_scoped3A_123 = tpu.sem_alloc : memref<!tpu.dma_semaphore, #tpu.memory_space<semaphore_mem>>
        %dma_start3A_124 = tpu.memref_slice %arg10[%mul3A_122] : memref<10240xf32, #tpu.memory_space<hbm>> -> memref<640xf32, #tpu.memory_space<hbm>>
        %dma_start3A_125 = tpu.memref_slice %arg18[%mul3A_120] : memref<10240xf32, #tpu.memory_space<vmem_shared>> -> memref<640xf32, #tpu.memory_space<vmem_shared>>
        tpu.enqueue_dma source(%dma_start3A_125 : memref<640xf32, #tpu.memory_space<vmem_shared>>) target(%dma_start3A_124 : memref<640xf32, #tpu.memory_space<hbm>>) target_semaphore(%run_scoped3A_123 : memref<!tpu.dma_semaphore, #tpu.memory_space<semaphore_mem>>)
        %dma_wait3A_126 = tpu.memref_slice %arg10[%mul3A_122] : memref<10240xf32, #tpu.memory_space<hbm>> -> memref<640xf32, #tpu.memory_space<hbm>>
        %dma_wait3A_127 = tpu.memref_slice %arg18[%mul3A_120] : memref<10240xf32, #tpu.memory_space<vmem_shared>> -> memref<640xf32, #tpu.memory_space<vmem_shared>>
        tpu.wait_dma2 semaphore(%run_scoped3A_123 : memref<!tpu.dma_semaphore, #tpu.memory_space<semaphore_mem>>) src(%dma_wait3A_127 : memref<640xf32, #tpu.memory_space<vmem_shared>>) dst(%dma_wait3A_126 : memref<640xf32, #tpu.memory_space<hbm>>)
        tpu.yield
      }) : () -> ()
    } else {
    }
    return
  }
}

module attributes {stable_mosaic.version = 14 : i64} {
  func.func @_mm_body(%arg0: i32, %arg1: memref<1024x128xf32, #tpu.memory_space<vmem>>, %arg2: memref<128x128xf32, #tpu.memory_space<vmem>>, %arg3: memref<128x2xf32, #tpu.memory_space<vmem>>, %arg4: memref<2x1024x64xf32, #tpu.memory_space<vmem>>, %arg5: memref<1024x2xf32, #tpu.memory_space<vmem>>) attributes {dimension_semantics = [#tpu.dimension_semantics<arbitrary>], iteration_bounds = array<i64: 10>, scalar_prefetch = 0 : i64, scratch_operands = 0 : i64, tpu.core_type = #tpu.core_type<tc>, window_params = [{transform_indices = @transform_0, window_bounds = array<i64: 1024, 128>}, {pipeline_mode = #tpu.pipeline_mode<synchronous>, transform_indices = @transform_1, window_bounds = array<i64: 128, 128>}, {pipeline_mode = #tpu.pipeline_mode<synchronous>, transform_indices = @transform_2, window_bounds = array<i64: 128, 2>}, {transform_indices = @transform_3, window_bounds = array<i64: 2, 1024, 64>}, {transform_indices = @transform_4, window_bounds = array<i64: 1024, 2>}]} {
    %get3A = arith.constant 0 : index
    %get3A_0 = arith.constant 0 : index
    %get3A_1 = vector.load %arg1[%get3A, %get3A_0] : memref<1024x128xf32, #tpu.memory_space<vmem>>, vector<1024x128xf32>
    %get3A_2 = arith.constant 0 : index
    %get3A_3 = arith.constant 0 : index
    %get3A_4 = vector.load %arg2[%get3A_2, %get3A_3] : memref<128x128xf32, #tpu.memory_space<vmem>>, vector<128x128xf32>
    %dot_general3A = arith.constant dense<0.000000e+00> : vector<1024x128xf32>
    %dot_general3A_5 = tpu.matmul %get3A_1, %get3A_4, %dot_general3A {dimension_numbers = #tpu.dot_dimension_numbers<[1], [0], [0], [1], [0, 0, 1, 1], [], []>, transpose_lhs_hint = false} : vector<1024x128xf32>, vector<128x128xf32>, vector<1024x128xf32> -> vector<1024x128xf32>
    %slice3A = vector.extract_strided_slice %dot_general3A_5 {offsets = [0, 0], sizes = [1024, 64], strides = [1, 1]} : vector<1024x128xf32> to vector<1024x64xf32>
    %swap3A = arith.constant 0 : index
    %swap3A_6 = arith.constant 0 : index
    %swap3A_7 = arith.constant 0 : index
    %swap3A_8 = vector.load %arg4[%swap3A, %swap3A_6, %swap3A_7] : memref<2x1024x64xf32, #tpu.memory_space<vmem>>, vector<1x1024x64xf32>
    %swap3A_9 = vector.shape_cast %swap3A_8 : vector<1x1024x64xf32> to vector<1024x64xf32>
    %swap3A_10 = vector.shape_cast %slice3A : vector<1024x64xf32> to vector<1x1024x64xf32>
    tpu.vector_store %arg4[%swap3A, %swap3A_6, %swap3A_7], %swap3A_10 {strides = array<i32>} : memref<2x1024x64xf32, #tpu.memory_space<vmem>>, vector<1x1024x64xf32>,
    %slice3A_11 = vector.extract_strided_slice %dot_general3A_5 {offsets = [0, 64], sizes = [1024, 64], strides = [1, 1]} : vector<1024x128xf32> to vector<1024x64xf32>
    %swap3A_12 = arith.constant 1 : index
    %swap3A_13 = arith.constant 0 : index
    %swap3A_14 = arith.constant 0 : index
    %swap3A_15 = vector.load %arg4[%swap3A_12, %swap3A_13, %swap3A_14] : memref<2x1024x64xf32, #tpu.memory_space<vmem>>, vector<1x1024x64xf32>
    %swap3A_16 = vector.shape_cast %swap3A_15 : vector<1x1024x64xf32> to vector<1024x64xf32>
    %swap3A_17 = vector.shape_cast %slice3A_11 : vector<1024x64xf32> to vector<1x1024x64xf32>
    tpu.vector_store %arg4[%swap3A_12, %swap3A_13, %swap3A_14], %swap3A_17 {strides = array<i32>} : memref<2x1024x64xf32, #tpu.memory_space<vmem>>, vector<1x1024x64xf32>,
    %get3A_18 = arith.constant 0 : index
    %get3A_19 = arith.constant 0 : index
    %get3A_20 = vector.load %arg3[%get3A_18, %get3A_19] : memref<128x2xf32, #tpu.memory_space<vmem>>, vector<128x2xf32>
    %dot_general3A_21 = arith.constant dense<0.000000e+00> : vector<1024x2xf32>
    %dot_general3A_22 = tpu.matmul %dot_general3A_5, %get3A_20, %dot_general3A_21 {dimension_numbers = #tpu.dot_dimension_numbers<[1], [0], [0], [1], [0, 0, 1, 1], [], []>, transpose_lhs_hint = false} : vector<1024x128xf32>, vector<128x2xf32>, vector<1024x2xf32> -> vector<1024x2xf32>
    %swap3A_23 = arith.constant 0 : index
    %swap3A_24 = arith.constant 0 : index
    %swap3A_25 = vector.load %arg5[%swap3A_23, %swap3A_24] : memref<1024x2xf32, #tpu.memory_space<vmem>>, vector<1024x2xf32>
    tpu.vector_store %arg5[%swap3A_23, %swap3A_24], %dot_general3A_22 {strides = array<i32>} : memref<1024x2xf32, #tpu.memory_space<vmem>>, vector<1024x2xf32>,
    return
  }
  func.func @transform_0(%arg0: i32) -> (i32, i32) {
    %c0_i32 = arith.constant 0 : i32
    %c0_i32_0 = arith.constant 0 : i32
    return %arg0, %c0_i32 : i32, i32
  }
  func.func @transform_1(%arg0: i32) -> (i32, i32) {
    %c0_i32 = arith.constant 0 : i32
    %c0_i32_0 = arith.constant 0 : i32
    %c0_i32_1 = arith.constant 0 : i32
    return %c0_i32, %c0_i32_0 : i32, i32
  }
  func.func @transform_2(%arg0: i32) -> (i32, i32) {
    %c0_i32 = arith.constant 0 : i32
    %c0_i32_0 = arith.constant 0 : i32
    %c0_i32_1 = arith.constant 0 : i32
    return %c0_i32, %c0_i32_0 : i32, i32
  }
  func.func @transform_3(%arg0: i32) -> (i32, i32, i32) {
    %c0_i32 = arith.constant 0 : i32
    %c0_i32_0 = arith.constant 0 : i32
    %c0_i32_1 = arith.constant 0 : i32
    return %c0_i32, %arg0, %c0_i32_0 : i32, i32, i32
  }
  func.func @transform_4(%arg0: i32) -> (i32, i32) {
    %c0_i32 = arith.constant 0 : i32
    %c0_i32_0 = arith.constant 0 : i32
    return %arg0, %c0_i32 : i32, i32
  }
}

module attributes {stable_mosaic.version = 14 : i64} {
  func.func @_mid_body(%arg0: i32, %arg1: memref<1024x64xf32, #tpu.memory_space<vmem>>, %arg2: memref<1024x64xf32, #tpu.memory_space<vmem>>, %arg3: memref<1024x1xf32, #tpu.memory_space<vmem>>, %arg4: memref<1x128xf32, #tpu.memory_space<vmem>>, %arg5: memref<128x128xf32, #tpu.memory_space<vmem>>, %arg6: memref<128x2xf32, #tpu.memory_space<vmem>>, %arg7: memref<2x1024x64xf32, #tpu.memory_space<vmem>>, %arg8: memref<1024x2xf32, #tpu.memory_space<vmem>>) attributes {dimension_semantics = [#tpu.dimension_semantics<arbitrary>], iteration_bounds = array<i64: 10>, scalar_prefetch = 0 : i64, scratch_operands = 0 : i64, tpu.core_type = #tpu.core_type<tc>, window_params = [{transform_indices = @transform_0, window_bounds = array<i64: 1024, 64>}, {transform_indices = @transform_1, window_bounds = array<i64: 1024, 64>}, {transform_indices = @transform_2, window_bounds = array<i64: 1024, 1>}, {pipeline_mode = #tpu.pipeline_mode<synchronous>, transform_indices = @transform_3, window_bounds = array<i64: 1, 128>}, {pipeline_mode = #tpu.pipeline_mode<synchronous>, transform_indices = @transform_4, window_bounds = array<i64: 128, 128>}, {pipeline_mode = #tpu.pipeline_mode<synchronous>, transform_indices = @transform_5, window_bounds = array<i64: 128, 2>}, {transform_indices = @transform_6, window_bounds = array<i64: 2, 1024, 64>}, {transform_indices = @transform_7, window_bounds = array<i64: 1024, 2>}]} {
    %get3A = arith.constant 0 : index
    %get3A_0 = arith.constant 0 : index
    %get3A_1 = vector.load %arg3[%get3A, %get3A_0] : memref<1024x1xf32, #tpu.memory_space<vmem>>, vector<1024x1xf32>
    %add3A = arith.constant 1.000000e-16 : f32
    %add3A_2 = vector.broadcast %add3A : f32 to vector<1024x1xf32>
    %add3A_3 = arith.addf %get3A_1, %add3A_2 : vector<1024x1xf32>
    %get3A_4 = arith.constant 0 : index
    %get3A_5 = arith.constant 0 : index
    %get3A_6 = vector.load %arg1[%get3A_4, %get3A_5] : memref<1024x64xf32, #tpu.memory_space<vmem>>, vector<1024x64xf32>
    %get3A_7 = arith.constant 0 : index
    %get3A_8 = arith.constant 0 : index
    %get3A_9 = vector.load %arg2[%get3A_7, %get3A_8] : memref<1024x64xf32, #tpu.memory_space<vmem>>, vector<1024x64xf32>
    %concatenate3A = tpu.concatenate %get3A_6, %get3A_9 in 1 : vector<1024x64xf32>, vector<1024x64xf32> -> vector<1024x128xf32>
    %div3A = vector.broadcast %add3A_3 : vector<1024x1xf32> to vector<1024x128xf32>
    %div3A_10 = arith.divf %concatenate3A, %div3A : vector<1024x128xf32>
    %get3A_11 = arith.constant 0 : index
    %get3A_12 = arith.constant 0 : index
    %get3A_13 = vector.load %arg4[%get3A_11, %get3A_12] : memref<1x128xf32, #tpu.memory_space<vmem>>, vector<1x128xf32>
    %add3A_14 = vector.broadcast %get3A_13 : vector<1x128xf32> to vector<1024x128xf32>
    %add3A_15 = arith.addf %div3A_10, %add3A_14 : vector<1024x128xf32>
    %gt3A = arith.constant 0.000000e+00 : f32
    %gt3A_16 = vector.broadcast %gt3A : f32 to vector<1024x128xf32>
    %gt3A_17 = arith.cmpf ogt, %add3A_15, %gt3A_16 : vector<1024x128xf32>
    %exp3A = math.exp %add3A_15 : vector<1024x128xf32>
    %sub3A = arith.constant 1.000000e+00 : f32
    %sub3A_18 = vector.broadcast %sub3A : f32 to vector<1024x128xf32>
    %sub3A_19 = arith.subf %exp3A, %sub3A_18 : vector<1024x128xf32>
    %mul3A = arith.constant 1.67326319 : f32
    %mul3A_20 = vector.broadcast %mul3A : f32 to vector<1024x128xf32>
    %mul3A_21 = arith.mulf %mul3A_20, %sub3A_19 : vector<1024x128xf32>
    %select_n3A = arith.select %gt3A_17, %add3A_15, %mul3A_21 : vector<1024x128xi1>, vector<1024x128xf32>
    %mul3A_22 = arith.constant 1.05070102 : f32
    %mul3A_23 = vector.broadcast %mul3A_22 : f32 to vector<1024x128xf32>
    %mul3A_24 = arith.mulf %mul3A_23, %select_n3A : vector<1024x128xf32>
    %mul3A_25 = arith.constant 1024 : i32
    %mul3A_26 = arith.muli %arg0, %mul3A_25 : i32
    %iota3A = tpu.iota {dimensions = array<i32: 0>} : vector<1024x128xi32>
    %add3A_27 = vector.broadcast %mul3A_26 : i32 to vector<1024x128xi32>
    %add3A_28 = arith.addi %add3A_27, %iota3A : vector<1024x128xi32>
    %lt3A = arith.constant 10000 : i32
    %lt3A_29 = vector.broadcast %lt3A : i32 to vector<1024x128xi32>
    %lt3A_30 = arith.cmpi slt, %add3A_28, %lt3A_29 : vector<1024x128xi32>
    %jit3A = arith.constant 0.000000e+00 : f32
    %broadcast_in_dim3A = vector.broadcast %jit3A : f32 to vector<1024x128xf32>
    %select_n3A_31 = arith.select %lt3A_30, %mul3A_24, %broadcast_in_dim3A : vector<1024x128xi1>, vector<1024x128xf32>
    %get3A_32 = arith.constant 0 : index
    %get3A_33 = arith.constant 0 : index
    %get3A_34 = vector.load %arg5[%get3A_32, %get3A_33] : memref<128x128xf32, #tpu.memory_space<vmem>>, vector<128x128xf32>
    %dot_general3A = arith.constant dense<0.000000e+00> : vector<1024x128xf32>
    %dot_general3A_35 = tpu.matmul %select_n3A_31, %get3A_34, %dot_general3A {dimension_numbers = #tpu.dot_dimension_numbers<[1], [0], [0], [1], [0, 0, 1, 1], [], []>, transpose_lhs_hint = false} : vector<1024x128xf32>, vector<128x128xf32>, vector<1024x128xf32> -> vector<1024x128xf32>
    %slice3A = vector.extract_strided_slice %dot_general3A_35 {offsets = [0, 0], sizes = [1024, 64], strides = [1, 1]} : vector<1024x128xf32> to vector<1024x64xf32>
    %swap3A = arith.constant 0 : index
    %swap3A_36 = arith.constant 0 : index
    %swap3A_37 = arith.constant 0 : index
    %swap3A_38 = vector.load %arg7[%swap3A, %swap3A_36, %swap3A_37] : memref<2x1024x64xf32, #tpu.memory_space<vmem>>, vector<1x1024x64xf32>
    %swap3A_39 = vector.shape_cast %swap3A_38 : vector<1x1024x64xf32> to vector<1024x64xf32>
    %swap3A_40 = vector.shape_cast %slice3A : vector<1024x64xf32> to vector<1x1024x64xf32>
    tpu.vector_store %arg7[%swap3A, %swap3A_36, %swap3A_37], %swap3A_40 {strides = array<i32>} : memref<2x1024x64xf32, #tpu.memory_space<vmem>>, vector<1x1024x64xf32>,
    %slice3A_41 = vector.extract_strided_slice %dot_general3A_35 {offsets = [0, 64], sizes = [1024, 64], strides = [1, 1]} : vector<1024x128xf32> to vector<1024x64xf32>
    %swap3A_42 = arith.constant 1 : index
    %swap3A_43 = arith.constant 0 : index
    %swap3A_44 = arith.constant 0 : index
    %swap3A_45 = vector.load %arg7[%swap3A_42, %swap3A_43, %swap3A_44] : memref<2x1024x64xf32, #tpu.memory_space<vmem>>, vector<1x1024x64xf32>
    %swap3A_46 = vector.shape_cast %swap3A_45 : vector<1x1024x64xf32> to vector<1024x64xf32>
    %swap3A_47 = vector.shape_cast %slice3A_41 : vector<1024x64xf32> to vector<1x1024x64xf32>
    tpu.vector_store %arg7[%swap3A_42, %swap3A_43, %swap3A_44], %swap3A_47 {strides = array<i32>} : memref<2x1024x64xf32, #tpu.memory_space<vmem>>, vector<1x1024x64xf32>,
    %get3A_48 = arith.constant 0 : index
    %get3A_49 = arith.constant 0 : index
    %get3A_50 = vector.load %arg6[%get3A_48, %get3A_49] : memref<128x2xf32, #tpu.memory_space<vmem>>, vector<128x2xf32>
    %dot_general3A_51 = arith.constant dense<0.000000e+00> : vector<1024x2xf32>
    %dot_general3A_52 = tpu.matmul %dot_general3A_35, %get3A_50, %dot_general3A_51 {dimension_numbers = #tpu.dot_dimension_numbers<[1], [0], [0], [1], [0, 0, 1, 1], [], []>, transpose_lhs_hint = false} : vector<1024x128xf32>, vector<128x2xf32>, vector<1024x2xf32> -> vector<1024x2xf32>
    %swap3A_53 = arith.constant 0 : index
    %swap3A_54 = arith.constant 0 : index
    %swap3A_55 = vector.load %arg8[%swap3A_53, %swap3A_54] : memref<1024x2xf32, #tpu.memory_space<vmem>>, vector<1024x2xf32>
    tpu.vector_store %arg8[%swap3A_53, %swap3A_54], %dot_general3A_52 {strides = array<i32>} : memref<1024x2xf32, #tpu.memory_space<vmem>>, vector<1024x2xf32>,
    return
  }
  func.func @transform_0(%arg0: i32) -> (i32, i32) {
    %c0_i32 = arith.constant 0 : i32
    %c0_i32_0 = arith.constant 0 : i32
    return %arg0, %c0_i32 : i32, i32
  }
  func.func @transform_1(%arg0: i32) -> (i32, i32) {
    %c0_i32 = arith.constant 0 : i32
    %c0_i32_0 = arith.constant 0 : i32
    return %arg0, %c0_i32 : i32, i32
  }
  func.func @transform_2(%arg0: i32) -> (i32, i32) {
    %c0_i32 = arith.constant 0 : i32
    %c0_i32_0 = arith.constant 0 : i32
    return %arg0, %c0_i32 : i32, i32
  }
  func.func @transform_3(%arg0: i32) -> (i32, i32) {
    %c0_i32 = arith.constant 0 : i32
    %c0_i32_0 = arith.constant 0 : i32
    %c0_i32_1 = arith.constant 0 : i32
    return %c0_i32, %c0_i32_0 : i32, i32
  }
  func.func @transform_4(%arg0: i32) -> (i32, i32) {
    %c0_i32 = arith.constant 0 : i32
    %c0_i32_0 = arith.constant 0 : i32
    %c0_i32_1 = arith.constant 0 : i32
    return %c0_i32, %c0_i32_0 : i32, i32
  }
  func.func @transform_5(%arg0: i32) -> (i32, i32) {
    %c0_i32 = arith.constant 0 : i32
    %c0_i32_0 = arith.constant 0 : i32
    %c0_i32_1 = arith.constant 0 : i32
    return %c0_i32, %c0_i32_0 : i32, i32
  }
  func.func @transform_6(%arg0: i32) -> (i32, i32, i32) {
    %c0_i32 = arith.constant 0 : i32
    %c0_i32_0 = arith.constant 0 : i32
    %c0_i32_1 = arith.constant 0 : i32
    return %c0_i32, %arg0, %c0_i32_0 : i32, i32, i32
  }
  func.func @transform_7(%arg0: i32) -> (i32, i32) {
    %c0_i32 = arith.constant 0 : i32
    %c0_i32_0 = arith.constant 0 : i32
    return %arg0, %c0_i32 : i32, i32
  }
}

module attributes {stable_mosaic.version = 14 : i64} {
  func.func @_tail_body(%arg0: i32, %arg1: memref<1024x64xf32, #tpu.memory_space<vmem>>, %arg2: memref<1024x64xf32, #tpu.memory_space<vmem>>, %arg3: memref<1024x1xf32, #tpu.memory_space<vmem>>, %arg4: memref<8x128xi32, #tpu.memory_space<vmem>>, %arg5: memref<1x128xf32, #tpu.memory_space<vmem>>, %arg6: memref<128x64xf32, #tpu.memory_space<vmem>>, %arg7: memref<1x64xf32, #tpu.memory_space<vmem>>, %arg8: memref<64x32xf32, #tpu.memory_space<vmem>>, %arg9: memref<1x32xf32, #tpu.memory_space<vmem>>, %arg10: memref<64x32xf32, #tpu.memory_space<vmem>>, %arg11: memref<64x128xf32, #tpu.memory_space<vmem>>, %arg12: memref<64x1xf32, #tpu.memory_space<vmem>>) attributes {dimension_semantics = [#tpu.dimension_semantics<arbitrary>], iteration_bounds = array<i64: 10>, scalar_prefetch = 0 : i64, scratch_operands = 2 : i64, tpu.core_type = #tpu.core_type<tc>, window_params = [{transform_indices = @transform_0, window_bounds = array<i64: 1024, 64>}, {transform_indices = @transform_1, window_bounds = array<i64: 1024, 64>}, {transform_indices = @transform_2, window_bounds = array<i64: 1024, 1>}, {transform_indices = @transform_3, window_bounds = array<i64: 8, 128>}, {pipeline_mode = #tpu.pipeline_mode<synchronous>, transform_indices = @transform_4, window_bounds = array<i64: 1, 128>}, {pipeline_mode = #tpu.pipeline_mode<synchronous>, transform_indices = @transform_5, window_bounds = array<i64: 128, 64>}, {pipeline_mode = #tpu.pipeline_mode<synchronous>, transform_indices = @transform_6, window_bounds = array<i64: 1, 64>}, {pipeline_mode = #tpu.pipeline_mode<synchronous>, transform_indices = @transform_7, window_bounds = array<i64: 64, 32>}, {pipeline_mode = #tpu.pipeline_mode<synchronous>, transform_indices = @transform_8, window_bounds = array<i64: 1, 32>}, {pipeline_mode = #tpu.pipeline_mode<synchronous>, transform_indices = @transform_9, window_bounds = array<i64: 64, 32>}]} {
    %get3A = arith.constant 0 : index
    %get3A_0 = arith.constant 0 : index
    %get3A_1 = vector.load %arg3[%get3A, %get3A_0] : memref<1024x1xf32, #tpu.memory_space<vmem>>, vector<1024x1xf32>
    %add3A = arith.constant 1.000000e-16 : f32
    %add3A_2 = vector.broadcast %add3A : f32 to vector<1024x1xf32>
    %add3A_3 = arith.addf %get3A_1, %add3A_2 : vector<1024x1xf32>
    %get3A_4 = arith.constant 0 : index
    %get3A_5 = arith.constant 0 : index
    %get3A_6 = vector.load %arg1[%get3A_4, %get3A_5] : memref<1024x64xf32, #tpu.memory_space<vmem>>, vector<1024x64xf32>
    %get3A_7 = arith.constant 0 : index
    %get3A_8 = arith.constant 0 : index
    %get3A_9 = vector.load %arg2[%get3A_7, %get3A_8] : memref<1024x64xf32, #tpu.memory_space<vmem>>, vector<1024x64xf32>
    %concatenate3A = tpu.concatenate %get3A_6, %get3A_9 in 1 : vector<1024x64xf32>, vector<1024x64xf32> -> vector<1024x128xf32>
    %div3A = vector.broadcast %add3A_3 : vector<1024x1xf32> to vector<1024x128xf32>
    %div3A_10 = arith.divf %concatenate3A, %div3A : vector<1024x128xf32>
    %get3A_11 = arith.constant 0 : index
    %get3A_12 = arith.constant 0 : index
    %get3A_13 = vector.load %arg5[%get3A_11, %get3A_12] : memref<1x128xf32, #tpu.memory_space<vmem>>, vector<1x128xf32>
    %add3A_14 = vector.broadcast %get3A_13 : vector<1x128xf32> to vector<1024x128xf32>
    %add3A_15 = arith.addf %div3A_10, %add3A_14 : vector<1024x128xf32>
    %gt3A = arith.constant 0.000000e+00 : f32
    %gt3A_16 = vector.broadcast %gt3A : f32 to vector<1024x128xf32>
    %gt3A_17 = arith.cmpf ogt, %add3A_15, %gt3A_16 : vector<1024x128xf32>
    %exp3A = math.exp %add3A_15 : vector<1024x128xf32>
    %sub3A = arith.constant 1.000000e+00 : f32
    %sub3A_18 = vector.broadcast %sub3A : f32 to vector<1024x128xf32>
    %sub3A_19 = arith.subf %exp3A, %sub3A_18 : vector<1024x128xf32>
    %mul3A = arith.constant 1.67326319 : f32
    %mul3A_20 = vector.broadcast %mul3A : f32 to vector<1024x128xf32>
    %mul3A_21 = arith.mulf %mul3A_20, %sub3A_19 : vector<1024x128xf32>
    %select_n3A = arith.select %gt3A_17, %add3A_15, %mul3A_21 : vector<1024x128xi1>, vector<1024x128xf32>
    %mul3A_22 = arith.constant 1.05070102 : f32
    %mul3A_23 = vector.broadcast %mul3A_22 : f32 to vector<1024x128xf32>
    %mul3A_24 = arith.mulf %mul3A_23, %select_n3A : vector<1024x128xf32>
    %mul3A_25 = arith.constant 1024 : i32
    %mul3A_26 = arith.muli %arg0, %mul3A_25 : i32
    %iota3A = tpu.iota {dimensions = array<i32: 0>} : vector<1024x128xi32>
    %add3A_27 = vector.broadcast %mul3A_26 : i32 to vector<1024x128xi32>
    %add3A_28 = arith.addi %add3A_27, %iota3A : vector<1024x128xi32>
    %lt3A = arith.constant 10000 : i32
    %lt3A_29 = vector.broadcast %lt3A : i32 to vector<1024x128xi32>
    %lt3A_30 = arith.cmpi slt, %add3A_28, %lt3A_29 : vector<1024x128xi32>
    %jit3A = arith.constant 0.000000e+00 : f32
    %broadcast_in_dim3A = vector.broadcast %jit3A : f32 to vector<1024x128xf32>
    %select_n3A_31 = arith.select %lt3A_30, %mul3A_24, %broadcast_in_dim3A : vector<1024x128xi1>, vector<1024x128xf32>
    %get3A_32 = arith.constant 0 : index
    %get3A_33 = arith.constant 0 : index
    %get3A_34 = vector.load %arg4[%get3A_32, %get3A_33] : memref<8x128xi32, #tpu.memory_space<vmem>>, vector<8x128xi32>
    %reshape3A = vector.shape_cast %get3A_34 : vector<8x128xi32> to vector<1x1024xi32>
    %iota3A_35 = tpu.iota {dimensions = array<i32: 0>} : vector<64x1024xi32>
    %eq3A = vector.broadcast %reshape3A : vector<1x1024xi32> to vector<64x1024xi32>
    %eq3A_36 = arith.cmpi eq, %eq3A, %iota3A_35 : vector<64x1024xi32>
    %convert_element_type3A = arith.extui %eq3A_36 : vector<64x1024xi1> to vector<64x1024xi32>
    %convert_element_type3A_37 = arith.sitofp %convert_element_type3A : vector<64x1024xi32> to vector<64x1024xf32>
    %eq3A_38 = arith.constant 0 : i32
    %eq3A_39 = arith.cmpi eq, %arg0, %eq3A_38 : i32
    %convert_element_type3A_40 = arith.extui %eq3A_39 : i1 to i32
    %cond3A = arith.constant 0 : i32
    %cond3A_41 = arith.cmpi ne, %convert_element_type3A_40, %cond3A : i32
    scf.if %cond3A_41 {
      %broadcast_in_dim3A_63 = arith.constant 0.000000e+00 : f32
      %broadcast_in_dim3A_64 = vector.broadcast %broadcast_in_dim3A_63 : f32 to vector<64x128xf32>
      %swap3A_65 = arith.constant 0 : index
      %swap3A_66 = arith.constant 0 : index
      %swap3A_67 = vector.load %arg11[%swap3A_65, %swap3A_66] : memref<64x128xf32, #tpu.memory_space<vmem>>, vector<64x128xf32>
      tpu.vector_store %arg11[%swap3A_65, %swap3A_66], %broadcast_in_dim3A_64 {strides = array<i32>} : memref<64x128xf32, #tpu.memory_space<vmem>>, vector<64x128xf32>,
      %broadcast_in_dim3A_68 = arith.constant 0.000000e+00 : f32
      %broadcast_in_dim3A_69 = vector.broadcast %broadcast_in_dim3A_68 : f32 to vector<64x1xf32>
      %swap3A_70 = arith.constant 0 : index
      %swap3A_71 = arith.constant 0 : index
      %swap3A_72 = vector.load %arg12[%swap3A_70, %swap3A_71] : memref<64x1xf32, #tpu.memory_space<vmem>>, vector<64x1xf32>
      tpu.vector_store %arg12[%swap3A_70, %swap3A_71], %broadcast_in_dim3A_69 {strides = array<i32>} : memref<64x1xf32, #tpu.memory_space<vmem>>, vector<64x1xf32>,
    } else {
    }
    %get3A_42 = arith.constant 0 : index
    %get3A_43 = arith.constant 0 : index
    %get3A_44 = vector.load %arg11[%get3A_42, %get3A_43] : memref<64x128xf32, #tpu.memory_space<vmem>>, vector<64x128xf32>
    %dot_general3A = arith.constant dense<0.000000e+00> : vector<64x128xf32>
    %dot_general3A_45 = tpu.matmul %convert_element_type3A_37, %select_n3A_31, %dot_general3A {dimension_numbers = #tpu.dot_dimension_numbers<[1], [0], [0], [1], [0, 0, 1, 1], [], []>, transpose_lhs_hint = false} : vector<64x1024xf32>, vector<1024x128xf32>, vector<64x128xf32> -> vector<64x128xf32>
    %add3A_46 = arith.addf %get3A_44, %dot_general3A_45 : vector<64x128xf32>
    %swap3A = arith.constant 0 : index
    %swap3A_47 = arith.constant 0 : index
    %swap3A_48 = vector.load %arg11[%swap3A, %swap3A_47] : memref<64x128xf32, #tpu.memory_space<vmem>>, vector<64x128xf32>
    tpu.vector_store %arg11[%swap3A, %swap3A_47], %add3A_46 {strides = array<i32>} : memref<64x128xf32, #tpu.memory_space<vmem>>, vector<64x128xf32>,
    %get3A_49 = arith.constant 0 : index
    %get3A_50 = arith.constant 0 : index
    %get3A_51 = vector.load %arg12[%get3A_49, %get3A_50] : memref<64x1xf32, #tpu.memory_space<vmem>>, vector<64x1xf32>
    %reduce_sum3A = arith.constant dense<0.000000e+00> : vector<64xf32>
    %reduce_sum3A_52 = vector.multi_reduction <add>, %convert_element_type3A_37, %reduce_sum3A [1] : vector<64x1024xf32> to vector<64xf32>
    %broadcast_in_dim3A_53 = vector.shape_cast %reduce_sum3A_52 : vector<64xf32> to vector<64x1xf32>
    %add3A_54 = arith.addf %get3A_51, %broadcast_in_dim3A_53 : vector<64x1xf32>
    %swap3A_55 = arith.constant 0 : index
    %swap3A_56 = arith.constant 0 : index
    %swap3A_57 = vector.load %arg12[%swap3A_55, %swap3A_56] : memref<64x1xf32, #tpu.memory_space<vmem>>, vector<64x1xf32>
    tpu.vector_store %arg12[%swap3A_55, %swap3A_56], %add3A_54 {strides = array<i32>} : memref<64x1xf32, #tpu.memory_space<vmem>>, vector<64x1xf32>,
    %eq3A_58 = arith.constant 9 : i32
    %eq3A_59 = arith.cmpi eq, %arg0, %eq3A_58 : i32
    %convert_element_type3A_60 = arith.extui %eq3A_59 : i1 to i32
    %cond3A_61 = arith.constant 0 : i32
    %cond3A_62 = arith.cmpi ne, %convert_element_type3A_60, %cond3A_61 : i32
    scf.if %cond3A_62 {
      %get3A_63 = arith.constant 0 : index
      %get3A_64 = arith.constant 0 : index
      %get3A_65 = vector.load %arg11[%get3A_63, %get3A_64] : memref<64x128xf32, #tpu.memory_space<vmem>>, vector<64x128xf32>
      %get3A_66 = arith.constant 0 : index
      %get3A_67 = arith.constant 0 : index
      %get3A_68 = vector.load %arg12[%get3A_66, %get3A_67] : memref<64x1xf32, #tpu.memory_space<vmem>>, vector<64x1xf32>
      %max3A = arith.constant 1.000000e+00 : f32
      %max3A_69 = vector.broadcast %max3A : f32 to vector<64x1xf32>
      %max3A_70 = arith.maximumf %get3A_68, %max3A_69 : vector<64x1xf32>
      %div3A_71 = vector.broadcast %max3A_70 : vector<64x1xf32> to vector<64x128xf32>
      %div3A_72 = arith.divf %get3A_65, %div3A_71 : vector<64x128xf32>
      %gt3A_73 = arith.constant 0.000000e+00 : f32
      %gt3A_74 = vector.broadcast %gt3A_73 : f32 to vector<64x128xf32>
      %gt3A_75 = arith.cmpf ogt, %div3A_72, %gt3A_74 : vector<64x128xf32>
      %exp3A_76 = math.exp %div3A_72 : vector<64x128xf32>
      %sub3A_77 = arith.constant 1.000000e+00 : f32
      %sub3A_78 = vector.broadcast %sub3A_77 : f32 to vector<64x128xf32>
      %sub3A_79 = arith.subf %exp3A_76, %sub3A_78 : vector<64x128xf32>
      %mul3A_80 = arith.constant 1.67326319 : f32
      %mul3A_81 = vector.broadcast %mul3A_80 : f32 to vector<64x128xf32>
      %mul3A_82 = arith.mulf %mul3A_81, %sub3A_79 : vector<64x128xf32>
      %select_n3A_83 = arith.select %gt3A_75, %div3A_72, %mul3A_82 : vector<64x128xi1>, vector<64x128xf32>
      %mul3A_84 = arith.constant 1.05070102 : f32
      %mul3A_85 = vector.broadcast %mul3A_84 : f32 to vector<64x128xf32>
      %mul3A_86 = arith.mulf %mul3A_85, %select_n3A_83 : vector<64x128xf32>
      %get3A_87 = arith.constant 0 : index
      %get3A_88 = arith.constant 0 : index
      %get3A_89 = vector.load %arg6[%get3A_87, %get3A_88] : memref<128x64xf32, #tpu.memory_space<vmem>>, vector<128x64xf32>
      %dot_general3A_90 = arith.constant dense<0.000000e+00> : vector<64x64xf32>
      %dot_general3A_91 = tpu.matmul %mul3A_86, %get3A_89, %dot_general3A_90 {dimension_numbers = #tpu.dot_dimension_numbers<[1], [0], [0], [1], [0, 0, 1, 1], [], []>, transpose_lhs_hint = false} : vector<64x128xf32>, vector<128x64xf32>, vector<64x64xf32> -> vector<64x64xf32>
      %get3A_92 = arith.constant 0 : index
      %get3A_93 = arith.constant 0 : index
      %get3A_94 = vector.load %arg7[%get3A_92, %get3A_93] : memref<1x64xf32, #tpu.memory_space<vmem>>, vector<1x64xf32>
      %add3A_95 = vector.broadcast %get3A_94 : vector<1x64xf32> to vector<64x64xf32>
      %add3A_96 = arith.addf %dot_general3A_91, %add3A_95 : vector<64x64xf32>
      %gt3A_97 = arith.constant 0.000000e+00 : f32
      %gt3A_98 = vector.broadcast %gt3A_97 : f32 to vector<64x64xf32>
      %gt3A_99 = arith.cmpf ogt, %add3A_96, %gt3A_98 : vector<64x64xf32>
      %exp3A_100 = math.exp %add3A_96 : vector<64x64xf32>
      %sub3A_101 = arith.constant 1.000000e+00 : f32
      %sub3A_102 = vector.broadcast %sub3A_101 : f32 to vector<64x64xf32>
      %sub3A_103 = arith.subf %exp3A_100, %sub3A_102 : vector<64x64xf32>
      %mul3A_104 = arith.constant 1.67326319 : f32
      %mul3A_105 = vector.broadcast %mul3A_104 : f32 to vector<64x64xf32>
      %mul3A_106 = arith.mulf %mul3A_105, %sub3A_103 : vector<64x64xf32>
      %select_n3A_107 = arith.select %gt3A_99, %add3A_96, %mul3A_106 : vector<64x64xi1>, vector<64x64xf32>
      %mul3A_108 = arith.constant 1.05070102 : f32
      %mul3A_109 = vector.broadcast %mul3A_108 : f32 to vector<64x64xf32>
      %mul3A_110 = arith.mulf %mul3A_109, %select_n3A_107 : vector<64x64xf32>
      %get3A_111 = arith.constant 0 : index
      %get3A_112 = arith.constant 0 : index
      %get3A_113 = vector.load %arg8[%get3A_111, %get3A_112] : memref<64x32xf32, #tpu.memory_space<vmem>>, vector<64x32xf32>
      %dot_general3A_114 = arith.constant dense<0.000000e+00> : vector<64x32xf32>
      %dot_general3A_115 = tpu.matmul %mul3A_110, %get3A_113, %dot_general3A_114 {dimension_numbers = #tpu.dot_dimension_numbers<[1], [0], [0], [1], [0, 0, 1, 1], [], []>, transpose_lhs_hint = false} : vector<64x64xf32>, vector<64x32xf32>, vector<64x32xf32> -> vector<64x32xf32>
      %get3A_116 = arith.constant 0 : index
      %get3A_117 = arith.constant 0 : index
      %get3A_118 = vector.load %arg9[%get3A_116, %get3A_117] : memref<1x32xf32, #tpu.memory_space<vmem>>, vector<1x32xf32>
      %add3A_119 = vector.broadcast %get3A_118 : vector<1x32xf32> to vector<64x32xf32>
      %add3A_120 = arith.addf %dot_general3A_115, %add3A_119 : vector<64x32xf32>
      %reduce_max3A = arith.constant dense<0xFF800000> : vector<64xf32>
      %reduce_max3A_121 = vector.multi_reduction <maximumf>, %add3A_120, %reduce_max3A [1] : vector<64x32xf32> to vector<64xf32>
      %broadcast_in_dim3A_122 = vector.shape_cast %reduce_max3A_121 : vector<64xf32> to vector<64x1xf32>
      %sub3A_123 = vector.broadcast %broadcast_in_dim3A_122 : vector<64x1xf32> to vector<64x32xf32>
      %sub3A_124 = arith.subf %add3A_120, %sub3A_123 : vector<64x32xf32>
      %exp3A_125 = math.exp %sub3A_124 : vector<64x32xf32>
      %reduce_sum3A_126 = arith.constant dense<0.000000e+00> : vector<64xf32>
      %reduce_sum3A_127 = vector.multi_reduction <add>, %exp3A_125, %reduce_sum3A_126 [1] : vector<64x32xf32> to vector<64xf32>
      %broadcast_in_dim3A_128 = vector.shape_cast %reduce_sum3A_127 : vector<64xf32> to vector<64x1xf32>
      %log3A = math.log %broadcast_in_dim3A_128 : vector<64x1xf32>
      %sub3A_129 = vector.broadcast %broadcast_in_dim3A_122 : vector<64x1xf32> to vector<64x32xf32>
      %sub3A_130 = arith.subf %add3A_120, %sub3A_129 : vector<64x32xf32>
      %sub3A_131 = vector.broadcast %log3A : vector<64x1xf32> to vector<64x32xf32>
      %sub3A_132 = arith.subf %sub3A_130, %sub3A_131 : vector<64x32xf32>
      %swap3A_133 = arith.constant 0 : index
      %swap3A_134 = arith.constant 0 : index
      %swap3A_135 = vector.load %arg10[%swap3A_133, %swap3A_134] : memref<64x32xf32, #tpu.memory_space<vmem>>, vector<64x32xf32>
      tpu.vector_store %arg10[%swap3A_133, %swap3A_134], %sub3A_132 {strides = array<i32>} : memref<64x32xf32, #tpu.memory_space<vmem>>, vector<64x32xf32>,
    } else {
    }
    return
  }
  func.func @transform_0(%arg0: i32) -> (i32, i32) {
    %c0_i32 = arith.constant 0 : i32
    %c0_i32_0 = arith.constant 0 : i32
    return %arg0, %c0_i32 : i32, i32
  }
  func.func @transform_1(%arg0: i32) -> (i32, i32) {
    %c0_i32 = arith.constant 0 : i32
    %c0_i32_0 = arith.constant 0 : i32
    return %arg0, %c0_i32 : i32, i32
  }
  func.func @transform_2(%arg0: i32) -> (i32, i32) {
    %c0_i32 = arith.constant 0 : i32
    %c0_i32_0 = arith.constant 0 : i32
    return %arg0, %c0_i32 : i32, i32
  }
  func.func @transform_3(%arg0: i32) -> (i32, i32) {
    %c0_i32 = arith.constant 0 : i32
    %c0_i32_0 = arith.constant 0 : i32
    return %arg0, %c0_i32 : i32, i32
  }
  func.func @transform_4(%arg0: i32) -> (i32, i32) {
    %c0_i32 = arith.constant 0 : i32
    %c0_i32_0 = arith.constant 0 : i32
    %c0_i32_1 = arith.constant 0 : i32
    return %c0_i32, %c0_i32_0 : i32, i32
  }
  func.func @transform_5(%arg0: i32) -> (i32, i32) {
    %c0_i32 = arith.constant 0 : i32
    %c0_i32_0 = arith.constant 0 : i32
    %c0_i32_1 = arith.constant 0 : i32
    return %c0_i32, %c0_i32_0 : i32, i32
  }
  func.func @transform_6(%arg0: i32) -> (i32, i32) {
    %c0_i32 = arith.constant 0 : i32
    %c0_i32_0 = arith.constant 0 : i32
    %c0_i32_1 = arith.constant 0 : i32
    return %c0_i32, %c0_i32_0 : i32, i32
  }
  func.func @transform_7(%arg0: i32) -> (i32, i32) {
    %c0_i32 = arith.constant 0 : i32
    %c0_i32_0 = arith.constant 0 : i32
    %c0_i32_1 = arith.constant 0 : i32
    return %c0_i32, %c0_i32_0 : i32, i32
  }
  func.func @transform_8(%arg0: i32) -> (i32, i32) {
    %c0_i32 = arith.constant 0 : i32
    %c0_i32_0 = arith.constant 0 : i32
    %c0_i32_1 = arith.constant 0 : i32
    return %c0_i32, %c0_i32_0 : i32, i32
  }
  func.func @transform_9(%arg0: i32) -> (i32, i32) {
    %c0_i32 = arith.constant 0 : i32
    %c0_i32_0 = arith.constant 0 : i32
    %c0_i32_1 = arith.constant 0 : i32
    return %c0_i32, %c0_i32_0 : i32, i32
  }
}

</mosaic_0001>

<sc_bundles>
// kernel: kernel.10.cloned.1.call-start
scs
__scs_entry_jumppad:
0x0: {  	(pc) =	sbr.rel $0x88, $3  }
0x1: {  	(tag) =	ssettag $0x0;
	lr =	simm.s32 $0x1  }
0x2: {  	[smem:$0x3F92] =	sst lr;
	_ =	strace $0xD0000000  }
0x3: {  	_ = 	snop  }
0x4: {  	_ = 	snop  }
0x5: {  	_ = 	snop  }
0x6: {  	_ = 	snop  }
0x7: {  	_ = 	snop  }
__scs_overlays_trampoline_lowered:
0x8: {  	[smem:$0x3FA1] =	sst s0  }
0x9: {  	[smem:$0x3FA2] =	sst s1  }
0xa: {  	[smem:$0x3FA3] =	sst s2  }
0xb: {  	[smem:$0x3FA4] =	sst s3  }
0xc: {  	[smem:$0x3FA5] =	sst s4  }
0xd: {  	[smem:$0x3FA6] =	sst s5  }
0xe: {  	[smem:$0x3FA7] =	sst s6  }
0xf: {  	[smem:$0x3FA8] =	sst s7  }
0x10: {  	[smem:$0x3FA9] =	sst s8  }
0x11: {  	[smem:$0x3FAA] =	sst s9;
	s0 =	simm.s32 @!p0 $0x0  }
0x12: {  	s1 =	sld [smem:$0x3F90];
	s0 =	simm.s32 @p0 $0x1  }
0x13: {  	[smem:$0x3FAB] =	sst s0;
	s0 =	simm.s32 @!p1 $0x0  }
0x14: {  	s2 =	sld [smem:$0x3F8F];
	s0 =	simm.s32 @p1 $0x1  }
0x15: {  	[smem:$0x3FAC] =	sst s0;
	s0 =	simm.s32 @!p2 $0x0  }
0x16: {  	s3 =	sld [smem:$0x3FDB];
	s0 =	simm.s32 @p2 $0x1  }
0x17: {  	s4 =	simm.s32 $0x1BF5;
	[smem:$0x3FAE] =	sst s0  }
0x18: {  	s0 =	sld [smem:$0x3F91];
	_ =	swait.ge [sflag:s4], $0x0  }
0x19: {  	s7 =	sld [smem:$0x3F92]  }
0x1a: {  	s8 =	sadd.s32 $0xFFFFE003, lr  }
0x1b: {  	s9 =	sadd.s32 $0xFFFFFEF7, lr;
	s5 =	simm.s32 $0xFFFFFFFF;
	p2 =	slt.u32 s8, $0xFFFFF086  }
0x1c: {  	p1 =	slt.u32 s9, $0xF7A;
	s5 =	simm.s32 @!p2 $0x0  }
0x1d: {  	s5 =	simm.s32 @p1 $0x1;
	p0 =	seq.s32 s7, s2  }
0x1e: {  	s7 =	smul.u32 @!p0 $0xF7A, s2;
	p2 =	seq.s32 @!p0 s5, $0x0  }
0x1f: {  	s9 =	smul.u32 $0xF7A, s1;
	s8 =	simm.s32 @!p0 $0x1BF5;
	p2 =	por !p2, p0  }
0x20: {  	[sflag:s8] =	ssyncset.s32 @!p0 $0xFFFFF086;
	s6 =	sadd.s32 @!p0 s3, s7;
	s7 =	simm.s32 @!p0 $0x108  }
0x21: {  	s3 =	sadd.s32 s3, s9;
	s6 =	sadd.s32 @!p0 $0x88, s6;
	s7 =	simm.s32 @p2 $0x1082  }
0x22: {  	[simem:s7], [sflag:s8] =	dma.local @!p0 [hbm:s6], $0xF7A  }
0x23: {  	s9 =	sor.u32 $0xD0000000, s2;
	s6 =	simm.s32 $0x108;
	_ =	swait.ge @!p0 [sflag:s8], $0x0  }
0x24: {  	s3 =	sadd.s32 $0x88, s3;
	s6 =	simm.s32 @!p1 $0x1082;
	[sflag:s4] =	ssyncset.s32 $0xFFFFF086  }
0x25: {  	[simem:s6], [sflag:s4] =	dma.local [hbm:s3], $0xF7A  }
0x26: {  	[smem:$0x3F92] =	sst s1;
	(tag) =	ssettag s2;
	_ =	strace s9  }
0x27: {  	s1 =	sld [smem:$0x3FA2]  }
0x28: {  	s2 =	sld [smem:$0x3FA3]  }
0x29: {  	s4 =	sld [smem:$0x3FA5]  }
0x2a: {  	p0 =	seq.s32 s5, $0x0;
	s5 =	sld [smem:$0x3FA6]  }
0x2b: {  	s6 =	sld [smem:$0x3FA7]  }
0x2c: {  	s7 =	sld [smem:$0x3FA8]  }
0x2d: {  	s3 =	simm.s32 $0x108;
	s8 =	sld [smem:$0x3FA9]  }
0x2e: {  	s3 =	simm.s32 @!p0 $0x1082;
	s9 =	sld [smem:$0x3FAA]  }
0x2f: {  	lr =	sadd.s32 s0, s3;
	s0 =	sld [smem:$0x3FA1]  }
0x30: {  	s3 =	sld [smem:$0x3FA4]  }
0x31: {  	[smem:$0x3FAD] =	sst s10  }
0x32: {  	s10 =	sld [smem:$0x3FAB];
	_ =	sdelay $0x3  }
0x33: {  	p0 =	seq.s32 s10, $0x1;
	s10 =	sld [smem:$0x3FAD];
	_ =	sdelay $0x3  }
0x34: {  	[smem:$0x3FAD] =	sst s10  }
0x35: {  	s10 =	sld [smem:$0x3FAC];
	_ =	sdelay $0x3  }
0x36: {  	p1 =	seq.s32 s10, $0x1;
	s10 =	sld [smem:$0x3FAD];
	_ =	sdelay $0x3  }
0x37: {  	[smem:$0x3FAD] =	sst s10  }
0x38: {  	s10 =	sld [smem:$0x3FAE]  }
0x39: {  	_ = 	snop;
	(pc) =	sbr.ind lr, $3  }
0x3a: {  	_ = 	snop  }
0x3b: {  	_ = 	snop  }
0x3c: {  	p2 =	seq.s32 s10, $0x1;
	s10 =	sld [smem:$0x3FAD]  }
0x3d: {  	_ =	shalt  }
0x3e: {  	_ =	shalt  }
0x3f: {  	_ =	shalt  }
0x40: {  	_ =	shalt  }
0x41: {  	_ =	shalt  }
0x42: {  	_ =	shalt  }
0x43: {  	_ =	shalt  }
0x44: {  	_ =	shalt  }
0x45: {  	_ =	shalt  }
0x46: {  	_ =	shalt  }
0x47: {  	_ =	shalt  }
0x48: {  	_ =	shalt  }
0x49: {  	_ =	shalt  }
0x4a: {  	_ =	shalt  }
0x4b: {  	_ =	shalt  }
0x4c: {  	_ =	shalt  }
0x4d: {  	_ =	shalt  }
0x4e: {  	_ =	shalt  }
0x4f: {  	_ =	shalt  }
0x50: {  	_ =	shalt  }
0x51: {  	_ =	shalt  }
0x52: {  	_ =	shalt  }
0x53: {  	_ =	shalt  }
0x54: {  	_ =	shalt  }
0x55: {  	_ =	shalt  }
0x56: {  	_ =	shalt  }
0x57: {  	_ =	shalt  }
0x58: {  	_ =	shalt  }
0x59: {  	_ =	shalt  }
0x5a: {  	_ =	shalt  }
0x5b: {  	_ =	shalt  }
0x5c: {  	_ =	shalt  }
0x5d: {  	_ =	shalt  }
0x5e: {  	_ =	shalt  }
0x5f: {  	_ =	shalt  }
0x60: {  	_ =	shalt  }
0x61: {  	_ =	shalt  }
0x62: {  	_ =	shalt  }
0x63: {  	_ =	shalt  }
0x64: {  	_ =	shalt  }
0x65: {  	_ =	shalt  }
0x66: {  	_ =	shalt  }
0x67: {  	_ =	shalt  }
0x68: {  	_ =	shalt  }
0x69: {  	_ =	shalt  }
0x6a: {  	_ =	shalt  }
0x6b: {  	_ =	shalt  }
0x6c: {  	_ =	shalt  }
0x6d: {  	_ =	shalt  }
0x6e: {  	_ =	shalt  }
0x6f: {  	_ =	shalt  }
0x70: {  	_ =	shalt  }
0x71: {  	_ =	shalt  }
0x72: {  	_ =	shalt  }
0x73: {  	_ =	shalt  }
0x74: {  	_ =	shalt  }
0x75: {  	_ =	shalt  }
0x76: {  	_ =	shalt  }
0x77: {  	_ =	shalt  }
0x78: {  	_ =	shalt  }
0x79: {  	_ =	shalt  }
0x7a: {  	_ =	shalt  }
0x7b: {  	_ =	shalt  }
0x7c: {  	_ =	shalt  }
0x7d: {  	_ =	shalt  }
0x7e: {  	_ =	shalt  }
0x7f: {  	_ =	shalt  }
0x80: {  	_ =	shalt  }
0x81: {  	_ =	shalt  }
0x82: {  	_ =	shalt  }
0x83: {  	_ =	shalt  }
0x84: {  	_ =	shalt  }
0x85: {  	_ =	shalt  }
0x86: {  	_ =	shalt  }
0x87: {  	_ =	shalt  }
.Lfunc_end0:
.L_simem_size_0:
called_computation.1_lowered:
.L_overlay_start_0:
0x88: {  	s2 =	sld [smem:$0x3FD9]  }
0x89: {  	s3 =	sld [smem:$0x3FFE];
	_ =	sdelay $0x1  }
0x8a: {  	s1 =	srdreg.scid  }
0x8b: {  	s0 =	sand.u32 $0x1, s1  }
0x8c: {  	s16 =	sshll.u32 s0, $0xA;
	s2 =	sadd.s32 s3, s2  }
0x8d: {  	s2 =	sadd.s32 s2, s16  }
0x8e: {  	[smem:$0x3FB9] =	sst s2  }
0x8f: {  	_ = 	snop  }
0x90: {  	(tm) =	ssettm $0x1  }
0x91: {  	s17 =	sld [smem:$0x3FFB];
	_ =	sdelay $0x3  }
0x92: {  	_ =	strace s17  }
0x93: {  	s2 =	sld [smem:$0x3FFC];
	_ =	sdelay $0x3  }
0x94: {  	_ =	strace s2  }
0x95: {  	s2 =	sld [smem:$0x3FFD];
	_ =	sdelay $0x3  }
0x96: {  	_ =	strace s2  }
0x97: {  	_ =	strace $0x8FFFFFFF  }
0x98: {  	s18 =	sld [smem:$0x3FDB];
	_ =	sdelay $0x1  }
0x99: {  	s19 =	simm.s32 $_scs_section_size  }
0x9a: {  	s4 =	simm.s32 $_size__tile_overlayer_lowered;
	s5 =	simm.s32 $_tile_overlayer_lowered  }
0x9b: {  	s22 =	simm.s32 $0x1BFF;
	s21 =	sshll.u32 s5, $0x1;
	s2 =	sadd.s32 s19, s18  }
0x9c: {  	s6 =	simm.s32 $0x0;
	s20 =	sshll.u32 s4, $0x1;
	s4 =	sadd.s32 s21, s2  }
0x9d: {  	[timem:s6], [sflag:s22] =	dma.local [hbm:s4], s20  }
0x9e: {  	_ =	swait.ge [sflag:s22], s20  }
0x9f: {  	s3 =	ssub.s32 $0x0, s20;
	[sflag:s22] =	ssyncset.done $0x0  }
0xa0: {  	[sflag:s22] =	ssyncadd.s32 s3;
	_ =	sdelay $0x1  }
0xa1: {  	s23 =	simm.s32 $0x1B8B  }
0xa2: {  	_ =	swait.ge [sflag:s23], $0x1  }
0xa3: {  	[sflag:s23] =	ssyncset.done $0x0  }
0xa4: {  	s25 =	simm.s32 $0x1B8E;
	s24 =	sld [smem:$0x3FFE];
	[sflag:s23] =	ssyncadd.s32 $0xFFFFFFFF  }
0xa5: {  	s26 =	simm.s32 $execute0_lowered;
	[smem:$0x3FD2] =	sst s25  }
0xa6: {  	s4 =	sshll.u32 s26, $0x1;
	_ =	strace $0x80000049;
	[dreg:$0x1] =	wrdreg $0xFFFFFFFF  }
0xa7: {  	s28 =	simm.s32 $_size_execute0_lowered;
	s2 =	sadd.s32 s2, s4;
	[dreg:$0x0] =	wrdreg $0x0  }
0xa8: {  	s4 =	sshll.u32 s28, $0x1;
	[dreg:$0x2] =	wrdreg s2  }
0xa9: {  	[dreg:$0x3] =	wrdreg s4  }
0xaa: {  	[dreg:$0x4] =	wrdreg $0xC0  }
0xab: {  	_ =	task [dreg:s6], $0x5FFFF  }
0xac: {  	[dreg:$0x1] =	wrdreg $0xFFFFFFFF  }
0xad: {  	[dreg:$0x0] =	wrdreg $0x60  }
0xae: {  	[dreg:$0x2] =	wrdreg s24  }
0xaf: {  	[dreg:$0x3] =	wrdreg $0x11B000  }
0xb0: {  	[dreg:$0x4] =	wrdreg $0x1BB000  }
0xb1: {  	[dreg:$0x5] =	wrdreg $0x9  }
0xb2: {  	_ =	task.clear_ibuf [dreg:s6], $0x6FFFF;
	_ =	strace $0x90000049  }
0xb3: {  	s29 =	simm.s32 $0x9;
	_ =	strace $0x8000004B  }
0xb4: {  	_ =	swait.ge [sflag:s29], $0x1  }
0xb5: {  	[sflag:s29] =	ssyncadd.s32 $0xFFFFFFFF  }
0xb6: {  	_ =	strace $0x9000004B  }
0xb7: {  	_ =	sfence  }
0xb8: {  	s30 =	sld [smem:$0x0];
	_ =	sdelay $0x2  }
0xb9: {  	s31 =	sshll.u32 s1, $0xD;
	s1 =	sshrl.u32 s1, $0x2  }
0xba: {  	s3 =	sand.u32 $0x4000, s31;
	s1 =	sadd.s32 s1, s30  }
0xbb: {  	s0 =	sor.u32 s3, s0;
	s1 =	sshll.u32 s1, $0x11  }
0xbc: {  	s0 =	sor.u32 s1, s0  }
0xbd: {  	s0 =	sadd.s32 $0x8F2B, s0  }
0xbe: {  	[sflag:s0] =	ssyncadd.remote.s32 $0x1  }
0xbf: {  	_ =	sfence.sel $0xFFFF  }
0xc0: {  	[dreg:$0x0] =	wrdreg $0xFFFFFFFF;
	(pc) =	sbr.abs _section_cstart, $3  }
0xc1: {  	[dreg:$0x1] =	wrdreg $0xFFFFFFFF  }
0xc2: {  	_ =	task.clear_ibuf [dreg:s6], $0x2FFFF;
	_ =	strace $0x9FFFFFFF  }
0xc3: {  	(tm) =	ssettm $0x7FFFFFFF  }
tec
execute0_lowered:
.L_overlay_start_1:
0x0: {  	(tag) =	ssettag $0x1  }
0x1: {  	s0 =	rddreg [dreg:$0x0]  }
0x2: {  	s1 =	rddreg [dreg:$0x1]  }
0x3: {  	s3 =	rddreg [dreg:$0x2]  }
0x4: {  	s4 =	simm.s32 $0x0;
	s15 =	stileid.u32;
	s2 =	srdreg.scid  }
0x5: {  	s31 =	simm.s32 $0x80;
	s29 =	simm.s32 $0x3;
	s30 =	simm.s32 $0x1  }
0x6: {  	s28 =	simm.s32 $0x0;
	[smem:$0x7FF] =	sst s4;
	s6 =	smul.u32 $0xA000, s15  }
0x7: {  	s5 =	sand.u32 $0x1, s2;
	s14 =	sadd.s32 $0x2200, s0;
	s16 =	sadd.s32 $0x1C00, s0  }
0x8: {  	s8 =	sadd.s32 $0x35000, s0;
	s10 =	smul.u32 $0x280, s15;
	s9 =	sadd.s32 $0x2A800, s0  }
0x9: {  	s20 =	smul.u32 $0xA80, s15;
	_ =	strace $0x8000004A;
	[dreg:$0x4] =	wrdreg s14  }
0xa: {  	s19 =	sshll.u32 s15, $0x6;
	[dreg:$0x5] =	wrdreg s16;
	s17 =	smul.u32 $0x14000, s5  }
0xb: {  	s12 =	ssub.s32 $0x2, s5;
	p0 =	sne.s32 s5, $0x0;
	s7 =	sshrl.u32 s6, $0x3  }
0xc: {  	s13 =	sshrl.u32 s10, $0x3;
	s14 =	sshrl.u32 s12, $0x1;
	s6 =	sadd.s32 s6, s1  }
0xd: {  	s10 =	sadd.s32 s10, s3;
	s22 =	sadd.s32 s8, s20;
	[dreg:$0x6] =	wrdreg s6  }
0xe: {  	s23 =	sadd.s32 s9, s20;
	s24 =	sor.u32 $0x20, s20;
	[dreg:$0xa] =	wrdreg s22  }
0xf: {  	s20 =	smul.u32 $0x5400, s15;
	s11 =	sadd.s32 s7, s0;
	[dreg:$0xb] =	wrdreg s23  }
0x10: {  	s2 =	sadd.s32 s17, s0;
	s6 =	sadd.s32 s9, s24;
	[dreg:$0x8] =	wrdreg s10  }
0x11: {  	s0 =	sadd.s32 s13, s0;
	s18 =	sadd.s32 $0x3F800, s11;
	[dreg:$0xd] =	wrdreg s6  }
0x12: {  	s14 =	ssub.s32 s12, s14;
	s21 =	sadd.s32 $0x53800, s0;
	[dreg:$0x7] =	wrdreg s18  }
0x13: {  	s12 =	sor.u32 $0x1C04, s19;
	s11 =	sadd.s32 s8, s24;
	[dreg:$0x9] =	wrdreg s21  }
0x14: {  	s19 =	sadd.s32 $0x2800, s2;
	s0 =	sadd.s32 $0x7BE00, s0;
	[dreg:$0xc] =	wrdreg s11  }
0x15: {  	s2 =	sadd.s32 $0x53E00, s2;
	s25 =	smax.u32 s14, $0x1;
	[dreg:$0xe] =	wrdreg s0  }
0x16: {  	s23 =	simm.s32 $0x4;
	[dreg:$0xf] =	wrdreg s25;
	s26 =	sadd.s32 s7, s2  }
0x17: {  	s25 =	simm.s32 $0x2800;
	s0 =	simm.s32 $0x11800;
	[dreg:$0x10] =	wrdreg s26  }
.LBB2_1:
0x18: {  	s2 =	rddreg [dreg:$0x6]  }
0x19: {  	s26 =	rddreg [dreg:$0x7];
	s6 =	sshrl.u32 s2, $0x3  }
0x1a: {  	[dreg:$0x11] =	wrdreg s6  }
0x1b: {  	[spmem:s6], [sflag:s12] =	dma.local [hbm:s26], $0x1400  }
0x1c: {  	_ =	swait.ge [sflag:s23], $0x1400  }
0x1d: {  	[sflag:s23] =	ssyncset.done $0x0  }
0x1e: {  	s7 =	sshrl.u32 s10, $0x3;
	s6 =	rddreg [dreg:$0x9];
	[sflag:s23] =	ssyncadd.s32 $0xFFFFEC00  }
0x1f: {  	[spmem:s7], [sflag:s12] =	dma.local [hbm:s6], $0x50  }
0x20: {  	_ =	swait.ge [sflag:s23], $0x50  }
0x21: {  	[sflag:s23] =	ssyncset.done $0x0  }
0x22: {  	s7 =	rddreg [dreg:$0x4];
	[sflag:s23] =	ssyncadd.s32 $0xFFFFFFB0  }
0x23: {  	[tilespmem:s4], [sflag:$0x4] =	stream.linear.gather [hbm4b:s7+s4], $0x2800, $0x38;
	[tilespmem:$0x1BD80] =	vst v63  }
0x24: {  	_ =	swait.ge [sflag:s23], $0x2800  }
0x25: {  	[sflag:s23] =	ssyncset.done $0x0  }
0x26: {  	s10 =	rddreg [dreg:$0x5];
	[sflag:s23] =	ssyncadd.s32 $0xFFFFD800  }
0x27: {  	[tilespmem:s25], [sflag:$0x4] =	stream.linear.gather [hbm4b:s10+s4], $0x2800, $0x38;
	[tilespmem:$0x1BD80] =	vst v63  }
0x28: {  	_ =	swait.ge [sflag:s23], $0x2800  }
0x29: {  	[sflag:s23] =	ssyncset.done $0x0  }
0x2a: {  	[sflag:s23] =	ssyncadd.s32 $0xFFFFD800  }
0x2b: {  	[bflag:$0x0] =	sbarrier.arrive $0xFFFF  }
0x2c: {  	s13 =	simm.s32 $0x5000;
	s11 =	rddreg [dreg:$0xa]  }
0x2d: {  	[tilespmem:s13], [sflag:$0x4] =	stream.linear.gather [hbm4b:s11+s4], $0x100, $0x38;
	[tilespmem:$0x1BD80] =	vst v63  }
0x2e: {  	_ =	swait.ge [sflag:s23], $0x100  }
0x2f: {  	[sflag:s23] =	ssyncset.done $0x0  }
0x30: {  	s15 =	simm.s32 $0x5400;
	s14 =	rddreg [dreg:$0xb];
	[sflag:s23] =	ssyncadd.s32 $0xFFFFFF00  }
0x31: {  	[tilespmem:s15], [sflag:$0x4] =	stream.linear.gather [hbm4b:s14+s4], $0x100, $0x38;
	[tilespmem:$0x1BD80] =	vst v63  }
0x32: {  	_ =	swait.ge [sflag:s23], $0x100  }
0x33: {  	[sflag:s23] =	ssyncset.done $0x0  }
0x34: {  	s17 =	simm.s32 $0x5100;
	s16 =	rddreg [dreg:$0xc];
	[sflag:s23] =	ssyncadd.s32 $0xFFFFFF00  }
0x35: {  	[tilespmem:s17], [sflag:$0x3] =	stream.linear.gather [hbm4b:s16+s4], $0x100, $0x38;
	[tilespmem:$0x1BD80] =	vst v63  }
0x36: {  	s21 =	simm.s32 $0x5500;
	s18 =	rddreg [dreg:$0xd]  }
0x37: {  	[tilespmem:s21], [sflag:$0x3] =	stream.linear.gather [hbm4b:s18+s4], $0x100, $0x38;
	[tilespmem:$0x1BD80] =	vst v63  }
0x38: {  	s22 =	simm.s32 $0x5800  }
0x39: {  	[tilespmem:s22], [sflag:$0x1] =	stream.indirect.gather [hbm4b:s19+s31], $0x40, s13, s31, $0xb8;
	[tilespmem:$0x1BD80] =	vst v63  }
0x3a: {  	s24 =	simm.s32 $0x5080;
	s26 =	simm.s32 $0x7800;
	s11 =	simm.s32 $0x0  }
0x3b: {  	[tilespmem:s26], [sflag:$0x1] =	stream.indirect.gather [hbm4b:s19+s31], $0x40, s24, s31, $0xb8;
	[tilespmem:$0x1BD80] =	vst v63  }
.LBB2_2:
0x3c: {  	p1 =	slt.u32 s11, $0x2  }
0x3d: {  	s7 =	simm.s32 @!p1 $0x2  }
0x3e: {  	_ =	swait.ge @!p1 [sflag:s7], $0x800  }
0x3f: {  	p2 =	sne.s32 @!p1 s5, $0x0;
	p3 =	sgt.u32 @!p1 s11, $0x51;
	[sflag:s7] =	ssyncset.done @!p1 $0x0  }
0x40: {  	p2 =	por p2, p1;
	[sflag:s7] =	ssyncadd.s32 @!p1 $0xFFFFF800;
	p1 =	por p1, !p3  }
.Ltmp0:
0x41: {  	_ = 	snop;
	(pc) =	sbr.rel @!p1 .LBB2_4-.Ltmp0, $4  }
0x42: {  	s7 =	simm.s32 @!p2 $0x2  }
0x43: {  	_ =	swait.ge @!p2 [sflag:s7], $0x20  }
0x44: {  	[sflag:s7] =	ssyncset.done @!p2 $0x0  }
0x45: {  	s10 =	sshll.u32 s11, $0x8;
	[sflag:s7] =	ssyncadd.s32 @!p2 $0xFFFFFFE0  }
0x46: {  	s7 =	sadd.s32 $0x200, s10  }
0x47: {  	s14 =	sadd.s32 s20, s7  }
0x48: {  	s7 =	sand.u32 $0x300, s7;
	s14 =	sshrl.u32 s14, $0x3  }
.Ltmp1:
0x49: {  	s15 =	sor.u32 $0x5000, s7;
	s16 =	sadd.s32 s8, s14;
	(pc) =	sbr.rel .LBB2_5-.Ltmp1, $4  }
0x4a: {  	[tilespmem:s15], [sflag:$0x3] =	stream.linear.gather [hbm4b:s16+s4], $0x100, $0x38;
	[tilespmem:$0x1BD80] =	vst v63  }
0x4b: {  	s7 =	sor.u32 $0x5400, s7;
	s14 =	sadd.s32 s9, s14  }
0x4c: {  	[tilespmem:s7], [sflag:$0x3] =	stream.linear.gather [hbm4b:s14+s4], $0x100, $0x38;
	[tilespmem:$0x1BD80] =	vst v63  }
0x4d: {  	s14 =	sadd.s32 $0x1, s11  }
.LBB2_4:
0x4e: {  	p1 =	seq.s32 s11, $0x53  }
.Ltmp2:
0x4f: {  	_ = 	snop;
	(pc) =	sbr.rel @p1 .LBB2_6-.Ltmp2, $2  }
0x50: {  	_ =	sdelay $0x2  }
0x51: {  	s14 =	simm.s32 $0x53;
	s7 =	simm.s32 $0x54  }
.LBB2_5:
0x52: {  	s7 =	smul.u32 $0xAB, s14;
	_ =	sdelay $0x1  }
0x53: {  	s7 =	sshrl.u32 s7, $0x9  }
0x54: {  	s7 =	sand.u32 $0x7F, s7  }
0x55: {  	_ =	swait.ge [sflag:s29], $0x100;
	s7 =	smul.u32 $0x3, s7  }
0x56: {  	[sflag:s29] =	ssyncset.done $0x0  }
0x57: {  	[sflag:s29] =	ssyncadd.s32 $0xFFFFFF00;
	s7 =	ssub.s32 s14, s7  }
0x58: {  	s15 =	sshll.u32 s14, $0x8;
	_ =	swait.ge [sflag:s29], $0x100;
	s7 =	sand.u32 $0xFF, s7  }
0x59: {  	s15 =	sand.u32 $0x300, s15;
	[sflag:s29] =	ssyncset.done $0x0;
	s7 =	sshll.u32 s7, $0xE  }
0x5a: {  	s17 =	sor.u32 $0x5000, s15;
	[sflag:s29] =	ssyncadd.s32 $0xFFFFFF00;
	s16 =	sadd.s32 $0x5800, s7  }
0x5b: {  	[tilespmem:s16], [sflag:$0x1] =	stream.indirect.gather [hbm4b:s19+s31], $0x40, s17, s31, $0xb8;
	[tilespmem:$0x1BD80] =	vst v63  }
0x5c: {  	s15 =	sor.u32 $0x5080, s15;
	s7 =	sadd.s32 $0x7800, s7  }
0x5d: {  	[tilespmem:s7], [sflag:$0x1] =	stream.indirect.gather [hbm4b:s19+s31], $0x40, s15, s31, $0xb8;
	[tilespmem:$0x1BD80] =	vst v63  }
0x5e: {  	s7 =	smov.u32 s14  }
.LBB2_6:
0x5f: {  	_ =	swait.ge [sflag:s30], $0x4000  }
0x60: {  	[sflag:s30] =	ssyncset.done $0x0  }
0x61: {  	s10 =	sand.u32 $0x300, s10;
	[sflag:s30] =	ssyncadd.s32 $0xFFFFC000  }
0x62: {  	v0 =	vld [tilespmem:s10+$0x5000]  }
0x63: {  	v1 =	vld [tilespmem:s10+$0x5400];
	_ =	sdelay $0x6  }
0x64: {  	v0 =	vld.idx.msk [tilespmem:v0+s4+$0x0], $0xffff  }
0x65: {  	v1 =	vld.idx.msk [tilespmem:v1+s25+$0x0], $0xffff;
	_ =	sdelay $0x4  }
0x66: {  	v0 =	vadd.f32 v1, v0;
	_ =	sdelay $0x1  }
0x67: {  	v1 =	vmul.f32 $2.000000030e-01, v0  }
0x68: {  	vm0 =	vge.f32 v0, $0.0e+00  }
0x69: {  	v0 =	vsel vm0, v0, v1  }
0x6a: {  	v0 =	vmul.f32 $1.442695020e+00, v0;
	_ =	sdelay $0x1  }
0x6b: {  	(erf) = vpow2.f32 v0  }
0x6c: {  	s14 =	sand.u32 $0xFF, s11  }
0x6d: {  	s14 =	smul.u32 $0xAB, s14;
	_ =	sdelay $0x1  }
0x6e: {  	s14 =	sshrl.u32 s14, $0x9  }
0x6f: {  	s14 =	smul.u32 $0x3, s14;
	_ =	sdelay $0x1  }
0x70: {  	s22 =	ssub.s32 s11, s14  }
0x71: {  	s14 =	sand.u32 $0xFF, s22  }
0x72: {  	s11 =	sshll.u32 s14, $0x8;
	v0 =	vpop (erf)  }
0x73: {  	[tilespmem:s11+$0x11800] =	vst v0  }
0x74: {  	v0 =	vld [tilespmem:s10+$0x5010]  }
0x75: {  	v1 =	vld [tilespmem:s10+$0x5410];
	_ =	sdelay $0x6  }
0x76: {  	v0 =	vld.idx.msk [tilespmem:v0+s4+$0x0], $0xffff  }
0x77: {  	v1 =	vld.idx.msk [tilespmem:v1+s25+$0x0], $0xffff;
	_ =	sdelay $0x4  }
0x78: {  	v0 =	vadd.f32 v1, v0;
	_ =	sdelay $0x1  }
0x79: {  	v1 =	vmul.f32 $2.000000030e-01, v0  }
0x7a: {  	vm13 =	vge.f32 v0, $0.0e+00  }
0x7b: {  	v0 =	vsel vm13, v0, v1  }
0x7c: {  	v0 =	vmul.f32 $1.442695020e+00, v0;
	_ =	sdelay $0x1  }
0x7d: {  	(erf) = vpow2.f32 v0;
	_ =	sdelay $0x8  }
0x7e: {  	v0 =	vpop (erf)  }
0x7f: {  	[tilespmem:s11+$0x11810] =	vst v0  }
0x80: {  	v0 =	vld [tilespmem:s10+$0x5020]  }
0x81: {  	v1 =	vld [tilespmem:s10+$0x5420];
	_ =	sdelay $0x6  }
0x82: {  	v0 =	vld.idx.msk [tilespmem:v0+s4+$0x0], $0xffff  }
0x83: {  	v1 =	vld.idx.msk [tilespmem:v1+s25+$0x0], $0xffff;
	_ =	sdelay $0x4  }
0x84: {  	v0 =	vadd.f32 v1, v0;
	_ =	sdelay $0x1  }
0x85: {  	v1 =	vmul.f32 $2.000000030e-01, v0  }
0x86: {  	vm14 =	vge.f32 v0, $0.0e+00  }
0x87: {  	v0 =	vsel vm14, v0, v1  }
0x88: {  	v0 =	vmul.f32 $1.442695020e+00, v0;
	_ =	sdelay $0x1  }
0x89: {  	(erf) = vpow2.f32 v0;
	_ =	sdelay $0x8  }
0x8a: {  	v0 =	vpop (erf)  }
0x8b: {  	[tilespmem:s11+$0x11820] =	vst v0  }
0x8c: {  	v0 =	vld [tilespmem:s10+$0x5030]  }
0x8d: {  	v1 =	vld [tilespmem:s10+$0x5430];
	_ =	sdelay $0x6  }
0x8e: {  	v0 =	vld.idx.msk [tilespmem:v0+s4+$0x0], $0xffff  }
0x8f: {  	v1 =	vld.idx.msk [tilespmem:v1+s25+$0x0], $0xffff;
	_ =	sdelay $0x4  }
0x90: {  	v0 =	vadd.f32 v1, v0;
	_ =	sdelay $0x1  }
0x91: {  	v1 =	vmul.f32 $2.000000030e-01, v0  }
0x92: {  	vm15 =	vge.f32 v0, $0.0e+00  }
0x93: {  	v0 =	vsel vm15, v0, v1  }
0x94: {  	v0 =	vmul.f32 $1.442695020e+00, v0;
	_ =	sdelay $0x1  }
0x95: {  	(erf) = vpow2.f32 v0;
	_ =	sdelay $0x8  }
0x96: {  	v0 =	vpop (erf)  }
0x97: {  	[tilespmem:s11+$0x11830] =	vst v0  }
0x98: {  	v0 =	vld [tilespmem:s10+$0x5040]  }
0x99: {  	v1 =	vld [tilespmem:s10+$0x5440];
	_ =	sdelay $0x6  }
0x9a: {  	v0 =	vld.idx.msk [tilespmem:v0+s4+$0x0], $0xffff  }
0x9b: {  	v1 =	vld.idx.msk [tilespmem:v1+s25+$0x0], $0xffff;
	_ =	sdelay $0x4  }
0x9c: {  	v0 =	vadd.f32 v1, v0;
	_ =	sdelay $0x1  }
0x9d: {  	v1 =	vmul.f32 $2.000000030e-01, v0  }
0x9e: {  	vm4 =	vge.f32 v0, $0.0e+00  }
0x9f: {  	v0 =	vsel vm4, v0, v1  }
0xa0: {  	v0 =	vmul.f32 $1.442695020e+00, v0;
	_ =	sdelay $0x1  }
0xa1: {  	(erf) = vpow2.f32 v0;
	_ =	sdelay $0x8  }
0xa2: {  	v0 =	vpop (erf)  }
0xa3: {  	[tilespmem:s11+$0x11840] =	vst v0  }
0xa4: {  	v0 =	vld [tilespmem:s10+$0x5050]  }
0xa5: {  	v1 =	vld [tilespmem:s10+$0x5450];
	_ =	sdelay $0x6  }
0xa6: {  	v0 =	vld.idx.msk [tilespmem:v0+s4+$0x0], $0xffff  }
0xa7: {  	v1 =	vld.idx.msk [tilespmem:v1+s25+$0x0], $0xffff;
	_ =	sdelay $0x4  }
0xa8: {  	v0 =	vadd.f32 v1, v0;
	_ =	sdelay $0x1  }
0xa9: {  	v1 =	vmul.f32 $2.000000030e-01, v0  }
0xaa: {  	vm5 =	vge.f32 v0, $0.0e+00  }
0xab: {  	v0 =	vsel vm5, v0, v1  }
0xac: {  	v0 =	vmul.f32 $1.442695020e+00, v0;
	_ =	sdelay $0x1  }
0xad: {  	(erf) = vpow2.f32 v0;
	_ =	sdelay $0x8  }
0xae: {  	v0 =	vpop (erf)  }
0xaf: {  	[tilespmem:s11+$0x11850] =	vst v0  }
0xb0: {  	v0 =	vld [tilespmem:s10+$0x5060]  }
0xb1: {  	v1 =	vld [tilespmem:s10+$0x5460];
	_ =	sdelay $0x6  }
0xb2: {  	v0 =	vld.idx.msk [tilespmem:v0+s4+$0x0], $0xffff  }
0xb3: {  	v1 =	vld.idx.msk [tilespmem:v1+s25+$0x0], $0xffff;
	_ =	sdelay $0x4  }
0xb4: {  	v0 =	vadd.f32 v1, v0;
	_ =	sdelay $0x1  }
0xb5: {  	v1 =	vmul.f32 $2.000000030e-01, v0  }
0xb6: {  	vm6 =	vge.f32 v0, $0.0e+00  }
0xb7: {  	v0 =	vsel vm6, v0, v1  }
0xb8: {  	v0 =	vmul.f32 $1.442695020e+00, v0;
	_ =	sdelay $0x1  }
0xb9: {  	(erf) = vpow2.f32 v0;
	_ =	sdelay $0x8  }
0xba: {  	v0 =	vpop (erf)  }
0xbb: {  	[tilespmem:s11+$0x11860] =	vst v0  }
0xbc: {  	v0 =	vld [tilespmem:s10+$0x5070]  }
0xbd: {  	v1 =	vld [tilespmem:s10+$0x5470];
	_ =	sdelay $0x6  }
0xbe: {  	v0 =	vld.idx.msk [tilespmem:v0+s4+$0x0], $0xffff  }
0xbf: {  	v1 =	vld.idx.msk [tilespmem:v1+s25+$0x0], $0xffff;
	_ =	sdelay $0x4  }
0xc0: {  	v0 =	vadd.f32 v1, v0;
	_ =	sdelay $0x1  }
0xc1: {  	v1 =	vmul.f32 $2.000000030e-01, v0  }
0xc2: {  	vm7 =	vge.f32 v0, $0.0e+00  }
0xc3: {  	v0 =	vsel vm7, v0, v1  }
0xc4: {  	v0 =	vmul.f32 $1.442695020e+00, v0;
	_ =	sdelay $0x1  }
0xc5: {  	(erf) = vpow2.f32 v0;
	_ =	sdelay $0x8  }
0xc6: {  	v0 =	vpop (erf)  }
0xc7: {  	[tilespmem:s11+$0x11870] =	vst v0  }
0xc8: {  	v0 =	vld [tilespmem:s10+$0x5080]  }
0xc9: {  	v1 =	vld [tilespmem:s10+$0x5480];
	_ =	sdelay $0x6  }
0xca: {  	v0 =	vld.idx.msk [tilespmem:v0+s4+$0x0], $0xffff  }
0xcb: {  	v1 =	vld.idx.msk [tilespmem:v1+s25+$0x0], $0xffff;
	_ =	sdelay $0x4  }
0xcc: {  	v0 =	vadd.f32 v1, v0;
	_ =	sdelay $0x1  }
0xcd: {  	v1 =	vmul.f32 $2.000000030e-01, v0  }
0xce: {  	vm8 =	vge.f32 v0, $0.0e+00  }
0xcf: {  	v0 =	vsel vm8, v0, v1  }
0xd0: {  	v0 =	vmul.f32 $1.442695020e+00, v0;
	_ =	sdelay $0x1  }
0xd1: {  	(erf) = vpow2.f32 v0;
	_ =	sdelay $0x8  }
0xd2: {  	v0 =	vpop (erf)  }
0xd3: {  	[tilespmem:s11+$0x11880] =	vst v0  }
0xd4: {  	v0 =	vld [tilespmem:s10+$0x5090]  }
0xd5: {  	v1 =	vld [tilespmem:s10+$0x5490];
	_ =	sdelay $0x6  }
0xd6: {  	v0 =	vld.idx.msk [tilespmem:v0+s4+$0x0], $0xffff  }
0xd7: {  	v1 =	vld.idx.msk [tilespmem:v1+s25+$0x0], $0xffff;
	_ =	sdelay $0x4  }
0xd8: {  	v0 =	vadd.f32 v1, v0;
	_ =	sdelay $0x1  }
0xd9: {  	v1 =	vmul.f32 $2.000000030e-01, v0  }
0xda: {  	vm9 =	vge.f32 v0, $0.0e+00  }
0xdb: {  	v0 =	vsel vm9, v0, v1  }
0xdc: {  	v0 =	vmul.f32 $1.442695020e+00, v0;
	_ =	sdelay $0x1  }
0xdd: {  	(erf) = vpow2.f32 v0;
	_ =	sdelay $0x8  }
0xde: {  	v0 =	vpop (erf)  }
0xdf: {  	[tilespmem:s11+$0x11890] =	vst v0  }
0xe0: {  	v0 =	vld [tilespmem:s10+$0x50A0]  }
0xe1: {  	v1 =	vld [tilespmem:s10+$0x54A0];
	_ =	sdelay $0x6  }
0xe2: {  	v0 =	vld.idx.msk [tilespmem:v0+s4+$0x0], $0xffff  }
0xe3: {  	v1 =	vld.idx.msk [tilespmem:v1+s25+$0x0], $0xffff;
	_ =	sdelay $0x4  }
0xe4: {  	v0 =	vadd.f32 v1, v0;
	_ =	sdelay $0x1  }
0xe5: {  	v1 =	vmul.f32 $2.000000030e-01, v0  }
0xe6: {  	vm10 =	vge.f32 v0, $0.0e+00  }
0xe7: {  	v0 =	vsel vm10, v0, v1  }
0xe8: {  	v0 =	vmul.f32 $1.442695020e+00, v0;
	_ =	sdelay $0x1  }
0xe9: {  	(erf) = vpow2.f32 v0;
	_ =	sdelay $0x8  }
0xea: {  	v0 =	vpop (erf)  }
0xeb: {  	[tilespmem:s11+$0x118A0] =	vst v0  }
0xec: {  	v0 =	vld [tilespmem:s10+$0x50B0]  }
0xed: {  	v1 =	vld [tilespmem:s10+$0x54B0];
	_ =	sdelay $0x6  }
0xee: {  	v0 =	vld.idx.msk [tilespmem:v0+s4+$0x0], $0xffff  }
0xef: {  	v1 =	vld.idx.msk [tilespmem:v1+s25+$0x0], $0xffff;
	_ =	sdelay $0x4  }
0xf0: {  	v0 =	vadd.f32 v1, v0;
	_ =	sdelay $0x1  }
0xf1: {  	v1 =	vmul.f32 $2.000000030e-01, v0  }
0xf2: {  	vm11 =	vge.f32 v0, $0.0e+00  }
0xf3: {  	v0 =	vsel vm11, v0, v1  }
0xf4: {  	v0 =	vmul.f32 $1.442695020e+00, v0;
	_ =	sdelay $0x1  }
0xf5: {  	(erf) = vpow2.f32 v0;
	_ =	sdelay $0x8  }
0xf6: {  	v0 =	vpop (erf)  }
0xf7: {  	[tilespmem:s11+$0x118B0] =	vst v0  }
0xf8: {  	v0 =	vld [tilespmem:s10+$0x50C0]  }
0xf9: {  	v1 =	vld [tilespmem:s10+$0x54C0];
	_ =	sdelay $0x6  }
0xfa: {  	v0 =	vld.idx.msk [tilespmem:v0+s4+$0x0], $0xffff  }
0xfb: {  	v1 =	vld.idx.msk [tilespmem:v1+s25+$0x0], $0xffff;
	_ =	sdelay $0x4  }
0xfc: {  	v0 =	vadd.f32 v1, v0;
	_ =	sdelay $0x1  }
0xfd: {  	v1 =	vmul.f32 $2.000000030e-01, v0  }
0xfe: {  	vm12 =	vge.f32 v0, $0.0e+00  }
0xff: {  	v0 =	vsel vm12, v0, v1  }
0x100: {  	v0 =	vmul.f32 $1.442695020e+00, v0;
	_ =	sdelay $0x1  }
0x101: {  	(erf) = vpow2.f32 v0;
	_ =	sdelay $0x8  }
0x102: {  	v0 =	vpop (erf)  }
0x103: {  	[tilespmem:s11+$0x118C0] =	vst v0  }
0x104: {  	v0 =	vld [tilespmem:s10+$0x50D0]  }
0x105: {  	v1 =	vld [tilespmem:s10+$0x54D0];
	_ =	sdelay $0x6  }
0x106: {  	v0 =	vld.idx.msk [tilespmem:v0+s4+$0x0], $0xffff  }
0x107: {  	v1 =	vld.idx.msk [tilespmem:v1+s25+$0x0], $0xffff;
	_ =	sdelay $0x4  }
0x108: {  	v0 =	vadd.f32 v1, v0;
	_ =	sdelay $0x1  }
0x109: {  	v1 =	vmul.f32 $2.000000030e-01, v0  }
0x10a: {  	vm13 =	vge.f32 v0, $0.0e+00  }
0x10b: {  	v0 =	vsel vm13, v0, v1  }
0x10c: {  	v0 =	vmul.f32 $1.442695020e+00, v0;
	_ =	sdelay $0x1  }
0x10d: {  	(erf) = vpow2.f32 v0;
	_ =	sdelay $0x8  }
0x10e: {  	v0 =	vpop (erf)  }
0x10f: {  	[tilespmem:s11+$0x118D0] =	vst v0  }
0x110: {  	v0 =	vld [tilespmem:s10+$0x50E0]  }
0x111: {  	v1 =	vld [tilespmem:s10+$0x54E0];
	_ =	sdelay $0x6  }
0x112: {  	v0 =	vld.idx.msk [tilespmem:v0+s4+$0x0], $0xffff  }
0x113: {  	v1 =	vld.idx.msk [tilespmem:v1+s25+$0x0], $0xffff;
	_ =	sdelay $0x4  }
0x114: {  	v0 =	vadd.f32 v1, v0;
	_ =	sdelay $0x1  }
0x115: {  	v1 =	vmul.f32 $2.000000030e-01, v0  }
0x116: {  	vm14 =	vge.f32 v0, $0.0e+00  }
0x117: {  	v0 =	vsel vm14, v0, v1  }
0x118: {  	v0 =	vmul.f32 $1.442695020e+00, v0;
	_ =	sdelay $0x1  }
0x119: {  	(erf) = vpow2.f32 v0;
	_ =	sdelay $0x8  }
0x11a: {  	v0 =	vpop (erf)  }
0x11b: {  	[tilespmem:s11+$0x118E0] =	vst v0  }
0x11c: {  	v0 =	vld [tilespmem:s10+$0x50F0]  }
0x11d: {  	v1 =	vld [tilespmem:s10+$0x54F0];
	_ =	sdelay $0x6  }
0x11e: {  	v0 =	vld.idx.msk [tilespmem:v0+s4+$0x0], $0xffff  }
0x11f: {  	v1 =	vld.idx.msk [tilespmem:v1+s25+$0x0], $0xffff;
	_ =	sdelay $0x4  }
0x120: {  	v0 =	vadd.f32 v1, v0;
	_ =	sdelay $0x1  }
0x121: {  	v1 =	vmul.f32 $2.000000030e-01, v0  }
0x122: {  	vm15 =	vge.f32 v0, $0.0e+00  }
0x123: {  	v0 =	vsel vm15, v0, v1  }
0x124: {  	v0 =	vmul.f32 $1.442695020e+00, v0;
	_ =	sdelay $0x1  }
0x125: {  	(erf) = vpow2.f32 v0;
	_ =	sdelay $0x1  }
0x126: {  	s15 =	sadd.s32 $0xFFFFFFFC, s11  }
0x127: {  	s16 =	sadd.s32 $0x4, s15  }
0x128: {  	v0 =	vmov s16  }
0x129: {  	v0 =	vand.u32 $0xFFFFFFFC, v0  }
0x12a: {  	v0 =	vbroadcast v0, $0x0;
	_ =	sdelay $0x2  }
0x12b: {  	s14 =	sshll.u32 s14, $0xE;
	v1 =	vpop (erf)  }
0x12c: {  	s22 =	sadd.s32 $0x5880, s14;
	[tilespmem:s11+$0x118F0] =	vst v1  }
0x12d: {  	v1 =	vld [tilespmem:s22+$0xFFFFFFB0]  }
0x12e: {  	v0 =	vld.idx.msk [tilespmem:v0+s0+$0x0], $0xffff  }
0x12f: {  	v2 =	vld [tilespmem:s22+$0xFFFFFF80]  }
0x130: {  	s24 =	sadd.s32 $0x5, s15;
	v3 =	vld [tilespmem:s22+$0xFFFFFF90]  }
0x131: {  	v4 =	vmov s24;
	v5 =	vld [tilespmem:s22+$0xFFFFFFA0]  }
0x132: {  	v4 =	vand.u32 $0xFFFFFFFD, v4  }
0x133: {  	v4 =	vbroadcast v4, $0x0;
	v1 =	vmul.f32 v1, v0  }
0x134: {  	v2 =	vmul.f32 v2, v0  }
0x135: {  	v3 =	vmul.f32 v3, v0;
	[tilespmem:s22+$0xFFFFFFB0] =	vst v1  }
0x136: {  	v0 =	vmul.f32 v5, v0;
	[tilespmem:s22+$0xFFFFFF80] =	vst v2  }
0x137: {  	[tilespmem:s22+$0xFFFFFF90] =	vst v3  }
0x138: {  	[tilespmem:s22+$0xFFFFFFA0] =	vst v0;
	v1 =	vld [tilespmem:s22+$0xFFFFFFC0]  }
0x139: {  	v0 =	vld.idx.msk [tilespmem:v4+s0+$0x0], $0xffff  }
0x13a: {  	v2 =	vld [tilespmem:s22+$0xFFFFFFF0]  }
0x13b: {  	s26 =	sadd.s32 $0x6, s15;
	v3 =	vld [tilespmem:s22+$0xFFFFFFD0]  }
0x13c: {  	v62 =	vmov s26;
	v61 =	vld [tilespmem:s22+$0xFFFFFFE0]  }
0x13d: {  	v5 =	vand.u32 $0xFFFFFFFE, v62  }
0x13e: {  	v5 =	vbroadcast v5, $0x0;
	v1 =	vmul.f32 v1, v0  }
0x13f: {  	v2 =	vmul.f32 v2, v0  }
0x140: {  	v3 =	vmul.f32 v3, v0;
	[tilespmem:s22+$0xFFFFFFC0] =	vst v1  }
0x141: {  	v0 =	vmul.f32 v61, v0;
	[tilespmem:s22+$0xFFFFFFF0] =	vst v2  }
0x142: {  	[tilespmem:s22+$0xFFFFFFD0] =	vst v3  }
0x143: {  	[tilespmem:s22+$0xFFFFFFE0] =	vst v0;
	v0 =	vld [tilespmem:s22+$0x0]  }
0x144: {  	v1 =	vld.idx.msk [tilespmem:v5+s0+$0x0], $0xffff;
	_ =	sdelay $0x1  }
0x145: {  	v2 =	vld [tilespmem:s22+$0x30]  }
0x146: {  	v3 =	vld [tilespmem:s22+$0x20]  }
0x147: {  	v63 =	vld [tilespmem:s22+$0x10]  }
0x148: {  	v0 =	vmul.f32 v0, v1  }
0x149: {  	s15 =	sadd.s32 $0x7, s15  }
0x14a: {  	v2 =	vmul.f32 v2, v1;
	[tilespmem:s22+$0x0] =	vst v0;
	v0 =	vmov s15  }
0x14b: {  	v3 =	vmul.f32 v3, v1  }
0x14c: {  	s21 =	simm.s32 $0x0;
	s17 =	sadd.s32 $0x11800, s11;
	s18 =	sadd.s32 $0x11880, s11;
	v1 =	vmul.f32 v63, v1;
	[tilespmem:s22+$0x30] =	vst v2  }
0x14d: {  	s26 =	sadd.s32 $0x5800, s14;
	s16 =	sor.u32 $0x5400, s10;
	[tilespmem:s22+$0x20] =	vst v3;
	s15 =	smov.u32 s22  }
.LBB2_7:
0x14e: {  	[tilespmem:s22+$0x10] =	vst v1;
	v1 =	vld [tilespmem:s22+$0x70];
	s15 =	sadd.s32 $0x100, s15;
	s24 =	smov.u32 s21;
	s21 =	sadd.s32 $0x4, s21  }
0x14f: {  	p1 =	slt.u32 s21, $0xFC;
	v0 =	vld.idx.msk [tilespmem:v0+s0+$0x0], $0xffff  }
0x150: {  	v2 =	vld [tilespmem:s22+$0x40]  }
0x151: {  	s24 =	sadd.s32 s24, s11;
	v3 =	vld [tilespmem:s22+$0x50]  }
0x152: {  	s2 =	sadd.s32 $0x4, s24;
	s13 =	sadd.s32 $0x5, s24;
	s6 =	sadd.s32 $0x6, s24;
	v4 =	vld [tilespmem:s22+$0x60]  }
0x153: {  	s24 =	sadd.s32 $0x7, s24;
	v5 =	vmov s2;
	v6 =	vmov s13;
	v7 =	vmov s6  }
0x154: {  	v5 =	vand.u32 $0xFFFFFFFC, v5;
	v6 =	vand.u32 $0xFFFFFFFD, v6;
	v7 =	vand.u32 $0xFFFFFFFE, v7  }
0x155: {  	v5 =	vbroadcast v5, $0x0;
	v2 =	vmul.f32 v2, v0  }
0x156: {  	v1 =	vmul.f32 v1, v0;
	v3 =	vmul.f32 v3, v0  }
0x157: {  	[tilespmem:s22+$0x40] =	vst v2;
	v0 =	vmul.f32 v4, v0  }
0x158: {  	[tilespmem:s22+$0x70] =	vst v1  }
0x159: {  	v1 =	vld [tilespmem:s15+$0xFFFFFFA0];
	[tilespmem:s22+$0x50] =	vst v3  }
0x15a: {  	v2 =	vld [tilespmem:s15+$0xFFFFFFB0];
	[tilespmem:s22+$0x60] =	vst v0;
	s22 =	smov.u32 s15  }
0x15b: {  	v0 =	vld.idx.msk [tilespmem:v5+s0+$0x0], $0xffff  }
0x15c: {  	v3 =	vld [tilespmem:s15+$0xFFFFFF80]  }
0x15d: {  	v4 =	vld [tilespmem:s15+$0xFFFFFF90];
	_ =	sdelay $0x2  }
0x15e: {  	v5 =	vbroadcast v6, $0x0  }
0x15f: {  	v2 =	vmul.f32 v2, v0;
	v3 =	vmul.f32 v3, v0  }
0x160: {  	v4 =	vmul.f32 v4, v0;
	v0 =	vmul.f32 v1, v0  }
0x161: {  	[tilespmem:s15+$0xFFFFFFB0] =	vst v2  }
0x162: {  	[tilespmem:s15+$0xFFFFFF80] =	vst v3  }
0x163: {  	[tilespmem:s15+$0xFFFFFF90] =	vst v4;
	v1 =	vld [tilespmem:s15+$0xFFFFFFF0]  }
0x164: {  	[tilespmem:s15+$0xFFFFFFA0] =	vst v0;
	v0 =	vld [tilespmem:s15+$0xFFFFFFD0]  }
0x165: {  	v2 =	vld.idx.msk [tilespmem:v5+s0+$0x0], $0xffff  }
0x166: {  	v3 =	vld [tilespmem:s15+$0xFFFFFFC0]  }
0x167: {  	v4 =	vld [tilespmem:s15+$0xFFFFFFE0];
	_ =	sdelay $0x2  }
0x168: {  	v5 =	vbroadcast v7, $0x0  }
0x169: {  	v0 =	vmul.f32 v0, v2;
	v3 =	vmul.f32 v3, v2  }
0x16a: {  	v1 =	vmul.f32 v1, v2;
	v4 =	vmul.f32 v4, v2  }
0x16b: {  	[tilespmem:s15+$0xFFFFFFC0] =	vst v3  }
0x16c: {  	[tilespmem:s15+$0xFFFFFFF0] =	vst v1  }
0x16d: {  	[tilespmem:s15+$0xFFFFFFD0] =	vst v0;
	v0 =	vld [tilespmem:s15+$0x30]  }
0x16e: {  	[tilespmem:s15+$0xFFFFFFE0] =	vst v4;
	v1 =	vld [tilespmem:s15+$0x0]  }
0x16f: {  	v2 =	vld.idx.msk [tilespmem:v5+s0+$0x0], $0xffff  }
0x170: {  	v3 =	vld [tilespmem:s15+$0x10]  }
0x171: {  	v4 =	vld [tilespmem:s15+$0x20];
	_ =	sdelay $0x3  }
.Ltmp3:
0x172: {  	v5 =	vmul.f32 v1, v2;
	v1 =	vmul.f32 v3, v2;
	(pc) =	sbr.rel @p1 .LBB2_7-.Ltmp3, $4  }
0x173: {  	v3 =	vmul.f32 v4, v2;
	v2 =	vmul.f32 v0, v2;
	v0 =	vmov s24  }
0x174: {  	[tilespmem:s15+$0x0] =	vst v5  }
0x175: {  	[tilespmem:s15+$0x30] =	vst v2  }
0x176: {  	[tilespmem:s15+$0x20] =	vst v3  }
0x177: {  	_ =	sdelay $0x2  }
0x178: {  	[tilespmem:s22+$0x10] =	vst v1;
	v63 =	vld [tilespmem:s22+$0x40]  }
0x179: {  	v0 =	vld.idx.msk [tilespmem:v0+s0+$0x0], $0xffff  }
0x17a: {  	v2 =	vld [tilespmem:s22+$0x70]  }
0x17b: {  	v3 =	vld [tilespmem:s22+$0x50]  }
0x17c: {  	v4 =	vld [tilespmem:s22+$0x60];
	_ =	sdelay $0x1  }
0x17d: {  	v1 =	vmul.f32 v63, v0  }
0x17e: {  	v2 =	vmul.f32 v2, v0  }
0x17f: {  	v3 =	vmul.f32 v3, v0;
	[tilespmem:s22+$0x40] =	vst v1  }
0x180: {  	v0 =	vmul.f32 v4, v0;
	[tilespmem:s22+$0x70] =	vst v2  }
0x181: {  	[tilespmem:s22+$0x50] =	vst v3  }
0x182: {  	[tilespmem:s22+$0x60] =	vst v0  }
0x183: {  	[spmem:s1] =	stream.indirect.scatter.add.f32 [tilespmem:s26], [sflag:$0x2], $0x40, s16, s31, $0xb8;
	[tilespmem:$0x1BD80] =	vst v63  }
0x184: {  	s2 =	sadd.s32 $0x7800, s14;
	s6 =	sadd.s32 $0x5480, s10;
	p1 =	slt.u32 s7, $0x54  }
0x185: {  	[spmem:s1] =	stream.indirect.scatter.add.f32 [tilespmem:s2], [sflag:$0x2], $0x40, s6, s31, $0xb8;
	[tilespmem:$0x1BD80] =	vst v63  }
.Ltmp4:
0x186: {  	_ = 	snop;
	(pc) =	sbr.rel @p1 .LBB2_2-.Ltmp4, $4  }
0x187: {  	s2 =	simm.s32 @!p0 $0x80  }
0x188: {  	[spmem:s3] =	stream.indirect.scatter.add.f32 @!p0 [tilespmem:s17], [sflag:$0x2], $0x1, s16, s2, $0xb8;
	[tilespmem:$0x1BD80] =	vst v63  }
0x189: {  	s11 =	smov.u32 s7  }
0x18a: {  	[spmem:s3] =	stream.indirect.scatter.add.f32 @!p0 [tilespmem:s18], [sflag:$0x2], $0x1, s6, s2, $0xb8;
	[tilespmem:$0x1BD80] =	vst v63  }
0x18b: {  	s2 =	simm.s32 $0x2  }
0x18c: {  	_ =	swait.ge [sflag:s2], $0x800  }
0x18d: {  	[sflag:s2] =	ssyncset.done $0x0  }
0x18e: {  	[sflag:s2] =	ssyncadd.s32 $0xFFFFF800;
	s2 =	simm.s32 @p0 $0x2  }
0x18f: {  	_ =	swait.ge @p0 [sflag:s2], $0x800  }
0x190: {  	[sflag:s2] =	ssyncset.done @p0 $0x0  }
0x191: {  	[sflag:s2] =	ssyncadd.s32 @p0 $0xFFFFF800;
	s2 =	simm.s32 @!p0 $0x2  }
0x192: {  	_ =	swait.ge @!p0 [sflag:s2], $0x20  }
0x193: {  	[sflag:s2] =	ssyncset.done @!p0 $0x0  }
0x194: {  	[sflag:s2] =	ssyncadd.s32 @!p0 $0xFFFFFFE0  }
0x195: {  	_ =	swait.ge @!p0 [sflag:s2], $0x800  }
0x196: {  	[sflag:s2] =	ssyncset.done @!p0 $0x0  }
0x197: {  	[sflag:s2] =	ssyncadd.s32 @!p0 $0xFFFFF800  }
0x198: {  	_ =	swait.ge @!p0 [sflag:s2], $0x20  }
0x199: {  	[sflag:s2] =	ssyncset.done @!p0 $0x0  }
0x19a: {  	[sflag:s2] =	ssyncadd.s32 @!p0 $0xFFFFFFE0  }
0x19b: {  	[bflag:$0x0] =	sbarrier.arrive $0xFFFF  }
0x19c: {  	s24 =	rddreg [dreg:$0x10]  }
0x19d: {  	s6 =	rddreg [dreg:$0x11]  }
0x19e: {  	[hbm:s24], [sflag:s12] =	dma.local [spmem:s6], $0x1400  }
0x19f: {  	_ =	swait.ge [sflag:s23], $0x1400  }
0x1a0: {  	[sflag:s23] =	ssyncset.done $0x0;
	s10 =	rddreg [dreg:$0x8]  }
0x1a1: {  	s6 =	rddreg [dreg:$0xe];
	[sflag:s23] =	ssyncadd.s32 $0xFFFFEC00;
	s2 =	sshrl.u32 @!p0 s10, $0x3  }
0x1a2: {  	[hbm:s6], [sflag:s12] =	dma.local @!p0 [spmem:s2], $0x50  }
0x1a3: {  	s2 =	simm.s32 @!p0 $0x4  }
0x1a4: {  	_ =	swait.ge @!p0 [sflag:s2], $0x50  }
0x1a5: {  	s28 =	sadd.s32 $0x1, s28;
	s26 =	rddreg [dreg:$0xf]  }
0x1a6: {  	p1 =	sne.s32 s28, s26  }
.Ltmp5:
0x1a7: {  	_ = 	snop;
	(pc) =	sbr.rel @p1 .LBB2_1-.Ltmp5, $3  }
0x1a8: {  	_ =	sdelay $0x1  }
0x1a9: {  	[sflag:s2] =	ssyncset.done @!p0 $0x0  }
0x1aa: {  	[sflag:s2] =	ssyncadd.s32 @!p0 $0xFFFFFFB0  }
0x1ab: {  	_ =	sfence.sel $0x180000  }
0x1ac: {  	[bflag:$0x0] =	sbarrier.arrive $0xFFFF  }
0x1ad: {  	_ =	strace $0x9000004A  }
0x1ae: {  	s0 =	stileid.u32;
	[bflag:$0x2] =	sbarrier.arrive $0xFFFF  }
0x1af: {  	p0 =	sne.s32 s0, $0x0;
	s0 =	rddreg [dreg:$0x3]  }
0x1b0: {  	s0 =	sadd.s32 @!p0 $0x100000, s0  }
0x1b1: {  	[sflag:s0] =	ssyncadd.tile.s32 @!p0 $0x1;
	_ =	shalt  }
.Lfunc_end2:
_tile_overlayer_lowered:
.L_overlay_start_2:
0x1b2: {  	(tag) =	ssettag $0x2  }
0x1b3: {  	s0 =	rddreg [dreg:$0x0];
	s2 =	stileid.u32  }
0x1b4: {  	s1 =	rddreg [dreg:$0x1];
	p0 =	sne.s32 s2, $0x0  }
0x1b5: {  	s3 =	rddreg [dreg:$0x2];
	[bflag:$0x3] =	sbarrier.arrive $0xFFFF;
	s2 =	simm.s32 @!p0 $0x1C04  }
0x1b6: {  	[timem:s3], [sflag:s2] =	dma.local @!p0 [hbm:s0], s1  }
0x1b7: {  	s0 =	simm.s32 @!p0 $0x4  }
0x1b8: {  	_ =	swait.ge @!p0 [sflag:s0], s1  }
0x1b9: {  	s1 =	ssub.s32 @!p0 $0x0, s1;
	[sflag:s0] =	ssyncset.done @!p0 $0x0  }
0x1ba: {  	[sflag:s0] =	ssyncadd.s32 @!p0 s1  }
0x1bb: {  	[bflag:$0x3] =	sbarrier.arrive $0xFFFF  }
0x1bc: {  	_ =	shalt  }

// kernel: kernel.7.cloned.1.call-start
scs
__scs_entry_jumppad:
0x0: {  	(pc) =	sbr.rel $0x88, $3  }
0x1: {  	(tag) =	ssettag $0x0;
	lr =	simm.s32 $0x1  }
0x2: {  	[smem:$0x3F92] =	sst lr;
	_ =	strace $0xD0000000  }
0x3: {  	_ = 	snop  }
0x4: {  	_ = 	snop  }
0x5: {  	_ = 	snop  }
0x6: {  	_ = 	snop  }
0x7: {  	_ = 	snop  }
__scs_overlays_trampoline_lowered:
0x8: {  	[smem:$0x3FA1] =	sst s0  }
0x9: {  	[smem:$0x3FA2] =	sst s1  }
0xa: {  	[smem:$0x3FA3] =	sst s2  }
0xb: {  	[smem:$0x3FA4] =	sst s3  }
0xc: {  	[smem:$0x3FA5] =	sst s4  }
0xd: {  	[smem:$0x3FA6] =	sst s5  }
0xe: {  	[smem:$0x3FA7] =	sst s6  }
0xf: {  	[smem:$0x3FA8] =	sst s7  }
0x10: {  	[smem:$0x3FA9] =	sst s8  }
0x11: {  	[smem:$0x3FAA] =	sst s9;
	s0 =	simm.s32 @!p0 $0x0  }
0x12: {  	s1 =	sld [smem:$0x3F90];
	s0 =	simm.s32 @p0 $0x1  }
0x13: {  	[smem:$0x3FAB] =	sst s0;
	s0 =	simm.s32 @!p1 $0x0  }
0x14: {  	s2 =	sld [smem:$0x3F8F];
	s0 =	simm.s32 @p1 $0x1  }
0x15: {  	[smem:$0x3FAC] =	sst s0;
	s0 =	simm.s32 @!p2 $0x0  }
0x16: {  	s3 =	sld [smem:$0x3FDB];
	s0 =	simm.s32 @p2 $0x1  }
0x17: {  	s4 =	simm.s32 $0x1BF5;
	[smem:$0x3FAE] =	sst s0  }
0x18: {  	s0 =	sld [smem:$0x3F91];
	_ =	swait.ge [sflag:s4], $0x0  }
0x19: {  	s7 =	sld [smem:$0x3F92]  }
0x1a: {  	s8 =	sadd.s32 $0xFFFFE003, lr  }
0x1b: {  	s9 =	sadd.s32 $0xFFFFFEF7, lr;
	s5 =	simm.s32 $0xFFFFFFFF;
	p2 =	slt.u32 s8, $0xFFFFF086  }
0x1c: {  	p1 =	slt.u32 s9, $0xF7A;
	s5 =	simm.s32 @!p2 $0x0  }
0x1d: {  	s5 =	simm.s32 @p1 $0x1;
	p0 =	seq.s32 s7, s2  }
0x1e: {  	s7 =	smul.u32 @!p0 $0xF7A, s2;
	p2 =	seq.s32 @!p0 s5, $0x0  }
0x1f: {  	s9 =	smul.u32 $0xF7A, s1;
	s8 =	simm.s32 @!p0 $0x1BF5;
	p2 =	por !p2, p0  }
0x20: {  	[sflag:s8] =	ssyncset.s32 @!p0 $0xFFFFF086;
	s6 =	sadd.s32 @!p0 s3, s7;
	s7 =	simm.s32 @!p0 $0x108  }
0x21: {  	s3 =	sadd.s32 s3, s9;
	s6 =	sadd.s32 @!p0 $0x88, s6;
	s7 =	simm.s32 @p2 $0x1082  }
0x22: {  	[simem:s7], [sflag:s8] =	dma.local @!p0 [hbm:s6], $0xF7A  }
0x23: {  	s9 =	sor.u32 $0xD0000000, s2;
	s6 =	simm.s32 $0x108;
	_ =	swait.ge @!p0 [sflag:s8], $0x0  }
0x24: {  	s3 =	sadd.s32 $0x88, s3;
	s6 =	simm.s32 @!p1 $0x1082;
	[sflag:s4] =	ssyncset.s32 $0xFFFFF086  }
0x25: {  	[simem:s6], [sflag:s4] =	dma.local [hbm:s3], $0xF7A  }
0x26: {  	[smem:$0x3F92] =	sst s1;
	(tag) =	ssettag s2;
	_ =	strace s9  }
0x27: {  	s1 =	sld [smem:$0x3FA2]  }
0x28: {  	s2 =	sld [smem:$0x3FA3]  }
0x29: {  	s4 =	sld [smem:$0x3FA5]  }
0x2a: {  	p0 =	seq.s32 s5, $0x0;
	s5 =	sld [smem:$0x3FA6]  }
0x2b: {  	s6 =	sld [smem:$0x3FA7]  }
0x2c: {  	s7 =	sld [smem:$0x3FA8]  }
0x2d: {  	s3 =	simm.s32 $0x108;
	s8 =	sld [smem:$0x3FA9]  }
0x2e: {  	s3 =	simm.s32 @!p0 $0x1082;
	s9 =	sld [smem:$0x3FAA]  }
0x2f: {  	lr =	sadd.s32 s0, s3;
	s0 =	sld [smem:$0x3FA1]  }
0x30: {  	s3 =	sld [smem:$0x3FA4]  }
0x31: {  	[smem:$0x3FAD] =	sst s10  }
0x32: {  	s10 =	sld [smem:$0x3FAB];
	_ =	sdelay $0x3  }
0x33: {  	p0 =	seq.s32 s10, $0x1;
	s10 =	sld [smem:$0x3FAD];
	_ =	sdelay $0x3  }
0x34: {  	[smem:$0x3FAD] =	sst s10  }
0x35: {  	s10 =	sld [smem:$0x3FAC];
	_ =	sdelay $0x3  }
0x36: {  	p1 =	seq.s32 s10, $0x1;
	s10 =	sld [smem:$0x3FAD];
	_ =	sdelay $0x3  }
0x37: {  	[smem:$0x3FAD] =	sst s10  }
0x38: {  	s10 =	sld [smem:$0x3FAE]  }
0x39: {  	_ = 	snop;
	(pc) =	sbr.ind lr, $3  }
0x3a: {  	_ = 	snop  }
0x3b: {  	_ = 	snop  }
0x3c: {  	p2 =	seq.s32 s10, $0x1;
	s10 =	sld [smem:$0x3FAD]  }
0x3d: {  	_ =	shalt  }
0x3e: {  	_ =	shalt  }
0x3f: {  	_ =	shalt  }
0x40: {  	_ =	shalt  }
0x41: {  	_ =	shalt  }
0x42: {  	_ =	shalt  }
0x43: {  	_ =	shalt  }
0x44: {  	_ =	shalt  }
0x45: {  	_ =	shalt  }
0x46: {  	_ =	shalt  }
0x47: {  	_ =	shalt  }
0x48: {  	_ =	shalt  }
0x49: {  	_ =	shalt  }
0x4a: {  	_ =	shalt  }
0x4b: {  	_ =	shalt  }
0x4c: {  	_ =	shalt  }
0x4d: {  	_ =	shalt  }
0x4e: {  	_ =	shalt  }
0x4f: {  	_ =	shalt  }
0x50: {  	_ =	shalt  }
0x51: {  	_ =	shalt  }
0x52: {  	_ =	shalt  }
0x53: {  	_ =	shalt  }
0x54: {  	_ =	shalt  }
0x55: {  	_ =	shalt  }
0x56: {  	_ =	shalt  }
0x57: {  	_ =	shalt  }
0x58: {  	_ =	shalt  }
0x59: {  	_ =	shalt  }
0x5a: {  	_ =	shalt  }
0x5b: {  	_ =	shalt  }
0x5c: {  	_ =	shalt  }
0x5d: {  	_ =	shalt  }
0x5e: {  	_ =	shalt  }
0x5f: {  	_ =	shalt  }
0x60: {  	_ =	shalt  }
0x61: {  	_ =	shalt  }
0x62: {  	_ =	shalt  }
0x63: {  	_ =	shalt  }
0x64: {  	_ =	shalt  }
0x65: {  	_ =	shalt  }
0x66: {  	_ =	shalt  }
0x67: {  	_ =	shalt  }
0x68: {  	_ =	shalt  }
0x69: {  	_ =	shalt  }
0x6a: {  	_ =	shalt  }
0x6b: {  	_ =	shalt  }
0x6c: {  	_ =	shalt  }
0x6d: {  	_ =	shalt  }
0x6e: {  	_ =	shalt  }
0x6f: {  	_ =	shalt  }
0x70: {  	_ =	shalt  }
0x71: {  	_ =	shalt  }
0x72: {  	_ =	shalt  }
0x73: {  	_ =	shalt  }
0x74: {  	_ =	shalt  }
0x75: {  	_ =	shalt  }
0x76: {  	_ =	shalt  }
0x77: {  	_ =	shalt  }
0x78: {  	_ =	shalt  }
0x79: {  	_ =	shalt  }
0x7a: {  	_ =	shalt  }
0x7b: {  	_ =	shalt  }
0x7c: {  	_ =	shalt  }
0x7d: {  	_ =	shalt  }
0x7e: {  	_ =	shalt  }
0x7f: {  	_ =	shalt  }
0x80: {  	_ =	shalt  }
0x81: {  	_ =	shalt  }
0x82: {  	_ =	shalt  }
0x83: {  	_ =	shalt  }
0x84: {  	_ =	shalt  }
0x85: {  	_ =	shalt  }
0x86: {  	_ =	shalt  }
0x87: {  	_ =	shalt  }
.Lfunc_end0:
.L_simem_size_0:
called_computation_lowered:
.L_overlay_start_0:
0x88: {  	s2 =	sld [smem:$0x3FD9]  }
0x89: {  	s3 =	sld [smem:$0x3FFE];
	_ =	sdelay $0x1  }
0x8a: {  	s1 =	srdreg.scid  }
0x8b: {  	s0 =	sand.u32 $0x1, s1  }
0x8c: {  	s16 =	sshll.u32 s0, $0xA;
	s2 =	sadd.s32 s3, s2  }
0x8d: {  	s2 =	sadd.s32 s2, s16  }
0x8e: {  	[smem:$0x3FB9] =	sst s2  }
0x8f: {  	_ = 	snop  }
0x90: {  	(tm) =	ssettm $0x1  }
0x91: {  	s17 =	sld [smem:$0x3FFB];
	_ =	sdelay $0x3  }
0x92: {  	_ =	strace s17  }
0x93: {  	s2 =	sld [smem:$0x3FFC];
	_ =	sdelay $0x3  }
0x94: {  	_ =	strace s2  }
0x95: {  	s2 =	sld [smem:$0x3FFD];
	_ =	sdelay $0x3  }
0x96: {  	_ =	strace s2  }
0x97: {  	_ =	strace $0x8FFFFFFF  }
0x98: {  	s18 =	sld [smem:$0x3FDB];
	_ =	sdelay $0x1  }
0x99: {  	s19 =	simm.s32 $_scs_section_size  }
0x9a: {  	s4 =	simm.s32 $_size__tile_overlayer_lowered;
	s5 =	simm.s32 $_tile_overlayer_lowered  }
0x9b: {  	s22 =	simm.s32 $0x1BFF;
	s21 =	sshll.u32 s5, $0x1;
	s2 =	sadd.s32 s19, s18  }
0x9c: {  	s6 =	simm.s32 $0x0;
	s20 =	sshll.u32 s4, $0x1;
	s4 =	sadd.s32 s21, s2  }
0x9d: {  	[timem:s6], [sflag:s22] =	dma.local [hbm:s4], s20  }
0x9e: {  	_ =	swait.ge [sflag:s22], s20  }
0x9f: {  	s3 =	ssub.s32 $0x0, s20;
	[sflag:s22] =	ssyncset.done $0x0  }
0xa0: {  	[sflag:s22] =	ssyncadd.s32 s3;
	_ =	sdelay $0x1  }
0xa1: {  	s23 =	simm.s32 $0x1B8B  }
0xa2: {  	_ =	swait.ge [sflag:s23], $0x1  }
0xa3: {  	[sflag:s23] =	ssyncset.done $0x0  }
0xa4: {  	s25 =	simm.s32 $0x1B8E;
	s24 =	sld [smem:$0x3FFE];
	[sflag:s23] =	ssyncadd.s32 $0xFFFFFFFF  }
0xa5: {  	s26 =	simm.s32 $execute0_lowered;
	[smem:$0x3FD2] =	sst s25  }
0xa6: {  	s4 =	sshll.u32 s26, $0x1;
	_ =	strace $0x80000046;
	[dreg:$0x1] =	wrdreg $0xFFFFFFFF  }
0xa7: {  	s28 =	simm.s32 $_size_execute0_lowered;
	s2 =	sadd.s32 s2, s4;
	[dreg:$0x0] =	wrdreg $0x0  }
0xa8: {  	s4 =	sshll.u32 s28, $0x1;
	[dreg:$0x2] =	wrdreg s2  }
0xa9: {  	[dreg:$0x3] =	wrdreg s4  }
0xaa: {  	[dreg:$0x4] =	wrdreg $0xC0  }
0xab: {  	_ =	task [dreg:s6], $0x5FFFF  }
0xac: {  	[dreg:$0x1] =	wrdreg $0xFFFFFFFF  }
0xad: {  	[dreg:$0x0] =	wrdreg $0x60  }
0xae: {  	[dreg:$0x2] =	wrdreg s24  }
0xaf: {  	[dreg:$0x3] =	wrdreg $0x11B000  }
0xb0: {  	[dreg:$0x4] =	wrdreg $0x1BB000  }
0xb1: {  	[dreg:$0x5] =	wrdreg $0x9  }
0xb2: {  	_ =	task.clear_ibuf [dreg:s6], $0x6FFFF;
	_ =	strace $0x90000046  }
0xb3: {  	s29 =	simm.s32 $0x9;
	_ =	strace $0x80000048  }
0xb4: {  	_ =	swait.ge [sflag:s29], $0x1  }
0xb5: {  	[sflag:s29] =	ssyncadd.s32 $0xFFFFFFFF  }
0xb6: {  	_ =	strace $0x90000048  }
0xb7: {  	_ =	sfence  }
0xb8: {  	s30 =	sld [smem:$0x0];
	_ =	sdelay $0x2  }
0xb9: {  	s31 =	sshll.u32 s1, $0xD;
	s1 =	sshrl.u32 s1, $0x2  }
0xba: {  	s3 =	sand.u32 $0x4000, s31;
	s1 =	sadd.s32 s1, s30  }
0xbb: {  	s0 =	sor.u32 s3, s0;
	s1 =	sshll.u32 s1, $0x11  }
0xbc: {  	s0 =	sor.u32 s1, s0  }
0xbd: {  	s0 =	sadd.s32 $0x8F2B, s0  }
0xbe: {  	[sflag:s0] =	ssyncadd.remote.s32 $0x1  }
0xbf: {  	_ =	sfence.sel $0xFFFF  }
0xc0: {  	[dreg:$0x0] =	wrdreg $0xFFFFFFFF;
	(pc) =	sbr.abs _section_cstart, $3  }
0xc1: {  	[dreg:$0x1] =	wrdreg $0xFFFFFFFF  }
0xc2: {  	_ =	task.clear_ibuf [dreg:s6], $0x2FFFF;
	_ =	strace $0x9FFFFFFF  }
0xc3: {  	(tm) =	ssettm $0x7FFFFFFF  }
tec
execute0_lowered:
.L_overlay_start_1:
0x0: {  	(tag) =	ssettag $0x1  }
0x1: {  	s0 =	rddreg [dreg:$0x0]  }
0x2: {  	s1 =	rddreg [dreg:$0x1]  }
0x3: {  	s3 =	rddreg [dreg:$0x2]  }
0x4: {  	s4 =	simm.s32 $0x0;
	s15 =	stileid.u32;
	s2 =	srdreg.scid  }
0x5: {  	s31 =	simm.s32 $0x80;
	s29 =	simm.s32 $0x3;
	s30 =	simm.s32 $0x1  }
0x6: {  	s28 =	simm.s32 $0x0;
	[smem:$0x7FF] =	sst s4;
	s6 =	smul.u32 $0xA000, s15  }
0x7: {  	s5 =	sand.u32 $0x1, s2;
	s14 =	sadd.s32 $0x2200, s0;
	s16 =	sadd.s32 $0x1C00, s0  }
0x8: {  	s8 =	sadd.s32 $0x35000, s0;
	s10 =	smul.u32 $0x280, s15;
	s9 =	sadd.s32 $0x2A800, s0  }
0x9: {  	s20 =	smul.u32 $0xA80, s15;
	_ =	strace $0x80000047;
	[dreg:$0x4] =	wrdreg s14  }
0xa: {  	s19 =	sshll.u32 s15, $0x6;
	[dreg:$0x5] =	wrdreg s16;
	s17 =	smul.u32 $0x14000, s5  }
0xb: {  	s12 =	ssub.s32 $0x2, s5;
	p0 =	sne.s32 s5, $0x0;
	s7 =	sshrl.u32 s6, $0x3  }
0xc: {  	s13 =	sshrl.u32 s10, $0x3;
	s14 =	sshrl.u32 s12, $0x1;
	s6 =	sadd.s32 s6, s1  }
0xd: {  	s10 =	sadd.s32 s10, s3;
	s22 =	sadd.s32 s8, s20;
	[dreg:$0x6] =	wrdreg s6  }
0xe: {  	s23 =	sadd.s32 s9, s20;
	s24 =	sor.u32 $0x20, s20;
	[dreg:$0xa] =	wrdreg s22  }
0xf: {  	s20 =	smul.u32 $0x5400, s15;
	s11 =	sadd.s32 s7, s0;
	[dreg:$0xb] =	wrdreg s23  }
0x10: {  	s2 =	sadd.s32 s17, s0;
	s6 =	sadd.s32 s9, s24;
	[dreg:$0x8] =	wrdreg s10  }
0x11: {  	s0 =	sadd.s32 s13, s0;
	s18 =	sadd.s32 $0x3F800, s11;
	[dreg:$0xd] =	wrdreg s6  }
0x12: {  	s14 =	ssub.s32 s12, s14;
	s21 =	sadd.s32 $0x53800, s0;
	[dreg:$0x7] =	wrdreg s18  }
0x13: {  	s12 =	sor.u32 $0x1C04, s19;
	s11 =	sadd.s32 s8, s24;
	[dreg:$0x9] =	wrdreg s21  }
0x14: {  	s19 =	sadd.s32 $0x2800, s2;
	s0 =	sadd.s32 $0x7BE00, s0;
	[dreg:$0xc] =	wrdreg s11  }
0x15: {  	s2 =	sadd.s32 $0x53E00, s2;
	s25 =	smax.u32 s14, $0x1;
	[dreg:$0xe] =	wrdreg s0  }
0x16: {  	s23 =	simm.s32 $0x4;
	[dreg:$0xf] =	wrdreg s25;
	s26 =	sadd.s32 s7, s2  }
0x17: {  	s25 =	simm.s32 $0x2800;
	s0 =	simm.s32 $0x11800;
	[dreg:$0x10] =	wrdreg s26  }
.LBB2_1:
0x18: {  	s2 =	rddreg [dreg:$0x6]  }
0x19: {  	s26 =	rddreg [dreg:$0x7];
	s6 =	sshrl.u32 s2, $0x3  }
0x1a: {  	[dreg:$0x11] =	wrdreg s6  }
0x1b: {  	[spmem:s6], [sflag:s12] =	dma.local [hbm:s26], $0x1400  }
0x1c: {  	_ =	swait.ge [sflag:s23], $0x1400  }
0x1d: {  	[sflag:s23] =	ssyncset.done $0x0  }
0x1e: {  	s7 =	sshrl.u32 s10, $0x3;
	s6 =	rddreg [dreg:$0x9];
	[sflag:s23] =	ssyncadd.s32 $0xFFFFEC00  }
0x1f: {  	[spmem:s7], [sflag:s12] =	dma.local [hbm:s6], $0x50  }
0x20: {  	_ =	swait.ge [sflag:s23], $0x50  }
0x21: {  	[sflag:s23] =	ssyncset.done $0x0  }
0x22: {  	s7 =	rddreg [dreg:$0x4];
	[sflag:s23] =	ssyncadd.s32 $0xFFFFFFB0  }
0x23: {  	[tilespmem:s4], [sflag:$0x4] =	stream.linear.gather [hbm4b:s7+s4], $0x2800, $0x38;
	[tilespmem:$0x1BD80] =	vst v63  }
0x24: {  	_ =	swait.ge [sflag:s23], $0x2800  }
0x25: {  	[sflag:s23] =	ssyncset.done $0x0  }
0x26: {  	s10 =	rddreg [dreg:$0x5];
	[sflag:s23] =	ssyncadd.s32 $0xFFFFD800  }
0x27: {  	[tilespmem:s25], [sflag:$0x4] =	stream.linear.gather [hbm4b:s10+s4], $0x2800, $0x38;
	[tilespmem:$0x1BD80] =	vst v63  }
0x28: {  	_ =	swait.ge [sflag:s23], $0x2800  }
0x29: {  	[sflag:s23] =	ssyncset.done $0x0  }
0x2a: {  	[sflag:s23] =	ssyncadd.s32 $0xFFFFD800  }
0x2b: {  	[bflag:$0x0] =	sbarrier.arrive $0xFFFF  }
0x2c: {  	s13 =	simm.s32 $0x5000;
	s11 =	rddreg [dreg:$0xa]  }
0x2d: {  	[tilespmem:s13], [sflag:$0x4] =	stream.linear.gather [hbm4b:s11+s4], $0x100, $0x38;
	[tilespmem:$0x1BD80] =	vst v63  }
0x2e: {  	_ =	swait.ge [sflag:s23], $0x100  }
0x2f: {  	[sflag:s23] =	ssyncset.done $0x0  }
0x30: {  	s15 =	simm.s32 $0x5400;
	s14 =	rddreg [dreg:$0xb];
	[sflag:s23] =	ssyncadd.s32 $0xFFFFFF00  }
0x31: {  	[tilespmem:s15], [sflag:$0x4] =	stream.linear.gather [hbm4b:s14+s4], $0x100, $0x38;
	[tilespmem:$0x1BD80] =	vst v63  }
0x32: {  	_ =	swait.ge [sflag:s23], $0x100  }
0x33: {  	[sflag:s23] =	ssyncset.done $0x0  }
0x34: {  	s17 =	simm.s32 $0x5100;
	s16 =	rddreg [dreg:$0xc];
	[sflag:s23] =	ssyncadd.s32 $0xFFFFFF00  }
0x35: {  	[tilespmem:s17], [sflag:$0x3] =	stream.linear.gather [hbm4b:s16+s4], $0x100, $0x38;
	[tilespmem:$0x1BD80] =	vst v63  }
0x36: {  	s21 =	simm.s32 $0x5500;
	s18 =	rddreg [dreg:$0xd]  }
0x37: {  	[tilespmem:s21], [sflag:$0x3] =	stream.linear.gather [hbm4b:s18+s4], $0x100, $0x38;
	[tilespmem:$0x1BD80] =	vst v63  }
0x38: {  	s22 =	simm.s32 $0x5800  }
0x39: {  	[tilespmem:s22], [sflag:$0x1] =	stream.indirect.gather [hbm4b:s19+s31], $0x40, s13, s31, $0xb8;
	[tilespmem:$0x1BD80] =	vst v63  }
0x3a: {  	s24 =	simm.s32 $0x5080;
	s26 =	simm.s32 $0x7800;
	s11 =	simm.s32 $0x0  }
0x3b: {  	[tilespmem:s26], [sflag:$0x1] =	stream.indirect.gather [hbm4b:s19+s31], $0x40, s24, s31, $0xb8;
	[tilespmem:$0x1BD80] =	vst v63  }
.LBB2_2:
0x3c: {  	p1 =	slt.u32 s11, $0x2  }
0x3d: {  	s7 =	simm.s32 @!p1 $0x2  }
0x3e: {  	_ =	swait.ge @!p1 [sflag:s7], $0x800  }
0x3f: {  	p2 =	sne.s32 @!p1 s5, $0x0;
	p3 =	sgt.u32 @!p1 s11, $0x51;
	[sflag:s7] =	ssyncset.done @!p1 $0x0  }
0x40: {  	p2 =	por p2, p1;
	[sflag:s7] =	ssyncadd.s32 @!p1 $0xFFFFF800;
	p1 =	por p1, !p3  }
.Ltmp0:
0x41: {  	_ = 	snop;
	(pc) =	sbr.rel @!p1 .LBB2_4-.Ltmp0, $4  }
0x42: {  	s7 =	simm.s32 @!p2 $0x2  }
0x43: {  	_ =	swait.ge @!p2 [sflag:s7], $0x20  }
0x44: {  	[sflag:s7] =	ssyncset.done @!p2 $0x0  }
0x45: {  	s10 =	sshll.u32 s11, $0x8;
	[sflag:s7] =	ssyncadd.s32 @!p2 $0xFFFFFFE0  }
0x46: {  	s7 =	sadd.s32 $0x200, s10  }
0x47: {  	s14 =	sadd.s32 s20, s7  }
0x48: {  	s7 =	sand.u32 $0x300, s7;
	s14 =	sshrl.u32 s14, $0x3  }
.Ltmp1:
0x49: {  	s15 =	sor.u32 $0x5000, s7;
	s16 =	sadd.s32 s8, s14;
	(pc) =	sbr.rel .LBB2_5-.Ltmp1, $4  }
0x4a: {  	[tilespmem:s15], [sflag:$0x3] =	stream.linear.gather [hbm4b:s16+s4], $0x100, $0x38;
	[tilespmem:$0x1BD80] =	vst v63  }
0x4b: {  	s7 =	sor.u32 $0x5400, s7;
	s14 =	sadd.s32 s9, s14  }
0x4c: {  	[tilespmem:s7], [sflag:$0x3] =	stream.linear.gather [hbm4b:s14+s4], $0x100, $0x38;
	[tilespmem:$0x1BD80] =	vst v63  }
0x4d: {  	s14 =	sadd.s32 $0x1, s11  }
.LBB2_4:
0x4e: {  	p1 =	seq.s32 s11, $0x53  }
.Ltmp2:
0x4f: {  	_ = 	snop;
	(pc) =	sbr.rel @p1 .LBB2_6-.Ltmp2, $2  }
0x50: {  	_ =	sdelay $0x2  }
0x51: {  	s14 =	simm.s32 $0x53;
	s7 =	simm.s32 $0x54  }
.LBB2_5:
0x52: {  	s7 =	smul.u32 $0xAB, s14;
	_ =	sdelay $0x1  }
0x53: {  	s7 =	sshrl.u32 s7, $0x9  }
0x54: {  	s7 =	sand.u32 $0x7F, s7  }
0x55: {  	_ =	swait.ge [sflag:s29], $0x100;
	s7 =	smul.u32 $0x3, s7  }
0x56: {  	[sflag:s29] =	ssyncset.done $0x0  }
0x57: {  	[sflag:s29] =	ssyncadd.s32 $0xFFFFFF00;
	s7 =	ssub.s32 s14, s7  }
0x58: {  	s15 =	sshll.u32 s14, $0x8;
	_ =	swait.ge [sflag:s29], $0x100;
	s7 =	sand.u32 $0xFF, s7  }
0x59: {  	s15 =	sand.u32 $0x300, s15;
	[sflag:s29] =	ssyncset.done $0x0;
	s7 =	sshll.u32 s7, $0xE  }
0x5a: {  	s17 =	sor.u32 $0x5000, s15;
	[sflag:s29] =	ssyncadd.s32 $0xFFFFFF00;
	s16 =	sadd.s32 $0x5800, s7  }
0x5b: {  	[tilespmem:s16], [sflag:$0x1] =	stream.indirect.gather [hbm4b:s19+s31], $0x40, s17, s31, $0xb8;
	[tilespmem:$0x1BD80] =	vst v63  }
0x5c: {  	s15 =	sor.u32 $0x5080, s15;
	s7 =	sadd.s32 $0x7800, s7  }
0x5d: {  	[tilespmem:s7], [sflag:$0x1] =	stream.indirect.gather [hbm4b:s19+s31], $0x40, s15, s31, $0xb8;
	[tilespmem:$0x1BD80] =	vst v63  }
0x5e: {  	s7 =	smov.u32 s14  }
.LBB2_6:
0x5f: {  	_ =	swait.ge [sflag:s30], $0x4000  }
0x60: {  	[sflag:s30] =	ssyncset.done $0x0  }
0x61: {  	s10 =	sand.u32 $0x300, s10;
	[sflag:s30] =	ssyncadd.s32 $0xFFFFC000  }
0x62: {  	v0 =	vld [tilespmem:s10+$0x5000]  }
0x63: {  	v1 =	vld [tilespmem:s10+$0x5400];
	_ =	sdelay $0x6  }
0x64: {  	v0 =	vld.idx.msk [tilespmem:v0+s4+$0x0], $0xffff  }
0x65: {  	v1 =	vld.idx.msk [tilespmem:v1+s25+$0x0], $0xffff;
	_ =	sdelay $0x4  }
0x66: {  	v0 =	vadd.f32 v1, v0;
	_ =	sdelay $0x1  }
0x67: {  	v1 =	vmul.f32 $2.000000030e-01, v0  }
0x68: {  	vm0 =	vge.f32 v0, $0.0e+00  }
0x69: {  	v0 =	vsel vm0, v0, v1  }
0x6a: {  	v0 =	vmul.f32 $1.442695020e+00, v0;
	_ =	sdelay $0x1  }
0x6b: {  	(erf) = vpow2.f32 v0  }
0x6c: {  	s14 =	sand.u32 $0xFF, s11  }
0x6d: {  	s14 =	smul.u32 $0xAB, s14;
	_ =	sdelay $0x1  }
0x6e: {  	s14 =	sshrl.u32 s14, $0x9  }
0x6f: {  	s14 =	smul.u32 $0x3, s14;
	_ =	sdelay $0x1  }
0x70: {  	s22 =	ssub.s32 s11, s14  }
0x71: {  	s14 =	sand.u32 $0xFF, s22  }
0x72: {  	s11 =	sshll.u32 s14, $0x8;
	v0 =	vpop (erf)  }
0x73: {  	[tilespmem:s11+$0x11800] =	vst v0  }
0x74: {  	v0 =	vld [tilespmem:s10+$0x5010]  }
0x75: {  	v1 =	vld [tilespmem:s10+$0x5410];
	_ =	sdelay $0x6  }
0x76: {  	v0 =	vld.idx.msk [tilespmem:v0+s4+$0x0], $0xffff  }
0x77: {  	v1 =	vld.idx.msk [tilespmem:v1+s25+$0x0], $0xffff;
	_ =	sdelay $0x4  }
0x78: {  	v0 =	vadd.f32 v1, v0;
	_ =	sdelay $0x1  }
0x79: {  	v1 =	vmul.f32 $2.000000030e-01, v0  }
0x7a: {  	vm13 =	vge.f32 v0, $0.0e+00  }
0x7b: {  	v0 =	vsel vm13, v0, v1  }
0x7c: {  	v0 =	vmul.f32 $1.442695020e+00, v0;
	_ =	sdelay $0x1  }
0x7d: {  	(erf) = vpow2.f32 v0;
	_ =	sdelay $0x8  }
0x7e: {  	v0 =	vpop (erf)  }
0x7f: {  	[tilespmem:s11+$0x11810] =	vst v0  }
0x80: {  	v0 =	vld [tilespmem:s10+$0x5020]  }
0x81: {  	v1 =	vld [tilespmem:s10+$0x5420];
	_ =	sdelay $0x6  }
0x82: {  	v0 =	vld.idx.msk [tilespmem:v0+s4+$0x0], $0xffff  }
0x83: {  	v1 =	vld.idx.msk [tilespmem:v1+s25+$0x0], $0xffff;
	_ =	sdelay $0x4  }
0x84: {  	v0 =	vadd.f32 v1, v0;
	_ =	sdelay $0x1  }
0x85: {  	v1 =	vmul.f32 $2.000000030e-01, v0  }
0x86: {  	vm14 =	vge.f32 v0, $0.0e+00  }
0x87: {  	v0 =	vsel vm14, v0, v1  }
0x88: {  	v0 =	vmul.f32 $1.442695020e+00, v0;
	_ =	sdelay $0x1  }
0x89: {  	(erf) = vpow2.f32 v0;
	_ =	sdelay $0x8  }
0x8a: {  	v0 =	vpop (erf)  }
0x8b: {  	[tilespmem:s11+$0x11820] =	vst v0  }
0x8c: {  	v0 =	vld [tilespmem:s10+$0x5030]  }
0x8d: {  	v1 =	vld [tilespmem:s10+$0x5430];
	_ =	sdelay $0x6  }
0x8e: {  	v0 =	vld.idx.msk [tilespmem:v0+s4+$0x0], $0xffff  }
0x8f: {  	v1 =	vld.idx.msk [tilespmem:v1+s25+$0x0], $0xffff;
	_ =	sdelay $0x4  }
0x90: {  	v0 =	vadd.f32 v1, v0;
	_ =	sdelay $0x1  }
0x91: {  	v1 =	vmul.f32 $2.000000030e-01, v0  }
0x92: {  	vm15 =	vge.f32 v0, $0.0e+00  }
0x93: {  	v0 =	vsel vm15, v0, v1  }
0x94: {  	v0 =	vmul.f32 $1.442695020e+00, v0;
	_ =	sdelay $0x1  }
0x95: {  	(erf) = vpow2.f32 v0;
	_ =	sdelay $0x8  }
0x96: {  	v0 =	vpop (erf)  }
0x97: {  	[tilespmem:s11+$0x11830] =	vst v0  }
0x98: {  	v0 =	vld [tilespmem:s10+$0x5040]  }
0x99: {  	v1 =	vld [tilespmem:s10+$0x5440];
	_ =	sdelay $0x6  }
0x9a: {  	v0 =	vld.idx.msk [tilespmem:v0+s4+$0x0], $0xffff  }
0x9b: {  	v1 =	vld.idx.msk [tilespmem:v1+s25+$0x0], $0xffff;
	_ =	sdelay $0x4  }
0x9c: {  	v0 =	vadd.f32 v1, v0;
	_ =	sdelay $0x1  }
0x9d: {  	v1 =	vmul.f32 $2.000000030e-01, v0  }
0x9e: {  	vm4 =	vge.f32 v0, $0.0e+00  }
0x9f: {  	v0 =	vsel vm4, v0, v1  }
0xa0: {  	v0 =	vmul.f32 $1.442695020e+00, v0;
	_ =	sdelay $0x1  }
0xa1: {  	(erf) = vpow2.f32 v0;
	_ =	sdelay $0x8  }
0xa2: {  	v0 =	vpop (erf)  }
0xa3: {  	[tilespmem:s11+$0x11840] =	vst v0  }
0xa4: {  	v0 =	vld [tilespmem:s10+$0x5050]  }
0xa5: {  	v1 =	vld [tilespmem:s10+$0x5450];
	_ =	sdelay $0x6  }
0xa6: {  	v0 =	vld.idx.msk [tilespmem:v0+s4+$0x0], $0xffff  }
0xa7: {  	v1 =	vld.idx.msk [tilespmem:v1+s25+$0x0], $0xffff;
	_ =	sdelay $0x4  }
0xa8: {  	v0 =	vadd.f32 v1, v0;
	_ =	sdelay $0x1  }
0xa9: {  	v1 =	vmul.f32 $2.000000030e-01, v0  }
0xaa: {  	vm5 =	vge.f32 v0, $0.0e+00  }
0xab: {  	v0 =	vsel vm5, v0, v1  }
0xac: {  	v0 =	vmul.f32 $1.442695020e+00, v0;
	_ =	sdelay $0x1  }
0xad: {  	(erf) = vpow2.f32 v0;
	_ =	sdelay $0x8  }
0xae: {  	v0 =	vpop (erf)  }
0xaf: {  	[tilespmem:s11+$0x11850] =	vst v0  }
0xb0: {  	v0 =	vld [tilespmem:s10+$0x5060]  }
0xb1: {  	v1 =	vld [tilespmem:s10+$0x5460];
	_ =	sdelay $0x6  }
0xb2: {  	v0 =	vld.idx.msk [tilespmem:v0+s4+$0x0], $0xffff  }
0xb3: {  	v1 =	vld.idx.msk [tilespmem:v1+s25+$0x0], $0xffff;
	_ =	sdelay $0x4  }
0xb4: {  	v0 =	vadd.f32 v1, v0;
	_ =	sdelay $0x1  }
0xb5: {  	v1 =	vmul.f32 $2.000000030e-01, v0  }
0xb6: {  	vm6 =	vge.f32 v0, $0.0e+00  }
0xb7: {  	v0 =	vsel vm6, v0, v1  }
0xb8: {  	v0 =	vmul.f32 $1.442695020e+00, v0;
	_ =	sdelay $0x1  }
0xb9: {  	(erf) = vpow2.f32 v0;
	_ =	sdelay $0x8  }
0xba: {  	v0 =	vpop (erf)  }
0xbb: {  	[tilespmem:s11+$0x11860] =	vst v0  }
0xbc: {  	v0 =	vld [tilespmem:s10+$0x5070]  }
0xbd: {  	v1 =	vld [tilespmem:s10+$0x5470];
	_ =	sdelay $0x6  }
0xbe: {  	v0 =	vld.idx.msk [tilespmem:v0+s4+$0x0], $0xffff  }
0xbf: {  	v1 =	vld.idx.msk [tilespmem:v1+s25+$0x0], $0xffff;
	_ =	sdelay $0x4  }
0xc0: {  	v0 =	vadd.f32 v1, v0;
	_ =	sdelay $0x1  }
0xc1: {  	v1 =	vmul.f32 $2.000000030e-01, v0  }
0xc2: {  	vm7 =	vge.f32 v0, $0.0e+00  }
0xc3: {  	v0 =	vsel vm7, v0, v1  }
0xc4: {  	v0 =	vmul.f32 $1.442695020e+00, v0;
	_ =	sdelay $0x1  }
0xc5: {  	(erf) = vpow2.f32 v0;
	_ =	sdelay $0x8  }
0xc6: {  	v0 =	vpop (erf)  }
0xc7: {  	[tilespmem:s11+$0x11870] =	vst v0  }
0xc8: {  	v0 =	vld [tilespmem:s10+$0x5080]  }
0xc9: {  	v1 =	vld [tilespmem:s10+$0x5480];
	_ =	sdelay $0x6  }
0xca: {  	v0 =	vld.idx.msk [tilespmem:v0+s4+$0x0], $0xffff  }
0xcb: {  	v1 =	vld.idx.msk [tilespmem:v1+s25+$0x0], $0xffff;
	_ =	sdelay $0x4  }
0xcc: {  	v0 =	vadd.f32 v1, v0;
	_ =	sdelay $0x1  }
0xcd: {  	v1 =	vmul.f32 $2.000000030e-01, v0  }
0xce: {  	vm8 =	vge.f32 v0, $0.0e+00  }
0xcf: {  	v0 =	vsel vm8, v0, v1  }
0xd0: {  	v0 =	vmul.f32 $1.442695020e+00, v0;
	_ =	sdelay $0x1  }
0xd1: {  	(erf) = vpow2.f32 v0;
	_ =	sdelay $0x8  }
0xd2: {  	v0 =	vpop (erf)  }
0xd3: {  	[tilespmem:s11+$0x11880] =	vst v0  }
0xd4: {  	v0 =	vld [tilespmem:s10+$0x5090]  }
0xd5: {  	v1 =	vld [tilespmem:s10+$0x5490];
	_ =	sdelay $0x6  }
0xd6: {  	v0 =	vld.idx.msk [tilespmem:v0+s4+$0x0], $0xffff  }
0xd7: {  	v1 =	vld.idx.msk [tilespmem:v1+s25+$0x0], $0xffff;
	_ =	sdelay $0x4  }
0xd8: {  	v0 =	vadd.f32 v1, v0;
	_ =	sdelay $0x1  }
0xd9: {  	v1 =	vmul.f32 $2.000000030e-01, v0  }
0xda: {  	vm9 =	vge.f32 v0, $0.0e+00  }
0xdb: {  	v0 =	vsel vm9, v0, v1  }
0xdc: {  	v0 =	vmul.f32 $1.442695020e+00, v0;
	_ =	sdelay $0x1  }
0xdd: {  	(erf) = vpow2.f32 v0;
	_ =	sdelay $0x8  }
0xde: {  	v0 =	vpop (erf)  }
0xdf: {  	[tilespmem:s11+$0x11890] =	vst v0  }
0xe0: {  	v0 =	vld [tilespmem:s10+$0x50A0]  }
0xe1: {  	v1 =	vld [tilespmem:s10+$0x54A0];
	_ =	sdelay $0x6  }
0xe2: {  	v0 =	vld.idx.msk [tilespmem:v0+s4+$0x0], $0xffff  }
0xe3: {  	v1 =	vld.idx.msk [tilespmem:v1+s25+$0x0], $0xffff;
	_ =	sdelay $0x4  }
0xe4: {  	v0 =	vadd.f32 v1, v0;
	_ =	sdelay $0x1  }
0xe5: {  	v1 =	vmul.f32 $2.000000030e-01, v0  }
0xe6: {  	vm10 =	vge.f32 v0, $0.0e+00  }
0xe7: {  	v0 =	vsel vm10, v0, v1  }
0xe8: {  	v0 =	vmul.f32 $1.442695020e+00, v0;
	_ =	sdelay $0x1  }
0xe9: {  	(erf) = vpow2.f32 v0;
	_ =	sdelay $0x8  }
0xea: {  	v0 =	vpop (erf)  }
0xeb: {  	[tilespmem:s11+$0x118A0] =	vst v0  }
0xec: {  	v0 =	vld [tilespmem:s10+$0x50B0]  }
0xed: {  	v1 =	vld [tilespmem:s10+$0x54B0];
	_ =	sdelay $0x6  }
0xee: {  	v0 =	vld.idx.msk [tilespmem:v0+s4+$0x0], $0xffff  }
0xef: {  	v1 =	vld.idx.msk [tilespmem:v1+s25+$0x0], $0xffff;
	_ =	sdelay $0x4  }
0xf0: {  	v0 =	vadd.f32 v1, v0;
	_ =	sdelay $0x1  }
0xf1: {  	v1 =	vmul.f32 $2.000000030e-01, v0  }
0xf2: {  	vm11 =	vge.f32 v0, $0.0e+00  }
0xf3: {  	v0 =	vsel vm11, v0, v1  }
0xf4: {  	v0 =	vmul.f32 $1.442695020e+00, v0;
	_ =	sdelay $0x1  }
0xf5: {  	(erf) = vpow2.f32 v0;
	_ =	sdelay $0x8  }
0xf6: {  	v0 =	vpop (erf)  }
0xf7: {  	[tilespmem:s11+$0x118B0] =	vst v0  }
0xf8: {  	v0 =	vld [tilespmem:s10+$0x50C0]  }
0xf9: {  	v1 =	vld [tilespmem:s10+$0x54C0];
	_ =	sdelay $0x6  }
0xfa: {  	v0 =	vld.idx.msk [tilespmem:v0+s4+$0x0], $0xffff  }
0xfb: {  	v1 =	vld.idx.msk [tilespmem:v1+s25+$0x0], $0xffff;
	_ =	sdelay $0x4  }
0xfc: {  	v0 =	vadd.f32 v1, v0;
	_ =	sdelay $0x1  }
0xfd: {  	v1 =	vmul.f32 $2.000000030e-01, v0  }
0xfe: {  	vm12 =	vge.f32 v0, $0.0e+00  }
0xff: {  	v0 =	vsel vm12, v0, v1  }
0x100: {  	v0 =	vmul.f32 $1.442695020e+00, v0;
	_ =	sdelay $0x1  }
0x101: {  	(erf) = vpow2.f32 v0;
	_ =	sdelay $0x8  }
0x102: {  	v0 =	vpop (erf)  }
0x103: {  	[tilespmem:s11+$0x118C0] =	vst v0  }
0x104: {  	v0 =	vld [tilespmem:s10+$0x50D0]  }
0x105: {  	v1 =	vld [tilespmem:s10+$0x54D0];
	_ =	sdelay $0x6  }
0x106: {  	v0 =	vld.idx.msk [tilespmem:v0+s4+$0x0], $0xffff  }
0x107: {  	v1 =	vld.idx.msk [tilespmem:v1+s25+$0x0], $0xffff;
	_ =	sdelay $0x4  }
0x108: {  	v0 =	vadd.f32 v1, v0;
	_ =	sdelay $0x1  }
0x109: {  	v1 =	vmul.f32 $2.000000030e-01, v0  }
0x10a: {  	vm13 =	vge.f32 v0, $0.0e+00  }
0x10b: {  	v0 =	vsel vm13, v0, v1  }
0x10c: {  	v0 =	vmul.f32 $1.442695020e+00, v0;
	_ =	sdelay $0x1  }
0x10d: {  	(erf) = vpow2.f32 v0;
	_ =	sdelay $0x8  }
0x10e: {  	v0 =	vpop (erf)  }
0x10f: {  	[tilespmem:s11+$0x118D0] =	vst v0  }
0x110: {  	v0 =	vld [tilespmem:s10+$0x50E0]  }
0x111: {  	v1 =	vld [tilespmem:s10+$0x54E0];
	_ =	sdelay $0x6  }
0x112: {  	v0 =	vld.idx.msk [tilespmem:v0+s4+$0x0], $0xffff  }
0x113: {  	v1 =	vld.idx.msk [tilespmem:v1+s25+$0x0], $0xffff;
	_ =	sdelay $0x4  }
0x114: {  	v0 =	vadd.f32 v1, v0;
	_ =	sdelay $0x1  }
0x115: {  	v1 =	vmul.f32 $2.000000030e-01, v0  }
0x116: {  	vm14 =	vge.f32 v0, $0.0e+00  }
0x117: {  	v0 =	vsel vm14, v0, v1  }
0x118: {  	v0 =	vmul.f32 $1.442695020e+00, v0;
	_ =	sdelay $0x1  }
0x119: {  	(erf) = vpow2.f32 v0;
	_ =	sdelay $0x8  }
0x11a: {  	v0 =	vpop (erf)  }
0x11b: {  	[tilespmem:s11+$0x118E0] =	vst v0  }
0x11c: {  	v0 =	vld [tilespmem:s10+$0x50F0]  }
0x11d: {  	v1 =	vld [tilespmem:s10+$0x54F0];
	_ =	sdelay $0x6  }
0x11e: {  	v0 =	vld.idx.msk [tilespmem:v0+s4+$0x0], $0xffff  }
0x11f: {  	v1 =	vld.idx.msk [tilespmem:v1+s25+$0x0], $0xffff;
	_ =	sdelay $0x4  }
0x120: {  	v0 =	vadd.f32 v1, v0;
	_ =	sdelay $0x1  }
0x121: {  	v1 =	vmul.f32 $2.000000030e-01, v0  }
0x122: {  	vm15 =	vge.f32 v0, $0.0e+00  }
0x123: {  	v0 =	vsel vm15, v0, v1  }
0x124: {  	v0 =	vmul.f32 $1.442695020e+00, v0;
	_ =	sdelay $0x1  }
0x125: {  	(erf) = vpow2.f32 v0;
	_ =	sdelay $0x1  }
0x126: {  	s15 =	sadd.s32 $0xFFFFFFFC, s11  }
0x127: {  	s16 =	sadd.s32 $0x4, s15  }
0x128: {  	v0 =	vmov s16  }
0x129: {  	v0 =	vand.u32 $0xFFFFFFFC, v0  }
0x12a: {  	v0 =	vbroadcast v0, $0x0;
	_ =	sdelay $0x2  }
0x12b: {  	s14 =	sshll.u32 s14, $0xE;
	v1 =	vpop (erf)  }
0x12c: {  	s22 =	sadd.s32 $0x5880, s14;
	[tilespmem:s11+$0x118F0] =	vst v1  }
0x12d: {  	v1 =	vld [tilespmem:s22+$0xFFFFFFB0]  }
0x12e: {  	v0 =	vld.idx.msk [tilespmem:v0+s0+$0x0], $0xffff  }
0x12f: {  	v2 =	vld [tilespmem:s22+$0xFFFFFF80]  }
0x130: {  	s24 =	sadd.s32 $0x5, s15;
	v3 =	vld [tilespmem:s22+$0xFFFFFF90]  }
0x131: {  	v4 =	vmov s24;
	v5 =	vld [tilespmem:s22+$0xFFFFFFA0]  }
0x132: {  	v4 =	vand.u32 $0xFFFFFFFD, v4  }
0x133: {  	v4 =	vbroadcast v4, $0x0;
	v1 =	vmul.f32 v1, v0  }
0x134: {  	v2 =	vmul.f32 v2, v0  }
0x135: {  	v3 =	vmul.f32 v3, v0;
	[tilespmem:s22+$0xFFFFFFB0] =	vst v1  }
0x136: {  	v0 =	vmul.f32 v5, v0;
	[tilespmem:s22+$0xFFFFFF80] =	vst v2  }
0x137: {  	[tilespmem:s22+$0xFFFFFF90] =	vst v3  }
0x138: {  	[tilespmem:s22+$0xFFFFFFA0] =	vst v0;
	v1 =	vld [tilespmem:s22+$0xFFFFFFC0]  }
0x139: {  	v0 =	vld.idx.msk [tilespmem:v4+s0+$0x0], $0xffff  }
0x13a: {  	v2 =	vld [tilespmem:s22+$0xFFFFFFF0]  }
0x13b: {  	s26 =	sadd.s32 $0x6, s15;
	v3 =	vld [tilespmem:s22+$0xFFFFFFD0]  }
0x13c: {  	v62 =	vmov s26;
	v61 =	vld [tilespmem:s22+$0xFFFFFFE0]  }
0x13d: {  	v5 =	vand.u32 $0xFFFFFFFE, v62  }
0x13e: {  	v5 =	vbroadcast v5, $0x0;
	v1 =	vmul.f32 v1, v0  }
0x13f: {  	v2 =	vmul.f32 v2, v0  }
0x140: {  	v3 =	vmul.f32 v3, v0;
	[tilespmem:s22+$0xFFFFFFC0] =	vst v1  }
0x141: {  	v0 =	vmul.f32 v61, v0;
	[tilespmem:s22+$0xFFFFFFF0] =	vst v2  }
0x142: {  	[tilespmem:s22+$0xFFFFFFD0] =	vst v3  }
0x143: {  	[tilespmem:s22+$0xFFFFFFE0] =	vst v0;
	v0 =	vld [tilespmem:s22+$0x0]  }
0x144: {  	v1 =	vld.idx.msk [tilespmem:v5+s0+$0x0], $0xffff;
	_ =	sdelay $0x1  }
0x145: {  	v2 =	vld [tilespmem:s22+$0x30]  }
0x146: {  	v3 =	vld [tilespmem:s22+$0x20]  }
0x147: {  	v63 =	vld [tilespmem:s22+$0x10]  }
0x148: {  	v0 =	vmul.f32 v0, v1  }
0x149: {  	s15 =	sadd.s32 $0x7, s15  }
0x14a: {  	v2 =	vmul.f32 v2, v1;
	[tilespmem:s22+$0x0] =	vst v0;
	v0 =	vmov s15  }
0x14b: {  	v3 =	vmul.f32 v3, v1  }
0x14c: {  	s21 =	simm.s32 $0x0;
	s17 =	sadd.s32 $0x11800, s11;
	s18 =	sadd.s32 $0x11880, s11;
	v1 =	vmul.f32 v63, v1;
	[tilespmem:s22+$0x30] =	vst v2  }
0x14d: {  	s26 =	sadd.s32 $0x5800, s14;
	s16 =	sor.u32 $0x5400, s10;
	[tilespmem:s22+$0x20] =	vst v3;
	s15 =	smov.u32 s22  }
.LBB2_7:
0x14e: {  	[tilespmem:s22+$0x10] =	vst v1;
	v1 =	vld [tilespmem:s22+$0x70];
	s15 =	sadd.s32 $0x100, s15;
	s24 =	smov.u32 s21;
	s21 =	sadd.s32 $0x4, s21  }
0x14f: {  	p1 =	slt.u32 s21, $0xFC;
	v0 =	vld.idx.msk [tilespmem:v0+s0+$0x0], $0xffff  }
0x150: {  	v2 =	vld [tilespmem:s22+$0x40]  }
0x151: {  	s24 =	sadd.s32 s24, s11;
	v3 =	vld [tilespmem:s22+$0x50]  }
0x152: {  	s2 =	sadd.s32 $0x4, s24;
	s13 =	sadd.s32 $0x5, s24;
	s6 =	sadd.s32 $0x6, s24;
	v4 =	vld [tilespmem:s22+$0x60]  }
0x153: {  	s24 =	sadd.s32 $0x7, s24;
	v5 =	vmov s2;
	v6 =	vmov s13;
	v7 =	vmov s6  }
0x154: {  	v5 =	vand.u32 $0xFFFFFFFC, v5;
	v6 =	vand.u32 $0xFFFFFFFD, v6;
	v7 =	vand.u32 $0xFFFFFFFE, v7  }
0x155: {  	v5 =	vbroadcast v5, $0x0;
	v2 =	vmul.f32 v2, v0  }
0x156: {  	v1 =	vmul.f32 v1, v0;
	v3 =	vmul.f32 v3, v0  }
0x157: {  	[tilespmem:s22+$0x40] =	vst v2;
	v0 =	vmul.f32 v4, v0  }
0x158: {  	[tilespmem:s22+$0x70] =	vst v1  }
0x159: {  	v1 =	vld [tilespmem:s15+$0xFFFFFFA0];
	[tilespmem:s22+$0x50] =	vst v3  }
0x15a: {  	v2 =	vld [tilespmem:s15+$0xFFFFFFB0];
	[tilespmem:s22+$0x60] =	vst v0;
	s22 =	smov.u32 s15  }
0x15b: {  	v0 =	vld.idx.msk [tilespmem:v5+s0+$0x0], $0xffff  }
0x15c: {  	v3 =	vld [tilespmem:s15+$0xFFFFFF80]  }
0x15d: {  	v4 =	vld [tilespmem:s15+$0xFFFFFF90];
	_ =	sdelay $0x2  }
0x15e: {  	v5 =	vbroadcast v6, $0x0  }
0x15f: {  	v2 =	vmul.f32 v2, v0;
	v3 =	vmul.f32 v3, v0  }
0x160: {  	v4 =	vmul.f32 v4, v0;
	v0 =	vmul.f32 v1, v0  }
0x161: {  	[tilespmem:s15+$0xFFFFFFB0] =	vst v2  }
0x162: {  	[tilespmem:s15+$0xFFFFFF80] =	vst v3  }
0x163: {  	[tilespmem:s15+$0xFFFFFF90] =	vst v4;
	v1 =	vld [tilespmem:s15+$0xFFFFFFF0]  }
0x164: {  	[tilespmem:s15+$0xFFFFFFA0] =	vst v0;
	v0 =	vld [tilespmem:s15+$0xFFFFFFD0]  }
0x165: {  	v2 =	vld.idx.msk [tilespmem:v5+s0+$0x0], $0xffff  }
0x166: {  	v3 =	vld [tilespmem:s15+$0xFFFFFFC0]  }
0x167: {  	v4 =	vld [tilespmem:s15+$0xFFFFFFE0];
	_ =	sdelay $0x2  }
0x168: {  	v5 =	vbroadcast v7, $0x0  }
0x169: {  	v0 =	vmul.f32 v0, v2;
	v3 =	vmul.f32 v3, v2  }
0x16a: {  	v1 =	vmul.f32 v1, v2;
	v4 =	vmul.f32 v4, v2  }
0x16b: {  	[tilespmem:s15+$0xFFFFFFC0] =	vst v3  }
0x16c: {  	[tilespmem:s15+$0xFFFFFFF0] =	vst v1  }
0x16d: {  	[tilespmem:s15+$0xFFFFFFD0] =	vst v0;
	v0 =	vld [tilespmem:s15+$0x30]  }
0x16e: {  	[tilespmem:s15+$0xFFFFFFE0] =	vst v4;
	v1 =	vld [tilespmem:s15+$0x0]  }
0x16f: {  	v2 =	vld.idx.msk [tilespmem:v5+s0+$0x0], $0xffff  }
0x170: {  	v3 =	vld [tilespmem:s15+$0x10]  }
0x171: {  	v4 =	vld [tilespmem:s15+$0x20];
	_ =	sdelay $0x3  }
.Ltmp3:
0x172: {  	v5 =	vmul.f32 v1, v2;
	v1 =	vmul.f32 v3, v2;
	(pc) =	sbr.rel @p1 .LBB2_7-.Ltmp3, $4  }
0x173: {  	v3 =	vmul.f32 v4, v2;
	v2 =	vmul.f32 v0, v2;
	v0 =	vmov s24  }
0x174: {  	[tilespmem:s15+$0x0] =	vst v5  }
0x175: {  	[tilespmem:s15+$0x30] =	vst v2  }
0x176: {  	[tilespmem:s15+$0x20] =	vst v3  }
0x177: {  	_ =	sdelay $0x2  }
0x178: {  	[tilespmem:s22+$0x10] =	vst v1;
	v63 =	vld [tilespmem:s22+$0x40]  }
0x179: {  	v0 =	vld.idx.msk [tilespmem:v0+s0+$0x0], $0xffff  }
0x17a: {  	v2 =	vld [tilespmem:s22+$0x70]  }
0x17b: {  	v3 =	vld [tilespmem:s22+$0x50]  }
0x17c: {  	v4 =	vld [tilespmem:s22+$0x60];
	_ =	sdelay $0x1  }
0x17d: {  	v1 =	vmul.f32 v63, v0  }
0x17e: {  	v2 =	vmul.f32 v2, v0  }
0x17f: {  	v3 =	vmul.f32 v3, v0;
	[tilespmem:s22+$0x40] =	vst v1  }
0x180: {  	v0 =	vmul.f32 v4, v0;
	[tilespmem:s22+$0x70] =	vst v2  }
0x181: {  	[tilespmem:s22+$0x50] =	vst v3  }
0x182: {  	[tilespmem:s22+$0x60] =	vst v0  }
0x183: {  	[spmem:s1] =	stream.indirect.scatter.add.f32 [tilespmem:s26], [sflag:$0x2], $0x40, s16, s31, $0xb8;
	[tilespmem:$0x1BD80] =	vst v63  }
0x184: {  	s2 =	sadd.s32 $0x7800, s14;
	s6 =	sadd.s32 $0x5480, s10;
	p1 =	slt.u32 s7, $0x54  }
0x185: {  	[spmem:s1] =	stream.indirect.scatter.add.f32 [tilespmem:s2], [sflag:$0x2], $0x40, s6, s31, $0xb8;
	[tilespmem:$0x1BD80] =	vst v63  }
.Ltmp4:
0x186: {  	_ = 	snop;
	(pc) =	sbr.rel @p1 .LBB2_2-.Ltmp4, $4  }
0x187: {  	s2 =	simm.s32 @!p0 $0x80  }
0x188: {  	[spmem:s3] =	stream.indirect.scatter.add.f32 @!p0 [tilespmem:s17], [sflag:$0x2], $0x1, s16, s2, $0xb8;
	[tilespmem:$0x1BD80] =	vst v63  }
0x189: {  	s11 =	smov.u32 s7  }
0x18a: {  	[spmem:s3] =	stream.indirect.scatter.add.f32 @!p0 [tilespmem:s18], [sflag:$0x2], $0x1, s6, s2, $0xb8;
	[tilespmem:$0x1BD80] =	vst v63  }
0x18b: {  	s2 =	simm.s32 $0x2  }
0x18c: {  	_ =	swait.ge [sflag:s2], $0x800  }
0x18d: {  	[sflag:s2] =	ssyncset.done $0x0  }
0x18e: {  	[sflag:s2] =	ssyncadd.s32 $0xFFFFF800;
	s2 =	simm.s32 @p0 $0x2  }
0x18f: {  	_ =	swait.ge @p0 [sflag:s2], $0x800  }
0x190: {  	[sflag:s2] =	ssyncset.done @p0 $0x0  }
0x191: {  	[sflag:s2] =	ssyncadd.s32 @p0 $0xFFFFF800;
	s2 =	simm.s32 @!p0 $0x2  }
0x192: {  	_ =	swait.ge @!p0 [sflag:s2], $0x20  }
0x193: {  	[sflag:s2] =	ssyncset.done @!p0 $0x0  }
0x194: {  	[sflag:s2] =	ssyncadd.s32 @!p0 $0xFFFFFFE0  }
0x195: {  	_ =	swait.ge @!p0 [sflag:s2], $0x800  }
0x196: {  	[sflag:s2] =	ssyncset.done @!p0 $0x0  }
0x197: {  	[sflag:s2] =	ssyncadd.s32 @!p0 $0xFFFFF800  }
0x198: {  	_ =	swait.ge @!p0 [sflag:s2], $0x20  }
0x199: {  	[sflag:s2] =	ssyncset.done @!p0 $0x0  }
0x19a: {  	[sflag:s2] =	ssyncadd.s32 @!p0 $0xFFFFFFE0  }
0x19b: {  	[bflag:$0x0] =	sbarrier.arrive $0xFFFF  }
0x19c: {  	s24 =	rddreg [dreg:$0x10]  }
0x19d: {  	s6 =	rddreg [dreg:$0x11]  }
0x19e: {  	[hbm:s24], [sflag:s12] =	dma.local [spmem:s6], $0x1400  }
0x19f: {  	_ =	swait.ge [sflag:s23], $0x1400  }
0x1a0: {  	[sflag:s23] =	ssyncset.done $0x0;
	s10 =	rddreg [dreg:$0x8]  }
0x1a1: {  	s6 =	rddreg [dreg:$0xe];
	[sflag:s23] =	ssyncadd.s32 $0xFFFFEC00;
	s2 =	sshrl.u32 @!p0 s10, $0x3  }
0x1a2: {  	[hbm:s6], [sflag:s12] =	dma.local @!p0 [spmem:s2], $0x50  }
0x1a3: {  	s2 =	simm.s32 @!p0 $0x4  }
0x1a4: {  	_ =	swait.ge @!p0 [sflag:s2], $0x50  }
0x1a5: {  	s28 =	sadd.s32 $0x1, s28;
	s26 =	rddreg [dreg:$0xf]  }
0x1a6: {  	p1 =	sne.s32 s28, s26  }
.Ltmp5:
0x1a7: {  	_ = 	snop;
	(pc) =	sbr.rel @p1 .LBB2_1-.Ltmp5, $3  }
0x1a8: {  	_ =	sdelay $0x1  }
0x1a9: {  	[sflag:s2] =	ssyncset.done @!p0 $0x0  }
0x1aa: {  	[sflag:s2] =	ssyncadd.s32 @!p0 $0xFFFFFFB0  }
0x1ab: {  	_ =	sfence.sel $0x180000  }
0x1ac: {  	[bflag:$0x0] =	sbarrier.arrive $0xFFFF  }
0x1ad: {  	_ =	strace $0x90000047  }
0x1ae: {  	s0 =	stileid.u32;
	[bflag:$0x2] =	sbarrier.arrive $0xFFFF  }
0x1af: {  	p0 =	sne.s32 s0, $0x0;
	s0 =	rddreg [dreg:$0x3]  }
0x1b0: {  	s0 =	sadd.s32 @!p0 $0x100000, s0  }
0x1b1: {  	[sflag:s0] =	ssyncadd.tile.s32 @!p0 $0x1;
	_ =	shalt  }
.Lfunc_end2:
_tile_overlayer_lowered:
.L_overlay_start_2:
0x1b2: {  	(tag) =	ssettag $0x2  }
0x1b3: {  	s0 =	rddreg [dreg:$0x0];
	s2 =	stileid.u32  }
0x1b4: {  	s1 =	rddreg [dreg:$0x1];
	p0 =	sne.s32 s2, $0x0  }
0x1b5: {  	s3 =	rddreg [dreg:$0x2];
	[bflag:$0x3] =	sbarrier.arrive $0xFFFF;
	s2 =	simm.s32 @!p0 $0x1C04  }
0x1b6: {  	[timem:s3], [sflag:s2] =	dma.local @!p0 [hbm:s0], s1  }
0x1b7: {  	s0 =	simm.s32 @!p0 $0x4  }
0x1b8: {  	_ =	swait.ge @!p0 [sflag:s0], s1  }
0x1b9: {  	s1 =	ssub.s32 @!p0 $0x0, s1;
	[sflag:s0] =	ssyncset.done @!p0 $0x0  }
0x1ba: {  	[sflag:s0] =	ssyncadd.s32 @!p0 s1  }
0x1bb: {  	[bflag:$0x3] =	sbarrier.arrive $0xFFFF  }
0x1bc: {  	_ =	shalt  }

</sc_bundles>
